<compile_context>
chip_gen: v7x
topology: tpu7x:2x2x1
jax: 0.10.2.dev20260603
libtpu: 0.0.44.dev20260713+nightly
codegen_flags: <defaults>
</compile_context>

<pallas_src>
import functools

import jax
import jax.numpy as jnp
from jax import lax
from jax.experimental import pallas as pl
from jax.experimental.pallas import tpu as pltpu
from jax.experimental.pallas import tpu_sc as plsc

B = 32
P = 1024
N = B * P
K = 20
NF = 256
EPS = 1e-5
E = N * K
NC = 2
NS = 16
L = 16

_f32 = jnp.float32
_i32 = jnp.int32


def _topk_body(p_ref, pt_ref, idx_ref):
    p = p_ref[...]
    pt = pt_ref[...]
    sqc = jnp.sum(p * p, axis=1, keepdims=True)
    sqr = jnp.sum(pt * pt, axis=0, keepdims=True)
    d2 = sqc + sqr - 2.0 * jnp.dot(p, pt, preferred_element_type=_f32)
    ri = lax.broadcasted_iota(_i32, (P, P), 0)
    ci = lax.broadcasted_iota(_i32, (P, P), 1)
    d2 = jnp.where(ri == ci, _f32(1e10), d2)
    bigi = _i32(1 << 30)
    cols = []
    for t in range(K):
        m = jnp.min(d2, axis=1, keepdims=True)
        sel = jnp.where(d2 <= m, ci, bigi)
        idxt = jnp.min(sel, axis=1, keepdims=True)
        cols.append(idxt)
        d2 = jnp.where(ci == idxt, _f32(3.0e38), d2)
    idx_ref[0] = jnp.concatenate(cols, axis=1)


def _topk(pos, post):
    return pl.pallas_call(
        _topk_body,
        grid=(B,),
        in_specs=[
            pl.BlockSpec((P, 3), lambda c: (c, 0)),
            pl.BlockSpec((3, P), lambda c: (0, c)),
        ],
        out_specs=pl.BlockSpec((1, P, K), lambda c: (c, 0, 0)),
        out_shape=jax.ShapeDtypeStruct((B, P, K), _i32),
    )(pos, post)


def _screl_body(post_hbm, idx_hbm, rel_hbm, posv, idxv, relv):
    c = lax.axis_index("s") * NC + lax.axis_index("c")
    for cc in range(3):
        pltpu.sync_copy(post_hbm.at[pl.ds(cc * N + c * P, P)],
                        posv.at[pl.ds(cc * P, P)])
    pltpu.sync_copy(idx_hbm.at[pl.ds(c * P * K, P * K)], idxv)
    iota = lax.iota(_i32, L)

    def chunk(j, carry):
        j16 = j * L + iota
        for t in range(K):
            src = plsc.load_gather(idxv, [j16 * K + t])
            for cc in range(3):
                g = plsc.load_gather(posv, [src + cc * P])
                cen = plsc.load_gather(posv, [j16 + cc * P])
                plsc.store_scatter(relv, [(t * 3 + cc) * P + j16], g - cen)
        return carry

    lax.fori_loop(0, P // L, chunk, 0)
    pltpu.sync_copy(relv, rel_hbm.at[pl.ds(c * K * 3 * P, K * 3 * P)])


def _screl(post, idx):
    mesh = plsc.VectorSubcoreMesh(core_axis_name="c", subcore_axis_name="s")
    f = functools.partial(
        pl.kernel,
        out_type=jax.ShapeDtypeStruct((B * K * 3 * P,), _f32),
        mesh=mesh,
        compiler_params=pltpu.CompilerParams(needs_layout_passes=False),
        scratch_types=[
            pltpu.VMEM((3 * P,), _f32),
            pltpu.VMEM((P * K,), _i32),
            pltpu.VMEM((K * 3 * P,), _f32),
        ],
    )(_screl_body)
    return f(post, idx).reshape(B * K, 3, P)


def _stats1_body(rel_ref, w1t_ref, b1_ref, s_ref, q_ref):
    c = pl.program_id(0)

    @pl.when(c == 0)
    def _():
        s_ref[...] = jnp.zeros_like(s_ref)
        q_ref[...] = jnp.zeros_like(q_ref)

    w1t = w1t_ref[...]
    b1 = b1_ref[...]
    s = jnp.zeros((64, 1), _f32)
    q = jnp.zeros((64, 1), _f32)
    for t in range(K):
        x = rel_ref[t]
        h1 = jnp.maximum(jnp.dot(w1t, x, preferred_element_type=_f32) + b1, 0.0)
        s = s + jnp.sum(h1, axis=1, keepdims=True)
        q = q + jnp.sum(h1 * h1, axis=1, keepdims=True)
    s_ref[...] += s
    q_ref[...] += q


def _stats1(rel, w1t, b1c):
    return pl.pallas_call(
        _stats1_body,
        grid=(B,),
        in_specs=[
            pl.BlockSpec((K, 3, P), lambda c: (c, 0, 0)),
            pl.BlockSpec((64, 3), lambda c: (0, 0)),
            pl.BlockSpec((64, 1), lambda c: (0, 0)),
        ],
        out_specs=[
            pl.BlockSpec((64, 1), lambda c: (0, 0)),
            pl.BlockSpec((64, 1), lambda c: (0, 0)),
        ],
        out_shape=[
            jax.ShapeDtypeStruct((64, 1), _f32),
            jax.ShapeDtypeStruct((64, 1), _f32),
        ],
    )(rel, w1t, b1c)


def _conv2_body(rel_ref, w1t_ref, b1_ref, w2ft_ref, b2f_ref,
                mx_ref, mn_ref, s_ref, q_ref):
    c = pl.program_id(0)

    @pl.when(c == 0)
    def _():
        s_ref[...] = jnp.zeros_like(s_ref)
        q_ref[...] = jnp.zeros_like(q_ref)

    w1t = w1t_ref[...]
    b1 = b1_ref[...]
    w2ft = w2ft_ref[...]
    b2f = b2f_ref[...]
    s = jnp.zeros((64, 1), _f32)
    q = jnp.zeros((64, 1), _f32)
    mx = jnp.full((64, P), -3.0e38, _f32)
    mn = jnp.full((64, P), 3.0e38, _f32)
    for t in range(K):
        x = rel_ref[t]
        h1 = jnp.maximum(jnp.dot(w1t, x, preferred_element_type=_f32) + b1, 0.0)
        h2 = jnp.maximum(jnp.dot(w2ft, h1, preferred_element_type=_f32) + b2f, 0.0)
        s = s + jnp.sum(h2, axis=1, keepdims=True)
        q = q + jnp.sum(h2 * h2, axis=1, keepdims=True)
        mx = jnp.maximum(mx, h2)
        mn = jnp.minimum(mn, h2)
    mx_ref[0] = mx
    mn_ref[0] = mn
    s_ref[...] += s
    q_ref[...] += q


def _conv2(rel, w1t, b1c, w2ft, b2f):
    return pl.pallas_call(
        _conv2_body,
        grid=(B,),
        in_specs=[
            pl.BlockSpec((K, 3, P), lambda c: (c, 0, 0)),
            pl.BlockSpec((64, 3), lambda c: (0, 0)),
            pl.BlockSpec((64, 1), lambda c: (0, 0)),
            pl.BlockSpec((64, 64), lambda c: (0, 0)),
            pl.BlockSpec((64, 1), lambda c: (0, 0)),
        ],
        out_specs=[
            pl.BlockSpec((1, 64, P), lambda c: (c, 0, 0)),
            pl.BlockSpec((1, 64, P), lambda c: (c, 0, 0)),
            pl.BlockSpec((64, 1), lambda c: (0, 0)),
            pl.BlockSpec((64, 1), lambda c: (0, 0)),
        ],
        out_shape=[
            jax.ShapeDtypeStruct((B, 64, P), _f32),
            jax.ShapeDtypeStruct((B, 64, P), _f32),
            jax.ShapeDtypeStruct((64, 1), _f32),
            jax.ShapeDtypeStruct((64, 1), _f32),
        ],
    )(rel, w1t, b1c, w2ft, b2f)


def _scfps_body(post_hbm, out_hbm, posv, dminv, idxsv):
    c = lax.axis_index("s") * NC + lax.axis_index("c")
    for cc in range(3):
        pltpu.sync_copy(post_hbm.at[pl.ds(cc * N + c * P, P)],
                        posv.at[pl.ds(cc * P, P)])
    iota = lax.iota(_i32, L)
    zl = jnp.zeros((L,), _i32)
    lane0 = iota == 0
    for j in range(P // L):
        dminv[pl.ds(j * L, L)] = jnp.full((L,), 1e10, _f32)
    plsc.store_scatter(idxsv, [zl], zl, mask=lane0)

    def step(i, last):
        lastv = jnp.full((L,), last, _i32)
        lx = plsc.load_gather(posv, [lastv])
        ly = plsc.load_gather(posv, [lastv + P])
        lz = plsc.load_gather(posv, [lastv + 2 * P])

        def chunk(j, carry):
            bval, bidx = carry
            j16 = j * L + iota
            xx = plsc.load_gather(posv, [j16])
            yy = plsc.load_gather(posv, [j16 + P])
            zz = plsc.load_gather(posv, [j16 + 2 * P])
            dx = xx - lx
            dy = yy - ly
            dz = zz - lz
            d = (dx * dx + dy * dy) + dz * dz
            dm = plsc.load_gather(dminv, [j16])
            dm2 = jnp.minimum(dm, d)
            plsc.store_scatter(dminv, [j16], dm2)
            better = dm2 > bval
            bval = jnp.where(better, dm2, bval)
            bidx = jnp.where(better, j16, bidx)
            return bval, bidx

        bval, bidx = lax.fori_loop(
            0, P // L, chunk,
            (jnp.full((L,), -3.0e38, _f32), jnp.zeros((L,), _i32)))
        m = jnp.max(bval)
        cand = jnp.where(bval == m, bidx, _i32(1 << 30))
        bi = jnp.min(cand)
        plsc.store_scatter(idxsv, [jnp.full((L,), i, _i32)],
                           jnp.full((L,), bi, _i32), mask=lane0)
        return bi

    lax.fori_loop(1, NF, step, _i32(0))
    pltpu.sync_copy(idxsv, out_hbm.at[pl.ds(c * NF, NF)])


def _scfps(post):
    mesh = plsc.VectorSubcoreMesh(core_axis_name="c", subcore_axis_name="s")
    f = functools.partial(
        pl.kernel,
        out_type=jax.ShapeDtypeStruct((B * NF,), _i32),
        mesh=mesh,
        compiler_params=pltpu.CompilerParams(needs_layout_passes=False),
        scratch_types=[
            pltpu.VMEM((3 * P,), _f32),
            pltpu.VMEM((P,), _f32),
            pltpu.VMEM((NF,), _i32),
        ],
    )(_scfps_body)
    return f(post).reshape(B, 1, NF)


def _head_body(mx_ref, mn_ref, idx_ref, a2_ref, c2_ref, wn1_ref, bn1_ref,
               y_ref):
    a2 = a2_ref[...]
    c2 = c2_ref[...]
    f2 = jnp.where(a2 >= 0.0, mx_ref[0], mn_ref[0]) * a2 + c2
    idx = idx_ref[0, 0, :]
    ri = lax.broadcasted_iota(_i32, (P, NF), 0)
    onehot = (ri == idx[None, :]).astype(_f32)
    fsel = jnp.dot(f2, onehot, preferred_element_type=_f32)
    y = lax.dot_general(fsel, wn1_ref[...],
                        (((0,), (0,)), ((), ())),
                        preferred_element_type=_f32)
    y = y + bn1_ref[...]
    y1 = jnp.max(y, axis=0, keepdims=True)
    y_ref[0] = jnp.maximum(y1, 0.0)


def _head(mxall, mnall, idxfps, a2c, c2c, wn1, bn1r):
    return pl.pallas_call(
        _head_body,
        grid=(B,),
        in_specs=[
            pl.BlockSpec((1, 64, P), lambda c: (c, 0, 0)),
            pl.BlockSpec((1, 64, P), lambda c: (c, 0, 0)),
            pl.BlockSpec((1, 1, NF), lambda c: (c, 0, 0)),
            pl.BlockSpec((64, 1), lambda c: (0, 0)),
            pl.BlockSpec((64, 1), lambda c: (0, 0)),
            pl.BlockSpec((64, 512), lambda c: (0, 0)),
            pl.BlockSpec((1, 512), lambda c: (0, 0)),
        ],
        out_specs=pl.BlockSpec((1, 1, 512), lambda c: (c, 0, 0)),
        out_shape=jax.ShapeDtypeStruct((B, 1, 512), _f32),
    )(mxall, mnall, idxfps, a2c, c2c, wn1, bn1r)


def _final_body(y_ref, g3_ref, bt3_ref, wn4_ref, bn4_ref, o_ref):
    y = y_ref[...]
    m = jnp.mean(y, axis=0, keepdims=True)
    v = jnp.mean((y - m) * (y - m), axis=0, keepdims=True)
    yn = (y - m) / jnp.sqrt(v + EPS) * g3_ref[...] + bt3_ref[...]
    z = jnp.dot(yn, wn4_ref[...], preferred_element_type=_f32) + bn4_ref[...]
    zmax = jnp.max(z, axis=1, keepdims=True)
    ze = z - zmax
    lse = jnp.log(jnp.sum(jnp.exp(ze), axis=1, keepdims=True))
    o_ref[...] = ze - lse


def _final(y1, g3r, bt3r, wn4, bn4r):
    return pl.pallas_call(
        _final_body,
        out_shape=jax.ShapeDtypeStruct((B, 40), _f32),
    )(y1, g3r, bt3r, wn4, bn4r)


def kernel(pos, edge_index, batch, W1, b1, g1, bt1, W2, b2, g2, bt2,
           Wn1, bn1, g3, bt3, Wn4, bn4):
    post = pos.T
    postf = post.reshape(3 * N)
    idx = _topk(pos, post)
    rel = _screl(postf, idx.reshape(B * P * K))

    w1t = W1.T
    b1c = b1[:, None]
    s1, q1 = _stats1(rel, w1t, b1c)
    mean1 = s1 / E
    var1 = q1 / E - mean1 * mean1
    a1 = (g1[:, None] / jnp.sqrt(var1 + EPS))
    c1 = bt1[:, None] - mean1 * a1
    w2ft = (W2 * a1).T
    b2f = (c1[:, 0] @ W2 + b2)[:, None]

    mxall, mnall, s2, q2 = _conv2(rel, w1t, b1c, w2ft, b2f)
    mean2 = s2 / E
    var2 = q2 / E - mean2 * mean2
    a2 = g2[:, None] / jnp.sqrt(var2 + EPS)
    c2 = bt2[:, None] - mean2 * a2

    idxfps = _scfps(postf)
    y1 = _head(mxall, mnall, idxfps, a2, c2, Wn1, bn1[None, :])
    y1 = y1.reshape(B, 512)
    return _final(y1, g3[None, :], bt3[None, :], Wn4, bn4[None, :])

# --- scband reference (transcript-rebuilt; emitter-appended) ---
"""Pipeline reference for scband-net-687194767560 (READ-ONLY COPY).

The authoritative reference and input builder live on the scoring server;
editing this copy changes nothing except your own understanding.
"""

import jax, jax.numpy as jnp
import numpy as np

B = 32
NR_POINTS = 1024
N = B * NR_POINTS
K = 20
N_FPS = 256  # ratio 0.25
EPS = 1e-5


def _bn(x, g, b):
    m = jnp.mean(x, axis=0)
    v = jnp.var(x, axis=0)
    return (x - m) / jnp.sqrt(v + EPS) * g + b


def _knn(pos):
    pg = pos.reshape(B, NR_POINTS, 3)
    def per(p):
        sq = jnp.sum(p * p, axis=-1)
        d2 = sq[:, None] + sq[None, :] - 2.0 * (p @ p.T)
        d2 = d2 + jnp.eye(NR_POINTS, dtype=p.dtype) * 1e10
        _, idx = jax.lax.top_k(-d2, K)
        return idx
    nbr = jax.vmap(per)(pg)
    nbr = nbr + (jnp.arange(B, dtype=nbr.dtype) * NR_POINTS)[:, None, None]
    return nbr.reshape(N, K)


def _fps(pos):
    pg = pos.reshape(B, NR_POINTS, 3)
    def per(p):
        def body(i, state):
            dmin, idxs = state
            last = idxs[i - 1]
            d = jnp.sum((p - p[last]) ** 2, axis=-1)
            dmin = jnp.minimum(dmin, d)
            nxt = jnp.argmax(dmin).astype(jnp.int32)
            return (dmin, idxs.at[i].set(nxt))
        dmin0 = jnp.full((NR_POINTS,), 1e10, dtype=p.dtype)
        idxs0 = jnp.zeros((N_FPS,), dtype=jnp.int32)
        _, idxs = jax.lax.fori_loop(1, N_FPS, body, (dmin0, idxs0))
        return idxs
    idx = jax.vmap(per)(pg)
    idx = idx + (jnp.arange(B, dtype=jnp.int32) * NR_POINTS)[:, None]
    return idx.reshape(B * N_FPS)


def setup_inputs(seed: int = 0):
    key = jax.random.key(seed)
    ks = jax.random.split(key, 16)
    pos = jax.random.uniform(ks[0], (N, 3), dtype=jnp.float32)
    edge_index = jax.random.randint(ks[1], (2, N * K), 0, N, dtype=jnp.int32)
    batch = jnp.repeat(jnp.arange(B, dtype=jnp.int32), NR_POINTS)
    W1 = jax.random.normal(ks[2], (3, 64), dtype=jnp.float32) * 0.1
    b1 = jnp.zeros((64,), jnp.float32)
    g1 = jnp.ones((64,), jnp.float32)
    bt1 = jnp.zeros((64,), jnp.float32)
    W2 = jax.random.normal(ks[3], (64, 64), dtype=jnp.float32) * 0.1
    b2 = jnp.zeros((64,), jnp.float32)
    g2 = jnp.ones((64,), jnp.float32)
    bt2 = jnp.zeros((64,), jnp.float32)
    Wn1 = jax.random.normal(ks[4], (64, 512), dtype=jnp.float32) * 0.05
    bn1 = jnp.zeros((512,), jnp.float32)
    g3 = jnp.ones((512,), jnp.float32)
    bt3 = jnp.zeros((512,), jnp.float32)
    Wn4 = jax.random.normal(ks[5], (512, 40), dtype=jnp.float32) * 0.05
    bn4 = jnp.zeros((40,), jnp.float32)
    return {"pos": pos, "edge_index": edge_index, "batch": batch,
            "W1": W1, "b1": b1, "g1": g1, "bt1": bt1,
            "W2": W2, "b2": b2, "g2": g2, "bt2": bt2,
            "Wn1": Wn1, "bn1": bn1, "g3": g3, "bt3": bt3,
            "Wn4": Wn4, "bn4": bn4}


def reference(pos, edge_index, batch, W1, b1, g1, bt1, W2, b2, g2, bt2, Wn1, bn1, g3, bt3, Wn4, bn4):
    # knn_graph recomputes edges; the passed edge_index is discarded (as in torch forward)
    src = _knn(pos)                      # [N, K] neighbor indices
    rel = pos[src] - pos[:, None, :]     # [N, K, 3] relative positions (DD, conv_p)
    x = rel.reshape(N * K, 3)
    h = jnp.maximum(x @ W1 + b1, 0.0)
    h = _bn(h, g1, bt1)
    h = jnp.maximum(h @ W2 + b2, 0.0)
    h = _bn(h, g2, bt2)
    features_dd = jnp.max(h.reshape(N, K, 64), axis=1)   # [N, 64]
    idx = _fps(pos)                      # [B*N_FPS]
    features_fps = features_dd[idx]      # [B*N_FPS, 64]
    y1 = features_fps @ Wn1 + bn1
    y1 = y1.reshape(B, N_FPS, 512)
    y1 = jnp.max(y1, axis=1)
    y1 = jnp.maximum(y1, 0.0)
    y1 = _bn(y1, g3, bt3)
    y1 = y1 @ Wn4 + bn4
    return jax.nn.log_softmax(y1, axis=1)

if __name__ == "__main__":
    import jax
    _d = setup_inputs()
    print(jax.jit(kernel)(*tuple(_d.values())))

</pallas_src>

<mosaic_0001>
#map = affine_map<(d0, d1) -> (0)>
module attributes {stable_mosaic.version = 14 : i64} {
  func.func @_screl_body(%arg0: i32, %arg1: i32, %arg2: memref<98304xf32, #tpu.memory_space<hbm>>, %arg3: memref<655360xi32, #tpu.memory_space<hbm>>, %arg4: memref<1966080xf32, #tpu.memory_space<hbm>>, %arg5: memref<3072xf32, #tpu.memory_space<vmem>>, %arg6: memref<20480xi32, #tpu.memory_space<vmem>>, %arg7: memref<61440xf32, #tpu.memory_space<vmem>>) attributes {dimension_semantics = [#tpu.dimension_semantics<core_parallel>, #tpu.dimension_semantics<subcore_parallel>], iteration_bounds = array<i64: 2, 16>, scalar_prefetch = 0 : i64, scratch_operands = 3 : i64, tpu.core_type = #tpu.core_type<sc_vector_subcore>, window_params = [{transform_indices = #map}, {transform_indices = #map}, {transform_indices = #map}]} {
    %mul3A = arith.constant 2 : i32
    %mul3A_0 = arith.muli %arg1, %mul3A : i32
    %add3A = arith.addi %mul3A_0, %arg0 : i32
    %mul3A_1 = arith.constant 1024 : i32
    %mul3A_2 = arith.muli %add3A, %mul3A_1 : i32
    %add3A_3 = arith.constant 0 : i32
    %add3A_4 = arith.addi %add3A_3, %mul3A_2 : i32
    "tpu.region"() ({
      %run_scoped3A = tpu.sem_alloc : memref<!tpu.dma_semaphore, #tpu.memory_space<semaphore_mem>>
      %dma_start3A = arith.constant 0 : i32
      %dma_start3A_28 = tpu.memref_slice %arg5[%dma_start3A] : memref<3072xf32, #tpu.memory_space<vmem>> -> memref<1024xf32, #tpu.memory_space<vmem>>
      %dma_start3A_29 = tpu.memref_slice %arg2[%add3A_4] : memref<98304xf32, #tpu.memory_space<hbm>> -> memref<1024xf32, #tpu.memory_space<hbm>>
      %dma_start3A_30 = arith.constant 0 : i32
      %dma_start3A_31 = tpu.memref_slice %arg5[%dma_start3A_30] : memref<3072xf32, #tpu.memory_space<vmem>> -> memref<1024xf32, #tpu.memory_space<vmem>>
      %dma_start3A_32 = tpu.memref_slice %arg2[%add3A_4] : memref<98304xf32, #tpu.memory_space<hbm>> -> memref<1024xf32, #tpu.memory_space<hbm>>
      tpu.enqueue_dma source(%dma_start3A_32 : memref<1024xf32, #tpu.memory_space<hbm>>) target(%dma_start3A_31 : memref<1024xf32, #tpu.memory_space<vmem>>) target_semaphore(%run_scoped3A : memref<!tpu.dma_semaphore, #tpu.memory_space<semaphore_mem>>)
      %dma_wait3A = arith.constant 0 : i32
      %dma_wait3A_33 = tpu.memref_slice %arg5[%dma_wait3A] : memref<3072xf32, #tpu.memory_space<vmem>> -> memref<1024xf32, #tpu.memory_space<vmem>>
      %dma_wait3A_34 = tpu.memref_slice %arg2[%add3A_4] : memref<98304xf32, #tpu.memory_space<hbm>> -> memref<1024xf32, #tpu.memory_space<hbm>>
      %dma_wait3A_35 = arith.constant 0 : i32
      %dma_wait3A_36 = tpu.memref_slice %arg5[%dma_wait3A_35] : memref<3072xf32, #tpu.memory_space<vmem>> -> memref<1024xf32, #tpu.memory_space<vmem>>
      %dma_wait3A_37 = tpu.memref_slice %arg2[%add3A_4] : memref<98304xf32, #tpu.memory_space<hbm>> -> memref<1024xf32, #tpu.memory_space<hbm>>
      tpu.wait_dma2 semaphore(%run_scoped3A : memref<!tpu.dma_semaphore, #tpu.memory_space<semaphore_mem>>) src(%dma_wait3A_37 : memref<1024xf32, #tpu.memory_space<hbm>>) dst(%dma_wait3A_36 : memref<1024xf32, #tpu.memory_space<vmem>>)
      tpu.yield
    }) : () -> ()
    %mul3A_5 = arith.constant 1024 : i32
    %mul3A_6 = arith.muli %add3A, %mul3A_5 : i32
    %add3A_7 = arith.constant 32768 : i32
    %add3A_8 = arith.addi %add3A_7, %mul3A_6 : i32
    "tpu.region"() ({
      %run_scoped3A = tpu.sem_alloc : memref<!tpu.dma_semaphore, #tpu.memory_space<semaphore_mem>>
      %dma_start3A = arith.constant 1024 : i32
      %dma_start3A_28 = tpu.memref_slice %arg5[%dma_start3A] : memref<3072xf32, #tpu.memory_space<vmem>> -> memref<1024xf32, #tpu.memory_space<vmem>>
      %dma_start3A_29 = tpu.memref_slice %arg2[%add3A_8] : memref<98304xf32, #tpu.memory_space<hbm>> -> memref<1024xf32, #tpu.memory_space<hbm>>
      %dma_start3A_30 = arith.constant 1024 : i32
      %dma_start3A_31 = tpu.memref_slice %arg5[%dma_start3A_30] : memref<3072xf32, #tpu.memory_space<vmem>> -> memref<1024xf32, #tpu.memory_space<vmem>>
      %dma_start3A_32 = tpu.memref_slice %arg2[%add3A_8] : memref<98304xf32, #tpu.memory_space<hbm>> -> memref<1024xf32, #tpu.memory_space<hbm>>
      tpu.enqueue_dma source(%dma_start3A_32 : memref<1024xf32, #tpu.memory_space<hbm>>) target(%dma_start3A_31 : memref<1024xf32, #tpu.memory_space<vmem>>) target_semaphore(%run_scoped3A : memref<!tpu.dma_semaphore, #tpu.memory_space<semaphore_mem>>)
      %dma_wait3A = arith.constant 1024 : i32
      %dma_wait3A_33 = tpu.memref_slice %arg5[%dma_wait3A] : memref<3072xf32, #tpu.memory_space<vmem>> -> memref<1024xf32, #tpu.memory_space<vmem>>
      %dma_wait3A_34 = tpu.memref_slice %arg2[%add3A_8] : memref<98304xf32, #tpu.memory_space<hbm>> -> memref<1024xf32, #tpu.memory_space<hbm>>
      %dma_wait3A_35 = arith.constant 1024 : i32
      %dma_wait3A_36 = tpu.memref_slice %arg5[%dma_wait3A_35] : memref<3072xf32, #tpu.memory_space<vmem>> -> memref<1024xf32, #tpu.memory_space<vmem>>
      %dma_wait3A_37 = tpu.memref_slice %arg2[%add3A_8] : memref<98304xf32, #tpu.memory_space<hbm>> -> memref<1024xf32, #tpu.memory_space<hbm>>
      tpu.wait_dma2 semaphore(%run_scoped3A : memref<!tpu.dma_semaphore, #tpu.memory_space<semaphore_mem>>) src(%dma_wait3A_37 : memref<1024xf32, #tpu.memory_space<hbm>>) dst(%dma_wait3A_36 : memref<1024xf32, #tpu.memory_space<vmem>>)
      tpu.yield
    }) : () -> ()
    %mul3A_9 = arith.constant 1024 : i32
    %mul3A_10 = arith.muli %add3A, %mul3A_9 : i32
    %add3A_11 = arith.constant 65536 : i32
    %add3A_12 = arith.addi %add3A_11, %mul3A_10 : i32
    "tpu.region"() ({
      %run_scoped3A = tpu.sem_alloc : memref<!tpu.dma_semaphore, #tpu.memory_space<semaphore_mem>>
      %dma_start3A = arith.constant 2048 : i32
      %dma_start3A_28 = tpu.memref_slice %arg5[%dma_start3A] : memref<3072xf32, #tpu.memory_space<vmem>> -> memref<1024xf32, #tpu.memory_space<vmem>>
      %dma_start3A_29 = tpu.memref_slice %arg2[%add3A_12] : memref<98304xf32, #tpu.memory_space<hbm>> -> memref<1024xf32, #tpu.memory_space<hbm>>
      %dma_start3A_30 = arith.constant 2048 : i32
      %dma_start3A_31 = tpu.memref_slice %arg5[%dma_start3A_30] : memref<3072xf32, #tpu.memory_space<vmem>> -> memref<1024xf32, #tpu.memory_space<vmem>>
      %dma_start3A_32 = tpu.memref_slice %arg2[%add3A_12] : memref<98304xf32, #tpu.memory_space<hbm>> -> memref<1024xf32, #tpu.memory_space<hbm>>
      tpu.enqueue_dma source(%dma_start3A_32 : memref<1024xf32, #tpu.memory_space<hbm>>) target(%dma_start3A_31 : memref<1024xf32, #tpu.memory_space<vmem>>) target_semaphore(%run_scoped3A : memref<!tpu.dma_semaphore, #tpu.memory_space<semaphore_mem>>)
      %dma_wait3A = arith.constant 2048 : i32
      %dma_wait3A_33 = tpu.memref_slice %arg5[%dma_wait3A] : memref<3072xf32, #tpu.memory_space<vmem>> -> memref<1024xf32, #tpu.memory_space<vmem>>
      %dma_wait3A_34 = tpu.memref_slice %arg2[%add3A_12] : memref<98304xf32, #tpu.memory_space<hbm>> -> memref<1024xf32, #tpu.memory_space<hbm>>
      %dma_wait3A_35 = arith.constant 2048 : i32
      %dma_wait3A_36 = tpu.memref_slice %arg5[%dma_wait3A_35] : memref<3072xf32, #tpu.memory_space<vmem>> -> memref<1024xf32, #tpu.memory_space<vmem>>
      %dma_wait3A_37 = tpu.memref_slice %arg2[%add3A_12] : memref<98304xf32, #tpu.memory_space<hbm>> -> memref<1024xf32, #tpu.memory_space<hbm>>
      tpu.wait_dma2 semaphore(%run_scoped3A : memref<!tpu.dma_semaphore, #tpu.memory_space<semaphore_mem>>) src(%dma_wait3A_37 : memref<1024xf32, #tpu.memory_space<hbm>>) dst(%dma_wait3A_36 : memref<1024xf32, #tpu.memory_space<vmem>>)
      tpu.yield
    }) : () -> ()
    %mul3A_13 = arith.constant 1024 : i32
    %mul3A_14 = arith.muli %add3A, %mul3A_13 : i32
    %mul3A_15 = arith.constant 20 : i32
    %mul3A_16 = arith.muli %mul3A_14, %mul3A_15 : i32
    "tpu.region"() ({
      %run_scoped3A = tpu.sem_alloc : memref<!tpu.dma_semaphore, #tpu.memory_space<semaphore_mem>>
      %dma_start3A = tpu.memref_slice %arg3[%mul3A_16] : memref<655360xi32, #tpu.memory_space<hbm>> -> memref<20480xi32, #tpu.memory_space<hbm>>
      %dma_start3A_28 = tpu.memref_slice %arg3[%mul3A_16] : memref<655360xi32, #tpu.memory_space<hbm>> -> memref<20480xi32, #tpu.memory_space<hbm>>
      tpu.enqueue_dma source(%dma_start3A_28 : memref<20480xi32, #tpu.memory_space<hbm>>) target(%arg6 : memref<20480xi32, #tpu.memory_space<vmem>>) target_semaphore(%run_scoped3A : memref<!tpu.dma_semaphore, #tpu.memory_space<semaphore_mem>>)
      %dma_wait3A = tpu.memref_slice %arg3[%mul3A_16] : memref<655360xi32, #tpu.memory_space<hbm>> -> memref<20480xi32, #tpu.memory_space<hbm>>
      %dma_wait3A_29 = tpu.memref_slice %arg3[%mul3A_16] : memref<655360xi32, #tpu.memory_space<hbm>> -> memref<20480xi32, #tpu.memory_space<hbm>>
      tpu.wait_dma2 semaphore(%run_scoped3A : memref<!tpu.dma_semaphore, #tpu.memory_space<semaphore_mem>>) src(%dma_wait3A_29 : memref<20480xi32, #tpu.memory_space<hbm>>) dst(%arg6 : memref<20480xi32, #tpu.memory_space<vmem>>)
      tpu.yield
    }) : () -> ()
    %iota3A = tpu.iota {dimensions = array<i32: 0>} : vector<16xi32>
    %scan3A = arith.constant 0 : i32
    %scan3A_17 = arith.constant 0 : i32
    %scan3A_18 = arith.constant 64 : i32
    %scan3A_19 = arith.addi %scan3A_17, %scan3A_18 : i32
    %scan3A_20 = arith.constant 1 : i32
    scf.for %scan3A_28 = %scan3A_17 to %scan3A_19 step %scan3A_20  : i32 {
      %mul3A_29 = arith.constant 16 : i32
      %mul3A_30 = arith.muli %scan3A_28, %mul3A_29 : i32
      %add3A_31 = vector.broadcast %mul3A_30 : i32 to vector<16xi32>
      %add3A_32 = arith.addi %add3A_31, %iota3A : vector<16xi32>
      %mul3A_33 = arith.constant 20 : i32
      %mul3A_34 = vector.broadcast %mul3A_33 : i32 to vector<16xi32>
      %mul3A_35 = arith.muli %add3A_32, %mul3A_34 : vector<16xi32>
      %add3A_36 = arith.constant 0 : i32
      %add3A_37 = vector.broadcast %add3A_36 : i32 to vector<16xi32>
      %add3A_38 = arith.addi %mul3A_35, %add3A_37 : vector<16xi32>
      %gather3A = tpu.vector_load_idx %arg6[%add3A_38] : memref<20480xi32, #tpu.memory_space<vmem>>[vector<16xi32>], vector<16xi32>,
      %add3A_39 = arith.constant 0 : i32
      %add3A_40 = vector.broadcast %add3A_39 : i32 to vector<16xi32>
      %add3A_41 = arith.addi %gather3A, %add3A_40 : vector<16xi32>
      %gather3A_42 = tpu.vector_load_idx %arg5[%add3A_41] : memref<3072xf32, #tpu.memory_space<vmem>>[vector<16xi32>], vector<16xf32>,
      %add3A_43 = arith.constant 0 : i32
      %add3A_44 = vector.broadcast %add3A_43 : i32 to vector<16xi32>
      %add3A_45 = arith.addi %add3A_32, %add3A_44 : vector<16xi32>
      %gather3A_46 = tpu.vector_load_idx %arg5[%add3A_45] : memref<3072xf32, #tpu.memory_space<vmem>>[vector<16xi32>], vector<16xf32>,
      %add3A_47 = arith.constant 0 : i32
      %add3A_48 = vector.broadcast %add3A_47 : i32 to vector<16xi32>
      %add3A_49 = arith.addi %add3A_48, %add3A_32 : vector<16xi32>
      %sub3A = arith.subf %gather3A_42, %gather3A_46 : vector<16xf32>
      tpu.vector_store_idx %arg7[%add3A_49], %sub3A : memref<61440xf32, #tpu.memory_space<vmem>>[vector<16xi32>], vector<16xf32>,
      %add3A_50 = arith.constant 1024 : i32
      %add3A_51 = vector.broadcast %add3A_50 : i32 to vector<16xi32>
      %add3A_52 = arith.addi %gather3A, %add3A_51 : vector<16xi32>
      %gather3A_53 = tpu.vector_load_idx %arg5[%add3A_52] : memref<3072xf32, #tpu.memory_space<vmem>>[vector<16xi32>], vector<16xf32>,
      %add3A_54 = arith.constant 1024 : i32
      %add3A_55 = vector.broadcast %add3A_54 : i32 to vector<16xi32>
      %add3A_56 = arith.addi %add3A_32, %add3A_55 : vector<16xi32>
      %gather3A_57 = tpu.vector_load_idx %arg5[%add3A_56] : memref<3072xf32, #tpu.memory_space<vmem>>[vector<16xi32>], vector<16xf32>,
      %add3A_58 = arith.constant 1024 : i32
      %add3A_59 = vector.broadcast %add3A_58 : i32 to vector<16xi32>
      %add3A_60 = arith.addi %add3A_59, %add3A_32 : vector<16xi32>
      %sub3A_61 = arith.subf %gather3A_53, %gather3A_57 : vector<16xf32>
      tpu.vector_store_idx %arg7[%add3A_60], %sub3A_61 : memref<61440xf32, #tpu.memory_space<vmem>>[vector<16xi32>], vector<16xf32>,
      %add3A_62 = arith.constant 2048 : i32
      %add3A_63 = vector.broadcast %add3A_62 : i32 to vector<16xi32>
      %add3A_64 = arith.addi %gather3A, %add3A_63 : vector<16xi32>
      %gather3A_65 = tpu.vector_load_idx %arg5[%add3A_64] : memref<3072xf32, #tpu.memory_space<vmem>>[vector<16xi32>], vector<16xf32>,
      %add3A_66 = arith.constant 2048 : i32
      %add3A_67 = vector.broadcast %add3A_66 : i32 to vector<16xi32>
      %add3A_68 = arith.addi %add3A_32, %add3A_67 : vector<16xi32>
      %gather3A_69 = tpu.vector_load_idx %arg5[%add3A_68] : memref<3072xf32, #tpu.memory_space<vmem>>[vector<16xi32>], vector<16xf32>,
      %add3A_70 = arith.constant 2048 : i32
      %add3A_71 = vector.broadcast %add3A_70 : i32 to vector<16xi32>
      %add3A_72 = arith.addi %add3A_71, %add3A_32 : vector<16xi32>
      %sub3A_73 = arith.subf %gather3A_65, %gather3A_69 : vector<16xf32>
      tpu.vector_store_idx %arg7[%add3A_72], %sub3A_73 : memref<61440xf32, #tpu.memory_space<vmem>>[vector<16xi32>], vector<16xf32>,
      %mul3A_74 = arith.constant 20 : i32
      %mul3A_75 = vector.broadcast %mul3A_74 : i32 to vector<16xi32>
      %mul3A_76 = arith.muli %add3A_32, %mul3A_75 : vector<16xi32>
      %add3A_77 = arith.constant 1 : i32
      %add3A_78 = vector.broadcast %add3A_77 : i32 to vector<16xi32>
      %add3A_79 = arith.addi %mul3A_76, %add3A_78 : vector<16xi32>
      %gather3A_80 = tpu.vector_load_idx %arg6[%add3A_79] : memref<20480xi32, #tpu.memory_space<vmem>>[vector<16xi32>], vector<16xi32>,
      %add3A_81 = arith.constant 0 : i32
      %add3A_82 = vector.broadcast %add3A_81 : i32 to vector<16xi32>
      %add3A_83 = arith.addi %gather3A_80, %add3A_82 : vector<16xi32>
      %gather3A_84 = tpu.vector_load_idx %arg5[%add3A_83] : memref<3072xf32, #tpu.memory_space<vmem>>[vector<16xi32>], vector<16xf32>,
      %add3A_85 = arith.constant 0 : i32
      %add3A_86 = vector.broadcast %add3A_85 : i32 to vector<16xi32>
      %add3A_87 = arith.addi %add3A_32, %add3A_86 : vector<16xi32>
      %gather3A_88 = tpu.vector_load_idx %arg5[%add3A_87] : memref<3072xf32, #tpu.memory_space<vmem>>[vector<16xi32>], vector<16xf32>,
      %add3A_89 = arith.constant 3072 : i32
      %add3A_90 = vector.broadcast %add3A_89 : i32 to vector<16xi32>
      %add3A_91 = arith.addi %add3A_90, %add3A_32 : vector<16xi32>
      %sub3A_92 = arith.subf %gather3A_84, %gather3A_88 : vector<16xf32>
      tpu.vector_store_idx %arg7[%add3A_91], %sub3A_92 : memref<61440xf32, #tpu.memory_space<vmem>>[vector<16xi32>], vector<16xf32>,
      %add3A_93 = arith.constant 1024 : i32
      %add3A_94 = vector.broadcast %add3A_93 : i32 to vector<16xi32>
      %add3A_95 = arith.addi %gather3A_80, %add3A_94 : vector<16xi32>
      %gather3A_96 = tpu.vector_load_idx %arg5[%add3A_95] : memref<3072xf32, #tpu.memory_space<vmem>>[vector<16xi32>], vector<16xf32>,
      %add3A_97 = arith.constant 1024 : i32
      %add3A_98 = vector.broadcast %add3A_97 : i32 to vector<16xi32>
      %add3A_99 = arith.addi %add3A_32, %add3A_98 : vector<16xi32>
      %gather3A_100 = tpu.vector_load_idx %arg5[%add3A_99] : memref<3072xf32, #tpu.memory_space<vmem>>[vector<16xi32>], vector<16xf32>,
      %add3A_101 = arith.constant 4096 : i32
      %add3A_102 = vector.broadcast %add3A_101 : i32 to vector<16xi32>
      %add3A_103 = arith.addi %add3A_102, %add3A_32 : vector<16xi32>
      %sub3A_104 = arith.subf %gather3A_96, %gather3A_100 : vector<16xf32>
      tpu.vector_store_idx %arg7[%add3A_103], %sub3A_104 : memref<61440xf32, #tpu.memory_space<vmem>>[vector<16xi32>], vector<16xf32>,
      %add3A_105 = arith.constant 2048 : i32
      %add3A_106 = vector.broadcast %add3A_105 : i32 to vector<16xi32>
      %add3A_107 = arith.addi %gather3A_80, %add3A_106 : vector<16xi32>
      %gather3A_108 = tpu.vector_load_idx %arg5[%add3A_107] : memref<3072xf32, #tpu.memory_space<vmem>>[vector<16xi32>], vector<16xf32>,
      %add3A_109 = arith.constant 2048 : i32
      %add3A_110 = vector.broadcast %add3A_109 : i32 to vector<16xi32>
      %add3A_111 = arith.addi %add3A_32, %add3A_110 : vector<16xi32>
      %gather3A_112 = tpu.vector_load_idx %arg5[%add3A_111] : memref<3072xf32, #tpu.memory_space<vmem>>[vector<16xi32>], vector<16xf32>,
      %add3A_113 = arith.constant 5120 : i32
      %add3A_114 = vector.broadcast %add3A_113 : i32 to vector<16xi32>
      %add3A_115 = arith.addi %add3A_114, %add3A_32 : vector<16xi32>
      %sub3A_116 = arith.subf %gather3A_108, %gather3A_112 : vector<16xf32>
      tpu.vector_store_idx %arg7[%add3A_115], %sub3A_116 : memref<61440xf32, #tpu.memory_space<vmem>>[vector<16xi32>], vector<16xf32>,
      %mul3A_117 = arith.constant 20 : i32
      %mul3A_118 = vector.broadcast %mul3A_117 : i32 to vector<16xi32>
      %mul3A_119 = arith.muli %add3A_32, %mul3A_118 : vector<16xi32>
      %add3A_120 = arith.constant 2 : i32
      %add3A_121 = vector.broadcast %add3A_120 : i32 to vector<16xi32>
      %add3A_122 = arith.addi %mul3A_119, %add3A_121 : vector<16xi32>
      %gather3A_123 = tpu.vector_load_idx %arg6[%add3A_122] : memref<20480xi32, #tpu.memory_space<vmem>>[vector<16xi32>], vector<16xi32>,
      %add3A_124 = arith.constant 0 : i32
      %add3A_125 = vector.broadcast %add3A_124 : i32 to vector<16xi32>
      %add3A_126 = arith.addi %gather3A_123, %add3A_125 : vector<16xi32>
      %gather3A_127 = tpu.vector_load_idx %arg5[%add3A_126] : memref<3072xf32, #tpu.memory_space<vmem>>[vector<16xi32>], vector<16xf32>,
      %add3A_128 = arith.constant 0 : i32
      %add3A_129 = vector.broadcast %add3A_128 : i32 to vector<16xi32>
      %add3A_130 = arith.addi %add3A_32, %add3A_129 : vector<16xi32>
      %gather3A_131 = tpu.vector_load_idx %arg5[%add3A_130] : memref<3072xf32, #tpu.memory_space<vmem>>[vector<16xi32>], vector<16xf32>,
      %add3A_132 = arith.constant 6144 : i32
      %add3A_133 = vector.broadcast %add3A_132 : i32 to vector<16xi32>
      %add3A_134 = arith.addi %add3A_133, %add3A_32 : vector<16xi32>
      %sub3A_135 = arith.subf %gather3A_127, %gather3A_131 : vector<16xf32>
      tpu.vector_store_idx %arg7[%add3A_134], %sub3A_135 : memref<61440xf32, #tpu.memory_space<vmem>>[vector<16xi32>], vector<16xf32>,
      %add3A_136 = arith.constant 1024 : i32
      %add3A_137 = vector.broadcast %add3A_136 : i32 to vector<16xi32>
      %add3A_138 = arith.addi %gather3A_123, %add3A_137 : vector<16xi32>
      %gather3A_139 = tpu.vector_load_idx %arg5[%add3A_138] : memref<3072xf32, #tpu.memory_space<vmem>>[vector<16xi32>], vector<16xf32>,
      %add3A_140 = arith.constant 1024 : i32
      %add3A_141 = vector.broadcast %add3A_140 : i32 to vector<16xi32>
      %add3A_142 = arith.addi %add3A_32, %add3A_141 : vector<16xi32>
      %gather3A_143 = tpu.vector_load_idx %arg5[%add3A_142] : memref<3072xf32, #tpu.memory_space<vmem>>[vector<16xi32>], vector<16xf32>,
      %add3A_144 = arith.constant 7168 : i32
      %add3A_145 = vector.broadcast %add3A_144 : i32 to vector<16xi32>
      %add3A_146 = arith.addi %add3A_145, %add3A_32 : vector<16xi32>
      %sub3A_147 = arith.subf %gather3A_139, %gather3A_143 : vector<16xf32>
      tpu.vector_store_idx %arg7[%add3A_146], %sub3A_147 : memref<61440xf32, #tpu.memory_space<vmem>>[vector<16xi32>], vector<16xf32>,
      %add3A_148 = arith.constant 2048 : i32
      %add3A_149 = vector.broadcast %add3A_148 : i32 to vector<16xi32>
      %add3A_150 = arith.addi %gather3A_123, %add3A_149 : vector<16xi32>
      %gather3A_151 = tpu.vector_load_idx %arg5[%add3A_150] : memref<3072xf32, #tpu.memory_space<vmem>>[vector<16xi32>], vector<16xf32>,
      %add3A_152 = arith.constant 2048 : i32
      %add3A_153 = vector.broadcast %add3A_152 : i32 to vector<16xi32>
      %add3A_154 = arith.addi %add3A_32, %add3A_153 : vector<16xi32>
      %gather3A_155 = tpu.vector_load_idx %arg5[%add3A_154] : memref<3072xf32, #tpu.memory_space<vmem>>[vector<16xi32>], vector<16xf32>,
      %add3A_156 = arith.constant 8192 : i32
      %add3A_157 = vector.broadcast %add3A_156 : i32 to vector<16xi32>
      %add3A_158 = arith.addi %add3A_157, %add3A_32 : vector<16xi32>
      %sub3A_159 = arith.subf %gather3A_151, %gather3A_155 : vector<16xf32>
      tpu.vector_store_idx %arg7[%add3A_158], %sub3A_159 : memref<61440xf32, #tpu.memory_space<vmem>>[vector<16xi32>], vector<16xf32>,
      %mul3A_160 = arith.constant 20 : i32
      %mul3A_161 = vector.broadcast %mul3A_160 : i32 to vector<16xi32>
      %mul3A_162 = arith.muli %add3A_32, %mul3A_161 : vector<16xi32>
      %add3A_163 = arith.constant 3 : i32
      %add3A_164 = vector.broadcast %add3A_163 : i32 to vector<16xi32>
      %add3A_165 = arith.addi %mul3A_162, %add3A_164 : vector<16xi32>
      %gather3A_166 = tpu.vector_load_idx %arg6[%add3A_165] : memref<20480xi32, #tpu.memory_space<vmem>>[vector<16xi32>], vector<16xi32>,
      %add3A_167 = arith.constant 0 : i32
      %add3A_168 = vector.broadcast %add3A_167 : i32 to vector<16xi32>
      %add3A_169 = arith.addi %gather3A_166, %add3A_168 : vector<16xi32>
      %gather3A_170 = tpu.vector_load_idx %arg5[%add3A_169] : memref<3072xf32, #tpu.memory_space<vmem>>[vector<16xi32>], vector<16xf32>,
      %add3A_171 = arith.constant 0 : i32
      %add3A_172 = vector.broadcast %add3A_171 : i32 to vector<16xi32>
      %add3A_173 = arith.addi %add3A_32, %add3A_172 : vector<16xi32>
      %gather3A_174 = tpu.vector_load_idx %arg5[%add3A_173] : memref<3072xf32, #tpu.memory_space<vmem>>[vector<16xi32>], vector<16xf32>,
      %add3A_175 = arith.constant 9216 : i32
      %add3A_176 = vector.broadcast %add3A_175 : i32 to vector<16xi32>
      %add3A_177 = arith.addi %add3A_176, %add3A_32 : vector<16xi32>
      %sub3A_178 = arith.subf %gather3A_170, %gather3A_174 : vector<16xf32>
      tpu.vector_store_idx %arg7[%add3A_177], %sub3A_178 : memref<61440xf32, #tpu.memory_space<vmem>>[vector<16xi32>], vector<16xf32>,
      %add3A_179 = arith.constant 1024 : i32
      %add3A_180 = vector.broadcast %add3A_179 : i32 to vector<16xi32>
      %add3A_181 = arith.addi %gather3A_166, %add3A_180 : vector<16xi32>
      %gather3A_182 = tpu.vector_load_idx %arg5[%add3A_181] : memref<3072xf32, #tpu.memory_space<vmem>>[vector<16xi32>], vector<16xf32>,
      %add3A_183 = arith.constant 1024 : i32
      %add3A_184 = vector.broadcast %add3A_183 : i32 to vector<16xi32>
      %add3A_185 = arith.addi %add3A_32, %add3A_184 : vector<16xi32>
      %gather3A_186 = tpu.vector_load_idx %arg5[%add3A_185] : memref<3072xf32, #tpu.memory_space<vmem>>[vector<16xi32>], vector<16xf32>,
      %add3A_187 = arith.constant 10240 : i32
      %add3A_188 = vector.broadcast %add3A_187 : i32 to vector<16xi32>
      %add3A_189 = arith.addi %add3A_188, %add3A_32 : vector<16xi32>
      %sub3A_190 = arith.subf %gather3A_182, %gather3A_186 : vector<16xf32>
      tpu.vector_store_idx %arg7[%add3A_189], %sub3A_190 : memref<61440xf32, #tpu.memory_space<vmem>>[vector<16xi32>], vector<16xf32>,
      %add3A_191 = arith.constant 2048 : i32
      %add3A_192 = vector.broadcast %add3A_191 : i32 to vector<16xi32>
      %add3A_193 = arith.addi %gather3A_166, %add3A_192 : vector<16xi32>
      %gather3A_194 = tpu.vector_load_idx %arg5[%add3A_193] : memref<3072xf32, #tpu.memory_space<vmem>>[vector<16xi32>], vector<16xf32>,
      %add3A_195 = arith.constant 2048 : i32
      %add3A_196 = vector.broadcast %add3A_195 : i32 to vector<16xi32>
      %add3A_197 = arith.addi %add3A_32, %add3A_196 : vector<16xi32>
      %gather3A_198 = tpu.vector_load_idx %arg5[%add3A_197] : memref<3072xf32, #tpu.memory_space<vmem>>[vector<16xi32>], vector<16xf32>,
      %add3A_199 = arith.constant 11264 : i32
      %add3A_200 = vector.broadcast %add3A_199 : i32 to vector<16xi32>
      %add3A_201 = arith.addi %add3A_200, %add3A_32 : vector<16xi32>
      %sub3A_202 = arith.subf %gather3A_194, %gather3A_198 : vector<16xf32>
      tpu.vector_store_idx %arg7[%add3A_201], %sub3A_202 : memref<61440xf32, #tpu.memory_space<vmem>>[vector<16xi32>], vector<16xf32>,
      %mul3A_203 = arith.constant 20 : i32
      %mul3A_204 = vector.broadcast %mul3A_203 : i32 to vector<16xi32>
      %mul3A_205 = arith.muli %add3A_32, %mul3A_204 : vector<16xi32>
      %add3A_206 = arith.constant 4 : i32
      %add3A_207 = vector.broadcast %add3A_206 : i32 to vector<16xi32>
      %add3A_208 = arith.addi %mul3A_205, %add3A_207 : vector<16xi32>
      %gather3A_209 = tpu.vector_load_idx %arg6[%add3A_208] : memref<20480xi32, #tpu.memory_space<vmem>>[vector<16xi32>], vector<16xi32>,
      %add3A_210 = arith.constant 0 : i32
      %add3A_211 = vector.broadcast %add3A_210 : i32 to vector<16xi32>
      %add3A_212 = arith.addi %gather3A_209, %add3A_211 : vector<16xi32>
      %gather3A_213 = tpu.vector_load_idx %arg5[%add3A_212] : memref<3072xf32, #tpu.memory_space<vmem>>[vector<16xi32>], vector<16xf32>,
      %add3A_214 = arith.constant 0 : i32
      %add3A_215 = vector.broadcast %add3A_214 : i32 to vector<16xi32>
      %add3A_216 = arith.addi %add3A_32, %add3A_215 : vector<16xi32>
      %gather3A_217 = tpu.vector_load_idx %arg5[%add3A_216] : memref<3072xf32, #tpu.memory_space<vmem>>[vector<16xi32>], vector<16xf32>,
      %add3A_218 = arith.constant 12288 : i32
      %add3A_219 = vector.broadcast %add3A_218 : i32 to vector<16xi32>
      %add3A_220 = arith.addi %add3A_219, %add3A_32 : vector<16xi32>
      %sub3A_221 = arith.subf %gather3A_213, %gather3A_217 : vector<16xf32>
      tpu.vector_store_idx %arg7[%add3A_220], %sub3A_221 : memref<61440xf32, #tpu.memory_space<vmem>>[vector<16xi32>], vector<16xf32>,
      %add3A_222 = arith.constant 1024 : i32
      %add3A_223 = vector.broadcast %add3A_222 : i32 to vector<16xi32>
      %add3A_224 = arith.addi %gather3A_209, %add3A_223 : vector<16xi32>
      %gather3A_225 = tpu.vector_load_idx %arg5[%add3A_224] : memref<3072xf32, #tpu.memory_space<vmem>>[vector<16xi32>], vector<16xf32>,
      %add3A_226 = arith.constant 1024 : i32
      %add3A_227 = vector.broadcast %add3A_226 : i32 to vector<16xi32>
      %add3A_228 = arith.addi %add3A_32, %add3A_227 : vector<16xi32>
      %gather3A_229 = tpu.vector_load_idx %arg5[%add3A_228] : memref<3072xf32, #tpu.memory_space<vmem>>[vector<16xi32>], vector<16xf32>,
      %add3A_230 = arith.constant 13312 : i32
      %add3A_231 = vector.broadcast %add3A_230 : i32 to vector<16xi32>
      %add3A_232 = arith.addi %add3A_231, %add3A_32 : vector<16xi32>
      %sub3A_233 = arith.subf %gather3A_225, %gather3A_229 : vector<16xf32>
      tpu.vector_store_idx %arg7[%add3A_232], %sub3A_233 : memref<61440xf32, #tpu.memory_space<vmem>>[vector<16xi32>], vector<16xf32>,
      %add3A_234 = arith.constant 2048 : i32
      %add3A_235 = vector.broadcast %add3A_234 : i32 to vector<16xi32>
      %add3A_236 = arith.addi %gather3A_209, %add3A_235 : vector<16xi32>
      %gather3A_237 = tpu.vector_load_idx %arg5[%add3A_236] : memref<3072xf32, #tpu.memory_space<vmem>>[vector<16xi32>], vector<16xf32>,
      %add3A_238 = arith.constant 2048 : i32
      %add3A_239 = vector.broadcast %add3A_238 : i32 to vector<16xi32>
      %add3A_240 = arith.addi %add3A_32, %add3A_239 : vector<16xi32>
      %gather3A_241 = tpu.vector_load_idx %arg5[%add3A_240] : memref<3072xf32, #tpu.memory_space<vmem>>[vector<16xi32>], vector<16xf32>,
      %add3A_242 = arith.constant 14336 : i32
      %add3A_243 = vector.broadcast %add3A_242 : i32 to vector<16xi32>
      %add3A_244 = arith.addi %add3A_243, %add3A_32 : vector<16xi32>
      %sub3A_245 = arith.subf %gather3A_237, %gather3A_241 : vector<16xf32>
      tpu.vector_store_idx %arg7[%add3A_244], %sub3A_245 : memref<61440xf32, #tpu.memory_space<vmem>>[vector<16xi32>], vector<16xf32>,
      %mul3A_246 = arith.constant 20 : i32
      %mul3A_247 = vector.broadcast %mul3A_246 : i32 to vector<16xi32>
      %mul3A_248 = arith.muli %add3A_32, %mul3A_247 : vector<16xi32>
      %add3A_249 = arith.constant 5 : i32
      %add3A_250 = vector.broadcast %add3A_249 : i32 to vector<16xi32>
      %add3A_251 = arith.addi %mul3A_248, %add3A_250 : vector<16xi32>
      %gather3A_252 = tpu.vector_load_idx %arg6[%add3A_251] : memref<20480xi32, #tpu.memory_space<vmem>>[vector<16xi32>], vector<16xi32>,
      %add3A_253 = arith.constant 0 : i32
      %add3A_254 = vector.broadcast %add3A_253 : i32 to vector<16xi32>
      %add3A_255 = arith.addi %gather3A_252, %add3A_254 : vector<16xi32>
      %gather3A_256 = tpu.vector_load_idx %arg5[%add3A_255] : memref<3072xf32, #tpu.memory_space<vmem>>[vector<16xi32>], vector<16xf32>,
      %add3A_257 = arith.constant 0 : i32
      %add3A_258 = vector.broadcast %add3A_257 : i32 to vector<16xi32>
      %add3A_259 = arith.addi %add3A_32, %add3A_258 : vector<16xi32>
      %gather3A_260 = tpu.vector_load_idx %arg5[%add3A_259] : memref<3072xf32, #tpu.memory_space<vmem>>[vector<16xi32>], vector<16xf32>,
      %add3A_261 = arith.constant 15360 : i32
      %add3A_262 = vector.broadcast %add3A_261 : i32 to vector<16xi32>
      %add3A_263 = arith.addi %add3A_262, %add3A_32 : vector<16xi32>
      %sub3A_264 = arith.subf %gather3A_256, %gather3A_260 : vector<16xf32>
      tpu.vector_store_idx %arg7[%add3A_263], %sub3A_264 : memref<61440xf32, #tpu.memory_space<vmem>>[vector<16xi32>], vector<16xf32>,
      %add3A_265 = arith.constant 1024 : i32
      %add3A_266 = vector.broadcast %add3A_265 : i32 to vector<16xi32>
      %add3A_267 = arith.addi %gather3A_252, %add3A_266 : vector<16xi32>
      %gather3A_268 = tpu.vector_load_idx %arg5[%add3A_267] : memref<3072xf32, #tpu.memory_space<vmem>>[vector<16xi32>], vector<16xf32>,
      %add3A_269 = arith.constant 1024 : i32
      %add3A_270 = vector.broadcast %add3A_269 : i32 to vector<16xi32>
      %add3A_271 = arith.addi %add3A_32, %add3A_270 : vector<16xi32>
      %gather3A_272 = tpu.vector_load_idx %arg5[%add3A_271] : memref<3072xf32, #tpu.memory_space<vmem>>[vector<16xi32>], vector<16xf32>,
      %add3A_273 = arith.constant 16384 : i32
      %add3A_274 = vector.broadcast %add3A_273 : i32 to vector<16xi32>
      %add3A_275 = arith.addi %add3A_274, %add3A_32 : vector<16xi32>
      %sub3A_276 = arith.subf %gather3A_268, %gather3A_272 : vector<16xf32>
      tpu.vector_store_idx %arg7[%add3A_275], %sub3A_276 : memref<61440xf32, #tpu.memory_space<vmem>>[vector<16xi32>], vector<16xf32>,
      %add3A_277 = arith.constant 2048 : i32
      %add3A_278 = vector.broadcast %add3A_277 : i32 to vector<16xi32>
      %add3A_279 = arith.addi %gather3A_252, %add3A_278 : vector<16xi32>
      %gather3A_280 = tpu.vector_load_idx %arg5[%add3A_279] : memref<3072xf32, #tpu.memory_space<vmem>>[vector<16xi32>], vector<16xf32>,
      %add3A_281 = arith.constant 2048 : i32
      %add3A_282 = vector.broadcast %add3A_281 : i32 to vector<16xi32>
      %add3A_283 = arith.addi %add3A_32, %add3A_282 : vector<16xi32>
      %gather3A_284 = tpu.vector_load_idx %arg5[%add3A_283] : memref<3072xf32, #tpu.memory_space<vmem>>[vector<16xi32>], vector<16xf32>,
      %add3A_285 = arith.constant 17408 : i32
      %add3A_286 = vector.broadcast %add3A_285 : i32 to vector<16xi32>
      %add3A_287 = arith.addi %add3A_286, %add3A_32 : vector<16xi32>
      %sub3A_288 = arith.subf %gather3A_280, %gather3A_284 : vector<16xf32>
      tpu.vector_store_idx %arg7[%add3A_287], %sub3A_288 : memref<61440xf32, #tpu.memory_space<vmem>>[vector<16xi32>], vector<16xf32>,
      %mul3A_289 = arith.constant 20 : i32
      %mul3A_290 = vector.broadcast %mul3A_289 : i32 to vector<16xi32>
      %mul3A_291 = arith.muli %add3A_32, %mul3A_290 : vector<16xi32>
      %add3A_292 = arith.constant 6 : i32
      %add3A_293 = vector.broadcast %add3A_292 : i32 to vector<16xi32>
      %add3A_294 = arith.addi %mul3A_291, %add3A_293 : vector<16xi32>
      %gather3A_295 = tpu.vector_load_idx %arg6[%add3A_294] : memref<20480xi32, #tpu.memory_space<vmem>>[vector<16xi32>], vector<16xi32>,
      %add3A_296 = arith.constant 0 : i32
      %add3A_297 = vector.broadcast %add3A_296 : i32 to vector<16xi32>
      %add3A_298 = arith.addi %gather3A_295, %add3A_297 : vector<16xi32>
      %gather3A_299 = tpu.vector_load_idx %arg5[%add3A_298] : memref<3072xf32, #tpu.memory_space<vmem>>[vector<16xi32>], vector<16xf32>,
      %add3A_300 = arith.constant 0 : i32
      %add3A_301 = vector.broadcast %add3A_300 : i32 to vector<16xi32>
      %add3A_302 = arith.addi %add3A_32, %add3A_301 : vector<16xi32>
      %gather3A_303 = tpu.vector_load_idx %arg5[%add3A_302] : memref<3072xf32, #tpu.memory_space<vmem>>[vector<16xi32>], vector<16xf32>,
      %add3A_304 = arith.constant 18432 : i32
      %add3A_305 = vector.broadcast %add3A_304 : i32 to vector<16xi32>
      %add3A_306 = arith.addi %add3A_305, %add3A_32 : vector<16xi32>
      %sub3A_307 = arith.subf %gather3A_299, %gather3A_303 : vector<16xf32>
      tpu.vector_store_idx %arg7[%add3A_306], %sub3A_307 : memref<61440xf32, #tpu.memory_space<vmem>>[vector<16xi32>], vector<16xf32>,
      %add3A_308 = arith.constant 1024 : i32
      %add3A_309 = vector.broadcast %add3A_308 : i32 to vector<16xi32>
      %add3A_310 = arith.addi %gather3A_295, %add3A_309 : vector<16xi32>
      %gather3A_311 = tpu.vector_load_idx %arg5[%add3A_310] : memref<3072xf32, #tpu.memory_space<vmem>>[vector<16xi32>], vector<16xf32>,
      %add3A_312 = arith.constant 1024 : i32
      %add3A_313 = vector.broadcast %add3A_312 : i32 to vector<16xi32>
      %add3A_314 = arith.addi %add3A_32, %add3A_313 : vector<16xi32>
      %gather3A_315 = tpu.vector_load_idx %arg5[%add3A_314] : memref<3072xf32, #tpu.memory_space<vmem>>[vector<16xi32>], vector<16xf32>,
      %add3A_316 = arith.constant 19456 : i32
      %add3A_317 = vector.broadcast %add3A_316 : i32 to vector<16xi32>
      %add3A_318 = arith.addi %add3A_317, %add3A_32 : vector<16xi32>
      %sub3A_319 = arith.subf %gather3A_311, %gather3A_315 : vector<16xf32>
      tpu.vector_store_idx %arg7[%add3A_318], %sub3A_319 : memref<61440xf32, #tpu.memory_space<vmem>>[vector<16xi32>], vector<16xf32>,
      %add3A_320 = arith.constant 2048 : i32
      %add3A_321 = vector.broadcast %add3A_320 : i32 to vector<16xi32>
      %add3A_322 = arith.addi %gather3A_295, %add3A_321 : vector<16xi32>
      %gather3A_323 = tpu.vector_load_idx %arg5[%add3A_322] : memref<3072xf32, #tpu.memory_space<vmem>>[vector<16xi32>], vector<16xf32>,
      %add3A_324 = arith.constant 2048 : i32
      %add3A_325 = vector.broadcast %add3A_324 : i32 to vector<16xi32>
      %add3A_326 = arith.addi %add3A_32, %add3A_325 : vector<16xi32>
      %gather3A_327 = tpu.vector_load_idx %arg5[%add3A_326] : memref<3072xf32, #tpu.memory_space<vmem>>[vector<16xi32>], vector<16xf32>,
      %add3A_328 = arith.constant 20480 : i32
      %add3A_329 = vector.broadcast %add3A_328 : i32 to vector<16xi32>
      %add3A_330 = arith.addi %add3A_329, %add3A_32 : vector<16xi32>
      %sub3A_331 = arith.subf %gather3A_323, %gather3A_327 : vector<16xf32>
      tpu.vector_store_idx %arg7[%add3A_330], %sub3A_331 : memref<61440xf32, #tpu.memory_space<vmem>>[vector<16xi32>], vector<16xf32>,
      %mul3A_332 = arith.constant 20 : i32
      %mul3A_333 = vector.broadcast %mul3A_332 : i32 to vector<16xi32>
      %mul3A_334 = arith.muli %add3A_32, %mul3A_333 : vector<16xi32>
      %add3A_335 = arith.constant 7 : i32
      %add3A_336 = vector.broadcast %add3A_335 : i32 to vector<16xi32>
      %add3A_337 = arith.addi %mul3A_334, %add3A_336 : vector<16xi32>
      %gather3A_338 = tpu.vector_load_idx %arg6[%add3A_337] : memref<20480xi32, #tpu.memory_space<vmem>>[vector<16xi32>], vector<16xi32>,
      %add3A_339 = arith.constant 0 : i32
      %add3A_340 = vector.broadcast %add3A_339 : i32 to vector<16xi32>
      %add3A_341 = arith.addi %gather3A_338, %add3A_340 : vector<16xi32>
      %gather3A_342 = tpu.vector_load_idx %arg5[%add3A_341] : memref<3072xf32, #tpu.memory_space<vmem>>[vector<16xi32>], vector<16xf32>,
      %add3A_343 = arith.constant 0 : i32
      %add3A_344 = vector.broadcast %add3A_343 : i32 to vector<16xi32>
      %add3A_345 = arith.addi %add3A_32, %add3A_344 : vector<16xi32>
      %gather3A_346 = tpu.vector_load_idx %arg5[%add3A_345] : memref<3072xf32, #tpu.memory_space<vmem>>[vector<16xi32>], vector<16xf32>,
      %add3A_347 = arith.constant 21504 : i32
      %add3A_348 = vector.broadcast %add3A_347 : i32 to vector<16xi32>
      %add3A_349 = arith.addi %add3A_348, %add3A_32 : vector<16xi32>
      %sub3A_350 = arith.subf %gather3A_342, %gather3A_346 : vector<16xf32>
      tpu.vector_store_idx %arg7[%add3A_349], %sub3A_350 : memref<61440xf32, #tpu.memory_space<vmem>>[vector<16xi32>], vector<16xf32>,
      %add3A_351 = arith.constant 1024 : i32
      %add3A_352 = vector.broadcast %add3A_351 : i32 to vector<16xi32>
      %add3A_353 = arith.addi %gather3A_338, %add3A_352 : vector<16xi32>
      %gather3A_354 = tpu.vector_load_idx %arg5[%add3A_353] : memref<3072xf32, #tpu.memory_space<vmem>>[vector<16xi32>], vector<16xf32>,
      %add3A_355 = arith.constant 1024 : i32
      %add3A_356 = vector.broadcast %add3A_355 : i32 to vector<16xi32>
      %add3A_357 = arith.addi %add3A_32, %add3A_356 : vector<16xi32>
      %gather3A_358 = tpu.vector_load_idx %arg5[%add3A_357] : memref<3072xf32, #tpu.memory_space<vmem>>[vector<16xi32>], vector<16xf32>,
      %add3A_359 = arith.constant 22528 : i32
      %add3A_360 = vector.broadcast %add3A_359 : i32 to vector<16xi32>
      %add3A_361 = arith.addi %add3A_360, %add3A_32 : vector<16xi32>
      %sub3A_362 = arith.subf %gather3A_354, %gather3A_358 : vector<16xf32>
      tpu.vector_store_idx %arg7[%add3A_361], %sub3A_362 : memref<61440xf32, #tpu.memory_space<vmem>>[vector<16xi32>], vector<16xf32>,
      %add3A_363 = arith.constant 2048 : i32
      %add3A_364 = vector.broadcast %add3A_363 : i32 to vector<16xi32>
      %add3A_365 = arith.addi %gather3A_338, %add3A_364 : vector<16xi32>
      %gather3A_366 = tpu.vector_load_idx %arg5[%add3A_365] : memref<3072xf32, #tpu.memory_space<vmem>>[vector<16xi32>], vector<16xf32>,
      %add3A_367 = arith.constant 2048 : i32
      %add3A_368 = vector.broadcast %add3A_367 : i32 to vector<16xi32>
      %add3A_369 = arith.addi %add3A_32, %add3A_368 : vector<16xi32>
      %gather3A_370 = tpu.vector_load_idx %arg5[%add3A_369] : memref<3072xf32, #tpu.memory_space<vmem>>[vector<16xi32>], vector<16xf32>,
      %add3A_371 = arith.constant 23552 : i32
      %add3A_372 = vector.broadcast %add3A_371 : i32 to vector<16xi32>
      %add3A_373 = arith.addi %add3A_372, %add3A_32 : vector<16xi32>
      %sub3A_374 = arith.subf %gather3A_366, %gather3A_370 : vector<16xf32>
      tpu.vector_store_idx %arg7[%add3A_373], %sub3A_374 : memref<61440xf32, #tpu.memory_space<vmem>>[vector<16xi32>], vector<16xf32>,
      %mul3A_375 = arith.constant 20 : i32
      %mul3A_376 = vector.broadcast %mul3A_375 : i32 to vector<16xi32>
      %mul3A_377 = arith.muli %add3A_32, %mul3A_376 : vector<16xi32>
      %add3A_378 = arith.constant 8 : i32
      %add3A_379 = vector.broadcast %add3A_378 : i32 to vector<16xi32>
      %add3A_380 = arith.addi %mul3A_377, %add3A_379 : vector<16xi32>
      %gather3A_381 = tpu.vector_load_idx %arg6[%add3A_380] : memref<20480xi32, #tpu.memory_space<vmem>>[vector<16xi32>], vector<16xi32>,
      %add3A_382 = arith.constant 0 : i32
      %add3A_383 = vector.broadcast %add3A_382 : i32 to vector<16xi32>
      %add3A_384 = arith.addi %gather3A_381, %add3A_383 : vector<16xi32>
      %gather3A_385 = tpu.vector_load_idx %arg5[%add3A_384] : memref<3072xf32, #tpu.memory_space<vmem>>[vector<16xi32>], vector<16xf32>,
      %add3A_386 = arith.constant 0 : i32
      %add3A_387 = vector.broadcast %add3A_386 : i32 to vector<16xi32>
      %add3A_388 = arith.addi %add3A_32, %add3A_387 : vector<16xi32>
      %gather3A_389 = tpu.vector_load_idx %arg5[%add3A_388] : memref<3072xf32, #tpu.memory_space<vmem>>[vector<16xi32>], vector<16xf32>,
      %add3A_390 = arith.constant 24576 : i32
      %add3A_391 = vector.broadcast %add3A_390 : i32 to vector<16xi32>
      %add3A_392 = arith.addi %add3A_391, %add3A_32 : vector<16xi32>
      %sub3A_393 = arith.subf %gather3A_385, %gather3A_389 : vector<16xf32>
      tpu.vector_store_idx %arg7[%add3A_392], %sub3A_393 : memref<61440xf32, #tpu.memory_space<vmem>>[vector<16xi32>], vector<16xf32>,
      %add3A_394 = arith.constant 1024 : i32
      %add3A_395 = vector.broadcast %add3A_394 : i32 to vector<16xi32>
      %add3A_396 = arith.addi %gather3A_381, %add3A_395 : vector<16xi32>
      %gather3A_397 = tpu.vector_load_idx %arg5[%add3A_396] : memref<3072xf32, #tpu.memory_space<vmem>>[vector<16xi32>], vector<16xf32>,
      %add3A_398 = arith.constant 1024 : i32
      %add3A_399 = vector.broadcast %add3A_398 : i32 to vector<16xi32>
      %add3A_400 = arith.addi %add3A_32, %add3A_399 : vector<16xi32>
      %gather3A_401 = tpu.vector_load_idx %arg5[%add3A_400] : memref<3072xf32, #tpu.memory_space<vmem>>[vector<16xi32>], vector<16xf32>,
      %add3A_402 = arith.constant 25600 : i32
      %add3A_403 = vector.broadcast %add3A_402 : i32 to vector<16xi32>
      %add3A_404 = arith.addi %add3A_403, %add3A_32 : vector<16xi32>
      %sub3A_405 = arith.subf %gather3A_397, %gather3A_401 : vector<16xf32>
      tpu.vector_store_idx %arg7[%add3A_404], %sub3A_405 : memref<61440xf32, #tpu.memory_space<vmem>>[vector<16xi32>], vector<16xf32>,
      %add3A_406 = arith.constant 2048 : i32
      %add3A_407 = vector.broadcast %add3A_406 : i32 to vector<16xi32>
      %add3A_408 = arith.addi %gather3A_381, %add3A_407 : vector<16xi32>
      %gather3A_409 = tpu.vector_load_idx %arg5[%add3A_408] : memref<3072xf32, #tpu.memory_space<vmem>>[vector<16xi32>], vector<16xf32>,
      %add3A_410 = arith.constant 2048 : i32
      %add3A_411 = vector.broadcast %add3A_410 : i32 to vector<16xi32>
      %add3A_412 = arith.addi %add3A_32, %add3A_411 : vector<16xi32>
      %gather3A_413 = tpu.vector_load_idx %arg5[%add3A_412] : memref<3072xf32, #tpu.memory_space<vmem>>[vector<16xi32>], vector<16xf32>,
      %add3A_414 = arith.constant 26624 : i32
      %add3A_415 = vector.broadcast %add3A_414 : i32 to vector<16xi32>
      %add3A_416 = arith.addi %add3A_415, %add3A_32 : vector<16xi32>
      %sub3A_417 = arith.subf %gather3A_409, %gather3A_413 : vector<16xf32>
      tpu.vector_store_idx %arg7[%add3A_416], %sub3A_417 : memref<61440xf32, #tpu.memory_space<vmem>>[vector<16xi32>], vector<16xf32>,
      %mul3A_418 = arith.constant 20 : i32
      %mul3A_419 = vector.broadcast %mul3A_418 : i32 to vector<16xi32>
      %mul3A_420 = arith.muli %add3A_32, %mul3A_419 : vector<16xi32>
      %add3A_421 = arith.constant 9 : i32
      %add3A_422 = vector.broadcast %add3A_421 : i32 to vector<16xi32>
      %add3A_423 = arith.addi %mul3A_420, %add3A_422 : vector<16xi32>
      %gather3A_424 = tpu.vector_load_idx %arg6[%add3A_423] : memref<20480xi32, #tpu.memory_space<vmem>>[vector<16xi32>], vector<16xi32>,
      %add3A_425 = arith.constant 0 : i32
      %add3A_426 = vector.broadcast %add3A_425 : i32 to vector<16xi32>
      %add3A_427 = arith.addi %gather3A_424, %add3A_426 : vector<16xi32>
      %gather3A_428 = tpu.vector_load_idx %arg5[%add3A_427] : memref<3072xf32, #tpu.memory_space<vmem>>[vector<16xi32>], vector<16xf32>,
      %add3A_429 = arith.constant 0 : i32
      %add3A_430 = vector.broadcast %add3A_429 : i32 to vector<16xi32>
      %add3A_431 = arith.addi %add3A_32, %add3A_430 : vector<16xi32>
      %gather3A_432 = tpu.vector_load_idx %arg5[%add3A_431] : memref<3072xf32, #tpu.memory_space<vmem>>[vector<16xi32>], vector<16xf32>,
      %add3A_433 = arith.constant 27648 : i32
      %add3A_434 = vector.broadcast %add3A_433 : i32 to vector<16xi32>
      %add3A_435 = arith.addi %add3A_434, %add3A_32 : vector<16xi32>
      %sub3A_436 = arith.subf %gather3A_428, %gather3A_432 : vector<16xf32>
      tpu.vector_store_idx %arg7[%add3A_435], %sub3A_436 : memref<61440xf32, #tpu.memory_space<vmem>>[vector<16xi32>], vector<16xf32>,
      %add3A_437 = arith.constant 1024 : i32
      %add3A_438 = vector.broadcast %add3A_437 : i32 to vector<16xi32>
      %add3A_439 = arith.addi %gather3A_424, %add3A_438 : vector<16xi32>
      %gather3A_440 = tpu.vector_load_idx %arg5[%add3A_439] : memref<3072xf32, #tpu.memory_space<vmem>>[vector<16xi32>], vector<16xf32>,
      %add3A_441 = arith.constant 1024 : i32
      %add3A_442 = vector.broadcast %add3A_441 : i32 to vector<16xi32>
      %add3A_443 = arith.addi %add3A_32, %add3A_442 : vector<16xi32>
      %gather3A_444 = tpu.vector_load_idx %arg5[%add3A_443] : memref<3072xf32, #tpu.memory_space<vmem>>[vector<16xi32>], vector<16xf32>,
      %add3A_445 = arith.constant 28672 : i32
      %add3A_446 = vector.broadcast %add3A_445 : i32 to vector<16xi32>
      %add3A_447 = arith.addi %add3A_446, %add3A_32 : vector<16xi32>
      %sub3A_448 = arith.subf %gather3A_440, %gather3A_444 : vector<16xf32>
      tpu.vector_store_idx %arg7[%add3A_447], %sub3A_448 : memref<61440xf32, #tpu.memory_space<vmem>>[vector<16xi32>], vector<16xf32>,
      %add3A_449 = arith.constant 2048 : i32
      %add3A_450 = vector.broadcast %add3A_449 : i32 to vector<16xi32>
      %add3A_451 = arith.addi %gather3A_424, %add3A_450 : vector<16xi32>
      %gather3A_452 = tpu.vector_load_idx %arg5[%add3A_451] : memref<3072xf32, #tpu.memory_space<vmem>>[vector<16xi32>], vector<16xf32>,
      %add3A_453 = arith.constant 2048 : i32
      %add3A_454 = vector.broadcast %add3A_453 : i32 to vector<16xi32>
      %add3A_455 = arith.addi %add3A_32, %add3A_454 : vector<16xi32>
      %gather3A_456 = tpu.vector_load_idx %arg5[%add3A_455] : memref<3072xf32, #tpu.memory_space<vmem>>[vector<16xi32>], vector<16xf32>,
      %add3A_457 = arith.constant 29696 : i32
      %add3A_458 = vector.broadcast %add3A_457 : i32 to vector<16xi32>
      %add3A_459 = arith.addi %add3A_458, %add3A_32 : vector<16xi32>
      %sub3A_460 = arith.subf %gather3A_452, %gather3A_456 : vector<16xf32>
      tpu.vector_store_idx %arg7[%add3A_459], %sub3A_460 : memref<61440xf32, #tpu.memory_space<vmem>>[vector<16xi32>], vector<16xf32>,
      %mul3A_461 = arith.constant 20 : i32
      %mul3A_462 = vector.broadcast %mul3A_461 : i32 to vector<16xi32>
      %mul3A_463 = arith.muli %add3A_32, %mul3A_462 : vector<16xi32>
      %add3A_464 = arith.constant 10 : i32
      %add3A_465 = vector.broadcast %add3A_464 : i32 to vector<16xi32>
      %add3A_466 = arith.addi %mul3A_463, %add3A_465 : vector<16xi32>
      %gather3A_467 = tpu.vector_load_idx %arg6[%add3A_466] : memref<20480xi32, #tpu.memory_space<vmem>>[vector<16xi32>], vector<16xi32>,
      %add3A_468 = arith.constant 0 : i32
      %add3A_469 = vector.broadcast %add3A_468 : i32 to vector<16xi32>
      %add3A_470 = arith.addi %gather3A_467, %add3A_469 : vector<16xi32>
      %gather3A_471 = tpu.vector_load_idx %arg5[%add3A_470] : memref<3072xf32, #tpu.memory_space<vmem>>[vector<16xi32>], vector<16xf32>,
      %add3A_472 = arith.constant 0 : i32
      %add3A_473 = vector.broadcast %add3A_472 : i32 to vector<16xi32>
      %add3A_474 = arith.addi %add3A_32, %add3A_473 : vector<16xi32>
      %gather3A_475 = tpu.vector_load_idx %arg5[%add3A_474] : memref<3072xf32, #tpu.memory_space<vmem>>[vector<16xi32>], vector<16xf32>,
      %add3A_476 = arith.constant 30720 : i32
      %add3A_477 = vector.broadcast %add3A_476 : i32 to vector<16xi32>
      %add3A_478 = arith.addi %add3A_477, %add3A_32 : vector<16xi32>
      %sub3A_479 = arith.subf %gather3A_471, %gather3A_475 : vector<16xf32>
      tpu.vector_store_idx %arg7[%add3A_478], %sub3A_479 : memref<61440xf32, #tpu.memory_space<vmem>>[vector<16xi32>], vector<16xf32>,
      %add3A_480 = arith.constant 1024 : i32
      %add3A_481 = vector.broadcast %add3A_480 : i32 to vector<16xi32>
      %add3A_482 = arith.addi %gather3A_467, %add3A_481 : vector<16xi32>
      %gather3A_483 = tpu.vector_load_idx %arg5[%add3A_482] : memref<3072xf32, #tpu.memory_space<vmem>>[vector<16xi32>], vector<16xf32>,
      %add3A_484 = arith.constant 1024 : i32
      %add3A_485 = vector.broadcast %add3A_484 : i32 to vector<16xi32>
      %add3A_486 = arith.addi %add3A_32, %add3A_485 : vector<16xi32>
      %gather3A_487 = tpu.vector_load_idx %arg5[%add3A_486] : memref<3072xf32, #tpu.memory_space<vmem>>[vector<16xi32>], vector<16xf32>,
      %add3A_488 = arith.constant 31744 : i32
      %add3A_489 = vector.broadcast %add3A_488 : i32 to vector<16xi32>
      %add3A_490 = arith.addi %add3A_489, %add3A_32 : vector<16xi32>
      %sub3A_491 = arith.subf %gather3A_483, %gather3A_487 : vector<16xf32>
      tpu.vector_store_idx %arg7[%add3A_490], %sub3A_491 : memref<61440xf32, #tpu.memory_space<vmem>>[vector<16xi32>], vector<16xf32>,
      %add3A_492 = arith.constant 2048 : i32
      %add3A_493 = vector.broadcast %add3A_492 : i32 to vector<16xi32>
      %add3A_494 = arith.addi %gather3A_467, %add3A_493 : vector<16xi32>
      %gather3A_495 = tpu.vector_load_idx %arg5[%add3A_494] : memref<3072xf32, #tpu.memory_space<vmem>>[vector<16xi32>], vector<16xf32>,
      %add3A_496 = arith.constant 2048 : i32
      %add3A_497 = vector.broadcast %add3A_496 : i32 to vector<16xi32>
      %add3A_498 = arith.addi %add3A_32, %add3A_497 : vector<16xi32>
      %gather3A_499 = tpu.vector_load_idx %arg5[%add3A_498] : memref<3072xf32, #tpu.memory_space<vmem>>[vector<16xi32>], vector<16xf32>,
      %add3A_500 = arith.constant 32768 : i32
      %add3A_501 = vector.broadcast %add3A_500 : i32 to vector<16xi32>
      %add3A_502 = arith.addi %add3A_501, %add3A_32 : vector<16xi32>
      %sub3A_503 = arith.subf %gather3A_495, %gather3A_499 : vector<16xf32>
      tpu.vector_store_idx %arg7[%add3A_502], %sub3A_503 : memref<61440xf32, #tpu.memory_space<vmem>>[vector<16xi32>], vector<16xf32>,
      %mul3A_504 = arith.constant 20 : i32
      %mul3A_505 = vector.broadcast %mul3A_504 : i32 to vector<16xi32>
      %mul3A_506 = arith.muli %add3A_32, %mul3A_505 : vector<16xi32>
      %add3A_507 = arith.constant 11 : i32
      %add3A_508 = vector.broadcast %add3A_507 : i32 to vector<16xi32>
      %add3A_509 = arith.addi %mul3A_506, %add3A_508 : vector<16xi32>
      %gather3A_510 = tpu.vector_load_idx %arg6[%add3A_509] : memref<20480xi32, #tpu.memory_space<vmem>>[vector<16xi32>], vector<16xi32>,
      %add3A_511 = arith.constant 0 : i32
      %add3A_512 = vector.broadcast %add3A_511 : i32 to vector<16xi32>
      %add3A_513 = arith.addi %gather3A_510, %add3A_512 : vector<16xi32>
      %gather3A_514 = tpu.vector_load_idx %arg5[%add3A_513] : memref<3072xf32, #tpu.memory_space<vmem>>[vector<16xi32>], vector<16xf32>,
      %add3A_515 = arith.constant 0 : i32
      %add3A_516 = vector.broadcast %add3A_515 : i32 to vector<16xi32>
      %add3A_517 = arith.addi %add3A_32, %add3A_516 : vector<16xi32>
      %gather3A_518 = tpu.vector_load_idx %arg5[%add3A_517] : memref<3072xf32, #tpu.memory_space<vmem>>[vector<16xi32>], vector<16xf32>,
      %add3A_519 = arith.constant 33792 : i32
      %add3A_520 = vector.broadcast %add3A_519 : i32 to vector<16xi32>
      %add3A_521 = arith.addi %add3A_520, %add3A_32 : vector<16xi32>
      %sub3A_522 = arith.subf %gather3A_514, %gather3A_518 : vector<16xf32>
      tpu.vector_store_idx %arg7[%add3A_521], %sub3A_522 : memref<61440xf32, #tpu.memory_space<vmem>>[vector<16xi32>], vector<16xf32>,
      %add3A_523 = arith.constant 1024 : i32
      %add3A_524 = vector.broadcast %add3A_523 : i32 to vector<16xi32>
      %add3A_525 = arith.addi %gather3A_510, %add3A_524 : vector<16xi32>
      %gather3A_526 = tpu.vector_load_idx %arg5[%add3A_525] : memref<3072xf32, #tpu.memory_space<vmem>>[vector<16xi32>], vector<16xf32>,
      %add3A_527 = arith.constant 1024 : i32
      %add3A_528 = vector.broadcast %add3A_527 : i32 to vector<16xi32>
      %add3A_529 = arith.addi %add3A_32, %add3A_528 : vector<16xi32>
      %gather3A_530 = tpu.vector_load_idx %arg5[%add3A_529] : memref<3072xf32, #tpu.memory_space<vmem>>[vector<16xi32>], vector<16xf32>,
      %add3A_531 = arith.constant 34816 : i32
      %add3A_532 = vector.broadcast %add3A_531 : i32 to vector<16xi32>
      %add3A_533 = arith.addi %add3A_532, %add3A_32 : vector<16xi32>
      %sub3A_534 = arith.subf %gather3A_526, %gather3A_530 : vector<16xf32>
      tpu.vector_store_idx %arg7[%add3A_533], %sub3A_534 : memref<61440xf32, #tpu.memory_space<vmem>>[vector<16xi32>], vector<16xf32>,
      %add3A_535 = arith.constant 2048 : i32
      %add3A_536 = vector.broadcast %add3A_535 : i32 to vector<16xi32>
      %add3A_537 = arith.addi %gather3A_510, %add3A_536 : vector<16xi32>
      %gather3A_538 = tpu.vector_load_idx %arg5[%add3A_537] : memref<3072xf32, #tpu.memory_space<vmem>>[vector<16xi32>], vector<16xf32>,
      %add3A_539 = arith.constant 2048 : i32
      %add3A_540 = vector.broadcast %add3A_539 : i32 to vector<16xi32>
      %add3A_541 = arith.addi %add3A_32, %add3A_540 : vector<16xi32>
      %gather3A_542 = tpu.vector_load_idx %arg5[%add3A_541] : memref<3072xf32, #tpu.memory_space<vmem>>[vector<16xi32>], vector<16xf32>,
      %add3A_543 = arith.constant 35840 : i32
      %add3A_544 = vector.broadcast %add3A_543 : i32 to vector<16xi32>
      %add3A_545 = arith.addi %add3A_544, %add3A_32 : vector<16xi32>
      %sub3A_546 = arith.subf %gather3A_538, %gather3A_542 : vector<16xf32>
      tpu.vector_store_idx %arg7[%add3A_545], %sub3A_546 : memref<61440xf32, #tpu.memory_space<vmem>>[vector<16xi32>], vector<16xf32>,
      %mul3A_547 = arith.constant 20 : i32
      %mul3A_548 = vector.broadcast %mul3A_547 : i32 to vector<16xi32>
      %mul3A_549 = arith.muli %add3A_32, %mul3A_548 : vector<16xi32>
      %add3A_550 = arith.constant 12 : i32
      %add3A_551 = vector.broadcast %add3A_550 : i32 to vector<16xi32>
      %add3A_552 = arith.addi %mul3A_549, %add3A_551 : vector<16xi32>
      %gather3A_553 = tpu.vector_load_idx %arg6[%add3A_552] : memref<20480xi32, #tpu.memory_space<vmem>>[vector<16xi32>], vector<16xi32>,
      %add3A_554 = arith.constant 0 : i32
      %add3A_555 = vector.broadcast %add3A_554 : i32 to vector<16xi32>
      %add3A_556 = arith.addi %gather3A_553, %add3A_555 : vector<16xi32>
      %gather3A_557 = tpu.vector_load_idx %arg5[%add3A_556] : memref<3072xf32, #tpu.memory_space<vmem>>[vector<16xi32>], vector<16xf32>,
      %add3A_558 = arith.constant 0 : i32
      %add3A_559 = vector.broadcast %add3A_558 : i32 to vector<16xi32>
      %add3A_560 = arith.addi %add3A_32, %add3A_559 : vector<16xi32>
      %gather3A_561 = tpu.vector_load_idx %arg5[%add3A_560] : memref<3072xf32, #tpu.memory_space<vmem>>[vector<16xi32>], vector<16xf32>,
      %add3A_562 = arith.constant 36864 : i32
      %add3A_563 = vector.broadcast %add3A_562 : i32 to vector<16xi32>
      %add3A_564 = arith.addi %add3A_563, %add3A_32 : vector<16xi32>
      %sub3A_565 = arith.subf %gather3A_557, %gather3A_561 : vector<16xf32>
      tpu.vector_store_idx %arg7[%add3A_564], %sub3A_565 : memref<61440xf32, #tpu.memory_space<vmem>>[vector<16xi32>], vector<16xf32>,
      %add3A_566 = arith.constant 1024 : i32
      %add3A_567 = vector.broadcast %add3A_566 : i32 to vector<16xi32>
      %add3A_568 = arith.addi %gather3A_553, %add3A_567 : vector<16xi32>
      %gather3A_569 = tpu.vector_load_idx %arg5[%add3A_568] : memref<3072xf32, #tpu.memory_space<vmem>>[vector<16xi32>], vector<16xf32>,
      %add3A_570 = arith.constant 1024 : i32
      %add3A_571 = vector.broadcast %add3A_570 : i32 to vector<16xi32>
      %add3A_572 = arith.addi %add3A_32, %add3A_571 : vector<16xi32>
      %gather3A_573 = tpu.vector_load_idx %arg5[%add3A_572] : memref<3072xf32, #tpu.memory_space<vmem>>[vector<16xi32>], vector<16xf32>,
      %add3A_574 = arith.constant 37888 : i32
      %add3A_575 = vector.broadcast %add3A_574 : i32 to vector<16xi32>
      %add3A_576 = arith.addi %add3A_575, %add3A_32 : vector<16xi32>
      %sub3A_577 = arith.subf %gather3A_569, %gather3A_573 : vector<16xf32>
      tpu.vector_store_idx %arg7[%add3A_576], %sub3A_577 : memref<61440xf32, #tpu.memory_space<vmem>>[vector<16xi32>], vector<16xf32>,
      %add3A_578 = arith.constant 2048 : i32
      %add3A_579 = vector.broadcast %add3A_578 : i32 to vector<16xi32>
      %add3A_580 = arith.addi %gather3A_553, %add3A_579 : vector<16xi32>
      %gather3A_581 = tpu.vector_load_idx %arg5[%add3A_580] : memref<3072xf32, #tpu.memory_space<vmem>>[vector<16xi32>], vector<16xf32>,
      %add3A_582 = arith.constant 2048 : i32
      %add3A_583 = vector.broadcast %add3A_582 : i32 to vector<16xi32>
      %add3A_584 = arith.addi %add3A_32, %add3A_583 : vector<16xi32>
      %gather3A_585 = tpu.vector_load_idx %arg5[%add3A_584] : memref<3072xf32, #tpu.memory_space<vmem>>[vector<16xi32>], vector<16xf32>,
      %add3A_586 = arith.constant 38912 : i32
      %add3A_587 = vector.broadcast %add3A_586 : i32 to vector<16xi32>
      %add3A_588 = arith.addi %add3A_587, %add3A_32 : vector<16xi32>
      %sub3A_589 = arith.subf %gather3A_581, %gather3A_585 : vector<16xf32>
      tpu.vector_store_idx %arg7[%add3A_588], %sub3A_589 : memref<61440xf32, #tpu.memory_space<vmem>>[vector<16xi32>], vector<16xf32>,
      %mul3A_590 = arith.constant 20 : i32
      %mul3A_591 = vector.broadcast %mul3A_590 : i32 to vector<16xi32>
      %mul3A_592 = arith.muli %add3A_32, %mul3A_591 : vector<16xi32>
      %add3A_593 = arith.constant 13 : i32
      %add3A_594 = vector.broadcast %add3A_593 : i32 to vector<16xi32>
      %add3A_595 = arith.addi %mul3A_592, %add3A_594 : vector<16xi32>
      %gather3A_596 = tpu.vector_load_idx %arg6[%add3A_595] : memref<20480xi32, #tpu.memory_space<vmem>>[vector<16xi32>], vector<16xi32>,
      %add3A_597 = arith.constant 0 : i32
      %add3A_598 = vector.broadcast %add3A_597 : i32 to vector<16xi32>
      %add3A_599 = arith.addi %gather3A_596, %add3A_598 : vector<16xi32>
      %gather3A_600 = tpu.vector_load_idx %arg5[%add3A_599] : memref<3072xf32, #tpu.memory_space<vmem>>[vector<16xi32>], vector<16xf32>,
      %add3A_601 = arith.constant 0 : i32
      %add3A_602 = vector.broadcast %add3A_601 : i32 to vector<16xi32>
      %add3A_603 = arith.addi %add3A_32, %add3A_602 : vector<16xi32>
      %gather3A_604 = tpu.vector_load_idx %arg5[%add3A_603] : memref<3072xf32, #tpu.memory_space<vmem>>[vector<16xi32>], vector<16xf32>,
      %add3A_605 = arith.constant 39936 : i32
      %add3A_606 = vector.broadcast %add3A_605 : i32 to vector<16xi32>
      %add3A_607 = arith.addi %add3A_606, %add3A_32 : vector<16xi32>
      %sub3A_608 = arith.subf %gather3A_600, %gather3A_604 : vector<16xf32>
      tpu.vector_store_idx %arg7[%add3A_607], %sub3A_608 : memref<61440xf32, #tpu.memory_space<vmem>>[vector<16xi32>], vector<16xf32>,
      %add3A_609 = arith.constant 1024 : i32
      %add3A_610 = vector.broadcast %add3A_609 : i32 to vector<16xi32>
      %add3A_611 = arith.addi %gather3A_596, %add3A_610 : vector<16xi32>
      %gather3A_612 = tpu.vector_load_idx %arg5[%add3A_611] : memref<3072xf32, #tpu.memory_space<vmem>>[vector<16xi32>], vector<16xf32>,
      %add3A_613 = arith.constant 1024 : i32
      %add3A_614 = vector.broadcast %add3A_613 : i32 to vector<16xi32>
      %add3A_615 = arith.addi %add3A_32, %add3A_614 : vector<16xi32>
      %gather3A_616 = tpu.vector_load_idx %arg5[%add3A_615] : memref<3072xf32, #tpu.memory_space<vmem>>[vector<16xi32>], vector<16xf32>,
      %add3A_617 = arith.constant 40960 : i32
      %add3A_618 = vector.broadcast %add3A_617 : i32 to vector<16xi32>
      %add3A_619 = arith.addi %add3A_618, %add3A_32 : vector<16xi32>
      %sub3A_620 = arith.subf %gather3A_612, %gather3A_616 : vector<16xf32>
      tpu.vector_store_idx %arg7[%add3A_619], %sub3A_620 : memref<61440xf32, #tpu.memory_space<vmem>>[vector<16xi32>], vector<16xf32>,
      %add3A_621 = arith.constant 2048 : i32
      %add3A_622 = vector.broadcast %add3A_621 : i32 to vector<16xi32>
      %add3A_623 = arith.addi %gather3A_596, %add3A_622 : vector<16xi32>
      %gather3A_624 = tpu.vector_load_idx %arg5[%add3A_623] : memref<3072xf32, #tpu.memory_space<vmem>>[vector<16xi32>], vector<16xf32>,
      %add3A_625 = arith.constant 2048 : i32
      %add3A_626 = vector.broadcast %add3A_625 : i32 to vector<16xi32>
      %add3A_627 = arith.addi %add3A_32, %add3A_626 : vector<16xi32>
      %gather3A_628 = tpu.vector_load_idx %arg5[%add3A_627] : memref<3072xf32, #tpu.memory_space<vmem>>[vector<16xi32>], vector<16xf32>,
      %add3A_629 = arith.constant 41984 : i32
      %add3A_630 = vector.broadcast %add3A_629 : i32 to vector<16xi32>
      %add3A_631 = arith.addi %add3A_630, %add3A_32 : vector<16xi32>
      %sub3A_632 = arith.subf %gather3A_624, %gather3A_628 : vector<16xf32>
      tpu.vector_store_idx %arg7[%add3A_631], %sub3A_632 : memref<61440xf32, #tpu.memory_space<vmem>>[vector<16xi32>], vector<16xf32>,
      %mul3A_633 = arith.constant 20 : i32
      %mul3A_634 = vector.broadcast %mul3A_633 : i32 to vector<16xi32>
      %mul3A_635 = arith.muli %add3A_32, %mul3A_634 : vector<16xi32>
      %add3A_636 = arith.constant 14 : i32
      %add3A_637 = vector.broadcast %add3A_636 : i32 to vector<16xi32>
      %add3A_638 = arith.addi %mul3A_635, %add3A_637 : vector<16xi32>
      %gather3A_639 = tpu.vector_load_idx %arg6[%add3A_638] : memref<20480xi32, #tpu.memory_space<vmem>>[vector<16xi32>], vector<16xi32>,
      %add3A_640 = arith.constant 0 : i32
      %add3A_641 = vector.broadcast %add3A_640 : i32 to vector<16xi32>
      %add3A_642 = arith.addi %gather3A_639, %add3A_641 : vector<16xi32>
      %gather3A_643 = tpu.vector_load_idx %arg5[%add3A_642] : memref<3072xf32, #tpu.memory_space<vmem>>[vector<16xi32>], vector<16xf32>,
      %add3A_644 = arith.constant 0 : i32
      %add3A_645 = vector.broadcast %add3A_644 : i32 to vector<16xi32>
      %add3A_646 = arith.addi %add3A_32, %add3A_645 : vector<16xi32>
      %gather3A_647 = tpu.vector_load_idx %arg5[%add3A_646] : memref<3072xf32, #tpu.memory_space<vmem>>[vector<16xi32>], vector<16xf32>,
      %add3A_648 = arith.constant 43008 : i32
      %add3A_649 = vector.broadcast %add3A_648 : i32 to vector<16xi32>
      %add3A_650 = arith.addi %add3A_649, %add3A_32 : vector<16xi32>
      %sub3A_651 = arith.subf %gather3A_643, %gather3A_647 : vector<16xf32>
      tpu.vector_store_idx %arg7[%add3A_650], %sub3A_651 : memref<61440xf32, #tpu.memory_space<vmem>>[vector<16xi32>], vector<16xf32>,
      %add3A_652 = arith.constant 1024 : i32
      %add3A_653 = vector.broadcast %add3A_652 : i32 to vector<16xi32>
      %add3A_654 = arith.addi %gather3A_639, %add3A_653 : vector<16xi32>
      %gather3A_655 = tpu.vector_load_idx %arg5[%add3A_654] : memref<3072xf32, #tpu.memory_space<vmem>>[vector<16xi32>], vector<16xf32>,
      %add3A_656 = arith.constant 1024 : i32
      %add3A_657 = vector.broadcast %add3A_656 : i32 to vector<16xi32>
      %add3A_658 = arith.addi %add3A_32, %add3A_657 : vector<16xi32>
      %gather3A_659 = tpu.vector_load_idx %arg5[%add3A_658] : memref<3072xf32, #tpu.memory_space<vmem>>[vector<16xi32>], vector<16xf32>,
      %add3A_660 = arith.constant 44032 : i32
      %add3A_661 = vector.broadcast %add3A_660 : i32 to vector<16xi32>
      %add3A_662 = arith.addi %add3A_661, %add3A_32 : vector<16xi32>
      %sub3A_663 = arith.subf %gather3A_655, %gather3A_659 : vector<16xf32>
      tpu.vector_store_idx %arg7[%add3A_662], %sub3A_663 : memref<61440xf32, #tpu.memory_space<vmem>>[vector<16xi32>], vector<16xf32>,
      %add3A_664 = arith.constant 2048 : i32
      %add3A_665 = vector.broadcast %add3A_664 : i32 to vector<16xi32>
      %add3A_666 = arith.addi %gather3A_639, %add3A_665 : vector<16xi32>
      %gather3A_667 = tpu.vector_load_idx %arg5[%add3A_666] : memref<3072xf32, #tpu.memory_space<vmem>>[vector<16xi32>], vector<16xf32>,
      %add3A_668 = arith.constant 2048 : i32
      %add3A_669 = vector.broadcast %add3A_668 : i32 to vector<16xi32>
      %add3A_670 = arith.addi %add3A_32, %add3A_669 : vector<16xi32>
      %gather3A_671 = tpu.vector_load_idx %arg5[%add3A_670] : memref<3072xf32, #tpu.memory_space<vmem>>[vector<16xi32>], vector<16xf32>,
      %add3A_672 = arith.constant 45056 : i32
      %add3A_673 = vector.broadcast %add3A_672 : i32 to vector<16xi32>
      %add3A_674 = arith.addi %add3A_673, %add3A_32 : vector<16xi32>
      %sub3A_675 = arith.subf %gather3A_667, %gather3A_671 : vector<16xf32>
      tpu.vector_store_idx %arg7[%add3A_674], %sub3A_675 : memref<61440xf32, #tpu.memory_space<vmem>>[vector<16xi32>], vector<16xf32>,
      %mul3A_676 = arith.constant 20 : i32
      %mul3A_677 = vector.broadcast %mul3A_676 : i32 to vector<16xi32>
      %mul3A_678 = arith.muli %add3A_32, %mul3A_677 : vector<16xi32>
      %add3A_679 = arith.constant 15 : i32
      %add3A_680 = vector.broadcast %add3A_679 : i32 to vector<16xi32>
      %add3A_681 = arith.addi %mul3A_678, %add3A_680 : vector<16xi32>
      %gather3A_682 = tpu.vector_load_idx %arg6[%add3A_681] : memref<20480xi32, #tpu.memory_space<vmem>>[vector<16xi32>], vector<16xi32>,
      %add3A_683 = arith.constant 0 : i32
      %add3A_684 = vector.broadcast %add3A_683 : i32 to vector<16xi32>
      %add3A_685 = arith.addi %gather3A_682, %add3A_684 : vector<16xi32>
      %gather3A_686 = tpu.vector_load_idx %arg5[%add3A_685] : memref<3072xf32, #tpu.memory_space<vmem>>[vector<16xi32>], vector<16xf32>,
      %add3A_687 = arith.constant 0 : i32
      %add3A_688 = vector.broadcast %add3A_687 : i32 to vector<16xi32>
      %add3A_689 = arith.addi %add3A_32, %add3A_688 : vector<16xi32>
      %gather3A_690 = tpu.vector_load_idx %arg5[%add3A_689] : memref<3072xf32, #tpu.memory_space<vmem>>[vector<16xi32>], vector<16xf32>,
      %add3A_691 = arith.constant 46080 : i32
      %add3A_692 = vector.broadcast %add3A_691 : i32 to vector<16xi32>
      %add3A_693 = arith.addi %add3A_692, %add3A_32 : vector<16xi32>
      %sub3A_694 = arith.subf %gather3A_686, %gather3A_690 : vector<16xf32>
      tpu.vector_store_idx %arg7[%add3A_693], %sub3A_694 : memref<61440xf32, #tpu.memory_space<vmem>>[vector<16xi32>], vector<16xf32>,
      %add3A_695 = arith.constant 1024 : i32
      %add3A_696 = vector.broadcast %add3A_695 : i32 to vector<16xi32>
      %add3A_697 = arith.addi %gather3A_682, %add3A_696 : vector<16xi32>
      %gather3A_698 = tpu.vector_load_idx %arg5[%add3A_697] : memref<3072xf32, #tpu.memory_space<vmem>>[vector<16xi32>], vector<16xf32>,
      %add3A_699 = arith.constant 1024 : i32
      %add3A_700 = vector.broadcast %add3A_699 : i32 to vector<16xi32>
      %add3A_701 = arith.addi %add3A_32, %add3A_700 : vector<16xi32>
      %gather3A_702 = tpu.vector_load_idx %arg5[%add3A_701] : memref<3072xf32, #tpu.memory_space<vmem>>[vector<16xi32>], vector<16xf32>,
      %add3A_703 = arith.constant 47104 : i32
      %add3A_704 = vector.broadcast %add3A_703 : i32 to vector<16xi32>
      %add3A_705 = arith.addi %add3A_704, %add3A_32 : vector<16xi32>
      %sub3A_706 = arith.subf %gather3A_698, %gather3A_702 : vector<16xf32>
      tpu.vector_store_idx %arg7[%add3A_705], %sub3A_706 : memref<61440xf32, #tpu.memory_space<vmem>>[vector<16xi32>], vector<16xf32>,
      %add3A_707 = arith.constant 2048 : i32
      %add3A_708 = vector.broadcast %add3A_707 : i32 to vector<16xi32>
      %add3A_709 = arith.addi %gather3A_682, %add3A_708 : vector<16xi32>
      %gather3A_710 = tpu.vector_load_idx %arg5[%add3A_709] : memref<3072xf32, #tpu.memory_space<vmem>>[vector<16xi32>], vector<16xf32>,
      %add3A_711 = arith.constant 2048 : i32
      %add3A_712 = vector.broadcast %add3A_711 : i32 to vector<16xi32>
      %add3A_713 = arith.addi %add3A_32, %add3A_712 : vector<16xi32>
      %gather3A_714 = tpu.vector_load_idx %arg5[%add3A_713] : memref<3072xf32, #tpu.memory_space<vmem>>[vector<16xi32>], vector<16xf32>,
      %add3A_715 = arith.constant 48128 : i32
      %add3A_716 = vector.broadcast %add3A_715 : i32 to vector<16xi32>
      %add3A_717 = arith.addi %add3A_716, %add3A_32 : vector<16xi32>
      %sub3A_718 = arith.subf %gather3A_710, %gather3A_714 : vector<16xf32>
      tpu.vector_store_idx %arg7[%add3A_717], %sub3A_718 : memref<61440xf32, #tpu.memory_space<vmem>>[vector<16xi32>], vector<16xf32>,
      %mul3A_719 = arith.constant 20 : i32
      %mul3A_720 = vector.broadcast %mul3A_719 : i32 to vector<16xi32>
      %mul3A_721 = arith.muli %add3A_32, %mul3A_720 : vector<16xi32>
      %add3A_722 = arith.constant 16 : i32
      %add3A_723 = vector.broadcast %add3A_722 : i32 to vector<16xi32>
      %add3A_724 = arith.addi %mul3A_721, %add3A_723 : vector<16xi32>
      %gather3A_725 = tpu.vector_load_idx %arg6[%add3A_724] : memref<20480xi32, #tpu.memory_space<vmem>>[vector<16xi32>], vector<16xi32>,
      %add3A_726 = arith.constant 0 : i32
      %add3A_727 = vector.broadcast %add3A_726 : i32 to vector<16xi32>
      %add3A_728 = arith.addi %gather3A_725, %add3A_727 : vector<16xi32>
      %gather3A_729 = tpu.vector_load_idx %arg5[%add3A_728] : memref<3072xf32, #tpu.memory_space<vmem>>[vector<16xi32>], vector<16xf32>,
      %add3A_730 = arith.constant 0 : i32
      %add3A_731 = vector.broadcast %add3A_730 : i32 to vector<16xi32>
      %add3A_732 = arith.addi %add3A_32, %add3A_731 : vector<16xi32>
      %gather3A_733 = tpu.vector_load_idx %arg5[%add3A_732] : memref<3072xf32, #tpu.memory_space<vmem>>[vector<16xi32>], vector<16xf32>,
      %add3A_734 = arith.constant 49152 : i32
      %add3A_735 = vector.broadcast %add3A_734 : i32 to vector<16xi32>
      %add3A_736 = arith.addi %add3A_735, %add3A_32 : vector<16xi32>
      %sub3A_737 = arith.subf %gather3A_729, %gather3A_733 : vector<16xf32>
      tpu.vector_store_idx %arg7[%add3A_736], %sub3A_737 : memref<61440xf32, #tpu.memory_space<vmem>>[vector<16xi32>], vector<16xf32>,
      %add3A_738 = arith.constant 1024 : i32
      %add3A_739 = vector.broadcast %add3A_738 : i32 to vector<16xi32>
      %add3A_740 = arith.addi %gather3A_725, %add3A_739 : vector<16xi32>
      %gather3A_741 = tpu.vector_load_idx %arg5[%add3A_740] : memref<3072xf32, #tpu.memory_space<vmem>>[vector<16xi32>], vector<16xf32>,
      %add3A_742 = arith.constant 1024 : i32
      %add3A_743 = vector.broadcast %add3A_742 : i32 to vector<16xi32>
      %add3A_744 = arith.addi %add3A_32, %add3A_743 : vector<16xi32>
      %gather3A_745 = tpu.vector_load_idx %arg5[%add3A_744] : memref<3072xf32, #tpu.memory_space<vmem>>[vector<16xi32>], vector<16xf32>,
      %add3A_746 = arith.constant 50176 : i32
      %add3A_747 = vector.broadcast %add3A_746 : i32 to vector<16xi32>
      %add3A_748 = arith.addi %add3A_747, %add3A_32 : vector<16xi32>
      %sub3A_749 = arith.subf %gather3A_741, %gather3A_745 : vector<16xf32>
      tpu.vector_store_idx %arg7[%add3A_748], %sub3A_749 : memref<61440xf32, #tpu.memory_space<vmem>>[vector<16xi32>], vector<16xf32>,
      %add3A_750 = arith.constant 2048 : i32
      %add3A_751 = vector.broadcast %add3A_750 : i32 to vector<16xi32>
      %add3A_752 = arith.addi %gather3A_725, %add3A_751 : vector<16xi32>
      %gather3A_753 = tpu.vector_load_idx %arg5[%add3A_752] : memref<3072xf32, #tpu.memory_space<vmem>>[vector<16xi32>], vector<16xf32>,
      %add3A_754 = arith.constant 2048 : i32
      %add3A_755 = vector.broadcast %add3A_754 : i32 to vector<16xi32>
      %add3A_756 = arith.addi %add3A_32, %add3A_755 : vector<16xi32>
      %gather3A_757 = tpu.vector_load_idx %arg5[%add3A_756] : memref<3072xf32, #tpu.memory_space<vmem>>[vector<16xi32>], vector<16xf32>,
      %add3A_758 = arith.constant 51200 : i32
      %add3A_759 = vector.broadcast %add3A_758 : i32 to vector<16xi32>
      %add3A_760 = arith.addi %add3A_759, %add3A_32 : vector<16xi32>
      %sub3A_761 = arith.subf %gather3A_753, %gather3A_757 : vector<16xf32>
      tpu.vector_store_idx %arg7[%add3A_760], %sub3A_761 : memref<61440xf32, #tpu.memory_space<vmem>>[vector<16xi32>], vector<16xf32>,
      %mul3A_762 = arith.constant 20 : i32
      %mul3A_763 = vector.broadcast %mul3A_762 : i32 to vector<16xi32>
      %mul3A_764 = arith.muli %add3A_32, %mul3A_763 : vector<16xi32>
      %add3A_765 = arith.constant 17 : i32
      %add3A_766 = vector.broadcast %add3A_765 : i32 to vector<16xi32>
      %add3A_767 = arith.addi %mul3A_764, %add3A_766 : vector<16xi32>
      %gather3A_768 = tpu.vector_load_idx %arg6[%add3A_767] : memref<20480xi32, #tpu.memory_space<vmem>>[vector<16xi32>], vector<16xi32>,
      %add3A_769 = arith.constant 0 : i32
      %add3A_770 = vector.broadcast %add3A_769 : i32 to vector<16xi32>
      %add3A_771 = arith.addi %gather3A_768, %add3A_770 : vector<16xi32>
      %gather3A_772 = tpu.vector_load_idx %arg5[%add3A_771] : memref<3072xf32, #tpu.memory_space<vmem>>[vector<16xi32>], vector<16xf32>,
      %add3A_773 = arith.constant 0 : i32
      %add3A_774 = vector.broadcast %add3A_773 : i32 to vector<16xi32>
      %add3A_775 = arith.addi %add3A_32, %add3A_774 : vector<16xi32>
      %gather3A_776 = tpu.vector_load_idx %arg5[%add3A_775] : memref<3072xf32, #tpu.memory_space<vmem>>[vector<16xi32>], vector<16xf32>,
      %add3A_777 = arith.constant 52224 : i32
      %add3A_778 = vector.broadcast %add3A_777 : i32 to vector<16xi32>
      %add3A_779 = arith.addi %add3A_778, %add3A_32 : vector<16xi32>
      %sub3A_780 = arith.subf %gather3A_772, %gather3A_776 : vector<16xf32>
      tpu.vector_store_idx %arg7[%add3A_779], %sub3A_780 : memref<61440xf32, #tpu.memory_space<vmem>>[vector<16xi32>], vector<16xf32>,
      %add3A_781 = arith.constant 1024 : i32
      %add3A_782 = vector.broadcast %add3A_781 : i32 to vector<16xi32>
      %add3A_783 = arith.addi %gather3A_768, %add3A_782 : vector<16xi32>
      %gather3A_784 = tpu.vector_load_idx %arg5[%add3A_783] : memref<3072xf32, #tpu.memory_space<vmem>>[vector<16xi32>], vector<16xf32>,
      %add3A_785 = arith.constant 1024 : i32
      %add3A_786 = vector.broadcast %add3A_785 : i32 to vector<16xi32>
      %add3A_787 = arith.addi %add3A_32, %add3A_786 : vector<16xi32>
      %gather3A_788 = tpu.vector_load_idx %arg5[%add3A_787] : memref<3072xf32, #tpu.memory_space<vmem>>[vector<16xi32>], vector<16xf32>,
      %add3A_789 = arith.constant 53248 : i32
      %add3A_790 = vector.broadcast %add3A_789 : i32 to vector<16xi32>
      %add3A_791 = arith.addi %add3A_790, %add3A_32 : vector<16xi32>
      %sub3A_792 = arith.subf %gather3A_784, %gather3A_788 : vector<16xf32>
      tpu.vector_store_idx %arg7[%add3A_791], %sub3A_792 : memref<61440xf32, #tpu.memory_space<vmem>>[vector<16xi32>], vector<16xf32>,
      %add3A_793 = arith.constant 2048 : i32
      %add3A_794 = vector.broadcast %add3A_793 : i32 to vector<16xi32>
      %add3A_795 = arith.addi %gather3A_768, %add3A_794 : vector<16xi32>
      %gather3A_796 = tpu.vector_load_idx %arg5[%add3A_795] : memref<3072xf32, #tpu.memory_space<vmem>>[vector<16xi32>], vector<16xf32>,
      %add3A_797 = arith.constant 2048 : i32
      %add3A_798 = vector.broadcast %add3A_797 : i32 to vector<16xi32>
      %add3A_799 = arith.addi %add3A_32, %add3A_798 : vector<16xi32>
      %gather3A_800 = tpu.vector_load_idx %arg5[%add3A_799] : memref<3072xf32, #tpu.memory_space<vmem>>[vector<16xi32>], vector<16xf32>,
      %add3A_801 = arith.constant 54272 : i32
      %add3A_802 = vector.broadcast %add3A_801 : i32 to vector<16xi32>
      %add3A_803 = arith.addi %add3A_802, %add3A_32 : vector<16xi32>
      %sub3A_804 = arith.subf %gather3A_796, %gather3A_800 : vector<16xf32>
      tpu.vector_store_idx %arg7[%add3A_803], %sub3A_804 : memref<61440xf32, #tpu.memory_space<vmem>>[vector<16xi32>], vector<16xf32>,
      %mul3A_805 = arith.constant 20 : i32
      %mul3A_806 = vector.broadcast %mul3A_805 : i32 to vector<16xi32>
      %mul3A_807 = arith.muli %add3A_32, %mul3A_806 : vector<16xi32>
      %add3A_808 = arith.constant 18 : i32
      %add3A_809 = vector.broadcast %add3A_808 : i32 to vector<16xi32>
      %add3A_810 = arith.addi %mul3A_807, %add3A_809 : vector<16xi32>
      %gather3A_811 = tpu.vector_load_idx %arg6[%add3A_810] : memref<20480xi32, #tpu.memory_space<vmem>>[vector<16xi32>], vector<16xi32>,
      %add3A_812 = arith.constant 0 : i32
      %add3A_813 = vector.broadcast %add3A_812 : i32 to vector<16xi32>
      %add3A_814 = arith.addi %gather3A_811, %add3A_813 : vector<16xi32>
      %gather3A_815 = tpu.vector_load_idx %arg5[%add3A_814] : memref<3072xf32, #tpu.memory_space<vmem>>[vector<16xi32>], vector<16xf32>,
      %add3A_816 = arith.constant 0 : i32
      %add3A_817 = vector.broadcast %add3A_816 : i32 to vector<16xi32>
      %add3A_818 = arith.addi %add3A_32, %add3A_817 : vector<16xi32>
      %gather3A_819 = tpu.vector_load_idx %arg5[%add3A_818] : memref<3072xf32, #tpu.memory_space<vmem>>[vector<16xi32>], vector<16xf32>,
      %add3A_820 = arith.constant 55296 : i32
      %add3A_821 = vector.broadcast %add3A_820 : i32 to vector<16xi32>
      %add3A_822 = arith.addi %add3A_821, %add3A_32 : vector<16xi32>
      %sub3A_823 = arith.subf %gather3A_815, %gather3A_819 : vector<16xf32>
      tpu.vector_store_idx %arg7[%add3A_822], %sub3A_823 : memref<61440xf32, #tpu.memory_space<vmem>>[vector<16xi32>], vector<16xf32>,
      %add3A_824 = arith.constant 1024 : i32
      %add3A_825 = vector.broadcast %add3A_824 : i32 to vector<16xi32>
      %add3A_826 = arith.addi %gather3A_811, %add3A_825 : vector<16xi32>
      %gather3A_827 = tpu.vector_load_idx %arg5[%add3A_826] : memref<3072xf32, #tpu.memory_space<vmem>>[vector<16xi32>], vector<16xf32>,
      %add3A_828 = arith.constant 1024 : i32
      %add3A_829 = vector.broadcast %add3A_828 : i32 to vector<16xi32>
      %add3A_830 = arith.addi %add3A_32, %add3A_829 : vector<16xi32>
      %gather3A_831 = tpu.vector_load_idx %arg5[%add3A_830] : memref<3072xf32, #tpu.memory_space<vmem>>[vector<16xi32>], vector<16xf32>,
      %add3A_832 = arith.constant 56320 : i32
      %add3A_833 = vector.broadcast %add3A_832 : i32 to vector<16xi32>
      %add3A_834 = arith.addi %add3A_833, %add3A_32 : vector<16xi32>
      %sub3A_835 = arith.subf %gather3A_827, %gather3A_831 : vector<16xf32>
      tpu.vector_store_idx %arg7[%add3A_834], %sub3A_835 : memref<61440xf32, #tpu.memory_space<vmem>>[vector<16xi32>], vector<16xf32>,
      %add3A_836 = arith.constant 2048 : i32
      %add3A_837 = vector.broadcast %add3A_836 : i32 to vector<16xi32>
      %add3A_838 = arith.addi %gather3A_811, %add3A_837 : vector<16xi32>
      %gather3A_839 = tpu.vector_load_idx %arg5[%add3A_838] : memref<3072xf32, #tpu.memory_space<vmem>>[vector<16xi32>], vector<16xf32>,
      %add3A_840 = arith.constant 2048 : i32
      %add3A_841 = vector.broadcast %add3A_840 : i32 to vector<16xi32>
      %add3A_842 = arith.addi %add3A_32, %add3A_841 : vector<16xi32>
      %gather3A_843 = tpu.vector_load_idx %arg5[%add3A_842] : memref<3072xf32, #tpu.memory_space<vmem>>[vector<16xi32>], vector<16xf32>,
      %add3A_844 = arith.constant 57344 : i32
      %add3A_845 = vector.broadcast %add3A_844 : i32 to vector<16xi32>
      %add3A_846 = arith.addi %add3A_845, %add3A_32 : vector<16xi32>
      %sub3A_847 = arith.subf %gather3A_839, %gather3A_843 : vector<16xf32>
      tpu.vector_store_idx %arg7[%add3A_846], %sub3A_847 : memref<61440xf32, #tpu.memory_space<vmem>>[vector<16xi32>], vector<16xf32>,
      %mul3A_848 = arith.constant 20 : i32
      %mul3A_849 = vector.broadcast %mul3A_848 : i32 to vector<16xi32>
      %mul3A_850 = arith.muli %add3A_32, %mul3A_849 : vector<16xi32>
      %add3A_851 = arith.constant 19 : i32
      %add3A_852 = vector.broadcast %add3A_851 : i32 to vector<16xi32>
      %add3A_853 = arith.addi %mul3A_850, %add3A_852 : vector<16xi32>
      %gather3A_854 = tpu.vector_load_idx %arg6[%add3A_853] : memref<20480xi32, #tpu.memory_space<vmem>>[vector<16xi32>], vector<16xi32>,
      %add3A_855 = arith.constant 0 : i32
      %add3A_856 = vector.broadcast %add3A_855 : i32 to vector<16xi32>
      %add3A_857 = arith.addi %gather3A_854, %add3A_856 : vector<16xi32>
      %gather3A_858 = tpu.vector_load_idx %arg5[%add3A_857] : memref<3072xf32, #tpu.memory_space<vmem>>[vector<16xi32>], vector<16xf32>,
      %add3A_859 = arith.constant 0 : i32
      %add3A_860 = vector.broadcast %add3A_859 : i32 to vector<16xi32>
      %add3A_861 = arith.addi %add3A_32, %add3A_860 : vector<16xi32>
      %gather3A_862 = tpu.vector_load_idx %arg5[%add3A_861] : memref<3072xf32, #tpu.memory_space<vmem>>[vector<16xi32>], vector<16xf32>,
      %add3A_863 = arith.constant 58368 : i32
      %add3A_864 = vector.broadcast %add3A_863 : i32 to vector<16xi32>
      %add3A_865 = arith.addi %add3A_864, %add3A_32 : vector<16xi32>
      %sub3A_866 = arith.subf %gather3A_858, %gather3A_862 : vector<16xf32>
      tpu.vector_store_idx %arg7[%add3A_865], %sub3A_866 : memref<61440xf32, #tpu.memory_space<vmem>>[vector<16xi32>], vector<16xf32>,
      %add3A_867 = arith.constant 1024 : i32
      %add3A_868 = vector.broadcast %add3A_867 : i32 to vector<16xi32>
      %add3A_869 = arith.addi %gather3A_854, %add3A_868 : vector<16xi32>
      %gather3A_870 = tpu.vector_load_idx %arg5[%add3A_869] : memref<3072xf32, #tpu.memory_space<vmem>>[vector<16xi32>], vector<16xf32>,
      %add3A_871 = arith.constant 1024 : i32
      %add3A_872 = vector.broadcast %add3A_871 : i32 to vector<16xi32>
      %add3A_873 = arith.addi %add3A_32, %add3A_872 : vector<16xi32>
      %gather3A_874 = tpu.vector_load_idx %arg5[%add3A_873] : memref<3072xf32, #tpu.memory_space<vmem>>[vector<16xi32>], vector<16xf32>,
      %add3A_875 = arith.constant 59392 : i32
      %add3A_876 = vector.broadcast %add3A_875 : i32 to vector<16xi32>
      %add3A_877 = arith.addi %add3A_876, %add3A_32 : vector<16xi32>
      %sub3A_878 = arith.subf %gather3A_870, %gather3A_874 : vector<16xf32>
      tpu.vector_store_idx %arg7[%add3A_877], %sub3A_878 : memref<61440xf32, #tpu.memory_space<vmem>>[vector<16xi32>], vector<16xf32>,
      %add3A_879 = arith.constant 2048 : i32
      %add3A_880 = vector.broadcast %add3A_879 : i32 to vector<16xi32>
      %add3A_881 = arith.addi %gather3A_854, %add3A_880 : vector<16xi32>
      %gather3A_882 = tpu.vector_load_idx %arg5[%add3A_881] : memref<3072xf32, #tpu.memory_space<vmem>>[vector<16xi32>], vector<16xf32>,
      %add3A_883 = arith.constant 2048 : i32
      %add3A_884 = vector.broadcast %add3A_883 : i32 to vector<16xi32>
      %add3A_885 = arith.addi %add3A_32, %add3A_884 : vector<16xi32>
      %gather3A_886 = tpu.vector_load_idx %arg5[%add3A_885] : memref<3072xf32, #tpu.memory_space<vmem>>[vector<16xi32>], vector<16xf32>,
      %add3A_887 = arith.constant 60416 : i32
      %add3A_888 = vector.broadcast %add3A_887 : i32 to vector<16xi32>
      %add3A_889 = arith.addi %add3A_888, %add3A_32 : vector<16xi32>
      %sub3A_890 = arith.subf %gather3A_882, %gather3A_886 : vector<16xf32>
      tpu.vector_store_idx %arg7[%add3A_889], %sub3A_890 : memref<61440xf32, #tpu.memory_space<vmem>>[vector<16xi32>], vector<16xf32>,
    }
    %scan3A_21 = arith.constant 64 : i32
    %mul3A_22 = arith.constant 20 : i32
    %mul3A_23 = arith.muli %add3A, %mul3A_22 : i32
    %mul3A_24 = arith.constant 3 : i32
    %mul3A_25 = arith.muli %mul3A_23, %mul3A_24 : i32
    %mul3A_26 = arith.constant 1024 : i32
    %mul3A_27 = arith.muli %mul3A_25, %mul3A_26 : i32
    "tpu.region"() ({
      %run_scoped3A = tpu.sem_alloc : memref<!tpu.dma_semaphore, #tpu.memory_space<semaphore_mem>>
      %dma_start3A = tpu.memref_slice %arg4[%mul3A_27] : memref<1966080xf32, #tpu.memory_space<hbm>> -> memref<61440xf32, #tpu.memory_space<hbm>>
      %dma_start3A_28 = tpu.memref_slice %arg4[%mul3A_27] : memref<1966080xf32, #tpu.memory_space<hbm>> -> memref<61440xf32, #tpu.memory_space<hbm>>
      tpu.enqueue_dma source(%arg7 : memref<61440xf32, #tpu.memory_space<vmem>>) target(%dma_start3A_28 : memref<61440xf32, #tpu.memory_space<hbm>>) target_semaphore(%run_scoped3A : memref<!tpu.dma_semaphore, #tpu.memory_space<semaphore_mem>>)
      %dma_wait3A = tpu.memref_slice %arg4[%mul3A_27] : memref<1966080xf32, #tpu.memory_space<hbm>> -> memref<61440xf32, #tpu.memory_space<hbm>>
      %dma_wait3A_29 = tpu.memref_slice %arg4[%mul3A_27] : memref<1966080xf32, #tpu.memory_space<hbm>> -> memref<61440xf32, #tpu.memory_space<hbm>>
      tpu.wait_dma2 semaphore(%run_scoped3A : memref<!tpu.dma_semaphore, #tpu.memory_space<semaphore_mem>>) src(%arg7 : memref<61440xf32, #tpu.memory_space<vmem>>) dst(%dma_wait3A_29 : memref<61440xf32, #tpu.memory_space<hbm>>)
      tpu.yield
    }) : () -> ()
    return
  }
}

#map = affine_map<(d0, d1) -> (0)>
module attributes {stable_mosaic.version = 14 : i64} {
  func.func @_scfps_body(%arg0: i32, %arg1: i32, %arg2: memref<98304xf32, #tpu.memory_space<hbm>>, %arg3: memref<8192xi32, #tpu.memory_space<hbm>>, %arg4: memref<3072xf32, #tpu.memory_space<vmem>>, %arg5: memref<1024xf32, #tpu.memory_space<vmem>>, %arg6: memref<256xi32, #tpu.memory_space<vmem>>) attributes {dimension_semantics = [#tpu.dimension_semantics<core_parallel>, #tpu.dimension_semantics<subcore_parallel>], iteration_bounds = array<i64: 2, 16>, scalar_prefetch = 0 : i64, scratch_operands = 3 : i64, tpu.core_type = #tpu.core_type<sc_vector_subcore>, window_params = [{transform_indices = #map}, {transform_indices = #map}]} {
    %mul3A = arith.constant 2 : i32
    %mul3A_0 = arith.muli %arg1, %mul3A : i32
    %add3A = arith.addi %mul3A_0, %arg0 : i32
    %mul3A_1 = arith.constant 1024 : i32
    %mul3A_2 = arith.muli %add3A, %mul3A_1 : i32
    %add3A_3 = arith.constant 0 : i32
    %add3A_4 = arith.addi %add3A_3, %mul3A_2 : i32
    "tpu.region"() ({
      %run_scoped3A = tpu.sem_alloc : memref<!tpu.dma_semaphore, #tpu.memory_space<semaphore_mem>>
      %dma_start3A = arith.constant 0 : i32
      %dma_start3A_279 = tpu.memref_slice %arg4[%dma_start3A] : memref<3072xf32, #tpu.memory_space<vmem>> -> memref<1024xf32, #tpu.memory_space<vmem>>
      %dma_start3A_280 = tpu.memref_slice %arg2[%add3A_4] : memref<98304xf32, #tpu.memory_space<hbm>> -> memref<1024xf32, #tpu.memory_space<hbm>>
      %dma_start3A_281 = arith.constant 0 : i32
      %dma_start3A_282 = tpu.memref_slice %arg4[%dma_start3A_281] : memref<3072xf32, #tpu.memory_space<vmem>> -> memref<1024xf32, #tpu.memory_space<vmem>>
      %dma_start3A_283 = tpu.memref_slice %arg2[%add3A_4] : memref<98304xf32, #tpu.memory_space<hbm>> -> memref<1024xf32, #tpu.memory_space<hbm>>
      tpu.enqueue_dma source(%dma_start3A_283 : memref<1024xf32, #tpu.memory_space<hbm>>) target(%dma_start3A_282 : memref<1024xf32, #tpu.memory_space<vmem>>) target_semaphore(%run_scoped3A : memref<!tpu.dma_semaphore, #tpu.memory_space<semaphore_mem>>)
      %dma_wait3A = arith.constant 0 : i32
      %dma_wait3A_284 = tpu.memref_slice %arg4[%dma_wait3A] : memref<3072xf32, #tpu.memory_space<vmem>> -> memref<1024xf32, #tpu.memory_space<vmem>>
      %dma_wait3A_285 = tpu.memref_slice %arg2[%add3A_4] : memref<98304xf32, #tpu.memory_space<hbm>> -> memref<1024xf32, #tpu.memory_space<hbm>>
      %dma_wait3A_286 = arith.constant 0 : i32
      %dma_wait3A_287 = tpu.memref_slice %arg4[%dma_wait3A_286] : memref<3072xf32, #tpu.memory_space<vmem>> -> memref<1024xf32, #tpu.memory_space<vmem>>
      %dma_wait3A_288 = tpu.memref_slice %arg2[%add3A_4] : memref<98304xf32, #tpu.memory_space<hbm>> -> memref<1024xf32, #tpu.memory_space<hbm>>
      tpu.wait_dma2 semaphore(%run_scoped3A : memref<!tpu.dma_semaphore, #tpu.memory_space<semaphore_mem>>) src(%dma_wait3A_288 : memref<1024xf32, #tpu.memory_space<hbm>>) dst(%dma_wait3A_287 : memref<1024xf32, #tpu.memory_space<vmem>>)
      tpu.yield
    }) : () -> ()
    %mul3A_5 = arith.constant 1024 : i32
    %mul3A_6 = arith.muli %add3A, %mul3A_5 : i32
    %add3A_7 = arith.constant 32768 : i32
    %add3A_8 = arith.addi %add3A_7, %mul3A_6 : i32
    "tpu.region"() ({
      %run_scoped3A = tpu.sem_alloc : memref<!tpu.dma_semaphore, #tpu.memory_space<semaphore_mem>>
      %dma_start3A = arith.constant 1024 : i32
      %dma_start3A_279 = tpu.memref_slice %arg4[%dma_start3A] : memref<3072xf32, #tpu.memory_space<vmem>> -> memref<1024xf32, #tpu.memory_space<vmem>>
      %dma_start3A_280 = tpu.memref_slice %arg2[%add3A_8] : memref<98304xf32, #tpu.memory_space<hbm>> -> memref<1024xf32, #tpu.memory_space<hbm>>
      %dma_start3A_281 = arith.constant 1024 : i32
      %dma_start3A_282 = tpu.memref_slice %arg4[%dma_start3A_281] : memref<3072xf32, #tpu.memory_space<vmem>> -> memref<1024xf32, #tpu.memory_space<vmem>>
      %dma_start3A_283 = tpu.memref_slice %arg2[%add3A_8] : memref<98304xf32, #tpu.memory_space<hbm>> -> memref<1024xf32, #tpu.memory_space<hbm>>
      tpu.enqueue_dma source(%dma_start3A_283 : memref<1024xf32, #tpu.memory_space<hbm>>) target(%dma_start3A_282 : memref<1024xf32, #tpu.memory_space<vmem>>) target_semaphore(%run_scoped3A : memref<!tpu.dma_semaphore, #tpu.memory_space<semaphore_mem>>)
      %dma_wait3A = arith.constant 1024 : i32
      %dma_wait3A_284 = tpu.memref_slice %arg4[%dma_wait3A] : memref<3072xf32, #tpu.memory_space<vmem>> -> memref<1024xf32, #tpu.memory_space<vmem>>
      %dma_wait3A_285 = tpu.memref_slice %arg2[%add3A_8] : memref<98304xf32, #tpu.memory_space<hbm>> -> memref<1024xf32, #tpu.memory_space<hbm>>
      %dma_wait3A_286 = arith.constant 1024 : i32
      %dma_wait3A_287 = tpu.memref_slice %arg4[%dma_wait3A_286] : memref<3072xf32, #tpu.memory_space<vmem>> -> memref<1024xf32, #tpu.memory_space<vmem>>
      %dma_wait3A_288 = tpu.memref_slice %arg2[%add3A_8] : memref<98304xf32, #tpu.memory_space<hbm>> -> memref<1024xf32, #tpu.memory_space<hbm>>
      tpu.wait_dma2 semaphore(%run_scoped3A : memref<!tpu.dma_semaphore, #tpu.memory_space<semaphore_mem>>) src(%dma_wait3A_288 : memref<1024xf32, #tpu.memory_space<hbm>>) dst(%dma_wait3A_287 : memref<1024xf32, #tpu.memory_space<vmem>>)
      tpu.yield
    }) : () -> ()
    %mul3A_9 = arith.constant 1024 : i32
    %mul3A_10 = arith.muli %add3A, %mul3A_9 : i32
    %add3A_11 = arith.constant 65536 : i32
    %add3A_12 = arith.addi %add3A_11, %mul3A_10 : i32
    "tpu.region"() ({
      %run_scoped3A = tpu.sem_alloc : memref<!tpu.dma_semaphore, #tpu.memory_space<semaphore_mem>>
      %dma_start3A = arith.constant 2048 : i32
      %dma_start3A_279 = tpu.memref_slice %arg4[%dma_start3A] : memref<3072xf32, #tpu.memory_space<vmem>> -> memref<1024xf32, #tpu.memory_space<vmem>>
      %dma_start3A_280 = tpu.memref_slice %arg2[%add3A_12] : memref<98304xf32, #tpu.memory_space<hbm>> -> memref<1024xf32, #tpu.memory_space<hbm>>
      %dma_start3A_281 = arith.constant 2048 : i32
      %dma_start3A_282 = tpu.memref_slice %arg4[%dma_start3A_281] : memref<3072xf32, #tpu.memory_space<vmem>> -> memref<1024xf32, #tpu.memory_space<vmem>>
      %dma_start3A_283 = tpu.memref_slice %arg2[%add3A_12] : memref<98304xf32, #tpu.memory_space<hbm>> -> memref<1024xf32, #tpu.memory_space<hbm>>
      tpu.enqueue_dma source(%dma_start3A_283 : memref<1024xf32, #tpu.memory_space<hbm>>) target(%dma_start3A_282 : memref<1024xf32, #tpu.memory_space<vmem>>) target_semaphore(%run_scoped3A : memref<!tpu.dma_semaphore, #tpu.memory_space<semaphore_mem>>)
      %dma_wait3A = arith.constant 2048 : i32
      %dma_wait3A_284 = tpu.memref_slice %arg4[%dma_wait3A] : memref<3072xf32, #tpu.memory_space<vmem>> -> memref<1024xf32, #tpu.memory_space<vmem>>
      %dma_wait3A_285 = tpu.memref_slice %arg2[%add3A_12] : memref<98304xf32, #tpu.memory_space<hbm>> -> memref<1024xf32, #tpu.memory_space<hbm>>
      %dma_wait3A_286 = arith.constant 2048 : i32
      %dma_wait3A_287 = tpu.memref_slice %arg4[%dma_wait3A_286] : memref<3072xf32, #tpu.memory_space<vmem>> -> memref<1024xf32, #tpu.memory_space<vmem>>
      %dma_wait3A_288 = tpu.memref_slice %arg2[%add3A_12] : memref<98304xf32, #tpu.memory_space<hbm>> -> memref<1024xf32, #tpu.memory_space<hbm>>
      tpu.wait_dma2 semaphore(%run_scoped3A : memref<!tpu.dma_semaphore, #tpu.memory_space<semaphore_mem>>) src(%dma_wait3A_288 : memref<1024xf32, #tpu.memory_space<hbm>>) dst(%dma_wait3A_287 : memref<1024xf32, #tpu.memory_space<vmem>>)
      tpu.yield
    }) : () -> ()
    %iota3A = tpu.iota {dimensions = array<i32: 0>} : vector<16xi32>
    %broadcast_in_dim3A = arith.constant 0 : i32
    %broadcast_in_dim3A_13 = vector.broadcast %broadcast_in_dim3A : i32 to vector<16xi32>
    %eq3A = arith.constant 0 : i32
    %eq3A_14 = vector.broadcast %eq3A : i32 to vector<16xi32>
    %eq3A_15 = arith.cmpi eq, %iota3A, %eq3A_14 : vector<16xi32>
    %broadcast_in_dim3A_16 = arith.constant 1.000000e+10 : f32
    %broadcast_in_dim3A_17 = vector.broadcast %broadcast_in_dim3A_16 : f32 to vector<16xf32>
    %swap3A = arith.constant 0 : index
    %swap3A_18 = tpu.vector_load %arg5[%swap3A] {strides = array<i32>} : memref<1024xf32, #tpu.memory_space<vmem>>, vector<16xf32>,
    tpu.vector_store %arg5[%swap3A], %broadcast_in_dim3A_17 {strides = array<i32>} : memref<1024xf32, #tpu.memory_space<vmem>>, vector<16xf32>,
    %broadcast_in_dim3A_19 = arith.constant 1.000000e+10 : f32
    %broadcast_in_dim3A_20 = vector.broadcast %broadcast_in_dim3A_19 : f32 to vector<16xf32>
    %swap3A_21 = arith.constant 16 : index
    %swap3A_22 = tpu.vector_load %arg5[%swap3A_21] {strides = array<i32>} : memref<1024xf32, #tpu.memory_space<vmem>>, vector<16xf32>,
    tpu.vector_store %arg5[%swap3A_21], %broadcast_in_dim3A_20 {strides = array<i32>} : memref<1024xf32, #tpu.memory_space<vmem>>, vector<16xf32>,
    %broadcast_in_dim3A_23 = arith.constant 1.000000e+10 : f32
    %broadcast_in_dim3A_24 = vector.broadcast %broadcast_in_dim3A_23 : f32 to vector<16xf32>
    %swap3A_25 = arith.constant 32 : index
    %swap3A_26 = tpu.vector_load %arg5[%swap3A_25] {strides = array<i32>} : memref<1024xf32, #tpu.memory_space<vmem>>, vector<16xf32>,
    tpu.vector_store %arg5[%swap3A_25], %broadcast_in_dim3A_24 {strides = array<i32>} : memref<1024xf32, #tpu.memory_space<vmem>>, vector<16xf32>,
    %broadcast_in_dim3A_27 = arith.constant 1.000000e+10 : f32
    %broadcast_in_dim3A_28 = vector.broadcast %broadcast_in_dim3A_27 : f32 to vector<16xf32>
    %swap3A_29 = arith.constant 48 : index
    %swap3A_30 = tpu.vector_load %arg5[%swap3A_29] {strides = array<i32>} : memref<1024xf32, #tpu.memory_space<vmem>>, vector<16xf32>,
    tpu.vector_store %arg5[%swap3A_29], %broadcast_in_dim3A_28 {strides = array<i32>} : memref<1024xf32, #tpu.memory_space<vmem>>, vector<16xf32>,
    %broadcast_in_dim3A_31 = arith.constant 1.000000e+10 : f32
    %broadcast_in_dim3A_32 = vector.broadcast %broadcast_in_dim3A_31 : f32 to vector<16xf32>
    %swap3A_33 = arith.constant 64 : index
    %swap3A_34 = tpu.vector_load %arg5[%swap3A_33] {strides = array<i32>} : memref<1024xf32, #tpu.memory_space<vmem>>, vector<16xf32>,
    tpu.vector_store %arg5[%swap3A_33], %broadcast_in_dim3A_32 {strides = array<i32>} : memref<1024xf32, #tpu.memory_space<vmem>>, vector<16xf32>,
    %broadcast_in_dim3A_35 = arith.constant 1.000000e+10 : f32
    %broadcast_in_dim3A_36 = vector.broadcast %broadcast_in_dim3A_35 : f32 to vector<16xf32>
    %swap3A_37 = arith.constant 80 : index
    %swap3A_38 = tpu.vector_load %arg5[%swap3A_37] {strides = array<i32>} : memref<1024xf32, #tpu.memory_space<vmem>>, vector<16xf32>,
    tpu.vector_store %arg5[%swap3A_37], %broadcast_in_dim3A_36 {strides = array<i32>} : memref<1024xf32, #tpu.memory_space<vmem>>, vector<16xf32>,
    %broadcast_in_dim3A_39 = arith.constant 1.000000e+10 : f32
    %broadcast_in_dim3A_40 = vector.broadcast %broadcast_in_dim3A_39 : f32 to vector<16xf32>
    %swap3A_41 = arith.constant 96 : index
    %swap3A_42 = tpu.vector_load %arg5[%swap3A_41] {strides = array<i32>} : memref<1024xf32, #tpu.memory_space<vmem>>, vector<16xf32>,
    tpu.vector_store %arg5[%swap3A_41], %broadcast_in_dim3A_40 {strides = array<i32>} : memref<1024xf32, #tpu.memory_space<vmem>>, vector<16xf32>,
    %broadcast_in_dim3A_43 = arith.constant 1.000000e+10 : f32
    %broadcast_in_dim3A_44 = vector.broadcast %broadcast_in_dim3A_43 : f32 to vector<16xf32>
    %swap3A_45 = arith.constant 112 : index
    %swap3A_46 = tpu.vector_load %arg5[%swap3A_45] {strides = array<i32>} : memref<1024xf32, #tpu.memory_space<vmem>>, vector<16xf32>,
    tpu.vector_store %arg5[%swap3A_45], %broadcast_in_dim3A_44 {strides = array<i32>} : memref<1024xf32, #tpu.memory_space<vmem>>, vector<16xf32>,
    %broadcast_in_dim3A_47 = arith.constant 1.000000e+10 : f32
    %broadcast_in_dim3A_48 = vector.broadcast %broadcast_in_dim3A_47 : f32 to vector<16xf32>
    %swap3A_49 = arith.constant 128 : index
    %swap3A_50 = tpu.vector_load %arg5[%swap3A_49] {strides = array<i32>} : memref<1024xf32, #tpu.memory_space<vmem>>, vector<16xf32>,
    tpu.vector_store %arg5[%swap3A_49], %broadcast_in_dim3A_48 {strides = array<i32>} : memref<1024xf32, #tpu.memory_space<vmem>>, vector<16xf32>,
    %broadcast_in_dim3A_51 = arith.constant 1.000000e+10 : f32
    %broadcast_in_dim3A_52 = vector.broadcast %broadcast_in_dim3A_51 : f32 to vector<16xf32>
    %swap3A_53 = arith.constant 144 : index
    %swap3A_54 = tpu.vector_load %arg5[%swap3A_53] {strides = array<i32>} : memref<1024xf32, #tpu.memory_space<vmem>>, vector<16xf32>,
    tpu.vector_store %arg5[%swap3A_53], %broadcast_in_dim3A_52 {strides = array<i32>} : memref<1024xf32, #tpu.memory_space<vmem>>, vector<16xf32>,
    %broadcast_in_dim3A_55 = arith.constant 1.000000e+10 : f32
    %broadcast_in_dim3A_56 = vector.broadcast %broadcast_in_dim3A_55 : f32 to vector<16xf32>
    %swap3A_57 = arith.constant 160 : index
    %swap3A_58 = tpu.vector_load %arg5[%swap3A_57] {strides = array<i32>} : memref<1024xf32, #tpu.memory_space<vmem>>, vector<16xf32>,
    tpu.vector_store %arg5[%swap3A_57], %broadcast_in_dim3A_56 {strides = array<i32>} : memref<1024xf32, #tpu.memory_space<vmem>>, vector<16xf32>,
    %broadcast_in_dim3A_59 = arith.constant 1.000000e+10 : f32
    %broadcast_in_dim3A_60 = vector.broadcast %broadcast_in_dim3A_59 : f32 to vector<16xf32>
    %swap3A_61 = arith.constant 176 : index
    %swap3A_62 = tpu.vector_load %arg5[%swap3A_61] {strides = array<i32>} : memref<1024xf32, #tpu.memory_space<vmem>>, vector<16xf32>,
    tpu.vector_store %arg5[%swap3A_61], %broadcast_in_dim3A_60 {strides = array<i32>} : memref<1024xf32, #tpu.memory_space<vmem>>, vector<16xf32>,
    %broadcast_in_dim3A_63 = arith.constant 1.000000e+10 : f32
    %broadcast_in_dim3A_64 = vector.broadcast %broadcast_in_dim3A_63 : f32 to vector<16xf32>
    %swap3A_65 = arith.constant 192 : index
    %swap3A_66 = tpu.vector_load %arg5[%swap3A_65] {strides = array<i32>} : memref<1024xf32, #tpu.memory_space<vmem>>, vector<16xf32>,
    tpu.vector_store %arg5[%swap3A_65], %broadcast_in_dim3A_64 {strides = array<i32>} : memref<1024xf32, #tpu.memory_space<vmem>>, vector<16xf32>,
    %broadcast_in_dim3A_67 = arith.constant 1.000000e+10 : f32
    %broadcast_in_dim3A_68 = vector.broadcast %broadcast_in_dim3A_67 : f32 to vector<16xf32>
    %swap3A_69 = arith.constant 208 : index
    %swap3A_70 = tpu.vector_load %arg5[%swap3A_69] {strides = array<i32>} : memref<1024xf32, #tpu.memory_space<vmem>>, vector<16xf32>,
    tpu.vector_store %arg5[%swap3A_69], %broadcast_in_dim3A_68 {strides = array<i32>} : memref<1024xf32, #tpu.memory_space<vmem>>, vector<16xf32>,
    %broadcast_in_dim3A_71 = arith.constant 1.000000e+10 : f32
    %broadcast_in_dim3A_72 = vector.broadcast %broadcast_in_dim3A_71 : f32 to vector<16xf32>
    %swap3A_73 = arith.constant 224 : index
    %swap3A_74 = tpu.vector_load %arg5[%swap3A_73] {strides = array<i32>} : memref<1024xf32, #tpu.memory_space<vmem>>, vector<16xf32>,
    tpu.vector_store %arg5[%swap3A_73], %broadcast_in_dim3A_72 {strides = array<i32>} : memref<1024xf32, #tpu.memory_space<vmem>>, vector<16xf32>,
    %broadcast_in_dim3A_75 = arith.constant 1.000000e+10 : f32
    %broadcast_in_dim3A_76 = vector.broadcast %broadcast_in_dim3A_75 : f32 to vector<16xf32>
    %swap3A_77 = arith.constant 240 : index
    %swap3A_78 = tpu.vector_load %arg5[%swap3A_77] {strides = array<i32>} : memref<1024xf32, #tpu.memory_space<vmem>>, vector<16xf32>,
    tpu.vector_store %arg5[%swap3A_77], %broadcast_in_dim3A_76 {strides = array<i32>} : memref<1024xf32, #tpu.memory_space<vmem>>, vector<16xf32>,
    %broadcast_in_dim3A_79 = arith.constant 1.000000e+10 : f32
    %broadcast_in_dim3A_80 = vector.broadcast %broadcast_in_dim3A_79 : f32 to vector<16xf32>
    %swap3A_81 = arith.constant 256 : index
    %swap3A_82 = tpu.vector_load %arg5[%swap3A_81] {strides = array<i32>} : memref<1024xf32, #tpu.memory_space<vmem>>, vector<16xf32>,
    tpu.vector_store %arg5[%swap3A_81], %broadcast_in_dim3A_80 {strides = array<i32>} : memref<1024xf32, #tpu.memory_space<vmem>>, vector<16xf32>,
    %broadcast_in_dim3A_83 = arith.constant 1.000000e+10 : f32
    %broadcast_in_dim3A_84 = vector.broadcast %broadcast_in_dim3A_83 : f32 to vector<16xf32>
    %swap3A_85 = arith.constant 272 : index
    %swap3A_86 = tpu.vector_load %arg5[%swap3A_85] {strides = array<i32>} : memref<1024xf32, #tpu.memory_space<vmem>>, vector<16xf32>,
    tpu.vector_store %arg5[%swap3A_85], %broadcast_in_dim3A_84 {strides = array<i32>} : memref<1024xf32, #tpu.memory_space<vmem>>, vector<16xf32>,
    %broadcast_in_dim3A_87 = arith.constant 1.000000e+10 : f32
    %broadcast_in_dim3A_88 = vector.broadcast %broadcast_in_dim3A_87 : f32 to vector<16xf32>
    %swap3A_89 = arith.constant 288 : index
    %swap3A_90 = tpu.vector_load %arg5[%swap3A_89] {strides = array<i32>} : memref<1024xf32, #tpu.memory_space<vmem>>, vector<16xf32>,
    tpu.vector_store %arg5[%swap3A_89], %broadcast_in_dim3A_88 {strides = array<i32>} : memref<1024xf32, #tpu.memory_space<vmem>>, vector<16xf32>,
    %broadcast_in_dim3A_91 = arith.constant 1.000000e+10 : f32
    %broadcast_in_dim3A_92 = vector.broadcast %broadcast_in_dim3A_91 : f32 to vector<16xf32>
    %swap3A_93 = arith.constant 304 : index
    %swap3A_94 = tpu.vector_load %arg5[%swap3A_93] {strides = array<i32>} : memref<1024xf32, #tpu.memory_space<vmem>>, vector<16xf32>,
    tpu.vector_store %arg5[%swap3A_93], %broadcast_in_dim3A_92 {strides = array<i32>} : memref<1024xf32, #tpu.memory_space<vmem>>, vector<16xf32>,
    %broadcast_in_dim3A_95 = arith.constant 1.000000e+10 : f32
    %broadcast_in_dim3A_96 = vector.broadcast %broadcast_in_dim3A_95 : f32 to vector<16xf32>
    %swap3A_97 = arith.constant 320 : index
    %swap3A_98 = tpu.vector_load %arg5[%swap3A_97] {strides = array<i32>} : memref<1024xf32, #tpu.memory_space<vmem>>, vector<16xf32>,
    tpu.vector_store %arg5[%swap3A_97], %broadcast_in_dim3A_96 {strides = array<i32>} : memref<1024xf32, #tpu.memory_space<vmem>>, vector<16xf32>,
    %broadcast_in_dim3A_99 = arith.constant 1.000000e+10 : f32
    %broadcast_in_dim3A_100 = vector.broadcast %broadcast_in_dim3A_99 : f32 to vector<16xf32>
    %swap3A_101 = arith.constant 336 : index
    %swap3A_102 = tpu.vector_load %arg5[%swap3A_101] {strides = array<i32>} : memref<1024xf32, #tpu.memory_space<vmem>>, vector<16xf32>,
    tpu.vector_store %arg5[%swap3A_101], %broadcast_in_dim3A_100 {strides = array<i32>} : memref<1024xf32, #tpu.memory_space<vmem>>, vector<16xf32>,
    %broadcast_in_dim3A_103 = arith.constant 1.000000e+10 : f32
    %broadcast_in_dim3A_104 = vector.broadcast %broadcast_in_dim3A_103 : f32 to vector<16xf32>
    %swap3A_105 = arith.constant 352 : index
    %swap3A_106 = tpu.vector_load %arg5[%swap3A_105] {strides = array<i32>} : memref<1024xf32, #tpu.memory_space<vmem>>, vector<16xf32>,
    tpu.vector_store %arg5[%swap3A_105], %broadcast_in_dim3A_104 {strides = array<i32>} : memref<1024xf32, #tpu.memory_space<vmem>>, vector<16xf32>,
    %broadcast_in_dim3A_107 = arith.constant 1.000000e+10 : f32
    %broadcast_in_dim3A_108 = vector.broadcast %broadcast_in_dim3A_107 : f32 to vector<16xf32>
    %swap3A_109 = arith.constant 368 : index
    %swap3A_110 = tpu.vector_load %arg5[%swap3A_109] {strides = array<i32>} : memref<1024xf32, #tpu.memory_space<vmem>>, vector<16xf32>,
    tpu.vector_store %arg5[%swap3A_109], %broadcast_in_dim3A_108 {strides = array<i32>} : memref<1024xf32, #tpu.memory_space<vmem>>, vector<16xf32>,
    %broadcast_in_dim3A_111 = arith.constant 1.000000e+10 : f32
    %broadcast_in_dim3A_112 = vector.broadcast %broadcast_in_dim3A_111 : f32 to vector<16xf32>
    %swap3A_113 = arith.constant 384 : index
    %swap3A_114 = tpu.vector_load %arg5[%swap3A_113] {strides = array<i32>} : memref<1024xf32, #tpu.memory_space<vmem>>, vector<16xf32>,
    tpu.vector_store %arg5[%swap3A_113], %broadcast_in_dim3A_112 {strides = array<i32>} : memref<1024xf32, #tpu.memory_space<vmem>>, vector<16xf32>,
    %broadcast_in_dim3A_115 = arith.constant 1.000000e+10 : f32
    %broadcast_in_dim3A_116 = vector.broadcast %broadcast_in_dim3A_115 : f32 to vector<16xf32>
    %swap3A_117 = arith.constant 400 : index
    %swap3A_118 = tpu.vector_load %arg5[%swap3A_117] {strides = array<i32>} : memref<1024xf32, #tpu.memory_space<vmem>>, vector<16xf32>,
    tpu.vector_store %arg5[%swap3A_117], %broadcast_in_dim3A_116 {strides = array<i32>} : memref<1024xf32, #tpu.memory_space<vmem>>, vector<16xf32>,
    %broadcast_in_dim3A_119 = arith.constant 1.000000e+10 : f32
    %broadcast_in_dim3A_120 = vector.broadcast %broadcast_in_dim3A_119 : f32 to vector<16xf32>
    %swap3A_121 = arith.constant 416 : index
    %swap3A_122 = tpu.vector_load %arg5[%swap3A_121] {strides = array<i32>} : memref<1024xf32, #tpu.memory_space<vmem>>, vector<16xf32>,
    tpu.vector_store %arg5[%swap3A_121], %broadcast_in_dim3A_120 {strides = array<i32>} : memref<1024xf32, #tpu.memory_space<vmem>>, vector<16xf32>,
    %broadcast_in_dim3A_123 = arith.constant 1.000000e+10 : f32
    %broadcast_in_dim3A_124 = vector.broadcast %broadcast_in_dim3A_123 : f32 to vector<16xf32>
    %swap3A_125 = arith.constant 432 : index
    %swap3A_126 = tpu.vector_load %arg5[%swap3A_125] {strides = array<i32>} : memref<1024xf32, #tpu.memory_space<vmem>>, vector<16xf32>,
    tpu.vector_store %arg5[%swap3A_125], %broadcast_in_dim3A_124 {strides = array<i32>} : memref<1024xf32, #tpu.memory_space<vmem>>, vector<16xf32>,
    %broadcast_in_dim3A_127 = arith.constant 1.000000e+10 : f32
    %broadcast_in_dim3A_128 = vector.broadcast %broadcast_in_dim3A_127 : f32 to vector<16xf32>
    %swap3A_129 = arith.constant 448 : index
    %swap3A_130 = tpu.vector_load %arg5[%swap3A_129] {strides = array<i32>} : memref<1024xf32, #tpu.memory_space<vmem>>, vector<16xf32>,
    tpu.vector_store %arg5[%swap3A_129], %broadcast_in_dim3A_128 {strides = array<i32>} : memref<1024xf32, #tpu.memory_space<vmem>>, vector<16xf32>,
    %broadcast_in_dim3A_131 = arith.constant 1.000000e+10 : f32
    %broadcast_in_dim3A_132 = vector.broadcast %broadcast_in_dim3A_131 : f32 to vector<16xf32>
    %swap3A_133 = arith.constant 464 : index
    %swap3A_134 = tpu.vector_load %arg5[%swap3A_133] {strides = array<i32>} : memref<1024xf32, #tpu.memory_space<vmem>>, vector<16xf32>,
    tpu.vector_store %arg5[%swap3A_133], %broadcast_in_dim3A_132 {strides = array<i32>} : memref<1024xf32, #tpu.memory_space<vmem>>, vector<16xf32>,
    %broadcast_in_dim3A_135 = arith.constant 1.000000e+10 : f32
    %broadcast_in_dim3A_136 = vector.broadcast %broadcast_in_dim3A_135 : f32 to vector<16xf32>
    %swap3A_137 = arith.constant 480 : index
    %swap3A_138 = tpu.vector_load %arg5[%swap3A_137] {strides = array<i32>} : memref<1024xf32, #tpu.memory_space<vmem>>, vector<16xf32>,
    tpu.vector_store %arg5[%swap3A_137], %broadcast_in_dim3A_136 {strides = array<i32>} : memref<1024xf32, #tpu.memory_space<vmem>>, vector<16xf32>,
    %broadcast_in_dim3A_139 = arith.constant 1.000000e+10 : f32
    %broadcast_in_dim3A_140 = vector.broadcast %broadcast_in_dim3A_139 : f32 to vector<16xf32>
    %swap3A_141 = arith.constant 496 : index
    %swap3A_142 = tpu.vector_load %arg5[%swap3A_141] {strides = array<i32>} : memref<1024xf32, #tpu.memory_space<vmem>>, vector<16xf32>,
    tpu.vector_store %arg5[%swap3A_141], %broadcast_in_dim3A_140 {strides = array<i32>} : memref<1024xf32, #tpu.memory_space<vmem>>, vector<16xf32>,
    %broadcast_in_dim3A_143 = arith.constant 1.000000e+10 : f32
    %broadcast_in_dim3A_144 = vector.broadcast %broadcast_in_dim3A_143 : f32 to vector<16xf32>
    %swap3A_145 = arith.constant 512 : index
    %swap3A_146 = tpu.vector_load %arg5[%swap3A_145] {strides = array<i32>} : memref<1024xf32, #tpu.memory_space<vmem>>, vector<16xf32>,
    tpu.vector_store %arg5[%swap3A_145], %broadcast_in_dim3A_144 {strides = array<i32>} : memref<1024xf32, #tpu.memory_space<vmem>>, vector<16xf32>,
    %broadcast_in_dim3A_147 = arith.constant 1.000000e+10 : f32
    %broadcast_in_dim3A_148 = vector.broadcast %broadcast_in_dim3A_147 : f32 to vector<16xf32>
    %swap3A_149 = arith.constant 528 : index
    %swap3A_150 = tpu.vector_load %arg5[%swap3A_149] {strides = array<i32>} : memref<1024xf32, #tpu.memory_space<vmem>>, vector<16xf32>,
    tpu.vector_store %arg5[%swap3A_149], %broadcast_in_dim3A_148 {strides = array<i32>} : memref<1024xf32, #tpu.memory_space<vmem>>, vector<16xf32>,
    %broadcast_in_dim3A_151 = arith.constant 1.000000e+10 : f32
    %broadcast_in_dim3A_152 = vector.broadcast %broadcast_in_dim3A_151 : f32 to vector<16xf32>
    %swap3A_153 = arith.constant 544 : index
    %swap3A_154 = tpu.vector_load %arg5[%swap3A_153] {strides = array<i32>} : memref<1024xf32, #tpu.memory_space<vmem>>, vector<16xf32>,
    tpu.vector_store %arg5[%swap3A_153], %broadcast_in_dim3A_152 {strides = array<i32>} : memref<1024xf32, #tpu.memory_space<vmem>>, vector<16xf32>,
    %broadcast_in_dim3A_155 = arith.constant 1.000000e+10 : f32
    %broadcast_in_dim3A_156 = vector.broadcast %broadcast_in_dim3A_155 : f32 to vector<16xf32>
    %swap3A_157 = arith.constant 560 : index
    %swap3A_158 = tpu.vector_load %arg5[%swap3A_157] {strides = array<i32>} : memref<1024xf32, #tpu.memory_space<vmem>>, vector<16xf32>,
    tpu.vector_store %arg5[%swap3A_157], %broadcast_in_dim3A_156 {strides = array<i32>} : memref<1024xf32, #tpu.memory_space<vmem>>, vector<16xf32>,
    %broadcast_in_dim3A_159 = arith.constant 1.000000e+10 : f32
    %broadcast_in_dim3A_160 = vector.broadcast %broadcast_in_dim3A_159 : f32 to vector<16xf32>
    %swap3A_161 = arith.constant 576 : index
    %swap3A_162 = tpu.vector_load %arg5[%swap3A_161] {strides = array<i32>} : memref<1024xf32, #tpu.memory_space<vmem>>, vector<16xf32>,
    tpu.vector_store %arg5[%swap3A_161], %broadcast_in_dim3A_160 {strides = array<i32>} : memref<1024xf32, #tpu.memory_space<vmem>>, vector<16xf32>,
    %broadcast_in_dim3A_163 = arith.constant 1.000000e+10 : f32
    %broadcast_in_dim3A_164 = vector.broadcast %broadcast_in_dim3A_163 : f32 to vector<16xf32>
    %swap3A_165 = arith.constant 592 : index
    %swap3A_166 = tpu.vector_load %arg5[%swap3A_165] {strides = array<i32>} : memref<1024xf32, #tpu.memory_space<vmem>>, vector<16xf32>,
    tpu.vector_store %arg5[%swap3A_165], %broadcast_in_dim3A_164 {strides = array<i32>} : memref<1024xf32, #tpu.memory_space<vmem>>, vector<16xf32>,
    %broadcast_in_dim3A_167 = arith.constant 1.000000e+10 : f32
    %broadcast_in_dim3A_168 = vector.broadcast %broadcast_in_dim3A_167 : f32 to vector<16xf32>
    %swap3A_169 = arith.constant 608 : index
    %swap3A_170 = tpu.vector_load %arg5[%swap3A_169] {strides = array<i32>} : memref<1024xf32, #tpu.memory_space<vmem>>, vector<16xf32>,
    tpu.vector_store %arg5[%swap3A_169], %broadcast_in_dim3A_168 {strides = array<i32>} : memref<1024xf32, #tpu.memory_space<vmem>>, vector<16xf32>,
    %broadcast_in_dim3A_171 = arith.constant 1.000000e+10 : f32
    %broadcast_in_dim3A_172 = vector.broadcast %broadcast_in_dim3A_171 : f32 to vector<16xf32>
    %swap3A_173 = arith.constant 624 : index
    %swap3A_174 = tpu.vector_load %arg5[%swap3A_173] {strides = array<i32>} : memref<1024xf32, #tpu.memory_space<vmem>>, vector<16xf32>,
    tpu.vector_store %arg5[%swap3A_173], %broadcast_in_dim3A_172 {strides = array<i32>} : memref<1024xf32, #tpu.memory_space<vmem>>, vector<16xf32>,
    %broadcast_in_dim3A_175 = arith.constant 1.000000e+10 : f32
    %broadcast_in_dim3A_176 = vector.broadcast %broadcast_in_dim3A_175 : f32 to vector<16xf32>
    %swap3A_177 = arith.constant 640 : index
    %swap3A_178 = tpu.vector_load %arg5[%swap3A_177] {strides = array<i32>} : memref<1024xf32, #tpu.memory_space<vmem>>, vector<16xf32>,
    tpu.vector_store %arg5[%swap3A_177], %broadcast_in_dim3A_176 {strides = array<i32>} : memref<1024xf32, #tpu.memory_space<vmem>>, vector<16xf32>,
    %broadcast_in_dim3A_179 = arith.constant 1.000000e+10 : f32
    %broadcast_in_dim3A_180 = vector.broadcast %broadcast_in_dim3A_179 : f32 to vector<16xf32>
    %swap3A_181 = arith.constant 656 : index
    %swap3A_182 = tpu.vector_load %arg5[%swap3A_181] {strides = array<i32>} : memref<1024xf32, #tpu.memory_space<vmem>>, vector<16xf32>,
    tpu.vector_store %arg5[%swap3A_181], %broadcast_in_dim3A_180 {strides = array<i32>} : memref<1024xf32, #tpu.memory_space<vmem>>, vector<16xf32>,
    %broadcast_in_dim3A_183 = arith.constant 1.000000e+10 : f32
    %broadcast_in_dim3A_184 = vector.broadcast %broadcast_in_dim3A_183 : f32 to vector<16xf32>
    %swap3A_185 = arith.constant 672 : index
    %swap3A_186 = tpu.vector_load %arg5[%swap3A_185] {strides = array<i32>} : memref<1024xf32, #tpu.memory_space<vmem>>, vector<16xf32>,
    tpu.vector_store %arg5[%swap3A_185], %broadcast_in_dim3A_184 {strides = array<i32>} : memref<1024xf32, #tpu.memory_space<vmem>>, vector<16xf32>,
    %broadcast_in_dim3A_187 = arith.constant 1.000000e+10 : f32
    %broadcast_in_dim3A_188 = vector.broadcast %broadcast_in_dim3A_187 : f32 to vector<16xf32>
    %swap3A_189 = arith.constant 688 : index
    %swap3A_190 = tpu.vector_load %arg5[%swap3A_189] {strides = array<i32>} : memref<1024xf32, #tpu.memory_space<vmem>>, vector<16xf32>,
    tpu.vector_store %arg5[%swap3A_189], %broadcast_in_dim3A_188 {strides = array<i32>} : memref<1024xf32, #tpu.memory_space<vmem>>, vector<16xf32>,
    %broadcast_in_dim3A_191 = arith.constant 1.000000e+10 : f32
    %broadcast_in_dim3A_192 = vector.broadcast %broadcast_in_dim3A_191 : f32 to vector<16xf32>
    %swap3A_193 = arith.constant 704 : index
    %swap3A_194 = tpu.vector_load %arg5[%swap3A_193] {strides = array<i32>} : memref<1024xf32, #tpu.memory_space<vmem>>, vector<16xf32>,
    tpu.vector_store %arg5[%swap3A_193], %broadcast_in_dim3A_192 {strides = array<i32>} : memref<1024xf32, #tpu.memory_space<vmem>>, vector<16xf32>,
    %broadcast_in_dim3A_195 = arith.constant 1.000000e+10 : f32
    %broadcast_in_dim3A_196 = vector.broadcast %broadcast_in_dim3A_195 : f32 to vector<16xf32>
    %swap3A_197 = arith.constant 720 : index
    %swap3A_198 = tpu.vector_load %arg5[%swap3A_197] {strides = array<i32>} : memref<1024xf32, #tpu.memory_space<vmem>>, vector<16xf32>,
    tpu.vector_store %arg5[%swap3A_197], %broadcast_in_dim3A_196 {strides = array<i32>} : memref<1024xf32, #tpu.memory_space<vmem>>, vector<16xf32>,
    %broadcast_in_dim3A_199 = arith.constant 1.000000e+10 : f32
    %broadcast_in_dim3A_200 = vector.broadcast %broadcast_in_dim3A_199 : f32 to vector<16xf32>
    %swap3A_201 = arith.constant 736 : index
    %swap3A_202 = tpu.vector_load %arg5[%swap3A_201] {strides = array<i32>} : memref<1024xf32, #tpu.memory_space<vmem>>, vector<16xf32>,
    tpu.vector_store %arg5[%swap3A_201], %broadcast_in_dim3A_200 {strides = array<i32>} : memref<1024xf32, #tpu.memory_space<vmem>>, vector<16xf32>,
    %broadcast_in_dim3A_203 = arith.constant 1.000000e+10 : f32
    %broadcast_in_dim3A_204 = vector.broadcast %broadcast_in_dim3A_203 : f32 to vector<16xf32>
    %swap3A_205 = arith.constant 752 : index
    %swap3A_206 = tpu.vector_load %arg5[%swap3A_205] {strides = array<i32>} : memref<1024xf32, #tpu.memory_space<vmem>>, vector<16xf32>,
    tpu.vector_store %arg5[%swap3A_205], %broadcast_in_dim3A_204 {strides = array<i32>} : memref<1024xf32, #tpu.memory_space<vmem>>, vector<16xf32>,
    %broadcast_in_dim3A_207 = arith.constant 1.000000e+10 : f32
    %broadcast_in_dim3A_208 = vector.broadcast %broadcast_in_dim3A_207 : f32 to vector<16xf32>
    %swap3A_209 = arith.constant 768 : index
    %swap3A_210 = tpu.vector_load %arg5[%swap3A_209] {strides = array<i32>} : memref<1024xf32, #tpu.memory_space<vmem>>, vector<16xf32>,
    tpu.vector_store %arg5[%swap3A_209], %broadcast_in_dim3A_208 {strides = array<i32>} : memref<1024xf32, #tpu.memory_space<vmem>>, vector<16xf32>,
    %broadcast_in_dim3A_211 = arith.constant 1.000000e+10 : f32
    %broadcast_in_dim3A_212 = vector.broadcast %broadcast_in_dim3A_211 : f32 to vector<16xf32>
    %swap3A_213 = arith.constant 784 : index
    %swap3A_214 = tpu.vector_load %arg5[%swap3A_213] {strides = array<i32>} : memref<1024xf32, #tpu.memory_space<vmem>>, vector<16xf32>,
    tpu.vector_store %arg5[%swap3A_213], %broadcast_in_dim3A_212 {strides = array<i32>} : memref<1024xf32, #tpu.memory_space<vmem>>, vector<16xf32>,
    %broadcast_in_dim3A_215 = arith.constant 1.000000e+10 : f32
    %broadcast_in_dim3A_216 = vector.broadcast %broadcast_in_dim3A_215 : f32 to vector<16xf32>
    %swap3A_217 = arith.constant 800 : index
    %swap3A_218 = tpu.vector_load %arg5[%swap3A_217] {strides = array<i32>} : memref<1024xf32, #tpu.memory_space<vmem>>, vector<16xf32>,
    tpu.vector_store %arg5[%swap3A_217], %broadcast_in_dim3A_216 {strides = array<i32>} : memref<1024xf32, #tpu.memory_space<vmem>>, vector<16xf32>,
    %broadcast_in_dim3A_219 = arith.constant 1.000000e+10 : f32
    %broadcast_in_dim3A_220 = vector.broadcast %broadcast_in_dim3A_219 : f32 to vector<16xf32>
    %swap3A_221 = arith.constant 816 : index
    %swap3A_222 = tpu.vector_load %arg5[%swap3A_221] {strides = array<i32>} : memref<1024xf32, #tpu.memory_space<vmem>>, vector<16xf32>,
    tpu.vector_store %arg5[%swap3A_221], %broadcast_in_dim3A_220 {strides = array<i32>} : memref<1024xf32, #tpu.memory_space<vmem>>, vector<16xf32>,
    %broadcast_in_dim3A_223 = arith.constant 1.000000e+10 : f32
    %broadcast_in_dim3A_224 = vector.broadcast %broadcast_in_dim3A_223 : f32 to vector<16xf32>
    %swap3A_225 = arith.constant 832 : index
    %swap3A_226 = tpu.vector_load %arg5[%swap3A_225] {strides = array<i32>} : memref<1024xf32, #tpu.memory_space<vmem>>, vector<16xf32>,
    tpu.vector_store %arg5[%swap3A_225], %broadcast_in_dim3A_224 {strides = array<i32>} : memref<1024xf32, #tpu.memory_space<vmem>>, vector<16xf32>,
    %broadcast_in_dim3A_227 = arith.constant 1.000000e+10 : f32
    %broadcast_in_dim3A_228 = vector.broadcast %broadcast_in_dim3A_227 : f32 to vector<16xf32>
    %swap3A_229 = arith.constant 848 : index
    %swap3A_230 = tpu.vector_load %arg5[%swap3A_229] {strides = array<i32>} : memref<1024xf32, #tpu.memory_space<vmem>>, vector<16xf32>,
    tpu.vector_store %arg5[%swap3A_229], %broadcast_in_dim3A_228 {strides = array<i32>} : memref<1024xf32, #tpu.memory_space<vmem>>, vector<16xf32>,
    %broadcast_in_dim3A_231 = arith.constant 1.000000e+10 : f32
    %broadcast_in_dim3A_232 = vector.broadcast %broadcast_in_dim3A_231 : f32 to vector<16xf32>
    %swap3A_233 = arith.constant 864 : index
    %swap3A_234 = tpu.vector_load %arg5[%swap3A_233] {strides = array<i32>} : memref<1024xf32, #tpu.memory_space<vmem>>, vector<16xf32>,
    tpu.vector_store %arg5[%swap3A_233], %broadcast_in_dim3A_232 {strides = array<i32>} : memref<1024xf32, #tpu.memory_space<vmem>>, vector<16xf32>,
    %broadcast_in_dim3A_235 = arith.constant 1.000000e+10 : f32
    %broadcast_in_dim3A_236 = vector.broadcast %broadcast_in_dim3A_235 : f32 to vector<16xf32>
    %swap3A_237 = arith.constant 880 : index
    %swap3A_238 = tpu.vector_load %arg5[%swap3A_237] {strides = array<i32>} : memref<1024xf32, #tpu.memory_space<vmem>>, vector<16xf32>,
    tpu.vector_store %arg5[%swap3A_237], %broadcast_in_dim3A_236 {strides = array<i32>} : memref<1024xf32, #tpu.memory_space<vmem>>, vector<16xf32>,
    %broadcast_in_dim3A_239 = arith.constant 1.000000e+10 : f32
    %broadcast_in_dim3A_240 = vector.broadcast %broadcast_in_dim3A_239 : f32 to vector<16xf32>
    %swap3A_241 = arith.constant 896 : index
    %swap3A_242 = tpu.vector_load %arg5[%swap3A_241] {strides = array<i32>} : memref<1024xf32, #tpu.memory_space<vmem>>, vector<16xf32>,
    tpu.vector_store %arg5[%swap3A_241], %broadcast_in_dim3A_240 {strides = array<i32>} : memref<1024xf32, #tpu.memory_space<vmem>>, vector<16xf32>,
    %broadcast_in_dim3A_243 = arith.constant 1.000000e+10 : f32
    %broadcast_in_dim3A_244 = vector.broadcast %broadcast_in_dim3A_243 : f32 to vector<16xf32>
    %swap3A_245 = arith.constant 912 : index
    %swap3A_246 = tpu.vector_load %arg5[%swap3A_245] {strides = array<i32>} : memref<1024xf32, #tpu.memory_space<vmem>>, vector<16xf32>,
    tpu.vector_store %arg5[%swap3A_245], %broadcast_in_dim3A_244 {strides = array<i32>} : memref<1024xf32, #tpu.memory_space<vmem>>, vector<16xf32>,
    %broadcast_in_dim3A_247 = arith.constant 1.000000e+10 : f32
    %broadcast_in_dim3A_248 = vector.broadcast %broadcast_in_dim3A_247 : f32 to vector<16xf32>
    %swap3A_249 = arith.constant 928 : index
    %swap3A_250 = tpu.vector_load %arg5[%swap3A_249] {strides = array<i32>} : memref<1024xf32, #tpu.memory_space<vmem>>, vector<16xf32>,
    tpu.vector_store %arg5[%swap3A_249], %broadcast_in_dim3A_248 {strides = array<i32>} : memref<1024xf32, #tpu.memory_space<vmem>>, vector<16xf32>,
    %broadcast_in_dim3A_251 = arith.constant 1.000000e+10 : f32
    %broadcast_in_dim3A_252 = vector.broadcast %broadcast_in_dim3A_251 : f32 to vector<16xf32>
    %swap3A_253 = arith.constant 944 : index
    %swap3A_254 = tpu.vector_load %arg5[%swap3A_253] {strides = array<i32>} : memref<1024xf32, #tpu.memory_space<vmem>>, vector<16xf32>,
    tpu.vector_store %arg5[%swap3A_253], %broadcast_in_dim3A_252 {strides = array<i32>} : memref<1024xf32, #tpu.memory_space<vmem>>, vector<16xf32>,
    %broadcast_in_dim3A_255 = arith.constant 1.000000e+10 : f32
    %broadcast_in_dim3A_256 = vector.broadcast %broadcast_in_dim3A_255 : f32 to vector<16xf32>
    %swap3A_257 = arith.constant 960 : index
    %swap3A_258 = tpu.vector_load %arg5[%swap3A_257] {strides = array<i32>} : memref<1024xf32, #tpu.memory_space<vmem>>, vector<16xf32>,
    tpu.vector_store %arg5[%swap3A_257], %broadcast_in_dim3A_256 {strides = array<i32>} : memref<1024xf32, #tpu.memory_space<vmem>>, vector<16xf32>,
    %broadcast_in_dim3A_259 = arith.constant 1.000000e+10 : f32
    %broadcast_in_dim3A_260 = vector.broadcast %broadcast_in_dim3A_259 : f32 to vector<16xf32>
    %swap3A_261 = arith.constant 976 : index
    %swap3A_262 = tpu.vector_load %arg5[%swap3A_261] {strides = array<i32>} : memref<1024xf32, #tpu.memory_space<vmem>>, vector<16xf32>,
    tpu.vector_store %arg5[%swap3A_261], %broadcast_in_dim3A_260 {strides = array<i32>} : memref<1024xf32, #tpu.memory_space<vmem>>, vector<16xf32>,
    %broadcast_in_dim3A_263 = arith.constant 1.000000e+10 : f32
    %broadcast_in_dim3A_264 = vector.broadcast %broadcast_in_dim3A_263 : f32 to vector<16xf32>
    %swap3A_265 = arith.constant 992 : index
    %swap3A_266 = tpu.vector_load %arg5[%swap3A_265] {strides = array<i32>} : memref<1024xf32, #tpu.memory_space<vmem>>, vector<16xf32>,
    tpu.vector_store %arg5[%swap3A_265], %broadcast_in_dim3A_264 {strides = array<i32>} : memref<1024xf32, #tpu.memory_space<vmem>>, vector<16xf32>,
    %broadcast_in_dim3A_267 = arith.constant 1.000000e+10 : f32
    %broadcast_in_dim3A_268 = vector.broadcast %broadcast_in_dim3A_267 : f32 to vector<16xf32>
    %swap3A_269 = arith.constant 1008 : index
    %swap3A_270 = tpu.vector_load %arg5[%swap3A_269] {strides = array<i32>} : memref<1024xf32, #tpu.memory_space<vmem>>, vector<16xf32>,
    tpu.vector_store %arg5[%swap3A_269], %broadcast_in_dim3A_268 {strides = array<i32>} : memref<1024xf32, #tpu.memory_space<vmem>>, vector<16xf32>,
    tpu.vector_store_idx %arg6[%broadcast_in_dim3A_13], %broadcast_in_dim3A_13 masked %eq3A_15 : memref<256xi32, #tpu.memory_space<vmem>>[vector<16xi32>], vector<16xi32>, vector<16xi1>
    %scan3A = arith.constant 0 : i32
    %scan3A_271 = arith.constant 1 : i32
    %scan3A_272 = arith.constant 255 : i32
    %scan3A_273 = arith.addi %scan3A_271, %scan3A_272 : i32
    %scan3A_274 = arith.constant 1 : i32
    %scan3A_275 = scf.for %scan3A_279 = %scan3A_271 to %scan3A_273 step %scan3A_274 iter_args(%scan3A_280 = %scan3A) -> (i32)  : i32 {
      %broadcast_in_dim3A_281 = vector.broadcast %scan3A_280 : i32 to vector<16xi32>
      %gather3A = tpu.vector_load_idx %arg4[%broadcast_in_dim3A_281] : memref<3072xf32, #tpu.memory_space<vmem>>[vector<16xi32>], vector<16xf32>,
      %add3A_282 = arith.constant 1024 : i32
      %add3A_283 = vector.broadcast %add3A_282 : i32 to vector<16xi32>
      %add3A_284 = arith.addi %broadcast_in_dim3A_281, %add3A_283 : vector<16xi32>
      %gather3A_285 = tpu.vector_load_idx %arg4[%add3A_284] : memref<3072xf32, #tpu.memory_space<vmem>>[vector<16xi32>], vector<16xf32>,
      %add3A_286 = arith.constant 2048 : i32
      %add3A_287 = vector.broadcast %add3A_286 : i32 to vector<16xi32>
      %add3A_288 = arith.addi %broadcast_in_dim3A_281, %add3A_287 : vector<16xi32>
      %gather3A_289 = tpu.vector_load_idx %arg4[%add3A_288] : memref<3072xf32, #tpu.memory_space<vmem>>[vector<16xi32>], vector<16xf32>,
      %broadcast_in_dim3A_290 = arith.constant -3.000000e+38 : f32
      %broadcast_in_dim3A_291 = vector.broadcast %broadcast_in_dim3A_290 : f32 to vector<16xf32>
      %broadcast_in_dim3A_292 = arith.constant 0 : i32
      %broadcast_in_dim3A_293 = vector.broadcast %broadcast_in_dim3A_292 : i32 to vector<16xi32>
      %scan3A_294 = arith.constant 0 : i32
      %scan3A_295 = arith.constant 64 : i32
      %scan3A_296 = arith.addi %scan3A_294, %scan3A_295 : i32
      %scan3A_297 = arith.constant 1 : i32
      %scan3A_298:2 = scf.for %scan3A_315 = %scan3A_294 to %scan3A_296 step %scan3A_297 iter_args(%scan3A_316 = %broadcast_in_dim3A_291, %scan3A_317 = %broadcast_in_dim3A_293) -> (vector<16xf32>, vector<16xi32>)  : i32 {
        %mul3A_318 = arith.constant 16 : i32
        %mul3A_319 = arith.muli %scan3A_315, %mul3A_318 : i32
        %add3A_320 = vector.broadcast %mul3A_319 : i32 to vector<16xi32>
        %add3A_321 = arith.addi %add3A_320, %iota3A : vector<16xi32>
        %gather3A_322 = tpu.vector_load_idx %arg4[%add3A_321] : memref<3072xf32, #tpu.memory_space<vmem>>[vector<16xi32>], vector<16xf32>,
        %add3A_323 = arith.constant 1024 : i32
        %add3A_324 = vector.broadcast %add3A_323 : i32 to vector<16xi32>
        %add3A_325 = arith.addi %add3A_321, %add3A_324 : vector<16xi32>
        %gather3A_326 = tpu.vector_load_idx %arg4[%add3A_325] : memref<3072xf32, #tpu.memory_space<vmem>>[vector<16xi32>], vector<16xf32>,
        %add3A_327 = arith.constant 2048 : i32
        %add3A_328 = vector.broadcast %add3A_327 : i32 to vector<16xi32>
        %add3A_329 = arith.addi %add3A_321, %add3A_328 : vector<16xi32>
        %gather3A_330 = tpu.vector_load_idx %arg4[%add3A_329] : memref<3072xf32, #tpu.memory_space<vmem>>[vector<16xi32>], vector<16xf32>,
        %sub3A = arith.subf %gather3A_322, %gather3A : vector<16xf32>
        %sub3A_331 = arith.subf %gather3A_326, %gather3A_285 : vector<16xf32>
        %sub3A_332 = arith.subf %gather3A_330, %gather3A_289 : vector<16xf32>
        %mul3A_333 = arith.mulf %sub3A, %sub3A : vector<16xf32>
        %mul3A_334 = arith.mulf %sub3A_331, %sub3A_331 : vector<16xf32>
        %add3A_335 = arith.addf %mul3A_333, %mul3A_334 : vector<16xf32>
        %mul3A_336 = arith.mulf %sub3A_332, %sub3A_332 : vector<16xf32>
        %add3A_337 = arith.addf %add3A_335, %mul3A_336 : vector<16xf32>
        %gather3A_338 = tpu.vector_load_idx %arg5[%add3A_321] : memref<1024xf32, #tpu.memory_space<vmem>>[vector<16xi32>], vector<16xf32>,
        %min3A = arith.minimumf %gather3A_338, %add3A_337 : vector<16xf32>
        tpu.vector_store_idx %arg5[%add3A_321], %min3A : memref<1024xf32, #tpu.memory_space<vmem>>[vector<16xi32>], vector<16xf32>,
        %gt3A = arith.cmpf ogt, %min3A, %scan3A_316 : vector<16xf32>
        %select_n3A_339 = arith.select %gt3A, %min3A, %scan3A_316 : vector<16xi1>, vector<16xf32>
        %select_n3A_340 = arith.select %gt3A, %add3A_321, %scan3A_317 : vector<16xi1>, vector<16xi32>
        scf.yield %select_n3A_339, %select_n3A_340 : vector<16xf32>, vector<16xi32>
      }
      %scan3A_299 = arith.constant 64 : i32
      %reduce_max3A = arith.constant true
      %reduce_max3A_300 = vector.broadcast %reduce_max3A : i1 to vector<16xi1>
      %reduce_max3A_301 = tpu.scan <max>, %scan3A_298#0 masked %reduce_max3A_300 : vector<16xf32>, vector<16xi1> -> vector<16xf32>
      %reduce_max3A_302 = vector.extract %reduce_max3A_301[15] : f32 from vector<16xf32>
      %eq3A_303 = vector.broadcast %reduce_max3A_302 : f32 to vector<16xf32>
      %eq3A_304 = arith.cmpf oeq, %scan3A_298#0, %eq3A_303 : vector<16xf32>
      %jit3A = arith.constant 1073741824 : i32
      %broadcast_in_dim3A_305 = vector.broadcast %jit3A : i32 to vector<16xi32>
      %select_n3A = arith.select %eq3A_304, %scan3A_298#1, %broadcast_in_dim3A_305 : vector<16xi1>, vector<16xi32>
      %reduce_min3A = arith.constant true
      %reduce_min3A_306 = vector.broadcast %reduce_min3A : i1 to vector<16xi1>
      %reduce_min3A_307 = arith.constant -2147483648 : i32
      %reduce_min3A_308 = vector.broadcast %reduce_min3A_307 : i32 to vector<16xi32>
      %reduce_min3A_309 = arith.xori %select_n3A, %reduce_min3A_308 : vector<16xi32>
      %reduce_min3A_310 = tpu.scan <min>, %reduce_min3A_309 masked %reduce_min3A_306 : vector<16xi32>, vector<16xi1> -> vector<16xi32>
      %reduce_min3A_311 = arith.xori %reduce_min3A_310, %reduce_min3A_308 : vector<16xi32>
      %reduce_min3A_312 = vector.extract %reduce_min3A_311[15] : i32 from vector<16xi32>
      %broadcast_in_dim3A_313 = vector.broadcast %scan3A_279 : i32 to vector<16xi32>
      %broadcast_in_dim3A_314 = vector.broadcast %reduce_min3A_312 : i32 to vector<16xi32>
      tpu.vector_store_idx %arg6[%broadcast_in_dim3A_313], %broadcast_in_dim3A_314 masked %eq3A_15 : memref<256xi32, #tpu.memory_space<vmem>>[vector<16xi32>], vector<16xi32>, vector<16xi1>
      scf.yield %reduce_min3A_312 : i32
    }
    %scan3A_276 = arith.constant 255 : i32
    %mul3A_277 = arith.constant 256 : i32
    %mul3A_278 = arith.muli %add3A, %mul3A_277 : i32
    "tpu.region"() ({
      %run_scoped3A = tpu.sem_alloc : memref<!tpu.dma_semaphore, #tpu.memory_space<semaphore_mem>>
      %dma_start3A = tpu.memref_slice %arg3[%mul3A_278] : memref<8192xi32, #tpu.memory_space<hbm>> -> memref<256xi32, #tpu.memory_space<hbm>>
      %dma_start3A_279 = tpu.memref_slice %arg3[%mul3A_278] : memref<8192xi32, #tpu.memory_space<hbm>> -> memref<256xi32, #tpu.memory_space<hbm>>
      tpu.enqueue_dma source(%arg6 : memref<256xi32, #tpu.memory_space<vmem>>) target(%dma_start3A_279 : memref<256xi32, #tpu.memory_space<hbm>>) target_semaphore(%run_scoped3A : memref<!tpu.dma_semaphore, #tpu.memory_space<semaphore_mem>>)
      %dma_wait3A = tpu.memref_slice %arg3[%mul3A_278] : memref<8192xi32, #tpu.memory_space<hbm>> -> memref<256xi32, #tpu.memory_space<hbm>>
      %dma_wait3A_280 = tpu.memref_slice %arg3[%mul3A_278] : memref<8192xi32, #tpu.memory_space<hbm>> -> memref<256xi32, #tpu.memory_space<hbm>>
      tpu.wait_dma2 semaphore(%run_scoped3A : memref<!tpu.dma_semaphore, #tpu.memory_space<semaphore_mem>>) src(%arg6 : memref<256xi32, #tpu.memory_space<vmem>>) dst(%dma_wait3A_280 : memref<256xi32, #tpu.memory_space<hbm>>)
      tpu.yield
    }) : () -> ()
    return
  }
}

module attributes {stable_mosaic.version = 14 : i64} {
  func.func @_topk_body(%arg0: i32, %arg1: memref<1024x3xf32, #tpu.memory_space<vmem>>, %arg2: memref<3x1024xf32, #tpu.memory_space<vmem>>, %arg3: memref<1x1024x20xi32, #tpu.memory_space<vmem>>) attributes {dimension_semantics = [#tpu.dimension_semantics<arbitrary>], iteration_bounds = array<i64: 32>, scalar_prefetch = 0 : i64, scratch_operands = 0 : i64, tpu.core_type = #tpu.core_type<tc>, window_params = [{transform_indices = @transform_0, window_bounds = array<i64: 1024, 3>}, {transform_indices = @transform_1, window_bounds = array<i64: 3, 1024>}, {transform_indices = @transform_2, window_bounds = array<i64: 1, 1024, 20>}]} {
    %get3A = arith.constant 0 : index
    %get3A_0 = arith.constant 0 : index
    %get3A_1 = vector.load %arg1[%get3A, %get3A_0] : memref<1024x3xf32, #tpu.memory_space<vmem>>, vector<1024x3xf32>
    %get3A_2 = arith.constant 0 : index
    %get3A_3 = arith.constant 0 : index
    %get3A_4 = vector.load %arg2[%get3A_2, %get3A_3] : memref<3x1024xf32, #tpu.memory_space<vmem>>, vector<3x1024xf32>
    %mul3A = arith.mulf %get3A_1, %get3A_1 : vector<1024x3xf32>
    %reduce_sum3A = arith.constant dense<0.000000e+00> : vector<1024xf32>
    %reduce_sum3A_5 = vector.multi_reduction <add>, %mul3A, %reduce_sum3A [1] : vector<1024x3xf32> to vector<1024xf32>
    %broadcast_in_dim3A = vector.shape_cast %reduce_sum3A_5 : vector<1024xf32> to vector<1024x1xf32>
    %mul3A_6 = arith.mulf %get3A_4, %get3A_4 : vector<3x1024xf32>
    %reduce_sum3A_7 = arith.constant dense<0.000000e+00> : vector<1024xf32>
    %reduce_sum3A_8 = vector.multi_reduction <add>, %mul3A_6, %reduce_sum3A_7 [0] : vector<3x1024xf32> to vector<1024xf32>
    %broadcast_in_dim3A_9 = vector.shape_cast %reduce_sum3A_8 : vector<1024xf32> to vector<1x1024xf32>
    %add3A = vector.broadcast %broadcast_in_dim3A : vector<1024x1xf32> to vector<1024x1024xf32>
    %add3A_10 = vector.broadcast %broadcast_in_dim3A_9 : vector<1x1024xf32> to vector<1024x1024xf32>
    %add3A_11 = arith.addf %add3A, %add3A_10 : vector<1024x1024xf32>
    %dot_general3A = arith.constant dense<0.000000e+00> : vector<1024x1024xf32>
    %dot_general3A_12 = tpu.matmul %get3A_1, %get3A_4, %dot_general3A {dimension_numbers = #tpu.dot_dimension_numbers<[1], [0], [0], [1], [0, 0, 1, 1], [], []>, transpose_lhs_hint = false} : vector<1024x3xf32>, vector<3x1024xf32>, vector<1024x1024xf32> -> vector<1024x1024xf32>
    %mul3A_13 = arith.constant 2.000000e+00 : f32
    %mul3A_14 = vector.broadcast %mul3A_13 : f32 to vector<1024x1024xf32>
    %mul3A_15 = arith.mulf %mul3A_14, %dot_general3A_12 : vector<1024x1024xf32>
    %sub3A = arith.subf %add3A_11, %mul3A_15 : vector<1024x1024xf32>
    %iota3A = tpu.iota {dimensions = array<i32: 0>} : vector<1024x1024xi32>
    %iota3A_16 = tpu.iota {dimensions = array<i32: 1>} : vector<1024x1024xi32>
    %eq3A = arith.cmpi eq, %iota3A, %iota3A_16 : vector<1024x1024xi32>
    %jit3A = arith.constant 1.000000e+10 : f32
    %broadcast_in_dim3A_17 = vector.broadcast %jit3A : f32 to vector<1024x1024xf32>
    %select_n3A = arith.select %eq3A, %broadcast_in_dim3A_17, %sub3A : vector<1024x1024xi1>, vector<1024x1024xf32>
    %reduce_min3A = arith.constant dense<0x7F800000> : vector<1024xf32>
    %reduce_min3A_18 = vector.multi_reduction <minimumf>, %select_n3A, %reduce_min3A [1] : vector<1024x1024xf32> to vector<1024xf32>
    %broadcast_in_dim3A_19 = vector.shape_cast %reduce_min3A_18 : vector<1024xf32> to vector<1024x1xf32>
    %le3A = vector.broadcast %broadcast_in_dim3A_19 : vector<1024x1xf32> to vector<1024x1024xf32>
    %le3A_20 = arith.cmpf ole, %select_n3A, %le3A : vector<1024x1024xf32>
    %jit3A_21 = arith.constant 1073741824 : i32
    %broadcast_in_dim3A_22 = vector.broadcast %jit3A_21 : i32 to vector<1024x1024xi32>
    %select_n3A_23 = arith.select %le3A_20, %iota3A_16, %broadcast_in_dim3A_22 : vector<1024x1024xi1>, vector<1024x1024xi32>
    %reduce_min3A_24 = arith.constant dense<2147483647> : vector<1024xi32>
    %reduce_min3A_25 = vector.multi_reduction <minsi>, %select_n3A_23, %reduce_min3A_24 [1] : vector<1024x1024xi32> to vector<1024xi32>
    %broadcast_in_dim3A_26 = vector.shape_cast %reduce_min3A_25 : vector<1024xi32> to vector<1024x1xi32>
    %eq3A_27 = vector.broadcast %broadcast_in_dim3A_26 : vector<1024x1xi32> to vector<1024x1024xi32>
    %eq3A_28 = arith.cmpi eq, %iota3A_16, %eq3A_27 : vector<1024x1024xi32>
    %jit3A_29 = arith.constant 3.000000e+38 : f32
    %broadcast_in_dim3A_30 = vector.broadcast %jit3A_29 : f32 to vector<1024x1024xf32>
    %select_n3A_31 = arith.select %eq3A_28, %broadcast_in_dim3A_30, %select_n3A : vector<1024x1024xi1>, vector<1024x1024xf32>
    %reduce_min3A_32 = arith.constant dense<0x7F800000> : vector<1024xf32>
    %reduce_min3A_33 = vector.multi_reduction <minimumf>, %select_n3A_31, %reduce_min3A_32 [1] : vector<1024x1024xf32> to vector<1024xf32>
    %broadcast_in_dim3A_34 = vector.shape_cast %reduce_min3A_33 : vector<1024xf32> to vector<1024x1xf32>
    %le3A_35 = vector.broadcast %broadcast_in_dim3A_34 : vector<1024x1xf32> to vector<1024x1024xf32>
    %le3A_36 = arith.cmpf ole, %select_n3A_31, %le3A_35 : vector<1024x1024xf32>
    %jit3A_37 = arith.constant 1073741824 : i32
    %broadcast_in_dim3A_38 = vector.broadcast %jit3A_37 : i32 to vector<1024x1024xi32>
    %select_n3A_39 = arith.select %le3A_36, %iota3A_16, %broadcast_in_dim3A_38 : vector<1024x1024xi1>, vector<1024x1024xi32>
    %reduce_min3A_40 = arith.constant dense<2147483647> : vector<1024xi32>
    %reduce_min3A_41 = vector.multi_reduction <minsi>, %select_n3A_39, %reduce_min3A_40 [1] : vector<1024x1024xi32> to vector<1024xi32>
    %broadcast_in_dim3A_42 = vector.shape_cast %reduce_min3A_41 : vector<1024xi32> to vector<1024x1xi32>
    %eq3A_43 = vector.broadcast %broadcast_in_dim3A_42 : vector<1024x1xi32> to vector<1024x1024xi32>
    %eq3A_44 = arith.cmpi eq, %iota3A_16, %eq3A_43 : vector<1024x1024xi32>
    %jit3A_45 = arith.constant 3.000000e+38 : f32
    %broadcast_in_dim3A_46 = vector.broadcast %jit3A_45 : f32 to vector<1024x1024xf32>
    %select_n3A_47 = arith.select %eq3A_44, %broadcast_in_dim3A_46, %select_n3A_31 : vector<1024x1024xi1>, vector<1024x1024xf32>
    %reduce_min3A_48 = arith.constant dense<0x7F800000> : vector<1024xf32>
    %reduce_min3A_49 = vector.multi_reduction <minimumf>, %select_n3A_47, %reduce_min3A_48 [1] : vector<1024x1024xf32> to vector<1024xf32>
    %broadcast_in_dim3A_50 = vector.shape_cast %reduce_min3A_49 : vector<1024xf32> to vector<1024x1xf32>
    %le3A_51 = vector.broadcast %broadcast_in_dim3A_50 : vector<1024x1xf32> to vector<1024x1024xf32>
    %le3A_52 = arith.cmpf ole, %select_n3A_47, %le3A_51 : vector<1024x1024xf32>
    %jit3A_53 = arith.constant 1073741824 : i32
    %broadcast_in_dim3A_54 = vector.broadcast %jit3A_53 : i32 to vector<1024x1024xi32>
    %select_n3A_55 = arith.select %le3A_52, %iota3A_16, %broadcast_in_dim3A_54 : vector<1024x1024xi1>, vector<1024x1024xi32>
    %reduce_min3A_56 = arith.constant dense<2147483647> : vector<1024xi32>
    %reduce_min3A_57 = vector.multi_reduction <minsi>, %select_n3A_55, %reduce_min3A_56 [1] : vector<1024x1024xi32> to vector<1024xi32>
    %broadcast_in_dim3A_58 = vector.shape_cast %reduce_min3A_57 : vector<1024xi32> to vector<1024x1xi32>
    %eq3A_59 = vector.broadcast %broadcast_in_dim3A_58 : vector<1024x1xi32> to vector<1024x1024xi32>
    %eq3A_60 = arith.cmpi eq, %iota3A_16, %eq3A_59 : vector<1024x1024xi32>
    %jit3A_61 = arith.constant 3.000000e+38 : f32
    %broadcast_in_dim3A_62 = vector.broadcast %jit3A_61 : f32 to vector<1024x1024xf32>
    %select_n3A_63 = arith.select %eq3A_60, %broadcast_in_dim3A_62, %select_n3A_47 : vector<1024x1024xi1>, vector<1024x1024xf32>
    %reduce_min3A_64 = arith.constant dense<0x7F800000> : vector<1024xf32>
    %reduce_min3A_65 = vector.multi_reduction <minimumf>, %select_n3A_63, %reduce_min3A_64 [1] : vector<1024x1024xf32> to vector<1024xf32>
    %broadcast_in_dim3A_66 = vector.shape_cast %reduce_min3A_65 : vector<1024xf32> to vector<1024x1xf32>
    %le3A_67 = vector.broadcast %broadcast_in_dim3A_66 : vector<1024x1xf32> to vector<1024x1024xf32>
    %le3A_68 = arith.cmpf ole, %select_n3A_63, %le3A_67 : vector<1024x1024xf32>
    %jit3A_69 = arith.constant 1073741824 : i32
    %broadcast_in_dim3A_70 = vector.broadcast %jit3A_69 : i32 to vector<1024x1024xi32>
    %select_n3A_71 = arith.select %le3A_68, %iota3A_16, %broadcast_in_dim3A_70 : vector<1024x1024xi1>, vector<1024x1024xi32>
    %reduce_min3A_72 = arith.constant dense<2147483647> : vector<1024xi32>
    %reduce_min3A_73 = vector.multi_reduction <minsi>, %select_n3A_71, %reduce_min3A_72 [1] : vector<1024x1024xi32> to vector<1024xi32>
    %broadcast_in_dim3A_74 = vector.shape_cast %reduce_min3A_73 : vector<1024xi32> to vector<1024x1xi32>
    %eq3A_75 = vector.broadcast %broadcast_in_dim3A_74 : vector<1024x1xi32> to vector<1024x1024xi32>
    %eq3A_76 = arith.cmpi eq, %iota3A_16, %eq3A_75 : vector<1024x1024xi32>
    %jit3A_77 = arith.constant 3.000000e+38 : f32
    %broadcast_in_dim3A_78 = vector.broadcast %jit3A_77 : f32 to vector<1024x1024xf32>
    %select_n3A_79 = arith.select %eq3A_76, %broadcast_in_dim3A_78, %select_n3A_63 : vector<1024x1024xi1>, vector<1024x1024xf32>
    %reduce_min3A_80 = arith.constant dense<0x7F800000> : vector<1024xf32>
    %reduce_min3A_81 = vector.multi_reduction <minimumf>, %select_n3A_79, %reduce_min3A_80 [1] : vector<1024x1024xf32> to vector<1024xf32>
    %broadcast_in_dim3A_82 = vector.shape_cast %reduce_min3A_81 : vector<1024xf32> to vector<1024x1xf32>
    %le3A_83 = vector.broadcast %broadcast_in_dim3A_82 : vector<1024x1xf32> to vector<1024x1024xf32>
    %le3A_84 = arith.cmpf ole, %select_n3A_79, %le3A_83 : vector<1024x1024xf32>
    %jit3A_85 = arith.constant 1073741824 : i32
    %broadcast_in_dim3A_86 = vector.broadcast %jit3A_85 : i32 to vector<1024x1024xi32>
    %select_n3A_87 = arith.select %le3A_84, %iota3A_16, %broadcast_in_dim3A_86 : vector<1024x1024xi1>, vector<1024x1024xi32>
    %reduce_min3A_88 = arith.constant dense<2147483647> : vector<1024xi32>
    %reduce_min3A_89 = vector.multi_reduction <minsi>, %select_n3A_87, %reduce_min3A_88 [1] : vector<1024x1024xi32> to vector<1024xi32>
    %broadcast_in_dim3A_90 = vector.shape_cast %reduce_min3A_89 : vector<1024xi32> to vector<1024x1xi32>
    %eq3A_91 = vector.broadcast %broadcast_in_dim3A_90 : vector<1024x1xi32> to vector<1024x1024xi32>
    %eq3A_92 = arith.cmpi eq, %iota3A_16, %eq3A_91 : vector<1024x1024xi32>
    %jit3A_93 = arith.constant 3.000000e+38 : f32
    %broadcast_in_dim3A_94 = vector.broadcast %jit3A_93 : f32 to vector<1024x1024xf32>
    %select_n3A_95 = arith.select %eq3A_92, %broadcast_in_dim3A_94, %select_n3A_79 : vector<1024x1024xi1>, vector<1024x1024xf32>
    %reduce_min3A_96 = arith.constant dense<0x7F800000> : vector<1024xf32>
    %reduce_min3A_97 = vector.multi_reduction <minimumf>, %select_n3A_95, %reduce_min3A_96 [1] : vector<1024x1024xf32> to vector<1024xf32>
    %broadcast_in_dim3A_98 = vector.shape_cast %reduce_min3A_97 : vector<1024xf32> to vector<1024x1xf32>
    %le3A_99 = vector.broadcast %broadcast_in_dim3A_98 : vector<1024x1xf32> to vector<1024x1024xf32>
    %le3A_100 = arith.cmpf ole, %select_n3A_95, %le3A_99 : vector<1024x1024xf32>
    %jit3A_101 = arith.constant 1073741824 : i32
    %broadcast_in_dim3A_102 = vector.broadcast %jit3A_101 : i32 to vector<1024x1024xi32>
    %select_n3A_103 = arith.select %le3A_100, %iota3A_16, %broadcast_in_dim3A_102 : vector<1024x1024xi1>, vector<1024x1024xi32>
    %reduce_min3A_104 = arith.constant dense<2147483647> : vector<1024xi32>
    %reduce_min3A_105 = vector.multi_reduction <minsi>, %select_n3A_103, %reduce_min3A_104 [1] : vector<1024x1024xi32> to vector<1024xi32>
    %broadcast_in_dim3A_106 = vector.shape_cast %reduce_min3A_105 : vector<1024xi32> to vector<1024x1xi32>
    %eq3A_107 = vector.broadcast %broadcast_in_dim3A_106 : vector<1024x1xi32> to vector<1024x1024xi32>
    %eq3A_108 = arith.cmpi eq, %iota3A_16, %eq3A_107 : vector<1024x1024xi32>
    %jit3A_109 = arith.constant 3.000000e+38 : f32
    %broadcast_in_dim3A_110 = vector.broadcast %jit3A_109 : f32 to vector<1024x1024xf32>
    %select_n3A_111 = arith.select %eq3A_108, %broadcast_in_dim3A_110, %select_n3A_95 : vector<1024x1024xi1>, vector<1024x1024xf32>
    %reduce_min3A_112 = arith.constant dense<0x7F800000> : vector<1024xf32>
    %reduce_min3A_113 = vector.multi_reduction <minimumf>, %select_n3A_111, %reduce_min3A_112 [1] : vector<1024x1024xf32> to vector<1024xf32>
    %broadcast_in_dim3A_114 = vector.shape_cast %reduce_min3A_113 : vector<1024xf32> to vector<1024x1xf32>
    %le3A_115 = vector.broadcast %broadcast_in_dim3A_114 : vector<1024x1xf32> to vector<1024x1024xf32>
    %le3A_116 = arith.cmpf ole, %select_n3A_111, %le3A_115 : vector<1024x1024xf32>
    %jit3A_117 = arith.constant 1073741824 : i32
    %broadcast_in_dim3A_118 = vector.broadcast %jit3A_117 : i32 to vector<1024x1024xi32>
    %select_n3A_119 = arith.select %le3A_116, %iota3A_16, %broadcast_in_dim3A_118 : vector<1024x1024xi1>, vector<1024x1024xi32>
    %reduce_min3A_120 = arith.constant dense<2147483647> : vector<1024xi32>
    %reduce_min3A_121 = vector.multi_reduction <minsi>, %select_n3A_119, %reduce_min3A_120 [1] : vector<1024x1024xi32> to vector<1024xi32>
    %broadcast_in_dim3A_122 = vector.shape_cast %reduce_min3A_121 : vector<1024xi32> to vector<1024x1xi32>
    %eq3A_123 = vector.broadcast %broadcast_in_dim3A_122 : vector<1024x1xi32> to vector<1024x1024xi32>
    %eq3A_124 = arith.cmpi eq, %iota3A_16, %eq3A_123 : vector<1024x1024xi32>
    %jit3A_125 = arith.constant 3.000000e+38 : f32
    %broadcast_in_dim3A_126 = vector.broadcast %jit3A_125 : f32 to vector<1024x1024xf32>
    %select_n3A_127 = arith.select %eq3A_124, %broadcast_in_dim3A_126, %select_n3A_111 : vector<1024x1024xi1>, vector<1024x1024xf32>
    %reduce_min3A_128 = arith.constant dense<0x7F800000> : vector<1024xf32>
    %reduce_min3A_129 = vector.multi_reduction <minimumf>, %select_n3A_127, %reduce_min3A_128 [1] : vector<1024x1024xf32> to vector<1024xf32>
    %broadcast_in_dim3A_130 = vector.shape_cast %reduce_min3A_129 : vector<1024xf32> to vector<1024x1xf32>
    %le3A_131 = vector.broadcast %broadcast_in_dim3A_130 : vector<1024x1xf32> to vector<1024x1024xf32>
    %le3A_132 = arith.cmpf ole, %select_n3A_127, %le3A_131 : vector<1024x1024xf32>
    %jit3A_133 = arith.constant 1073741824 : i32
    %broadcast_in_dim3A_134 = vector.broadcast %jit3A_133 : i32 to vector<1024x1024xi32>
    %select_n3A_135 = arith.select %le3A_132, %iota3A_16, %broadcast_in_dim3A_134 : vector<1024x1024xi1>, vector<1024x1024xi32>
    %reduce_min3A_136 = arith.constant dense<2147483647> : vector<1024xi32>
    %reduce_min3A_137 = vector.multi_reduction <minsi>, %select_n3A_135, %reduce_min3A_136 [1] : vector<1024x1024xi32> to vector<1024xi32>
    %broadcast_in_dim3A_138 = vector.shape_cast %reduce_min3A_137 : vector<1024xi32> to vector<1024x1xi32>
    %eq3A_139 = vector.broadcast %broadcast_in_dim3A_138 : vector<1024x1xi32> to vector<1024x1024xi32>
    %eq3A_140 = arith.cmpi eq, %iota3A_16, %eq3A_139 : vector<1024x1024xi32>
    %jit3A_141 = arith.constant 3.000000e+38 : f32
    %broadcast_in_dim3A_142 = vector.broadcast %jit3A_141 : f32 to vector<1024x1024xf32>
    %select_n3A_143 = arith.select %eq3A_140, %broadcast_in_dim3A_142, %select_n3A_127 : vector<1024x1024xi1>, vector<1024x1024xf32>
    %reduce_min3A_144 = arith.constant dense<0x7F800000> : vector<1024xf32>
    %reduce_min3A_145 = vector.multi_reduction <minimumf>, %select_n3A_143, %reduce_min3A_144 [1] : vector<1024x1024xf32> to vector<1024xf32>
    %broadcast_in_dim3A_146 = vector.shape_cast %reduce_min3A_145 : vector<1024xf32> to vector<1024x1xf32>
    %le3A_147 = vector.broadcast %broadcast_in_dim3A_146 : vector<1024x1xf32> to vector<1024x1024xf32>
    %le3A_148 = arith.cmpf ole, %select_n3A_143, %le3A_147 : vector<1024x1024xf32>
    %jit3A_149 = arith.constant 1073741824 : i32
    %broadcast_in_dim3A_150 = vector.broadcast %jit3A_149 : i32 to vector<1024x1024xi32>
    %select_n3A_151 = arith.select %le3A_148, %iota3A_16, %broadcast_in_dim3A_150 : vector<1024x1024xi1>, vector<1024x1024xi32>
    %reduce_min3A_152 = arith.constant dense<2147483647> : vector<1024xi32>
    %reduce_min3A_153 = vector.multi_reduction <minsi>, %select_n3A_151, %reduce_min3A_152 [1] : vector<1024x1024xi32> to vector<1024xi32>
    %broadcast_in_dim3A_154 = vector.shape_cast %reduce_min3A_153 : vector<1024xi32> to vector<1024x1xi32>
    %eq3A_155 = vector.broadcast %broadcast_in_dim3A_154 : vector<1024x1xi32> to vector<1024x1024xi32>
    %eq3A_156 = arith.cmpi eq, %iota3A_16, %eq3A_155 : vector<1024x1024xi32>
    %jit3A_157 = arith.constant 3.000000e+38 : f32
    %broadcast_in_dim3A_158 = vector.broadcast %jit3A_157 : f32 to vector<1024x1024xf32>
    %select_n3A_159 = arith.select %eq3A_156, %broadcast_in_dim3A_158, %select_n3A_143 : vector<1024x1024xi1>, vector<1024x1024xf32>
    %reduce_min3A_160 = arith.constant dense<0x7F800000> : vector<1024xf32>
    %reduce_min3A_161 = vector.multi_reduction <minimumf>, %select_n3A_159, %reduce_min3A_160 [1] : vector<1024x1024xf32> to vector<1024xf32>
    %broadcast_in_dim3A_162 = vector.shape_cast %reduce_min3A_161 : vector<1024xf32> to vector<1024x1xf32>
    %le3A_163 = vector.broadcast %broadcast_in_dim3A_162 : vector<1024x1xf32> to vector<1024x1024xf32>
    %le3A_164 = arith.cmpf ole, %select_n3A_159, %le3A_163 : vector<1024x1024xf32>
    %jit3A_165 = arith.constant 1073741824 : i32
    %broadcast_in_dim3A_166 = vector.broadcast %jit3A_165 : i32 to vector<1024x1024xi32>
    %select_n3A_167 = arith.select %le3A_164, %iota3A_16, %broadcast_in_dim3A_166 : vector<1024x1024xi1>, vector<1024x1024xi32>
    %reduce_min3A_168 = arith.constant dense<2147483647> : vector<1024xi32>
    %reduce_min3A_169 = vector.multi_reduction <minsi>, %select_n3A_167, %reduce_min3A_168 [1] : vector<1024x1024xi32> to vector<1024xi32>
    %broadcast_in_dim3A_170 = vector.shape_cast %reduce_min3A_169 : vector<1024xi32> to vector<1024x1xi32>
    %eq3A_171 = vector.broadcast %broadcast_in_dim3A_170 : vector<1024x1xi32> to vector<1024x1024xi32>
    %eq3A_172 = arith.cmpi eq, %iota3A_16, %eq3A_171 : vector<1024x1024xi32>
    %jit3A_173 = arith.constant 3.000000e+38 : f32
    %broadcast_in_dim3A_174 = vector.broadcast %jit3A_173 : f32 to vector<1024x1024xf32>
    %select_n3A_175 = arith.select %eq3A_172, %broadcast_in_dim3A_174, %select_n3A_159 : vector<1024x1024xi1>, vector<1024x1024xf32>
    %reduce_min3A_176 = arith.constant dense<0x7F800000> : vector<1024xf32>
    %reduce_min3A_177 = vector.multi_reduction <minimumf>, %select_n3A_175, %reduce_min3A_176 [1] : vector<1024x1024xf32> to vector<1024xf32>
    %broadcast_in_dim3A_178 = vector.shape_cast %reduce_min3A_177 : vector<1024xf32> to vector<1024x1xf32>
    %le3A_179 = vector.broadcast %broadcast_in_dim3A_178 : vector<1024x1xf32> to vector<1024x1024xf32>
    %le3A_180 = arith.cmpf ole, %select_n3A_175, %le3A_179 : vector<1024x1024xf32>
    %jit3A_181 = arith.constant 1073741824 : i32
    %broadcast_in_dim3A_182 = vector.broadcast %jit3A_181 : i32 to vector<1024x1024xi32>
    %select_n3A_183 = arith.select %le3A_180, %iota3A_16, %broadcast_in_dim3A_182 : vector<1024x1024xi1>, vector<1024x1024xi32>
    %reduce_min3A_184 = arith.constant dense<2147483647> : vector<1024xi32>
    %reduce_min3A_185 = vector.multi_reduction <minsi>, %select_n3A_183, %reduce_min3A_184 [1] : vector<1024x1024xi32> to vector<1024xi32>
    %broadcast_in_dim3A_186 = vector.shape_cast %reduce_min3A_185 : vector<1024xi32> to vector<1024x1xi32>
    %eq3A_187 = vector.broadcast %broadcast_in_dim3A_186 : vector<1024x1xi32> to vector<1024x1024xi32>
    %eq3A_188 = arith.cmpi eq, %iota3A_16, %eq3A_187 : vector<1024x1024xi32>
    %jit3A_189 = arith.constant 3.000000e+38 : f32
    %broadcast_in_dim3A_190 = vector.broadcast %jit3A_189 : f32 to vector<1024x1024xf32>
    %select_n3A_191 = arith.select %eq3A_188, %broadcast_in_dim3A_190, %select_n3A_175 : vector<1024x1024xi1>, vector<1024x1024xf32>
    %reduce_min3A_192 = arith.constant dense<0x7F800000> : vector<1024xf32>
    %reduce_min3A_193 = vector.multi_reduction <minimumf>, %select_n3A_191, %reduce_min3A_192 [1] : vector<1024x1024xf32> to vector<1024xf32>
    %broadcast_in_dim3A_194 = vector.shape_cast %reduce_min3A_193 : vector<1024xf32> to vector<1024x1xf32>
    %le3A_195 = vector.broadcast %broadcast_in_dim3A_194 : vector<1024x1xf32> to vector<1024x1024xf32>
    %le3A_196 = arith.cmpf ole, %select_n3A_191, %le3A_195 : vector<1024x1024xf32>
    %jit3A_197 = arith.constant 1073741824 : i32
    %broadcast_in_dim3A_198 = vector.broadcast %jit3A_197 : i32 to vector<1024x1024xi32>
    %select_n3A_199 = arith.select %le3A_196, %iota3A_16, %broadcast_in_dim3A_198 : vector<1024x1024xi1>, vector<1024x1024xi32>
    %reduce_min3A_200 = arith.constant dense<2147483647> : vector<1024xi32>
    %reduce_min3A_201 = vector.multi_reduction <minsi>, %select_n3A_199, %reduce_min3A_200 [1] : vector<1024x1024xi32> to vector<1024xi32>
    %broadcast_in_dim3A_202 = vector.shape_cast %reduce_min3A_201 : vector<1024xi32> to vector<1024x1xi32>
    %eq3A_203 = vector.broadcast %broadcast_in_dim3A_202 : vector<1024x1xi32> to vector<1024x1024xi32>
    %eq3A_204 = arith.cmpi eq, %iota3A_16, %eq3A_203 : vector<1024x1024xi32>
    %jit3A_205 = arith.constant 3.000000e+38 : f32
    %broadcast_in_dim3A_206 = vector.broadcast %jit3A_205 : f32 to vector<1024x1024xf32>
    %select_n3A_207 = arith.select %eq3A_204, %broadcast_in_dim3A_206, %select_n3A_191 : vector<1024x1024xi1>, vector<1024x1024xf32>
    %reduce_min3A_208 = arith.constant dense<0x7F800000> : vector<1024xf32>
    %reduce_min3A_209 = vector.multi_reduction <minimumf>, %select_n3A_207, %reduce_min3A_208 [1] : vector<1024x1024xf32> to vector<1024xf32>
    %broadcast_in_dim3A_210 = vector.shape_cast %reduce_min3A_209 : vector<1024xf32> to vector<1024x1xf32>
    %le3A_211 = vector.broadcast %broadcast_in_dim3A_210 : vector<1024x1xf32> to vector<1024x1024xf32>
    %le3A_212 = arith.cmpf ole, %select_n3A_207, %le3A_211 : vector<1024x1024xf32>
    %jit3A_213 = arith.constant 1073741824 : i32
    %broadcast_in_dim3A_214 = vector.broadcast %jit3A_213 : i32 to vector<1024x1024xi32>
    %select_n3A_215 = arith.select %le3A_212, %iota3A_16, %broadcast_in_dim3A_214 : vector<1024x1024xi1>, vector<1024x1024xi32>
    %reduce_min3A_216 = arith.constant dense<2147483647> : vector<1024xi32>
    %reduce_min3A_217 = vector.multi_reduction <minsi>, %select_n3A_215, %reduce_min3A_216 [1] : vector<1024x1024xi32> to vector<1024xi32>
    %broadcast_in_dim3A_218 = vector.shape_cast %reduce_min3A_217 : vector<1024xi32> to vector<1024x1xi32>
    %eq3A_219 = vector.broadcast %broadcast_in_dim3A_218 : vector<1024x1xi32> to vector<1024x1024xi32>
    %eq3A_220 = arith.cmpi eq, %iota3A_16, %eq3A_219 : vector<1024x1024xi32>
    %jit3A_221 = arith.constant 3.000000e+38 : f32
    %broadcast_in_dim3A_222 = vector.broadcast %jit3A_221 : f32 to vector<1024x1024xf32>
    %select_n3A_223 = arith.select %eq3A_220, %broadcast_in_dim3A_222, %select_n3A_207 : vector<1024x1024xi1>, vector<1024x1024xf32>
    %reduce_min3A_224 = arith.constant dense<0x7F800000> : vector<1024xf32>
    %reduce_min3A_225 = vector.multi_reduction <minimumf>, %select_n3A_223, %reduce_min3A_224 [1] : vector<1024x1024xf32> to vector<1024xf32>
    %broadcast_in_dim3A_226 = vector.shape_cast %reduce_min3A_225 : vector<1024xf32> to vector<1024x1xf32>
    %le3A_227 = vector.broadcast %broadcast_in_dim3A_226 : vector<1024x1xf32> to vector<1024x1024xf32>
    %le3A_228 = arith.cmpf ole, %select_n3A_223, %le3A_227 : vector<1024x1024xf32>
    %jit3A_229 = arith.constant 1073741824 : i32
    %broadcast_in_dim3A_230 = vector.broadcast %jit3A_229 : i32 to vector<1024x1024xi32>
    %select_n3A_231 = arith.select %le3A_228, %iota3A_16, %broadcast_in_dim3A_230 : vector<1024x1024xi1>, vector<1024x1024xi32>
    %reduce_min3A_232 = arith.constant dense<2147483647> : vector<1024xi32>
    %reduce_min3A_233 = vector.multi_reduction <minsi>, %select_n3A_231, %reduce_min3A_232 [1] : vector<1024x1024xi32> to vector<1024xi32>
    %broadcast_in_dim3A_234 = vector.shape_cast %reduce_min3A_233 : vector<1024xi32> to vector<1024x1xi32>
    %eq3A_235 = vector.broadcast %broadcast_in_dim3A_234 : vector<1024x1xi32> to vector<1024x1024xi32>
    %eq3A_236 = arith.cmpi eq, %iota3A_16, %eq3A_235 : vector<1024x1024xi32>
    %jit3A_237 = arith.constant 3.000000e+38 : f32
    %broadcast_in_dim3A_238 = vector.broadcast %jit3A_237 : f32 to vector<1024x1024xf32>
    %select_n3A_239 = arith.select %eq3A_236, %broadcast_in_dim3A_238, %select_n3A_223 : vector<1024x1024xi1>, vector<1024x1024xf32>
    %reduce_min3A_240 = arith.constant dense<0x7F800000> : vector<1024xf32>
    %reduce_min3A_241 = vector.multi_reduction <minimumf>, %select_n3A_239, %reduce_min3A_240 [1] : vector<1024x1024xf32> to vector<1024xf32>
    %broadcast_in_dim3A_242 = vector.shape_cast %reduce_min3A_241 : vector<1024xf32> to vector<1024x1xf32>
    %le3A_243 = vector.broadcast %broadcast_in_dim3A_242 : vector<1024x1xf32> to vector<1024x1024xf32>
    %le3A_244 = arith.cmpf ole, %select_n3A_239, %le3A_243 : vector<1024x1024xf32>
    %jit3A_245 = arith.constant 1073741824 : i32
    %broadcast_in_dim3A_246 = vector.broadcast %jit3A_245 : i32 to vector<1024x1024xi32>
    %select_n3A_247 = arith.select %le3A_244, %iota3A_16, %broadcast_in_dim3A_246 : vector<1024x1024xi1>, vector<1024x1024xi32>
    %reduce_min3A_248 = arith.constant dense<2147483647> : vector<1024xi32>
    %reduce_min3A_249 = vector.multi_reduction <minsi>, %select_n3A_247, %reduce_min3A_248 [1] : vector<1024x1024xi32> to vector<1024xi32>
    %broadcast_in_dim3A_250 = vector.shape_cast %reduce_min3A_249 : vector<1024xi32> to vector<1024x1xi32>
    %eq3A_251 = vector.broadcast %broadcast_in_dim3A_250 : vector<1024x1xi32> to vector<1024x1024xi32>
    %eq3A_252 = arith.cmpi eq, %iota3A_16, %eq3A_251 : vector<1024x1024xi32>
    %jit3A_253 = arith.constant 3.000000e+38 : f32
    %broadcast_in_dim3A_254 = vector.broadcast %jit3A_253 : f32 to vector<1024x1024xf32>
    %select_n3A_255 = arith.select %eq3A_252, %broadcast_in_dim3A_254, %select_n3A_239 : vector<1024x1024xi1>, vector<1024x1024xf32>
    %reduce_min3A_256 = arith.constant dense<0x7F800000> : vector<1024xf32>
    %reduce_min3A_257 = vector.multi_reduction <minimumf>, %select_n3A_255, %reduce_min3A_256 [1] : vector<1024x1024xf32> to vector<1024xf32>
    %broadcast_in_dim3A_258 = vector.shape_cast %reduce_min3A_257 : vector<1024xf32> to vector<1024x1xf32>
    %le3A_259 = vector.broadcast %broadcast_in_dim3A_258 : vector<1024x1xf32> to vector<1024x1024xf32>
    %le3A_260 = arith.cmpf ole, %select_n3A_255, %le3A_259 : vector<1024x1024xf32>
    %jit3A_261 = arith.constant 1073741824 : i32
    %broadcast_in_dim3A_262 = vector.broadcast %jit3A_261 : i32 to vector<1024x1024xi32>
    %select_n3A_263 = arith.select %le3A_260, %iota3A_16, %broadcast_in_dim3A_262 : vector<1024x1024xi1>, vector<1024x1024xi32>
    %reduce_min3A_264 = arith.constant dense<2147483647> : vector<1024xi32>
    %reduce_min3A_265 = vector.multi_reduction <minsi>, %select_n3A_263, %reduce_min3A_264 [1] : vector<1024x1024xi32> to vector<1024xi32>
    %broadcast_in_dim3A_266 = vector.shape_cast %reduce_min3A_265 : vector<1024xi32> to vector<1024x1xi32>
    %eq3A_267 = vector.broadcast %broadcast_in_dim3A_266 : vector<1024x1xi32> to vector<1024x1024xi32>
    %eq3A_268 = arith.cmpi eq, %iota3A_16, %eq3A_267 : vector<1024x1024xi32>
    %jit3A_269 = arith.constant 3.000000e+38 : f32
    %broadcast_in_dim3A_270 = vector.broadcast %jit3A_269 : f32 to vector<1024x1024xf32>
    %select_n3A_271 = arith.select %eq3A_268, %broadcast_in_dim3A_270, %select_n3A_255 : vector<1024x1024xi1>, vector<1024x1024xf32>
    %reduce_min3A_272 = arith.constant dense<0x7F800000> : vector<1024xf32>
    %reduce_min3A_273 = vector.multi_reduction <minimumf>, %select_n3A_271, %reduce_min3A_272 [1] : vector<1024x1024xf32> to vector<1024xf32>
    %broadcast_in_dim3A_274 = vector.shape_cast %reduce_min3A_273 : vector<1024xf32> to vector<1024x1xf32>
    %le3A_275 = vector.broadcast %broadcast_in_dim3A_274 : vector<1024x1xf32> to vector<1024x1024xf32>
    %le3A_276 = arith.cmpf ole, %select_n3A_271, %le3A_275 : vector<1024x1024xf32>
    %jit3A_277 = arith.constant 1073741824 : i32
    %broadcast_in_dim3A_278 = vector.broadcast %jit3A_277 : i32 to vector<1024x1024xi32>
    %select_n3A_279 = arith.select %le3A_276, %iota3A_16, %broadcast_in_dim3A_278 : vector<1024x1024xi1>, vector<1024x1024xi32>
    %reduce_min3A_280 = arith.constant dense<2147483647> : vector<1024xi32>
    %reduce_min3A_281 = vector.multi_reduction <minsi>, %select_n3A_279, %reduce_min3A_280 [1] : vector<1024x1024xi32> to vector<1024xi32>
    %broadcast_in_dim3A_282 = vector.shape_cast %reduce_min3A_281 : vector<1024xi32> to vector<1024x1xi32>
    %eq3A_283 = vector.broadcast %broadcast_in_dim3A_282 : vector<1024x1xi32> to vector<1024x1024xi32>
    %eq3A_284 = arith.cmpi eq, %iota3A_16, %eq3A_283 : vector<1024x1024xi32>
    %jit3A_285 = arith.constant 3.000000e+38 : f32
    %broadcast_in_dim3A_286 = vector.broadcast %jit3A_285 : f32 to vector<1024x1024xf32>
    %select_n3A_287 = arith.select %eq3A_284, %broadcast_in_dim3A_286, %select_n3A_271 : vector<1024x1024xi1>, vector<1024x1024xf32>
    %reduce_min3A_288 = arith.constant dense<0x7F800000> : vector<1024xf32>
    %reduce_min3A_289 = vector.multi_reduction <minimumf>, %select_n3A_287, %reduce_min3A_288 [1] : vector<1024x1024xf32> to vector<1024xf32>
    %broadcast_in_dim3A_290 = vector.shape_cast %reduce_min3A_289 : vector<1024xf32> to vector<1024x1xf32>
    %le3A_291 = vector.broadcast %broadcast_in_dim3A_290 : vector<1024x1xf32> to vector<1024x1024xf32>
    %le3A_292 = arith.cmpf ole, %select_n3A_287, %le3A_291 : vector<1024x1024xf32>
    %jit3A_293 = arith.constant 1073741824 : i32
    %broadcast_in_dim3A_294 = vector.broadcast %jit3A_293 : i32 to vector<1024x1024xi32>
    %select_n3A_295 = arith.select %le3A_292, %iota3A_16, %broadcast_in_dim3A_294 : vector<1024x1024xi1>, vector<1024x1024xi32>
    %reduce_min3A_296 = arith.constant dense<2147483647> : vector<1024xi32>
    %reduce_min3A_297 = vector.multi_reduction <minsi>, %select_n3A_295, %reduce_min3A_296 [1] : vector<1024x1024xi32> to vector<1024xi32>
    %broadcast_in_dim3A_298 = vector.shape_cast %reduce_min3A_297 : vector<1024xi32> to vector<1024x1xi32>
    %eq3A_299 = vector.broadcast %broadcast_in_dim3A_298 : vector<1024x1xi32> to vector<1024x1024xi32>
    %eq3A_300 = arith.cmpi eq, %iota3A_16, %eq3A_299 : vector<1024x1024xi32>
    %jit3A_301 = arith.constant 3.000000e+38 : f32
    %broadcast_in_dim3A_302 = vector.broadcast %jit3A_301 : f32 to vector<1024x1024xf32>
    %select_n3A_303 = arith.select %eq3A_300, %broadcast_in_dim3A_302, %select_n3A_287 : vector<1024x1024xi1>, vector<1024x1024xf32>
    %reduce_min3A_304 = arith.constant dense<0x7F800000> : vector<1024xf32>
    %reduce_min3A_305 = vector.multi_reduction <minimumf>, %select_n3A_303, %reduce_min3A_304 [1] : vector<1024x1024xf32> to vector<1024xf32>
    %broadcast_in_dim3A_306 = vector.shape_cast %reduce_min3A_305 : vector<1024xf32> to vector<1024x1xf32>
    %le3A_307 = vector.broadcast %broadcast_in_dim3A_306 : vector<1024x1xf32> to vector<1024x1024xf32>
    %le3A_308 = arith.cmpf ole, %select_n3A_303, %le3A_307 : vector<1024x1024xf32>
    %jit3A_309 = arith.constant 1073741824 : i32
    %broadcast_in_dim3A_310 = vector.broadcast %jit3A_309 : i32 to vector<1024x1024xi32>
    %select_n3A_311 = arith.select %le3A_308, %iota3A_16, %broadcast_in_dim3A_310 : vector<1024x1024xi1>, vector<1024x1024xi32>
    %reduce_min3A_312 = arith.constant dense<2147483647> : vector<1024xi32>
    %reduce_min3A_313 = vector.multi_reduction <minsi>, %select_n3A_311, %reduce_min3A_312 [1] : vector<1024x1024xi32> to vector<1024xi32>
    %broadcast_in_dim3A_314 = vector.shape_cast %reduce_min3A_313 : vector<1024xi32> to vector<1024x1xi32>
    %eq3A_315 = vector.broadcast %broadcast_in_dim3A_314 : vector<1024x1xi32> to vector<1024x1024xi32>
    %eq3A_316 = arith.cmpi eq, %iota3A_16, %eq3A_315 : vector<1024x1024xi32>
    %jit3A_317 = arith.constant 3.000000e+38 : f32
    %broadcast_in_dim3A_318 = vector.broadcast %jit3A_317 : f32 to vector<1024x1024xf32>
    %select_n3A_319 = arith.select %eq3A_316, %broadcast_in_dim3A_318, %select_n3A_303 : vector<1024x1024xi1>, vector<1024x1024xf32>
    %reduce_min3A_320 = arith.constant dense<0x7F800000> : vector<1024xf32>
    %reduce_min3A_321 = vector.multi_reduction <minimumf>, %select_n3A_319, %reduce_min3A_320 [1] : vector<1024x1024xf32> to vector<1024xf32>
    %broadcast_in_dim3A_322 = vector.shape_cast %reduce_min3A_321 : vector<1024xf32> to vector<1024x1xf32>
    %le3A_323 = vector.broadcast %broadcast_in_dim3A_322 : vector<1024x1xf32> to vector<1024x1024xf32>
    %le3A_324 = arith.cmpf ole, %select_n3A_319, %le3A_323 : vector<1024x1024xf32>
    %jit3A_325 = arith.constant 1073741824 : i32
    %broadcast_in_dim3A_326 = vector.broadcast %jit3A_325 : i32 to vector<1024x1024xi32>
    %select_n3A_327 = arith.select %le3A_324, %iota3A_16, %broadcast_in_dim3A_326 : vector<1024x1024xi1>, vector<1024x1024xi32>
    %reduce_min3A_328 = arith.constant dense<2147483647> : vector<1024xi32>
    %reduce_min3A_329 = vector.multi_reduction <minsi>, %select_n3A_327, %reduce_min3A_328 [1] : vector<1024x1024xi32> to vector<1024xi32>
    %broadcast_in_dim3A_330 = vector.shape_cast %reduce_min3A_329 : vector<1024xi32> to vector<1024x1xi32>
    %concatenate3A = tpu.concatenate %broadcast_in_dim3A_26, %broadcast_in_dim3A_42, %broadcast_in_dim3A_58, %broadcast_in_dim3A_74, %broadcast_in_dim3A_90, %broadcast_in_dim3A_106, %broadcast_in_dim3A_122, %broadcast_in_dim3A_138, %broadcast_in_dim3A_154, %broadcast_in_dim3A_170, %broadcast_in_dim3A_186, %broadcast_in_dim3A_202, %broadcast_in_dim3A_218, %broadcast_in_dim3A_234, %broadcast_in_dim3A_250, %broadcast_in_dim3A_266, %broadcast_in_dim3A_282, %broadcast_in_dim3A_298, %broadcast_in_dim3A_314, %broadcast_in_dim3A_330 in 1 : vector<1024x1xi32>, vector<1024x1xi32>, vector<1024x1xi32>, vector<1024x1xi32>, vector<1024x1xi32>, vector<1024x1xi32>, vector<1024x1xi32>, vector<1024x1xi32>, vector<1024x1xi32>, vector<1024x1xi32>, vector<1024x1xi32>, vector<1024x1xi32>, vector<1024x1xi32>, vector<1024x1xi32>, vector<1024x1xi32>, vector<1024x1xi32>, vector<1024x1xi32>, vector<1024x1xi32>, vector<1024x1xi32>, vector<1024x1xi32> -> vector<1024x20xi32>
    %swap3A = arith.constant 0 : index
    %swap3A_331 = arith.constant 0 : index
    %swap3A_332 = arith.constant 0 : index
    %swap3A_333 = vector.load %arg3[%swap3A, %swap3A_331, %swap3A_332] : memref<1x1024x20xi32, #tpu.memory_space<vmem>>, vector<1x1024x20xi32>
    %swap3A_334 = vector.shape_cast %swap3A_333 : vector<1x1024x20xi32> to vector<1024x20xi32>
    %swap3A_335 = vector.shape_cast %concatenate3A : vector<1024x20xi32> to vector<1x1024x20xi32>
    tpu.vector_store %arg3[%swap3A, %swap3A_331, %swap3A_332], %swap3A_335 {strides = array<i32>} : memref<1x1024x20xi32, #tpu.memory_space<vmem>>, vector<1x1024x20xi32>,
    return
  }
  func.func @transform_0(%arg0: i32) -> (i32, i32) {
    %c0_i32 = arith.constant 0 : i32
    %c0_i32_0 = arith.constant 0 : i32
    return %arg0, %c0_i32 : i32, i32
  }
  func.func @transform_1(%arg0: i32) -> (i32, i32) {
    %c0_i32 = arith.constant 0 : i32
    %c0_i32_0 = arith.constant 0 : i32
    return %c0_i32, %arg0 : i32, i32
  }
  func.func @transform_2(%arg0: i32) -> (i32, i32, i32) {
    %c0_i32 = arith.constant 0 : i32
    %c0_i32_0 = arith.constant 0 : i32
    %c0_i32_1 = arith.constant 0 : i32
    return %arg0, %c0_i32, %c0_i32_0 : i32, i32, i32
  }
}

module attributes {stable_mosaic.version = 14 : i64} {
  func.func @_stats1_body(%arg0: i32, %arg1: memref<20x3x1024xf32, #tpu.memory_space<vmem>>, %arg2: memref<64x3xf32, #tpu.memory_space<vmem>>, %arg3: memref<64x1xf32, #tpu.memory_space<vmem>>, %arg4: memref<64x1xf32, #tpu.memory_space<vmem>>, %arg5: memref<64x1xf32, #tpu.memory_space<vmem>>) attributes {dimension_semantics = [#tpu.dimension_semantics<arbitrary>], iteration_bounds = array<i64: 32>, scalar_prefetch = 0 : i64, scratch_operands = 0 : i64, tpu.core_type = #tpu.core_type<tc>, window_params = [{transform_indices = @transform_0, window_bounds = array<i64: 20, 3, 1024>}, {pipeline_mode = #tpu.pipeline_mode<synchronous>, transform_indices = @transform_1, window_bounds = array<i64: 64, 3>}, {pipeline_mode = #tpu.pipeline_mode<synchronous>, transform_indices = @transform_2, window_bounds = array<i64: 64, 1>}, {pipeline_mode = #tpu.pipeline_mode<synchronous>, transform_indices = @transform_3, window_bounds = array<i64: 64, 1>}, {pipeline_mode = #tpu.pipeline_mode<synchronous>, transform_indices = @transform_4, window_bounds = array<i64: 64, 1>}]} {
    %eq3A = arith.constant 0 : i32
    %eq3A_0 = arith.cmpi eq, %arg0, %eq3A : i32
    %convert_element_type3A = arith.extui %eq3A_0 : i1 to i32
    %cond3A = arith.constant 0 : i32
    %cond3A_1 = arith.cmpi ne, %convert_element_type3A, %cond3A : i32
    scf.if %cond3A_1 {
      %broadcast_in_dim3A_438 = arith.constant 0.000000e+00 : f32
      %broadcast_in_dim3A_439 = vector.broadcast %broadcast_in_dim3A_438 : f32 to vector<64x1xf32>
      %swap3A_440 = arith.constant 0 : index
      %swap3A_441 = arith.constant 0 : index
      %swap3A_442 = vector.load %arg4[%swap3A_440, %swap3A_441] : memref<64x1xf32, #tpu.memory_space<vmem>>, vector<64x1xf32>
      tpu.vector_store %arg4[%swap3A_440, %swap3A_441], %broadcast_in_dim3A_439 {strides = array<i32>} : memref<64x1xf32, #tpu.memory_space<vmem>>, vector<64x1xf32>,
      %broadcast_in_dim3A_443 = arith.constant 0.000000e+00 : f32
      %broadcast_in_dim3A_444 = vector.broadcast %broadcast_in_dim3A_443 : f32 to vector<64x1xf32>
      %swap3A_445 = arith.constant 0 : index
      %swap3A_446 = arith.constant 0 : index
      %swap3A_447 = vector.load %arg5[%swap3A_445, %swap3A_446] : memref<64x1xf32, #tpu.memory_space<vmem>>, vector<64x1xf32>
      tpu.vector_store %arg5[%swap3A_445, %swap3A_446], %broadcast_in_dim3A_444 {strides = array<i32>} : memref<64x1xf32, #tpu.memory_space<vmem>>, vector<64x1xf32>,
    } else {
    }
    %get3A = arith.constant 0 : index
    %get3A_2 = arith.constant 0 : index
    %get3A_3 = vector.load %arg2[%get3A, %get3A_2] : memref<64x3xf32, #tpu.memory_space<vmem>>, vector<64x3xf32>
    %get3A_4 = arith.constant 0 : index
    %get3A_5 = arith.constant 0 : index
    %get3A_6 = vector.load %arg3[%get3A_4, %get3A_5] : memref<64x1xf32, #tpu.memory_space<vmem>>, vector<64x1xf32>
    %broadcast_in_dim3A = arith.constant 0.000000e+00 : f32
    %broadcast_in_dim3A_7 = vector.broadcast %broadcast_in_dim3A : f32 to vector<64x1xf32>
    %broadcast_in_dim3A_8 = arith.constant 0.000000e+00 : f32
    %broadcast_in_dim3A_9 = vector.broadcast %broadcast_in_dim3A_8 : f32 to vector<64x1xf32>
    %get3A_10 = arith.constant 0 : index
    %get3A_11 = arith.constant 0 : index
    %get3A_12 = arith.constant 0 : index
    %get3A_13 = vector.load %arg1[%get3A_10, %get3A_11, %get3A_12] : memref<20x3x1024xf32, #tpu.memory_space<vmem>>, vector<1x3x1024xf32>
    %get3A_14 = vector.shape_cast %get3A_13 : vector<1x3x1024xf32> to vector<3x1024xf32>
    %dot_general3A = arith.constant dense<0.000000e+00> : vector<64x1024xf32>
    %dot_general3A_15 = tpu.matmul %get3A_3, %get3A_14, %dot_general3A {dimension_numbers = #tpu.dot_dimension_numbers<[1], [0], [0], [1], [0, 0, 1, 1], [], []>, transpose_lhs_hint = false} : vector<64x3xf32>, vector<3x1024xf32>, vector<64x1024xf32> -> vector<64x1024xf32>
    %add3A = vector.broadcast %get3A_6 : vector<64x1xf32> to vector<64x1024xf32>
    %add3A_16 = arith.addf %dot_general3A_15, %add3A : vector<64x1024xf32>
    %max3A = arith.constant 0.000000e+00 : f32
    %max3A_17 = vector.broadcast %max3A : f32 to vector<64x1024xf32>
    %max3A_18 = arith.maximumf %add3A_16, %max3A_17 : vector<64x1024xf32>
    %reduce_sum3A = arith.constant dense<0.000000e+00> : vector<64xf32>
    %reduce_sum3A_19 = vector.multi_reduction <add>, %max3A_18, %reduce_sum3A [1] : vector<64x1024xf32> to vector<64xf32>
    %broadcast_in_dim3A_20 = vector.shape_cast %reduce_sum3A_19 : vector<64xf32> to vector<64x1xf32>
    %add3A_21 = arith.addf %broadcast_in_dim3A_7, %broadcast_in_dim3A_20 : vector<64x1xf32>
    %mul3A = arith.mulf %max3A_18, %max3A_18 : vector<64x1024xf32>
    %reduce_sum3A_22 = arith.constant dense<0.000000e+00> : vector<64xf32>
    %reduce_sum3A_23 = vector.multi_reduction <add>, %mul3A, %reduce_sum3A_22 [1] : vector<64x1024xf32> to vector<64xf32>
    %broadcast_in_dim3A_24 = vector.shape_cast %reduce_sum3A_23 : vector<64xf32> to vector<64x1xf32>
    %add3A_25 = arith.addf %broadcast_in_dim3A_9, %broadcast_in_dim3A_24 : vector<64x1xf32>
    %get3A_26 = arith.constant 1 : index
    %get3A_27 = arith.constant 0 : index
    %get3A_28 = arith.constant 0 : index
    %get3A_29 = vector.load %arg1[%get3A_26, %get3A_27, %get3A_28] : memref<20x3x1024xf32, #tpu.memory_space<vmem>>, vector<1x3x1024xf32>
    %get3A_30 = vector.shape_cast %get3A_29 : vector<1x3x1024xf32> to vector<3x1024xf32>
    %dot_general3A_31 = arith.constant dense<0.000000e+00> : vector<64x1024xf32>
    %dot_general3A_32 = tpu.matmul %get3A_3, %get3A_30, %dot_general3A_31 {dimension_numbers = #tpu.dot_dimension_numbers<[1], [0], [0], [1], [0, 0, 1, 1], [], []>, transpose_lhs_hint = false} : vector<64x3xf32>, vector<3x1024xf32>, vector<64x1024xf32> -> vector<64x1024xf32>
    %add3A_33 = vector.broadcast %get3A_6 : vector<64x1xf32> to vector<64x1024xf32>
    %add3A_34 = arith.addf %dot_general3A_32, %add3A_33 : vector<64x1024xf32>
    %max3A_35 = arith.constant 0.000000e+00 : f32
    %max3A_36 = vector.broadcast %max3A_35 : f32 to vector<64x1024xf32>
    %max3A_37 = arith.maximumf %add3A_34, %max3A_36 : vector<64x1024xf32>
    %reduce_sum3A_38 = arith.constant dense<0.000000e+00> : vector<64xf32>
    %reduce_sum3A_39 = vector.multi_reduction <add>, %max3A_37, %reduce_sum3A_38 [1] : vector<64x1024xf32> to vector<64xf32>
    %broadcast_in_dim3A_40 = vector.shape_cast %reduce_sum3A_39 : vector<64xf32> to vector<64x1xf32>
    %add3A_41 = arith.addf %add3A_21, %broadcast_in_dim3A_40 : vector<64x1xf32>
    %mul3A_42 = arith.mulf %max3A_37, %max3A_37 : vector<64x1024xf32>
    %reduce_sum3A_43 = arith.constant dense<0.000000e+00> : vector<64xf32>
    %reduce_sum3A_44 = vector.multi_reduction <add>, %mul3A_42, %reduce_sum3A_43 [1] : vector<64x1024xf32> to vector<64xf32>
    %broadcast_in_dim3A_45 = vector.shape_cast %reduce_sum3A_44 : vector<64xf32> to vector<64x1xf32>
    %add3A_46 = arith.addf %add3A_25, %broadcast_in_dim3A_45 : vector<64x1xf32>
    %get3A_47 = arith.constant 2 : index
    %get3A_48 = arith.constant 0 : index
    %get3A_49 = arith.constant 0 : index
    %get3A_50 = vector.load %arg1[%get3A_47, %get3A_48, %get3A_49] : memref<20x3x1024xf32, #tpu.memory_space<vmem>>, vector<1x3x1024xf32>
    %get3A_51 = vector.shape_cast %get3A_50 : vector<1x3x1024xf32> to vector<3x1024xf32>
    %dot_general3A_52 = arith.constant dense<0.000000e+00> : vector<64x1024xf32>
    %dot_general3A_53 = tpu.matmul %get3A_3, %get3A_51, %dot_general3A_52 {dimension_numbers = #tpu.dot_dimension_numbers<[1], [0], [0], [1], [0, 0, 1, 1], [], []>, transpose_lhs_hint = false} : vector<64x3xf32>, vector<3x1024xf32>, vector<64x1024xf32> -> vector<64x1024xf32>
    %add3A_54 = vector.broadcast %get3A_6 : vector<64x1xf32> to vector<64x1024xf32>
    %add3A_55 = arith.addf %dot_general3A_53, %add3A_54 : vector<64x1024xf32>
    %max3A_56 = arith.constant 0.000000e+00 : f32
    %max3A_57 = vector.broadcast %max3A_56 : f32 to vector<64x1024xf32>
    %max3A_58 = arith.maximumf %add3A_55, %max3A_57 : vector<64x1024xf32>
    %reduce_sum3A_59 = arith.constant dense<0.000000e+00> : vector<64xf32>
    %reduce_sum3A_60 = vector.multi_reduction <add>, %max3A_58, %reduce_sum3A_59 [1] : vector<64x1024xf32> to vector<64xf32>
    %broadcast_in_dim3A_61 = vector.shape_cast %reduce_sum3A_60 : vector<64xf32> to vector<64x1xf32>
    %add3A_62 = arith.addf %add3A_41, %broadcast_in_dim3A_61 : vector<64x1xf32>
    %mul3A_63 = arith.mulf %max3A_58, %max3A_58 : vector<64x1024xf32>
    %reduce_sum3A_64 = arith.constant dense<0.000000e+00> : vector<64xf32>
    %reduce_sum3A_65 = vector.multi_reduction <add>, %mul3A_63, %reduce_sum3A_64 [1] : vector<64x1024xf32> to vector<64xf32>
    %broadcast_in_dim3A_66 = vector.shape_cast %reduce_sum3A_65 : vector<64xf32> to vector<64x1xf32>
    %add3A_67 = arith.addf %add3A_46, %broadcast_in_dim3A_66 : vector<64x1xf32>
    %get3A_68 = arith.constant 3 : index
    %get3A_69 = arith.constant 0 : index
    %get3A_70 = arith.constant 0 : index
    %get3A_71 = vector.load %arg1[%get3A_68, %get3A_69, %get3A_70] : memref<20x3x1024xf32, #tpu.memory_space<vmem>>, vector<1x3x1024xf32>
    %get3A_72 = vector.shape_cast %get3A_71 : vector<1x3x1024xf32> to vector<3x1024xf32>
    %dot_general3A_73 = arith.constant dense<0.000000e+00> : vector<64x1024xf32>
    %dot_general3A_74 = tpu.matmul %get3A_3, %get3A_72, %dot_general3A_73 {dimension_numbers = #tpu.dot_dimension_numbers<[1], [0], [0], [1], [0, 0, 1, 1], [], []>, transpose_lhs_hint = false} : vector<64x3xf32>, vector<3x1024xf32>, vector<64x1024xf32> -> vector<64x1024xf32>
    %add3A_75 = vector.broadcast %get3A_6 : vector<64x1xf32> to vector<64x1024xf32>
    %add3A_76 = arith.addf %dot_general3A_74, %add3A_75 : vector<64x1024xf32>
    %max3A_77 = arith.constant 0.000000e+00 : f32
    %max3A_78 = vector.broadcast %max3A_77 : f32 to vector<64x1024xf32>
    %max3A_79 = arith.maximumf %add3A_76, %max3A_78 : vector<64x1024xf32>
    %reduce_sum3A_80 = arith.constant dense<0.000000e+00> : vector<64xf32>
    %reduce_sum3A_81 = vector.multi_reduction <add>, %max3A_79, %reduce_sum3A_80 [1] : vector<64x1024xf32> to vector<64xf32>
    %broadcast_in_dim3A_82 = vector.shape_cast %reduce_sum3A_81 : vector<64xf32> to vector<64x1xf32>
    %add3A_83 = arith.addf %add3A_62, %broadcast_in_dim3A_82 : vector<64x1xf32>
    %mul3A_84 = arith.mulf %max3A_79, %max3A_79 : vector<64x1024xf32>
    %reduce_sum3A_85 = arith.constant dense<0.000000e+00> : vector<64xf32>
    %reduce_sum3A_86 = vector.multi_reduction <add>, %mul3A_84, %reduce_sum3A_85 [1] : vector<64x1024xf32> to vector<64xf32>
    %broadcast_in_dim3A_87 = vector.shape_cast %reduce_sum3A_86 : vector<64xf32> to vector<64x1xf32>
    %add3A_88 = arith.addf %add3A_67, %broadcast_in_dim3A_87 : vector<64x1xf32>
    %get3A_89 = arith.constant 4 : index
    %get3A_90 = arith.constant 0 : index
    %get3A_91 = arith.constant 0 : index
    %get3A_92 = vector.load %arg1[%get3A_89, %get3A_90, %get3A_91] : memref<20x3x1024xf32, #tpu.memory_space<vmem>>, vector<1x3x1024xf32>
    %get3A_93 = vector.shape_cast %get3A_92 : vector<1x3x1024xf32> to vector<3x1024xf32>
    %dot_general3A_94 = arith.constant dense<0.000000e+00> : vector<64x1024xf32>
    %dot_general3A_95 = tpu.matmul %get3A_3, %get3A_93, %dot_general3A_94 {dimension_numbers = #tpu.dot_dimension_numbers<[1], [0], [0], [1], [0, 0, 1, 1], [], []>, transpose_lhs_hint = false} : vector<64x3xf32>, vector<3x1024xf32>, vector<64x1024xf32> -> vector<64x1024xf32>
    %add3A_96 = vector.broadcast %get3A_6 : vector<64x1xf32> to vector<64x1024xf32>
    %add3A_97 = arith.addf %dot_general3A_95, %add3A_96 : vector<64x1024xf32>
    %max3A_98 = arith.constant 0.000000e+00 : f32
    %max3A_99 = vector.broadcast %max3A_98 : f32 to vector<64x1024xf32>
    %max3A_100 = arith.maximumf %add3A_97, %max3A_99 : vector<64x1024xf32>
    %reduce_sum3A_101 = arith.constant dense<0.000000e+00> : vector<64xf32>
    %reduce_sum3A_102 = vector.multi_reduction <add>, %max3A_100, %reduce_sum3A_101 [1] : vector<64x1024xf32> to vector<64xf32>
    %broadcast_in_dim3A_103 = vector.shape_cast %reduce_sum3A_102 : vector<64xf32> to vector<64x1xf32>
    %add3A_104 = arith.addf %add3A_83, %broadcast_in_dim3A_103 : vector<64x1xf32>
    %mul3A_105 = arith.mulf %max3A_100, %max3A_100 : vector<64x1024xf32>
    %reduce_sum3A_106 = arith.constant dense<0.000000e+00> : vector<64xf32>
    %reduce_sum3A_107 = vector.multi_reduction <add>, %mul3A_105, %reduce_sum3A_106 [1] : vector<64x1024xf32> to vector<64xf32>
    %broadcast_in_dim3A_108 = vector.shape_cast %reduce_sum3A_107 : vector<64xf32> to vector<64x1xf32>
    %add3A_109 = arith.addf %add3A_88, %broadcast_in_dim3A_108 : vector<64x1xf32>
    %get3A_110 = arith.constant 5 : index
    %get3A_111 = arith.constant 0 : index
    %get3A_112 = arith.constant 0 : index
    %get3A_113 = vector.load %arg1[%get3A_110, %get3A_111, %get3A_112] : memref<20x3x1024xf32, #tpu.memory_space<vmem>>, vector<1x3x1024xf32>
    %get3A_114 = vector.shape_cast %get3A_113 : vector<1x3x1024xf32> to vector<3x1024xf32>
    %dot_general3A_115 = arith.constant dense<0.000000e+00> : vector<64x1024xf32>
    %dot_general3A_116 = tpu.matmul %get3A_3, %get3A_114, %dot_general3A_115 {dimension_numbers = #tpu.dot_dimension_numbers<[1], [0], [0], [1], [0, 0, 1, 1], [], []>, transpose_lhs_hint = false} : vector<64x3xf32>, vector<3x1024xf32>, vector<64x1024xf32> -> vector<64x1024xf32>
    %add3A_117 = vector.broadcast %get3A_6 : vector<64x1xf32> to vector<64x1024xf32>
    %add3A_118 = arith.addf %dot_general3A_116, %add3A_117 : vector<64x1024xf32>
    %max3A_119 = arith.constant 0.000000e+00 : f32
    %max3A_120 = vector.broadcast %max3A_119 : f32 to vector<64x1024xf32>
    %max3A_121 = arith.maximumf %add3A_118, %max3A_120 : vector<64x1024xf32>
    %reduce_sum3A_122 = arith.constant dense<0.000000e+00> : vector<64xf32>
    %reduce_sum3A_123 = vector.multi_reduction <add>, %max3A_121, %reduce_sum3A_122 [1] : vector<64x1024xf32> to vector<64xf32>
    %broadcast_in_dim3A_124 = vector.shape_cast %reduce_sum3A_123 : vector<64xf32> to vector<64x1xf32>
    %add3A_125 = arith.addf %add3A_104, %broadcast_in_dim3A_124 : vector<64x1xf32>
    %mul3A_126 = arith.mulf %max3A_121, %max3A_121 : vector<64x1024xf32>
    %reduce_sum3A_127 = arith.constant dense<0.000000e+00> : vector<64xf32>
    %reduce_sum3A_128 = vector.multi_reduction <add>, %mul3A_126, %reduce_sum3A_127 [1] : vector<64x1024xf32> to vector<64xf32>
    %broadcast_in_dim3A_129 = vector.shape_cast %reduce_sum3A_128 : vector<64xf32> to vector<64x1xf32>
    %add3A_130 = arith.addf %add3A_109, %broadcast_in_dim3A_129 : vector<64x1xf32>
    %get3A_131 = arith.constant 6 : index
    %get3A_132 = arith.constant 0 : index
    %get3A_133 = arith.constant 0 : index
    %get3A_134 = vector.load %arg1[%get3A_131, %get3A_132, %get3A_133] : memref<20x3x1024xf32, #tpu.memory_space<vmem>>, vector<1x3x1024xf32>
    %get3A_135 = vector.shape_cast %get3A_134 : vector<1x3x1024xf32> to vector<3x1024xf32>
    %dot_general3A_136 = arith.constant dense<0.000000e+00> : vector<64x1024xf32>
    %dot_general3A_137 = tpu.matmul %get3A_3, %get3A_135, %dot_general3A_136 {dimension_numbers = #tpu.dot_dimension_numbers<[1], [0], [0], [1], [0, 0, 1, 1], [], []>, transpose_lhs_hint = false} : vector<64x3xf32>, vector<3x1024xf32>, vector<64x1024xf32> -> vector<64x1024xf32>
    %add3A_138 = vector.broadcast %get3A_6 : vector<64x1xf32> to vector<64x1024xf32>
    %add3A_139 = arith.addf %dot_general3A_137, %add3A_138 : vector<64x1024xf32>
    %max3A_140 = arith.constant 0.000000e+00 : f32
    %max3A_141 = vector.broadcast %max3A_140 : f32 to vector<64x1024xf32>
    %max3A_142 = arith.maximumf %add3A_139, %max3A_141 : vector<64x1024xf32>
    %reduce_sum3A_143 = arith.constant dense<0.000000e+00> : vector<64xf32>
    %reduce_sum3A_144 = vector.multi_reduction <add>, %max3A_142, %reduce_sum3A_143 [1] : vector<64x1024xf32> to vector<64xf32>
    %broadcast_in_dim3A_145 = vector.shape_cast %reduce_sum3A_144 : vector<64xf32> to vector<64x1xf32>
    %add3A_146 = arith.addf %add3A_125, %broadcast_in_dim3A_145 : vector<64x1xf32>
    %mul3A_147 = arith.mulf %max3A_142, %max3A_142 : vector<64x1024xf32>
    %reduce_sum3A_148 = arith.constant dense<0.000000e+00> : vector<64xf32>
    %reduce_sum3A_149 = vector.multi_reduction <add>, %mul3A_147, %reduce_sum3A_148 [1] : vector<64x1024xf32> to vector<64xf32>
    %broadcast_in_dim3A_150 = vector.shape_cast %reduce_sum3A_149 : vector<64xf32> to vector<64x1xf32>
    %add3A_151 = arith.addf %add3A_130, %broadcast_in_dim3A_150 : vector<64x1xf32>
    %get3A_152 = arith.constant 7 : index
    %get3A_153 = arith.constant 0 : index
    %get3A_154 = arith.constant 0 : index
    %get3A_155 = vector.load %arg1[%get3A_152, %get3A_153, %get3A_154] : memref<20x3x1024xf32, #tpu.memory_space<vmem>>, vector<1x3x1024xf32>
    %get3A_156 = vector.shape_cast %get3A_155 : vector<1x3x1024xf32> to vector<3x1024xf32>
    %dot_general3A_157 = arith.constant dense<0.000000e+00> : vector<64x1024xf32>
    %dot_general3A_158 = tpu.matmul %get3A_3, %get3A_156, %dot_general3A_157 {dimension_numbers = #tpu.dot_dimension_numbers<[1], [0], [0], [1], [0, 0, 1, 1], [], []>, transpose_lhs_hint = false} : vector<64x3xf32>, vector<3x1024xf32>, vector<64x1024xf32> -> vector<64x1024xf32>
    %add3A_159 = vector.broadcast %get3A_6 : vector<64x1xf32> to vector<64x1024xf32>
    %add3A_160 = arith.addf %dot_general3A_158, %add3A_159 : vector<64x1024xf32>
    %max3A_161 = arith.constant 0.000000e+00 : f32
    %max3A_162 = vector.broadcast %max3A_161 : f32 to vector<64x1024xf32>
    %max3A_163 = arith.maximumf %add3A_160, %max3A_162 : vector<64x1024xf32>
    %reduce_sum3A_164 = arith.constant dense<0.000000e+00> : vector<64xf32>
    %reduce_sum3A_165 = vector.multi_reduction <add>, %max3A_163, %reduce_sum3A_164 [1] : vector<64x1024xf32> to vector<64xf32>
    %broadcast_in_dim3A_166 = vector.shape_cast %reduce_sum3A_165 : vector<64xf32> to vector<64x1xf32>
    %add3A_167 = arith.addf %add3A_146, %broadcast_in_dim3A_166 : vector<64x1xf32>
    %mul3A_168 = arith.mulf %max3A_163, %max3A_163 : vector<64x1024xf32>
    %reduce_sum3A_169 = arith.constant dense<0.000000e+00> : vector<64xf32>
    %reduce_sum3A_170 = vector.multi_reduction <add>, %mul3A_168, %reduce_sum3A_169 [1] : vector<64x1024xf32> to vector<64xf32>
    %broadcast_in_dim3A_171 = vector.shape_cast %reduce_sum3A_170 : vector<64xf32> to vector<64x1xf32>
    %add3A_172 = arith.addf %add3A_151, %broadcast_in_dim3A_171 : vector<64x1xf32>
    %get3A_173 = arith.constant 8 : index
    %get3A_174 = arith.constant 0 : index
    %get3A_175 = arith.constant 0 : index
    %get3A_176 = vector.load %arg1[%get3A_173, %get3A_174, %get3A_175] : memref<20x3x1024xf32, #tpu.memory_space<vmem>>, vector<1x3x1024xf32>
    %get3A_177 = vector.shape_cast %get3A_176 : vector<1x3x1024xf32> to vector<3x1024xf32>
    %dot_general3A_178 = arith.constant dense<0.000000e+00> : vector<64x1024xf32>
    %dot_general3A_179 = tpu.matmul %get3A_3, %get3A_177, %dot_general3A_178 {dimension_numbers = #tpu.dot_dimension_numbers<[1], [0], [0], [1], [0, 0, 1, 1], [], []>, transpose_lhs_hint = false} : vector<64x3xf32>, vector<3x1024xf32>, vector<64x1024xf32> -> vector<64x1024xf32>
    %add3A_180 = vector.broadcast %get3A_6 : vector<64x1xf32> to vector<64x1024xf32>
    %add3A_181 = arith.addf %dot_general3A_179, %add3A_180 : vector<64x1024xf32>
    %max3A_182 = arith.constant 0.000000e+00 : f32
    %max3A_183 = vector.broadcast %max3A_182 : f32 to vector<64x1024xf32>
    %max3A_184 = arith.maximumf %add3A_181, %max3A_183 : vector<64x1024xf32>
    %reduce_sum3A_185 = arith.constant dense<0.000000e+00> : vector<64xf32>
    %reduce_sum3A_186 = vector.multi_reduction <add>, %max3A_184, %reduce_sum3A_185 [1] : vector<64x1024xf32> to vector<64xf32>
    %broadcast_in_dim3A_187 = vector.shape_cast %reduce_sum3A_186 : vector<64xf32> to vector<64x1xf32>
    %add3A_188 = arith.addf %add3A_167, %broadcast_in_dim3A_187 : vector<64x1xf32>
    %mul3A_189 = arith.mulf %max3A_184, %max3A_184 : vector<64x1024xf32>
    %reduce_sum3A_190 = arith.constant dense<0.000000e+00> : vector<64xf32>
    %reduce_sum3A_191 = vector.multi_reduction <add>, %mul3A_189, %reduce_sum3A_190 [1] : vector<64x1024xf32> to vector<64xf32>
    %broadcast_in_dim3A_192 = vector.shape_cast %reduce_sum3A_191 : vector<64xf32> to vector<64x1xf32>
    %add3A_193 = arith.addf %add3A_172, %broadcast_in_dim3A_192 : vector<64x1xf32>
    %get3A_194 = arith.constant 9 : index
    %get3A_195 = arith.constant 0 : index
    %get3A_196 = arith.constant 0 : index
    %get3A_197 = vector.load %arg1[%get3A_194, %get3A_195, %get3A_196] : memref<20x3x1024xf32, #tpu.memory_space<vmem>>, vector<1x3x1024xf32>
    %get3A_198 = vector.shape_cast %get3A_197 : vector<1x3x1024xf32> to vector<3x1024xf32>
    %dot_general3A_199 = arith.constant dense<0.000000e+00> : vector<64x1024xf32>
    %dot_general3A_200 = tpu.matmul %get3A_3, %get3A_198, %dot_general3A_199 {dimension_numbers = #tpu.dot_dimension_numbers<[1], [0], [0], [1], [0, 0, 1, 1], [], []>, transpose_lhs_hint = false} : vector<64x3xf32>, vector<3x1024xf32>, vector<64x1024xf32> -> vector<64x1024xf32>
    %add3A_201 = vector.broadcast %get3A_6 : vector<64x1xf32> to vector<64x1024xf32>
    %add3A_202 = arith.addf %dot_general3A_200, %add3A_201 : vector<64x1024xf32>
    %max3A_203 = arith.constant 0.000000e+00 : f32
    %max3A_204 = vector.broadcast %max3A_203 : f32 to vector<64x1024xf32>
    %max3A_205 = arith.maximumf %add3A_202, %max3A_204 : vector<64x1024xf32>
    %reduce_sum3A_206 = arith.constant dense<0.000000e+00> : vector<64xf32>
    %reduce_sum3A_207 = vector.multi_reduction <add>, %max3A_205, %reduce_sum3A_206 [1] : vector<64x1024xf32> to vector<64xf32>
    %broadcast_in_dim3A_208 = vector.shape_cast %reduce_sum3A_207 : vector<64xf32> to vector<64x1xf32>
    %add3A_209 = arith.addf %add3A_188, %broadcast_in_dim3A_208 : vector<64x1xf32>
    %mul3A_210 = arith.mulf %max3A_205, %max3A_205 : vector<64x1024xf32>
    %reduce_sum3A_211 = arith.constant dense<0.000000e+00> : vector<64xf32>
    %reduce_sum3A_212 = vector.multi_reduction <add>, %mul3A_210, %reduce_sum3A_211 [1] : vector<64x1024xf32> to vector<64xf32>
    %broadcast_in_dim3A_213 = vector.shape_cast %reduce_sum3A_212 : vector<64xf32> to vector<64x1xf32>
    %add3A_214 = arith.addf %add3A_193, %broadcast_in_dim3A_213 : vector<64x1xf32>
    %get3A_215 = arith.constant 10 : index
    %get3A_216 = arith.constant 0 : index
    %get3A_217 = arith.constant 0 : index
    %get3A_218 = vector.load %arg1[%get3A_215, %get3A_216, %get3A_217] : memref<20x3x1024xf32, #tpu.memory_space<vmem>>, vector<1x3x1024xf32>
    %get3A_219 = vector.shape_cast %get3A_218 : vector<1x3x1024xf32> to vector<3x1024xf32>
    %dot_general3A_220 = arith.constant dense<0.000000e+00> : vector<64x1024xf32>
    %dot_general3A_221 = tpu.matmul %get3A_3, %get3A_219, %dot_general3A_220 {dimension_numbers = #tpu.dot_dimension_numbers<[1], [0], [0], [1], [0, 0, 1, 1], [], []>, transpose_lhs_hint = false} : vector<64x3xf32>, vector<3x1024xf32>, vector<64x1024xf32> -> vector<64x1024xf32>
    %add3A_222 = vector.broadcast %get3A_6 : vector<64x1xf32> to vector<64x1024xf32>
    %add3A_223 = arith.addf %dot_general3A_221, %add3A_222 : vector<64x1024xf32>
    %max3A_224 = arith.constant 0.000000e+00 : f32
    %max3A_225 = vector.broadcast %max3A_224 : f32 to vector<64x1024xf32>
    %max3A_226 = arith.maximumf %add3A_223, %max3A_225 : vector<64x1024xf32>
    %reduce_sum3A_227 = arith.constant dense<0.000000e+00> : vector<64xf32>
    %reduce_sum3A_228 = vector.multi_reduction <add>, %max3A_226, %reduce_sum3A_227 [1] : vector<64x1024xf32> to vector<64xf32>
    %broadcast_in_dim3A_229 = vector.shape_cast %reduce_sum3A_228 : vector<64xf32> to vector<64x1xf32>
    %add3A_230 = arith.addf %add3A_209, %broadcast_in_dim3A_229 : vector<64x1xf32>
    %mul3A_231 = arith.mulf %max3A_226, %max3A_226 : vector<64x1024xf32>
    %reduce_sum3A_232 = arith.constant dense<0.000000e+00> : vector<64xf32>
    %reduce_sum3A_233 = vector.multi_reduction <add>, %mul3A_231, %reduce_sum3A_232 [1] : vector<64x1024xf32> to vector<64xf32>
    %broadcast_in_dim3A_234 = vector.shape_cast %reduce_sum3A_233 : vector<64xf32> to vector<64x1xf32>
    %add3A_235 = arith.addf %add3A_214, %broadcast_in_dim3A_234 : vector<64x1xf32>
    %get3A_236 = arith.constant 11 : index
    %get3A_237 = arith.constant 0 : index
    %get3A_238 = arith.constant 0 : index
    %get3A_239 = vector.load %arg1[%get3A_236, %get3A_237, %get3A_238] : memref<20x3x1024xf32, #tpu.memory_space<vmem>>, vector<1x3x1024xf32>
    %get3A_240 = vector.shape_cast %get3A_239 : vector<1x3x1024xf32> to vector<3x1024xf32>
    %dot_general3A_241 = arith.constant dense<0.000000e+00> : vector<64x1024xf32>
    %dot_general3A_242 = tpu.matmul %get3A_3, %get3A_240, %dot_general3A_241 {dimension_numbers = #tpu.dot_dimension_numbers<[1], [0], [0], [1], [0, 0, 1, 1], [], []>, transpose_lhs_hint = false} : vector<64x3xf32>, vector<3x1024xf32>, vector<64x1024xf32> -> vector<64x1024xf32>
    %add3A_243 = vector.broadcast %get3A_6 : vector<64x1xf32> to vector<64x1024xf32>
    %add3A_244 = arith.addf %dot_general3A_242, %add3A_243 : vector<64x1024xf32>
    %max3A_245 = arith.constant 0.000000e+00 : f32
    %max3A_246 = vector.broadcast %max3A_245 : f32 to vector<64x1024xf32>
    %max3A_247 = arith.maximumf %add3A_244, %max3A_246 : vector<64x1024xf32>
    %reduce_sum3A_248 = arith.constant dense<0.000000e+00> : vector<64xf32>
    %reduce_sum3A_249 = vector.multi_reduction <add>, %max3A_247, %reduce_sum3A_248 [1] : vector<64x1024xf32> to vector<64xf32>
    %broadcast_in_dim3A_250 = vector.shape_cast %reduce_sum3A_249 : vector<64xf32> to vector<64x1xf32>
    %add3A_251 = arith.addf %add3A_230, %broadcast_in_dim3A_250 : vector<64x1xf32>
    %mul3A_252 = arith.mulf %max3A_247, %max3A_247 : vector<64x1024xf32>
    %reduce_sum3A_253 = arith.constant dense<0.000000e+00> : vector<64xf32>
    %reduce_sum3A_254 = vector.multi_reduction <add>, %mul3A_252, %reduce_sum3A_253 [1] : vector<64x1024xf32> to vector<64xf32>
    %broadcast_in_dim3A_255 = vector.shape_cast %reduce_sum3A_254 : vector<64xf32> to vector<64x1xf32>
    %add3A_256 = arith.addf %add3A_235, %broadcast_in_dim3A_255 : vector<64x1xf32>
    %get3A_257 = arith.constant 12 : index
    %get3A_258 = arith.constant 0 : index
    %get3A_259 = arith.constant 0 : index
    %get3A_260 = vector.load %arg1[%get3A_257, %get3A_258, %get3A_259] : memref<20x3x1024xf32, #tpu.memory_space<vmem>>, vector<1x3x1024xf32>
    %get3A_261 = vector.shape_cast %get3A_260 : vector<1x3x1024xf32> to vector<3x1024xf32>
    %dot_general3A_262 = arith.constant dense<0.000000e+00> : vector<64x1024xf32>
    %dot_general3A_263 = tpu.matmul %get3A_3, %get3A_261, %dot_general3A_262 {dimension_numbers = #tpu.dot_dimension_numbers<[1], [0], [0], [1], [0, 0, 1, 1], [], []>, transpose_lhs_hint = false} : vector<64x3xf32>, vector<3x1024xf32>, vector<64x1024xf32> -> vector<64x1024xf32>
    %add3A_264 = vector.broadcast %get3A_6 : vector<64x1xf32> to vector<64x1024xf32>
    %add3A_265 = arith.addf %dot_general3A_263, %add3A_264 : vector<64x1024xf32>
    %max3A_266 = arith.constant 0.000000e+00 : f32
    %max3A_267 = vector.broadcast %max3A_266 : f32 to vector<64x1024xf32>
    %max3A_268 = arith.maximumf %add3A_265, %max3A_267 : vector<64x1024xf32>
    %reduce_sum3A_269 = arith.constant dense<0.000000e+00> : vector<64xf32>
    %reduce_sum3A_270 = vector.multi_reduction <add>, %max3A_268, %reduce_sum3A_269 [1] : vector<64x1024xf32> to vector<64xf32>
    %broadcast_in_dim3A_271 = vector.shape_cast %reduce_sum3A_270 : vector<64xf32> to vector<64x1xf32>
    %add3A_272 = arith.addf %add3A_251, %broadcast_in_dim3A_271 : vector<64x1xf32>
    %mul3A_273 = arith.mulf %max3A_268, %max3A_268 : vector<64x1024xf32>
    %reduce_sum3A_274 = arith.constant dense<0.000000e+00> : vector<64xf32>
    %reduce_sum3A_275 = vector.multi_reduction <add>, %mul3A_273, %reduce_sum3A_274 [1] : vector<64x1024xf32> to vector<64xf32>
    %broadcast_in_dim3A_276 = vector.shape_cast %reduce_sum3A_275 : vector<64xf32> to vector<64x1xf32>
    %add3A_277 = arith.addf %add3A_256, %broadcast_in_dim3A_276 : vector<64x1xf32>
    %get3A_278 = arith.constant 13 : index
    %get3A_279 = arith.constant 0 : index
    %get3A_280 = arith.constant 0 : index
    %get3A_281 = vector.load %arg1[%get3A_278, %get3A_279, %get3A_280] : memref<20x3x1024xf32, #tpu.memory_space<vmem>>, vector<1x3x1024xf32>
    %get3A_282 = vector.shape_cast %get3A_281 : vector<1x3x1024xf32> to vector<3x1024xf32>
    %dot_general3A_283 = arith.constant dense<0.000000e+00> : vector<64x1024xf32>
    %dot_general3A_284 = tpu.matmul %get3A_3, %get3A_282, %dot_general3A_283 {dimension_numbers = #tpu.dot_dimension_numbers<[1], [0], [0], [1], [0, 0, 1, 1], [], []>, transpose_lhs_hint = false} : vector<64x3xf32>, vector<3x1024xf32>, vector<64x1024xf32> -> vector<64x1024xf32>
    %add3A_285 = vector.broadcast %get3A_6 : vector<64x1xf32> to vector<64x1024xf32>
    %add3A_286 = arith.addf %dot_general3A_284, %add3A_285 : vector<64x1024xf32>
    %max3A_287 = arith.constant 0.000000e+00 : f32
    %max3A_288 = vector.broadcast %max3A_287 : f32 to vector<64x1024xf32>
    %max3A_289 = arith.maximumf %add3A_286, %max3A_288 : vector<64x1024xf32>
    %reduce_sum3A_290 = arith.constant dense<0.000000e+00> : vector<64xf32>
    %reduce_sum3A_291 = vector.multi_reduction <add>, %max3A_289, %reduce_sum3A_290 [1] : vector<64x1024xf32> to vector<64xf32>
    %broadcast_in_dim3A_292 = vector.shape_cast %reduce_sum3A_291 : vector<64xf32> to vector<64x1xf32>
    %add3A_293 = arith.addf %add3A_272, %broadcast_in_dim3A_292 : vector<64x1xf32>
    %mul3A_294 = arith.mulf %max3A_289, %max3A_289 : vector<64x1024xf32>
    %reduce_sum3A_295 = arith.constant dense<0.000000e+00> : vector<64xf32>
    %reduce_sum3A_296 = vector.multi_reduction <add>, %mul3A_294, %reduce_sum3A_295 [1] : vector<64x1024xf32> to vector<64xf32>
    %broadcast_in_dim3A_297 = vector.shape_cast %reduce_sum3A_296 : vector<64xf32> to vector<64x1xf32>
    %add3A_298 = arith.addf %add3A_277, %broadcast_in_dim3A_297 : vector<64x1xf32>
    %get3A_299 = arith.constant 14 : index
    %get3A_300 = arith.constant 0 : index
    %get3A_301 = arith.constant 0 : index
    %get3A_302 = vector.load %arg1[%get3A_299, %get3A_300, %get3A_301] : memref<20x3x1024xf32, #tpu.memory_space<vmem>>, vector<1x3x1024xf32>
    %get3A_303 = vector.shape_cast %get3A_302 : vector<1x3x1024xf32> to vector<3x1024xf32>
    %dot_general3A_304 = arith.constant dense<0.000000e+00> : vector<64x1024xf32>
    %dot_general3A_305 = tpu.matmul %get3A_3, %get3A_303, %dot_general3A_304 {dimension_numbers = #tpu.dot_dimension_numbers<[1], [0], [0], [1], [0, 0, 1, 1], [], []>, transpose_lhs_hint = false} : vector<64x3xf32>, vector<3x1024xf32>, vector<64x1024xf32> -> vector<64x1024xf32>
    %add3A_306 = vector.broadcast %get3A_6 : vector<64x1xf32> to vector<64x1024xf32>
    %add3A_307 = arith.addf %dot_general3A_305, %add3A_306 : vector<64x1024xf32>
    %max3A_308 = arith.constant 0.000000e+00 : f32
    %max3A_309 = vector.broadcast %max3A_308 : f32 to vector<64x1024xf32>
    %max3A_310 = arith.maximumf %add3A_307, %max3A_309 : vector<64x1024xf32>
    %reduce_sum3A_311 = arith.constant dense<0.000000e+00> : vector<64xf32>
    %reduce_sum3A_312 = vector.multi_reduction <add>, %max3A_310, %reduce_sum3A_311 [1] : vector<64x1024xf32> to vector<64xf32>
    %broadcast_in_dim3A_313 = vector.shape_cast %reduce_sum3A_312 : vector<64xf32> to vector<64x1xf32>
    %add3A_314 = arith.addf %add3A_293, %broadcast_in_dim3A_313 : vector<64x1xf32>
    %mul3A_315 = arith.mulf %max3A_310, %max3A_310 : vector<64x1024xf32>
    %reduce_sum3A_316 = arith.constant dense<0.000000e+00> : vector<64xf32>
    %reduce_sum3A_317 = vector.multi_reduction <add>, %mul3A_315, %reduce_sum3A_316 [1] : vector<64x1024xf32> to vector<64xf32>
    %broadcast_in_dim3A_318 = vector.shape_cast %reduce_sum3A_317 : vector<64xf32> to vector<64x1xf32>
    %add3A_319 = arith.addf %add3A_298, %broadcast_in_dim3A_318 : vector<64x1xf32>
    %get3A_320 = arith.constant 15 : index
    %get3A_321 = arith.constant 0 : index
    %get3A_322 = arith.constant 0 : index
    %get3A_323 = vector.load %arg1[%get3A_320, %get3A_321, %get3A_322] : memref<20x3x1024xf32, #tpu.memory_space<vmem>>, vector<1x3x1024xf32>
    %get3A_324 = vector.shape_cast %get3A_323 : vector<1x3x1024xf32> to vector<3x1024xf32>
    %dot_general3A_325 = arith.constant dense<0.000000e+00> : vector<64x1024xf32>
    %dot_general3A_326 = tpu.matmul %get3A_3, %get3A_324, %dot_general3A_325 {dimension_numbers = #tpu.dot_dimension_numbers<[1], [0], [0], [1], [0, 0, 1, 1], [], []>, transpose_lhs_hint = false} : vector<64x3xf32>, vector<3x1024xf32>, vector<64x1024xf32> -> vector<64x1024xf32>
    %add3A_327 = vector.broadcast %get3A_6 : vector<64x1xf32> to vector<64x1024xf32>
    %add3A_328 = arith.addf %dot_general3A_326, %add3A_327 : vector<64x1024xf32>
    %max3A_329 = arith.constant 0.000000e+00 : f32
    %max3A_330 = vector.broadcast %max3A_329 : f32 to vector<64x1024xf32>
    %max3A_331 = arith.maximumf %add3A_328, %max3A_330 : vector<64x1024xf32>
    %reduce_sum3A_332 = arith.constant dense<0.000000e+00> : vector<64xf32>
    %reduce_sum3A_333 = vector.multi_reduction <add>, %max3A_331, %reduce_sum3A_332 [1] : vector<64x1024xf32> to vector<64xf32>
    %broadcast_in_dim3A_334 = vector.shape_cast %reduce_sum3A_333 : vector<64xf32> to vector<64x1xf32>
    %add3A_335 = arith.addf %add3A_314, %broadcast_in_dim3A_334 : vector<64x1xf32>
    %mul3A_336 = arith.mulf %max3A_331, %max3A_331 : vector<64x1024xf32>
    %reduce_sum3A_337 = arith.constant dense<0.000000e+00> : vector<64xf32>
    %reduce_sum3A_338 = vector.multi_reduction <add>, %mul3A_336, %reduce_sum3A_337 [1] : vector<64x1024xf32> to vector<64xf32>
    %broadcast_in_dim3A_339 = vector.shape_cast %reduce_sum3A_338 : vector<64xf32> to vector<64x1xf32>
    %add3A_340 = arith.addf %add3A_319, %broadcast_in_dim3A_339 : vector<64x1xf32>
    %get3A_341 = arith.constant 16 : index
    %get3A_342 = arith.constant 0 : index
    %get3A_343 = arith.constant 0 : index
    %get3A_344 = vector.load %arg1[%get3A_341, %get3A_342, %get3A_343] : memref<20x3x1024xf32, #tpu.memory_space<vmem>>, vector<1x3x1024xf32>
    %get3A_345 = vector.shape_cast %get3A_344 : vector<1x3x1024xf32> to vector<3x1024xf32>
    %dot_general3A_346 = arith.constant dense<0.000000e+00> : vector<64x1024xf32>
    %dot_general3A_347 = tpu.matmul %get3A_3, %get3A_345, %dot_general3A_346 {dimension_numbers = #tpu.dot_dimension_numbers<[1], [0], [0], [1], [0, 0, 1, 1], [], []>, transpose_lhs_hint = false} : vector<64x3xf32>, vector<3x1024xf32>, vector<64x1024xf32> -> vector<64x1024xf32>
    %add3A_348 = vector.broadcast %get3A_6 : vector<64x1xf32> to vector<64x1024xf32>
    %add3A_349 = arith.addf %dot_general3A_347, %add3A_348 : vector<64x1024xf32>
    %max3A_350 = arith.constant 0.000000e+00 : f32
    %max3A_351 = vector.broadcast %max3A_350 : f32 to vector<64x1024xf32>
    %max3A_352 = arith.maximumf %add3A_349, %max3A_351 : vector<64x1024xf32>
    %reduce_sum3A_353 = arith.constant dense<0.000000e+00> : vector<64xf32>
    %reduce_sum3A_354 = vector.multi_reduction <add>, %max3A_352, %reduce_sum3A_353 [1] : vector<64x1024xf32> to vector<64xf32>
    %broadcast_in_dim3A_355 = vector.shape_cast %reduce_sum3A_354 : vector<64xf32> to vector<64x1xf32>
    %add3A_356 = arith.addf %add3A_335, %broadcast_in_dim3A_355 : vector<64x1xf32>
    %mul3A_357 = arith.mulf %max3A_352, %max3A_352 : vector<64x1024xf32>
    %reduce_sum3A_358 = arith.constant dense<0.000000e+00> : vector<64xf32>
    %reduce_sum3A_359 = vector.multi_reduction <add>, %mul3A_357, %reduce_sum3A_358 [1] : vector<64x1024xf32> to vector<64xf32>
    %broadcast_in_dim3A_360 = vector.shape_cast %reduce_sum3A_359 : vector<64xf32> to vector<64x1xf32>
    %add3A_361 = arith.addf %add3A_340, %broadcast_in_dim3A_360 : vector<64x1xf32>
    %get3A_362 = arith.constant 17 : index
    %get3A_363 = arith.constant 0 : index
    %get3A_364 = arith.constant 0 : index
    %get3A_365 = vector.load %arg1[%get3A_362, %get3A_363, %get3A_364] : memref<20x3x1024xf32, #tpu.memory_space<vmem>>, vector<1x3x1024xf32>
    %get3A_366 = vector.shape_cast %get3A_365 : vector<1x3x1024xf32> to vector<3x1024xf32>
    %dot_general3A_367 = arith.constant dense<0.000000e+00> : vector<64x1024xf32>
    %dot_general3A_368 = tpu.matmul %get3A_3, %get3A_366, %dot_general3A_367 {dimension_numbers = #tpu.dot_dimension_numbers<[1], [0], [0], [1], [0, 0, 1, 1], [], []>, transpose_lhs_hint = false} : vector<64x3xf32>, vector<3x1024xf32>, vector<64x1024xf32> -> vector<64x1024xf32>
    %add3A_369 = vector.broadcast %get3A_6 : vector<64x1xf32> to vector<64x1024xf32>
    %add3A_370 = arith.addf %dot_general3A_368, %add3A_369 : vector<64x1024xf32>
    %max3A_371 = arith.constant 0.000000e+00 : f32
    %max3A_372 = vector.broadcast %max3A_371 : f32 to vector<64x1024xf32>
    %max3A_373 = arith.maximumf %add3A_370, %max3A_372 : vector<64x1024xf32>
    %reduce_sum3A_374 = arith.constant dense<0.000000e+00> : vector<64xf32>
    %reduce_sum3A_375 = vector.multi_reduction <add>, %max3A_373, %reduce_sum3A_374 [1] : vector<64x1024xf32> to vector<64xf32>
    %broadcast_in_dim3A_376 = vector.shape_cast %reduce_sum3A_375 : vector<64xf32> to vector<64x1xf32>
    %add3A_377 = arith.addf %add3A_356, %broadcast_in_dim3A_376 : vector<64x1xf32>
    %mul3A_378 = arith.mulf %max3A_373, %max3A_373 : vector<64x1024xf32>
    %reduce_sum3A_379 = arith.constant dense<0.000000e+00> : vector<64xf32>
    %reduce_sum3A_380 = vector.multi_reduction <add>, %mul3A_378, %reduce_sum3A_379 [1] : vector<64x1024xf32> to vector<64xf32>
    %broadcast_in_dim3A_381 = vector.shape_cast %reduce_sum3A_380 : vector<64xf32> to vector<64x1xf32>
    %add3A_382 = arith.addf %add3A_361, %broadcast_in_dim3A_381 : vector<64x1xf32>
    %get3A_383 = arith.constant 18 : index
    %get3A_384 = arith.constant 0 : index
    %get3A_385 = arith.constant 0 : index
    %get3A_386 = vector.load %arg1[%get3A_383, %get3A_384, %get3A_385] : memref<20x3x1024xf32, #tpu.memory_space<vmem>>, vector<1x3x1024xf32>
    %get3A_387 = vector.shape_cast %get3A_386 : vector<1x3x1024xf32> to vector<3x1024xf32>
    %dot_general3A_388 = arith.constant dense<0.000000e+00> : vector<64x1024xf32>
    %dot_general3A_389 = tpu.matmul %get3A_3, %get3A_387, %dot_general3A_388 {dimension_numbers = #tpu.dot_dimension_numbers<[1], [0], [0], [1], [0, 0, 1, 1], [], []>, transpose_lhs_hint = false} : vector<64x3xf32>, vector<3x1024xf32>, vector<64x1024xf32> -> vector<64x1024xf32>
    %add3A_390 = vector.broadcast %get3A_6 : vector<64x1xf32> to vector<64x1024xf32>
    %add3A_391 = arith.addf %dot_general3A_389, %add3A_390 : vector<64x1024xf32>
    %max3A_392 = arith.constant 0.000000e+00 : f32
    %max3A_393 = vector.broadcast %max3A_392 : f32 to vector<64x1024xf32>
    %max3A_394 = arith.maximumf %add3A_391, %max3A_393 : vector<64x1024xf32>
    %reduce_sum3A_395 = arith.constant dense<0.000000e+00> : vector<64xf32>
    %reduce_sum3A_396 = vector.multi_reduction <add>, %max3A_394, %reduce_sum3A_395 [1] : vector<64x1024xf32> to vector<64xf32>
    %broadcast_in_dim3A_397 = vector.shape_cast %reduce_sum3A_396 : vector<64xf32> to vector<64x1xf32>
    %add3A_398 = arith.addf %add3A_377, %broadcast_in_dim3A_397 : vector<64x1xf32>
    %mul3A_399 = arith.mulf %max3A_394, %max3A_394 : vector<64x1024xf32>
    %reduce_sum3A_400 = arith.constant dense<0.000000e+00> : vector<64xf32>
    %reduce_sum3A_401 = vector.multi_reduction <add>, %mul3A_399, %reduce_sum3A_400 [1] : vector<64x1024xf32> to vector<64xf32>
    %broadcast_in_dim3A_402 = vector.shape_cast %reduce_sum3A_401 : vector<64xf32> to vector<64x1xf32>
    %add3A_403 = arith.addf %add3A_382, %broadcast_in_dim3A_402 : vector<64x1xf32>
    %get3A_404 = arith.constant 19 : index
    %get3A_405 = arith.constant 0 : index
    %get3A_406 = arith.constant 0 : index
    %get3A_407 = vector.load %arg1[%get3A_404, %get3A_405, %get3A_406] : memref<20x3x1024xf32, #tpu.memory_space<vmem>>, vector<1x3x1024xf32>
    %get3A_408 = vector.shape_cast %get3A_407 : vector<1x3x1024xf32> to vector<3x1024xf32>
    %dot_general3A_409 = arith.constant dense<0.000000e+00> : vector<64x1024xf32>
    %dot_general3A_410 = tpu.matmul %get3A_3, %get3A_408, %dot_general3A_409 {dimension_numbers = #tpu.dot_dimension_numbers<[1], [0], [0], [1], [0, 0, 1, 1], [], []>, transpose_lhs_hint = false} : vector<64x3xf32>, vector<3x1024xf32>, vector<64x1024xf32> -> vector<64x1024xf32>
    %add3A_411 = vector.broadcast %get3A_6 : vector<64x1xf32> to vector<64x1024xf32>
    %add3A_412 = arith.addf %dot_general3A_410, %add3A_411 : vector<64x1024xf32>
    %max3A_413 = arith.constant 0.000000e+00 : f32
    %max3A_414 = vector.broadcast %max3A_413 : f32 to vector<64x1024xf32>
    %max3A_415 = arith.maximumf %add3A_412, %max3A_414 : vector<64x1024xf32>
    %reduce_sum3A_416 = arith.constant dense<0.000000e+00> : vector<64xf32>
    %reduce_sum3A_417 = vector.multi_reduction <add>, %max3A_415, %reduce_sum3A_416 [1] : vector<64x1024xf32> to vector<64xf32>
    %broadcast_in_dim3A_418 = vector.shape_cast %reduce_sum3A_417 : vector<64xf32> to vector<64x1xf32>
    %add3A_419 = arith.addf %add3A_398, %broadcast_in_dim3A_418 : vector<64x1xf32>
    %mul3A_420 = arith.mulf %max3A_415, %max3A_415 : vector<64x1024xf32>
    %reduce_sum3A_421 = arith.constant dense<0.000000e+00> : vector<64xf32>
    %reduce_sum3A_422 = vector.multi_reduction <add>, %mul3A_420, %reduce_sum3A_421 [1] : vector<64x1024xf32> to vector<64xf32>
    %broadcast_in_dim3A_423 = vector.shape_cast %reduce_sum3A_422 : vector<64xf32> to vector<64x1xf32>
    %add3A_424 = arith.addf %add3A_403, %broadcast_in_dim3A_423 : vector<64x1xf32>
    %get3A_425 = arith.constant 0 : index
    %get3A_426 = arith.constant 0 : index
    %get3A_427 = vector.load %arg4[%get3A_425, %get3A_426] : memref<64x1xf32, #tpu.memory_space<vmem>>, vector<64x1xf32>
    %add3A_428 = arith.addf %get3A_427, %add3A_419 : vector<64x1xf32>
    %swap3A = arith.constant 0 : index
    %swap3A_429 = arith.constant 0 : index
    %swap3A_430 = vector.load %arg4[%swap3A, %swap3A_429] : memref<64x1xf32, #tpu.memory_space<vmem>>, vector<64x1xf32>
    tpu.vector_store %arg4[%swap3A, %swap3A_429], %add3A_428 {strides = array<i32>} : memref<64x1xf32, #tpu.memory_space<vmem>>, vector<64x1xf32>,
    %get3A_431 = arith.constant 0 : index
    %get3A_432 = arith.constant 0 : index
    %get3A_433 = vector.load %arg5[%get3A_431, %get3A_432] : memref<64x1xf32, #tpu.memory_space<vmem>>, vector<64x1xf32>
    %add3A_434 = arith.addf %get3A_433, %add3A_424 : vector<64x1xf32>
    %swap3A_435 = arith.constant 0 : index
    %swap3A_436 = arith.constant 0 : index
    %swap3A_437 = vector.load %arg5[%swap3A_435, %swap3A_436] : memref<64x1xf32, #tpu.memory_space<vmem>>, vector<64x1xf32>
    tpu.vector_store %arg5[%swap3A_435, %swap3A_436], %add3A_434 {strides = array<i32>} : memref<64x1xf32, #tpu.memory_space<vmem>>, vector<64x1xf32>,
    return
  }
  func.func @transform_0(%arg0: i32) -> (i32, i32, i32) {
    %c0_i32 = arith.constant 0 : i32
    %c0_i32_0 = arith.constant 0 : i32
    %c0_i32_1 = arith.constant 0 : i32
    return %arg0, %c0_i32, %c0_i32_0 : i32, i32, i32
  }
  func.func @transform_1(%arg0: i32) -> (i32, i32) {
    %c0_i32 = arith.constant 0 : i32
    %c0_i32_0 = arith.constant 0 : i32
    %c0_i32_1 = arith.constant 0 : i32
    return %c0_i32, %c0_i32_0 : i32, i32
  }
  func.func @transform_2(%arg0: i32) -> (i32, i32) {
    %c0_i32 = arith.constant 0 : i32
    %c0_i32_0 = arith.constant 0 : i32
    %c0_i32_1 = arith.constant 0 : i32
    return %c0_i32, %c0_i32_0 : i32, i32
  }
  func.func @transform_3(%arg0: i32) -> (i32, i32) {
    %c0_i32 = arith.constant 0 : i32
    %c0_i32_0 = arith.constant 0 : i32
    %c0_i32_1 = arith.constant 0 : i32
    return %c0_i32, %c0_i32_0 : i32, i32
  }
  func.func @transform_4(%arg0: i32) -> (i32, i32) {
    %c0_i32 = arith.constant 0 : i32
    %c0_i32_0 = arith.constant 0 : i32
    %c0_i32_1 = arith.constant 0 : i32
    return %c0_i32, %c0_i32_0 : i32, i32
  }
}

module attributes {stable_mosaic.version = 14 : i64} {
  func.func @_conv2_body(%arg0: i32, %arg1: memref<20x3x1024xf32, #tpu.memory_space<vmem>>, %arg2: memref<64x3xf32, #tpu.memory_space<vmem>>, %arg3: memref<64x1xf32, #tpu.memory_space<vmem>>, %arg4: memref<64x64xf32, #tpu.memory_space<vmem>>, %arg5: memref<64x1xf32, #tpu.memory_space<vmem>>, %arg6: memref<1x64x1024xf32, #tpu.memory_space<vmem>>, %arg7: memref<1x64x1024xf32, #tpu.memory_space<vmem>>, %arg8: memref<64x1xf32, #tpu.memory_space<vmem>>, %arg9: memref<64x1xf32, #tpu.memory_space<vmem>>) attributes {dimension_semantics = [#tpu.dimension_semantics<arbitrary>], iteration_bounds = array<i64: 32>, scalar_prefetch = 0 : i64, scratch_operands = 0 : i64, tpu.core_type = #tpu.core_type<tc>, window_params = [{transform_indices = @transform_0, window_bounds = array<i64: 20, 3, 1024>}, {pipeline_mode = #tpu.pipeline_mode<synchronous>, transform_indices = @transform_1, window_bounds = array<i64: 64, 3>}, {pipeline_mode = #tpu.pipeline_mode<synchronous>, transform_indices = @transform_2, window_bounds = array<i64: 64, 1>}, {pipeline_mode = #tpu.pipeline_mode<synchronous>, transform_indices = @transform_3, window_bounds = array<i64: 64, 64>}, {pipeline_mode = #tpu.pipeline_mode<synchronous>, transform_indices = @transform_4, window_bounds = array<i64: 64, 1>}, {transform_indices = @transform_5, window_bounds = array<i64: 1, 64, 1024>}, {transform_indices = @transform_6, window_bounds = array<i64: 1, 64, 1024>}, {pipeline_mode = #tpu.pipeline_mode<synchronous>, transform_indices = @transform_7, window_bounds = array<i64: 64, 1>}, {pipeline_mode = #tpu.pipeline_mode<synchronous>, transform_indices = @transform_8, window_bounds = array<i64: 64, 1>}]} {
    %eq3A = arith.constant 0 : i32
    %eq3A_0 = arith.cmpi eq, %arg0, %eq3A : i32
    %convert_element_type3A = arith.extui %eq3A_0 : i1 to i32
    %cond3A = arith.constant 0 : i32
    %cond3A_1 = arith.cmpi ne, %convert_element_type3A, %cond3A : i32
    scf.if %cond3A_1 {
      %broadcast_in_dim3A_639 = arith.constant 0.000000e+00 : f32
      %broadcast_in_dim3A_640 = vector.broadcast %broadcast_in_dim3A_639 : f32 to vector<64x1xf32>
      %swap3A_641 = arith.constant 0 : index
      %swap3A_642 = arith.constant 0 : index
      %swap3A_643 = vector.load %arg8[%swap3A_641, %swap3A_642] : memref<64x1xf32, #tpu.memory_space<vmem>>, vector<64x1xf32>
      tpu.vector_store %arg8[%swap3A_641, %swap3A_642], %broadcast_in_dim3A_640 {strides = array<i32>} : memref<64x1xf32, #tpu.memory_space<vmem>>, vector<64x1xf32>,
      %broadcast_in_dim3A_644 = arith.constant 0.000000e+00 : f32
      %broadcast_in_dim3A_645 = vector.broadcast %broadcast_in_dim3A_644 : f32 to vector<64x1xf32>
      %swap3A_646 = arith.constant 0 : index
      %swap3A_647 = arith.constant 0 : index
      %swap3A_648 = vector.load %arg9[%swap3A_646, %swap3A_647] : memref<64x1xf32, #tpu.memory_space<vmem>>, vector<64x1xf32>
      tpu.vector_store %arg9[%swap3A_646, %swap3A_647], %broadcast_in_dim3A_645 {strides = array<i32>} : memref<64x1xf32, #tpu.memory_space<vmem>>, vector<64x1xf32>,
    } else {
    }
    %get3A = arith.constant 0 : index
    %get3A_2 = arith.constant 0 : index
    %get3A_3 = vector.load %arg2[%get3A, %get3A_2] : memref<64x3xf32, #tpu.memory_space<vmem>>, vector<64x3xf32>
    %get3A_4 = arith.constant 0 : index
    %get3A_5 = arith.constant 0 : index
    %get3A_6 = vector.load %arg3[%get3A_4, %get3A_5] : memref<64x1xf32, #tpu.memory_space<vmem>>, vector<64x1xf32>
    %get3A_7 = arith.constant 0 : index
    %get3A_8 = arith.constant 0 : index
    %get3A_9 = vector.load %arg4[%get3A_7, %get3A_8] : memref<64x64xf32, #tpu.memory_space<vmem>>, vector<64x64xf32>
    %get3A_10 = arith.constant 0 : index
    %get3A_11 = arith.constant 0 : index
    %get3A_12 = vector.load %arg5[%get3A_10, %get3A_11] : memref<64x1xf32, #tpu.memory_space<vmem>>, vector<64x1xf32>
    %broadcast_in_dim3A = arith.constant 0.000000e+00 : f32
    %broadcast_in_dim3A_13 = vector.broadcast %broadcast_in_dim3A : f32 to vector<64x1xf32>
    %broadcast_in_dim3A_14 = arith.constant 0.000000e+00 : f32
    %broadcast_in_dim3A_15 = vector.broadcast %broadcast_in_dim3A_14 : f32 to vector<64x1xf32>
    %broadcast_in_dim3A_16 = arith.constant -3.000000e+38 : f32
    %broadcast_in_dim3A_17 = vector.broadcast %broadcast_in_dim3A_16 : f32 to vector<64x1024xf32>
    %broadcast_in_dim3A_18 = arith.constant 3.000000e+38 : f32
    %broadcast_in_dim3A_19 = vector.broadcast %broadcast_in_dim3A_18 : f32 to vector<64x1024xf32>
    %get3A_20 = arith.constant 0 : index
    %get3A_21 = arith.constant 0 : index
    %get3A_22 = arith.constant 0 : index
    %get3A_23 = vector.load %arg1[%get3A_20, %get3A_21, %get3A_22] : memref<20x3x1024xf32, #tpu.memory_space<vmem>>, vector<1x3x1024xf32>
    %get3A_24 = vector.shape_cast %get3A_23 : vector<1x3x1024xf32> to vector<3x1024xf32>
    %dot_general3A = arith.constant dense<0.000000e+00> : vector<64x1024xf32>
    %dot_general3A_25 = tpu.matmul %get3A_3, %get3A_24, %dot_general3A {dimension_numbers = #tpu.dot_dimension_numbers<[1], [0], [0], [1], [0, 0, 1, 1], [], []>, transpose_lhs_hint = false} : vector<64x3xf32>, vector<3x1024xf32>, vector<64x1024xf32> -> vector<64x1024xf32>
    %add3A = vector.broadcast %get3A_6 : vector<64x1xf32> to vector<64x1024xf32>
    %add3A_26 = arith.addf %dot_general3A_25, %add3A : vector<64x1024xf32>
    %max3A = arith.constant 0.000000e+00 : f32
    %max3A_27 = vector.broadcast %max3A : f32 to vector<64x1024xf32>
    %max3A_28 = arith.maximumf %add3A_26, %max3A_27 : vector<64x1024xf32>
    %dot_general3A_29 = arith.constant dense<0.000000e+00> : vector<64x1024xf32>
    %dot_general3A_30 = tpu.matmul %get3A_9, %max3A_28, %dot_general3A_29 {dimension_numbers = #tpu.dot_dimension_numbers<[1], [0], [0], [1], [0, 0, 1, 1], [], []>, transpose_lhs_hint = false} : vector<64x64xf32>, vector<64x1024xf32>, vector<64x1024xf32> -> vector<64x1024xf32>
    %add3A_31 = vector.broadcast %get3A_12 : vector<64x1xf32> to vector<64x1024xf32>
    %add3A_32 = arith.addf %dot_general3A_30, %add3A_31 : vector<64x1024xf32>
    %max3A_33 = arith.constant 0.000000e+00 : f32
    %max3A_34 = vector.broadcast %max3A_33 : f32 to vector<64x1024xf32>
    %max3A_35 = arith.maximumf %add3A_32, %max3A_34 : vector<64x1024xf32>
    %reduce_sum3A = arith.constant dense<0.000000e+00> : vector<64xf32>
    %reduce_sum3A_36 = vector.multi_reduction <add>, %max3A_35, %reduce_sum3A [1] : vector<64x1024xf32> to vector<64xf32>
    %broadcast_in_dim3A_37 = vector.shape_cast %reduce_sum3A_36 : vector<64xf32> to vector<64x1xf32>
    %add3A_38 = arith.addf %broadcast_in_dim3A_13, %broadcast_in_dim3A_37 : vector<64x1xf32>
    %mul3A = arith.mulf %max3A_35, %max3A_35 : vector<64x1024xf32>
    %reduce_sum3A_39 = arith.constant dense<0.000000e+00> : vector<64xf32>
    %reduce_sum3A_40 = vector.multi_reduction <add>, %mul3A, %reduce_sum3A_39 [1] : vector<64x1024xf32> to vector<64xf32>
    %broadcast_in_dim3A_41 = vector.shape_cast %reduce_sum3A_40 : vector<64xf32> to vector<64x1xf32>
    %add3A_42 = arith.addf %broadcast_in_dim3A_15, %broadcast_in_dim3A_41 : vector<64x1xf32>
    %max3A_43 = arith.maximumf %broadcast_in_dim3A_17, %max3A_35 : vector<64x1024xf32>
    %min3A = arith.minimumf %broadcast_in_dim3A_19, %max3A_35 : vector<64x1024xf32>
    %get3A_44 = arith.constant 1 : index
    %get3A_45 = arith.constant 0 : index
    %get3A_46 = arith.constant 0 : index
    %get3A_47 = vector.load %arg1[%get3A_44, %get3A_45, %get3A_46] : memref<20x3x1024xf32, #tpu.memory_space<vmem>>, vector<1x3x1024xf32>
    %get3A_48 = vector.shape_cast %get3A_47 : vector<1x3x1024xf32> to vector<3x1024xf32>
    %dot_general3A_49 = arith.constant dense<0.000000e+00> : vector<64x1024xf32>
    %dot_general3A_50 = tpu.matmul %get3A_3, %get3A_48, %dot_general3A_49 {dimension_numbers = #tpu.dot_dimension_numbers<[1], [0], [0], [1], [0, 0, 1, 1], [], []>, transpose_lhs_hint = false} : vector<64x3xf32>, vector<3x1024xf32>, vector<64x1024xf32> -> vector<64x1024xf32>
    %add3A_51 = vector.broadcast %get3A_6 : vector<64x1xf32> to vector<64x1024xf32>
    %add3A_52 = arith.addf %dot_general3A_50, %add3A_51 : vector<64x1024xf32>
    %max3A_53 = arith.constant 0.000000e+00 : f32
    %max3A_54 = vector.broadcast %max3A_53 : f32 to vector<64x1024xf32>
    %max3A_55 = arith.maximumf %add3A_52, %max3A_54 : vector<64x1024xf32>
    %dot_general3A_56 = arith.constant dense<0.000000e+00> : vector<64x1024xf32>
    %dot_general3A_57 = tpu.matmul %get3A_9, %max3A_55, %dot_general3A_56 {dimension_numbers = #tpu.dot_dimension_numbers<[1], [0], [0], [1], [0, 0, 1, 1], [], []>, transpose_lhs_hint = false} : vector<64x64xf32>, vector<64x1024xf32>, vector<64x1024xf32> -> vector<64x1024xf32>
    %add3A_58 = vector.broadcast %get3A_12 : vector<64x1xf32> to vector<64x1024xf32>
    %add3A_59 = arith.addf %dot_general3A_57, %add3A_58 : vector<64x1024xf32>
    %max3A_60 = arith.constant 0.000000e+00 : f32
    %max3A_61 = vector.broadcast %max3A_60 : f32 to vector<64x1024xf32>
    %max3A_62 = arith.maximumf %add3A_59, %max3A_61 : vector<64x1024xf32>
    %reduce_sum3A_63 = arith.constant dense<0.000000e+00> : vector<64xf32>
    %reduce_sum3A_64 = vector.multi_reduction <add>, %max3A_62, %reduce_sum3A_63 [1] : vector<64x1024xf32> to vector<64xf32>
    %broadcast_in_dim3A_65 = vector.shape_cast %reduce_sum3A_64 : vector<64xf32> to vector<64x1xf32>
    %add3A_66 = arith.addf %add3A_38, %broadcast_in_dim3A_65 : vector<64x1xf32>
    %mul3A_67 = arith.mulf %max3A_62, %max3A_62 : vector<64x1024xf32>
    %reduce_sum3A_68 = arith.constant dense<0.000000e+00> : vector<64xf32>
    %reduce_sum3A_69 = vector.multi_reduction <add>, %mul3A_67, %reduce_sum3A_68 [1] : vector<64x1024xf32> to vector<64xf32>
    %broadcast_in_dim3A_70 = vector.shape_cast %reduce_sum3A_69 : vector<64xf32> to vector<64x1xf32>
    %add3A_71 = arith.addf %add3A_42, %broadcast_in_dim3A_70 : vector<64x1xf32>
    %max3A_72 = arith.maximumf %max3A_43, %max3A_62 : vector<64x1024xf32>
    %min3A_73 = arith.minimumf %min3A, %max3A_62 : vector<64x1024xf32>
    %get3A_74 = arith.constant 2 : index
    %get3A_75 = arith.constant 0 : index
    %get3A_76 = arith.constant 0 : index
    %get3A_77 = vector.load %arg1[%get3A_74, %get3A_75, %get3A_76] : memref<20x3x1024xf32, #tpu.memory_space<vmem>>, vector<1x3x1024xf32>
    %get3A_78 = vector.shape_cast %get3A_77 : vector<1x3x1024xf32> to vector<3x1024xf32>
    %dot_general3A_79 = arith.constant dense<0.000000e+00> : vector<64x1024xf32>
    %dot_general3A_80 = tpu.matmul %get3A_3, %get3A_78, %dot_general3A_79 {dimension_numbers = #tpu.dot_dimension_numbers<[1], [0], [0], [1], [0, 0, 1, 1], [], []>, transpose_lhs_hint = false} : vector<64x3xf32>, vector<3x1024xf32>, vector<64x1024xf32> -> vector<64x1024xf32>
    %add3A_81 = vector.broadcast %get3A_6 : vector<64x1xf32> to vector<64x1024xf32>
    %add3A_82 = arith.addf %dot_general3A_80, %add3A_81 : vector<64x1024xf32>
    %max3A_83 = arith.constant 0.000000e+00 : f32
    %max3A_84 = vector.broadcast %max3A_83 : f32 to vector<64x1024xf32>
    %max3A_85 = arith.maximumf %add3A_82, %max3A_84 : vector<64x1024xf32>
    %dot_general3A_86 = arith.constant dense<0.000000e+00> : vector<64x1024xf32>
    %dot_general3A_87 = tpu.matmul %get3A_9, %max3A_85, %dot_general3A_86 {dimension_numbers = #tpu.dot_dimension_numbers<[1], [0], [0], [1], [0, 0, 1, 1], [], []>, transpose_lhs_hint = false} : vector<64x64xf32>, vector<64x1024xf32>, vector<64x1024xf32> -> vector<64x1024xf32>
    %add3A_88 = vector.broadcast %get3A_12 : vector<64x1xf32> to vector<64x1024xf32>
    %add3A_89 = arith.addf %dot_general3A_87, %add3A_88 : vector<64x1024xf32>
    %max3A_90 = arith.constant 0.000000e+00 : f32
    %max3A_91 = vector.broadcast %max3A_90 : f32 to vector<64x1024xf32>
    %max3A_92 = arith.maximumf %add3A_89, %max3A_91 : vector<64x1024xf32>
    %reduce_sum3A_93 = arith.constant dense<0.000000e+00> : vector<64xf32>
    %reduce_sum3A_94 = vector.multi_reduction <add>, %max3A_92, %reduce_sum3A_93 [1] : vector<64x1024xf32> to vector<64xf32>
    %broadcast_in_dim3A_95 = vector.shape_cast %reduce_sum3A_94 : vector<64xf32> to vector<64x1xf32>
    %add3A_96 = arith.addf %add3A_66, %broadcast_in_dim3A_95 : vector<64x1xf32>
    %mul3A_97 = arith.mulf %max3A_92, %max3A_92 : vector<64x1024xf32>
    %reduce_sum3A_98 = arith.constant dense<0.000000e+00> : vector<64xf32>
    %reduce_sum3A_99 = vector.multi_reduction <add>, %mul3A_97, %reduce_sum3A_98 [1] : vector<64x1024xf32> to vector<64xf32>
    %broadcast_in_dim3A_100 = vector.shape_cast %reduce_sum3A_99 : vector<64xf32> to vector<64x1xf32>
    %add3A_101 = arith.addf %add3A_71, %broadcast_in_dim3A_100 : vector<64x1xf32>
    %max3A_102 = arith.maximumf %max3A_72, %max3A_92 : vector<64x1024xf32>
    %min3A_103 = arith.minimumf %min3A_73, %max3A_92 : vector<64x1024xf32>
    %get3A_104 = arith.constant 3 : index
    %get3A_105 = arith.constant 0 : index
    %get3A_106 = arith.constant 0 : index
    %get3A_107 = vector.load %arg1[%get3A_104, %get3A_105, %get3A_106] : memref<20x3x1024xf32, #tpu.memory_space<vmem>>, vector<1x3x1024xf32>
    %get3A_108 = vector.shape_cast %get3A_107 : vector<1x3x1024xf32> to vector<3x1024xf32>
    %dot_general3A_109 = arith.constant dense<0.000000e+00> : vector<64x1024xf32>
    %dot_general3A_110 = tpu.matmul %get3A_3, %get3A_108, %dot_general3A_109 {dimension_numbers = #tpu.dot_dimension_numbers<[1], [0], [0], [1], [0, 0, 1, 1], [], []>, transpose_lhs_hint = false} : vector<64x3xf32>, vector<3x1024xf32>, vector<64x1024xf32> -> vector<64x1024xf32>
    %add3A_111 = vector.broadcast %get3A_6 : vector<64x1xf32> to vector<64x1024xf32>
    %add3A_112 = arith.addf %dot_general3A_110, %add3A_111 : vector<64x1024xf32>
    %max3A_113 = arith.constant 0.000000e+00 : f32
    %max3A_114 = vector.broadcast %max3A_113 : f32 to vector<64x1024xf32>
    %max3A_115 = arith.maximumf %add3A_112, %max3A_114 : vector<64x1024xf32>
    %dot_general3A_116 = arith.constant dense<0.000000e+00> : vector<64x1024xf32>
    %dot_general3A_117 = tpu.matmul %get3A_9, %max3A_115, %dot_general3A_116 {dimension_numbers = #tpu.dot_dimension_numbers<[1], [0], [0], [1], [0, 0, 1, 1], [], []>, transpose_lhs_hint = false} : vector<64x64xf32>, vector<64x1024xf32>, vector<64x1024xf32> -> vector<64x1024xf32>
    %add3A_118 = vector.broadcast %get3A_12 : vector<64x1xf32> to vector<64x1024xf32>
    %add3A_119 = arith.addf %dot_general3A_117, %add3A_118 : vector<64x1024xf32>
    %max3A_120 = arith.constant 0.000000e+00 : f32
    %max3A_121 = vector.broadcast %max3A_120 : f32 to vector<64x1024xf32>
    %max3A_122 = arith.maximumf %add3A_119, %max3A_121 : vector<64x1024xf32>
    %reduce_sum3A_123 = arith.constant dense<0.000000e+00> : vector<64xf32>
    %reduce_sum3A_124 = vector.multi_reduction <add>, %max3A_122, %reduce_sum3A_123 [1] : vector<64x1024xf32> to vector<64xf32>
    %broadcast_in_dim3A_125 = vector.shape_cast %reduce_sum3A_124 : vector<64xf32> to vector<64x1xf32>
    %add3A_126 = arith.addf %add3A_96, %broadcast_in_dim3A_125 : vector<64x1xf32>
    %mul3A_127 = arith.mulf %max3A_122, %max3A_122 : vector<64x1024xf32>
    %reduce_sum3A_128 = arith.constant dense<0.000000e+00> : vector<64xf32>
    %reduce_sum3A_129 = vector.multi_reduction <add>, %mul3A_127, %reduce_sum3A_128 [1] : vector<64x1024xf32> to vector<64xf32>
    %broadcast_in_dim3A_130 = vector.shape_cast %reduce_sum3A_129 : vector<64xf32> to vector<64x1xf32>
    %add3A_131 = arith.addf %add3A_101, %broadcast_in_dim3A_130 : vector<64x1xf32>
    %max3A_132 = arith.maximumf %max3A_102, %max3A_122 : vector<64x1024xf32>
    %min3A_133 = arith.minimumf %min3A_103, %max3A_122 : vector<64x1024xf32>
    %get3A_134 = arith.constant 4 : index
    %get3A_135 = arith.constant 0 : index
    %get3A_136 = arith.constant 0 : index
    %get3A_137 = vector.load %arg1[%get3A_134, %get3A_135, %get3A_136] : memref<20x3x1024xf32, #tpu.memory_space<vmem>>, vector<1x3x1024xf32>
    %get3A_138 = vector.shape_cast %get3A_137 : vector<1x3x1024xf32> to vector<3x1024xf32>
    %dot_general3A_139 = arith.constant dense<0.000000e+00> : vector<64x1024xf32>
    %dot_general3A_140 = tpu.matmul %get3A_3, %get3A_138, %dot_general3A_139 {dimension_numbers = #tpu.dot_dimension_numbers<[1], [0], [0], [1], [0, 0, 1, 1], [], []>, transpose_lhs_hint = false} : vector<64x3xf32>, vector<3x1024xf32>, vector<64x1024xf32> -> vector<64x1024xf32>
    %add3A_141 = vector.broadcast %get3A_6 : vector<64x1xf32> to vector<64x1024xf32>
    %add3A_142 = arith.addf %dot_general3A_140, %add3A_141 : vector<64x1024xf32>
    %max3A_143 = arith.constant 0.000000e+00 : f32
    %max3A_144 = vector.broadcast %max3A_143 : f32 to vector<64x1024xf32>
    %max3A_145 = arith.maximumf %add3A_142, %max3A_144 : vector<64x1024xf32>
    %dot_general3A_146 = arith.constant dense<0.000000e+00> : vector<64x1024xf32>
    %dot_general3A_147 = tpu.matmul %get3A_9, %max3A_145, %dot_general3A_146 {dimension_numbers = #tpu.dot_dimension_numbers<[1], [0], [0], [1], [0, 0, 1, 1], [], []>, transpose_lhs_hint = false} : vector<64x64xf32>, vector<64x1024xf32>, vector<64x1024xf32> -> vector<64x1024xf32>
    %add3A_148 = vector.broadcast %get3A_12 : vector<64x1xf32> to vector<64x1024xf32>
    %add3A_149 = arith.addf %dot_general3A_147, %add3A_148 : vector<64x1024xf32>
    %max3A_150 = arith.constant 0.000000e+00 : f32
    %max3A_151 = vector.broadcast %max3A_150 : f32 to vector<64x1024xf32>
    %max3A_152 = arith.maximumf %add3A_149, %max3A_151 : vector<64x1024xf32>
    %reduce_sum3A_153 = arith.constant dense<0.000000e+00> : vector<64xf32>
    %reduce_sum3A_154 = vector.multi_reduction <add>, %max3A_152, %reduce_sum3A_153 [1] : vector<64x1024xf32> to vector<64xf32>
    %broadcast_in_dim3A_155 = vector.shape_cast %reduce_sum3A_154 : vector<64xf32> to vector<64x1xf32>
    %add3A_156 = arith.addf %add3A_126, %broadcast_in_dim3A_155 : vector<64x1xf32>
    %mul3A_157 = arith.mulf %max3A_152, %max3A_152 : vector<64x1024xf32>
    %reduce_sum3A_158 = arith.constant dense<0.000000e+00> : vector<64xf32>
    %reduce_sum3A_159 = vector.multi_reduction <add>, %mul3A_157, %reduce_sum3A_158 [1] : vector<64x1024xf32> to vector<64xf32>
    %broadcast_in_dim3A_160 = vector.shape_cast %reduce_sum3A_159 : vector<64xf32> to vector<64x1xf32>
    %add3A_161 = arith.addf %add3A_131, %broadcast_in_dim3A_160 : vector<64x1xf32>
    %max3A_162 = arith.maximumf %max3A_132, %max3A_152 : vector<64x1024xf32>
    %min3A_163 = arith.minimumf %min3A_133, %max3A_152 : vector<64x1024xf32>
    %get3A_164 = arith.constant 5 : index
    %get3A_165 = arith.constant 0 : index
    %get3A_166 = arith.constant 0 : index
    %get3A_167 = vector.load %arg1[%get3A_164, %get3A_165, %get3A_166] : memref<20x3x1024xf32, #tpu.memory_space<vmem>>, vector<1x3x1024xf32>
    %get3A_168 = vector.shape_cast %get3A_167 : vector<1x3x1024xf32> to vector<3x1024xf32>
    %dot_general3A_169 = arith.constant dense<0.000000e+00> : vector<64x1024xf32>
    %dot_general3A_170 = tpu.matmul %get3A_3, %get3A_168, %dot_general3A_169 {dimension_numbers = #tpu.dot_dimension_numbers<[1], [0], [0], [1], [0, 0, 1, 1], [], []>, transpose_lhs_hint = false} : vector<64x3xf32>, vector<3x1024xf32>, vector<64x1024xf32> -> vector<64x1024xf32>
    %add3A_171 = vector.broadcast %get3A_6 : vector<64x1xf32> to vector<64x1024xf32>
    %add3A_172 = arith.addf %dot_general3A_170, %add3A_171 : vector<64x1024xf32>
    %max3A_173 = arith.constant 0.000000e+00 : f32
    %max3A_174 = vector.broadcast %max3A_173 : f32 to vector<64x1024xf32>
    %max3A_175 = arith.maximumf %add3A_172, %max3A_174 : vector<64x1024xf32>
    %dot_general3A_176 = arith.constant dense<0.000000e+00> : vector<64x1024xf32>
    %dot_general3A_177 = tpu.matmul %get3A_9, %max3A_175, %dot_general3A_176 {dimension_numbers = #tpu.dot_dimension_numbers<[1], [0], [0], [1], [0, 0, 1, 1], [], []>, transpose_lhs_hint = false} : vector<64x64xf32>, vector<64x1024xf32>, vector<64x1024xf32> -> vector<64x1024xf32>
    %add3A_178 = vector.broadcast %get3A_12 : vector<64x1xf32> to vector<64x1024xf32>
    %add3A_179 = arith.addf %dot_general3A_177, %add3A_178 : vector<64x1024xf32>
    %max3A_180 = arith.constant 0.000000e+00 : f32
    %max3A_181 = vector.broadcast %max3A_180 : f32 to vector<64x1024xf32>
    %max3A_182 = arith.maximumf %add3A_179, %max3A_181 : vector<64x1024xf32>
    %reduce_sum3A_183 = arith.constant dense<0.000000e+00> : vector<64xf32>
    %reduce_sum3A_184 = vector.multi_reduction <add>, %max3A_182, %reduce_sum3A_183 [1] : vector<64x1024xf32> to vector<64xf32>
    %broadcast_in_dim3A_185 = vector.shape_cast %reduce_sum3A_184 : vector<64xf32> to vector<64x1xf32>
    %add3A_186 = arith.addf %add3A_156, %broadcast_in_dim3A_185 : vector<64x1xf32>
    %mul3A_187 = arith.mulf %max3A_182, %max3A_182 : vector<64x1024xf32>
    %reduce_sum3A_188 = arith.constant dense<0.000000e+00> : vector<64xf32>
    %reduce_sum3A_189 = vector.multi_reduction <add>, %mul3A_187, %reduce_sum3A_188 [1] : vector<64x1024xf32> to vector<64xf32>
    %broadcast_in_dim3A_190 = vector.shape_cast %reduce_sum3A_189 : vector<64xf32> to vector<64x1xf32>
    %add3A_191 = arith.addf %add3A_161, %broadcast_in_dim3A_190 : vector<64x1xf32>
    %max3A_192 = arith.maximumf %max3A_162, %max3A_182 : vector<64x1024xf32>
    %min3A_193 = arith.minimumf %min3A_163, %max3A_182 : vector<64x1024xf32>
    %get3A_194 = arith.constant 6 : index
    %get3A_195 = arith.constant 0 : index
    %get3A_196 = arith.constant 0 : index
    %get3A_197 = vector.load %arg1[%get3A_194, %get3A_195, %get3A_196] : memref<20x3x1024xf32, #tpu.memory_space<vmem>>, vector<1x3x1024xf32>
    %get3A_198 = vector.shape_cast %get3A_197 : vector<1x3x1024xf32> to vector<3x1024xf32>
    %dot_general3A_199 = arith.constant dense<0.000000e+00> : vector<64x1024xf32>
    %dot_general3A_200 = tpu.matmul %get3A_3, %get3A_198, %dot_general3A_199 {dimension_numbers = #tpu.dot_dimension_numbers<[1], [0], [0], [1], [0, 0, 1, 1], [], []>, transpose_lhs_hint = false} : vector<64x3xf32>, vector<3x1024xf32>, vector<64x1024xf32> -> vector<64x1024xf32>
    %add3A_201 = vector.broadcast %get3A_6 : vector<64x1xf32> to vector<64x1024xf32>
    %add3A_202 = arith.addf %dot_general3A_200, %add3A_201 : vector<64x1024xf32>
    %max3A_203 = arith.constant 0.000000e+00 : f32
    %max3A_204 = vector.broadcast %max3A_203 : f32 to vector<64x1024xf32>
    %max3A_205 = arith.maximumf %add3A_202, %max3A_204 : vector<64x1024xf32>
    %dot_general3A_206 = arith.constant dense<0.000000e+00> : vector<64x1024xf32>
    %dot_general3A_207 = tpu.matmul %get3A_9, %max3A_205, %dot_general3A_206 {dimension_numbers = #tpu.dot_dimension_numbers<[1], [0], [0], [1], [0, 0, 1, 1], [], []>, transpose_lhs_hint = false} : vector<64x64xf32>, vector<64x1024xf32>, vector<64x1024xf32> -> vector<64x1024xf32>
    %add3A_208 = vector.broadcast %get3A_12 : vector<64x1xf32> to vector<64x1024xf32>
    %add3A_209 = arith.addf %dot_general3A_207, %add3A_208 : vector<64x1024xf32>
    %max3A_210 = arith.constant 0.000000e+00 : f32
    %max3A_211 = vector.broadcast %max3A_210 : f32 to vector<64x1024xf32>
    %max3A_212 = arith.maximumf %add3A_209, %max3A_211 : vector<64x1024xf32>
    %reduce_sum3A_213 = arith.constant dense<0.000000e+00> : vector<64xf32>
    %reduce_sum3A_214 = vector.multi_reduction <add>, %max3A_212, %reduce_sum3A_213 [1] : vector<64x1024xf32> to vector<64xf32>
    %broadcast_in_dim3A_215 = vector.shape_cast %reduce_sum3A_214 : vector<64xf32> to vector<64x1xf32>
    %add3A_216 = arith.addf %add3A_186, %broadcast_in_dim3A_215 : vector<64x1xf32>
    %mul3A_217 = arith.mulf %max3A_212, %max3A_212 : vector<64x1024xf32>
    %reduce_sum3A_218 = arith.constant dense<0.000000e+00> : vector<64xf32>
    %reduce_sum3A_219 = vector.multi_reduction <add>, %mul3A_217, %reduce_sum3A_218 [1] : vector<64x1024xf32> to vector<64xf32>
    %broadcast_in_dim3A_220 = vector.shape_cast %reduce_sum3A_219 : vector<64xf32> to vector<64x1xf32>
    %add3A_221 = arith.addf %add3A_191, %broadcast_in_dim3A_220 : vector<64x1xf32>
    %max3A_222 = arith.maximumf %max3A_192, %max3A_212 : vector<64x1024xf32>
    %min3A_223 = arith.minimumf %min3A_193, %max3A_212 : vector<64x1024xf32>
    %get3A_224 = arith.constant 7 : index
    %get3A_225 = arith.constant 0 : index
    %get3A_226 = arith.constant 0 : index
    %get3A_227 = vector.load %arg1[%get3A_224, %get3A_225, %get3A_226] : memref<20x3x1024xf32, #tpu.memory_space<vmem>>, vector<1x3x1024xf32>
    %get3A_228 = vector.shape_cast %get3A_227 : vector<1x3x1024xf32> to vector<3x1024xf32>
    %dot_general3A_229 = arith.constant dense<0.000000e+00> : vector<64x1024xf32>
    %dot_general3A_230 = tpu.matmul %get3A_3, %get3A_228, %dot_general3A_229 {dimension_numbers = #tpu.dot_dimension_numbers<[1], [0], [0], [1], [0, 0, 1, 1], [], []>, transpose_lhs_hint = false} : vector<64x3xf32>, vector<3x1024xf32>, vector<64x1024xf32> -> vector<64x1024xf32>
    %add3A_231 = vector.broadcast %get3A_6 : vector<64x1xf32> to vector<64x1024xf32>
    %add3A_232 = arith.addf %dot_general3A_230, %add3A_231 : vector<64x1024xf32>
    %max3A_233 = arith.constant 0.000000e+00 : f32
    %max3A_234 = vector.broadcast %max3A_233 : f32 to vector<64x1024xf32>
    %max3A_235 = arith.maximumf %add3A_232, %max3A_234 : vector<64x1024xf32>
    %dot_general3A_236 = arith.constant dense<0.000000e+00> : vector<64x1024xf32>
    %dot_general3A_237 = tpu.matmul %get3A_9, %max3A_235, %dot_general3A_236 {dimension_numbers = #tpu.dot_dimension_numbers<[1], [0], [0], [1], [0, 0, 1, 1], [], []>, transpose_lhs_hint = false} : vector<64x64xf32>, vector<64x1024xf32>, vector<64x1024xf32> -> vector<64x1024xf32>
    %add3A_238 = vector.broadcast %get3A_12 : vector<64x1xf32> to vector<64x1024xf32>
    %add3A_239 = arith.addf %dot_general3A_237, %add3A_238 : vector<64x1024xf32>
    %max3A_240 = arith.constant 0.000000e+00 : f32
    %max3A_241 = vector.broadcast %max3A_240 : f32 to vector<64x1024xf32>
    %max3A_242 = arith.maximumf %add3A_239, %max3A_241 : vector<64x1024xf32>
    %reduce_sum3A_243 = arith.constant dense<0.000000e+00> : vector<64xf32>
    %reduce_sum3A_244 = vector.multi_reduction <add>, %max3A_242, %reduce_sum3A_243 [1] : vector<64x1024xf32> to vector<64xf32>
    %broadcast_in_dim3A_245 = vector.shape_cast %reduce_sum3A_244 : vector<64xf32> to vector<64x1xf32>
    %add3A_246 = arith.addf %add3A_216, %broadcast_in_dim3A_245 : vector<64x1xf32>
    %mul3A_247 = arith.mulf %max3A_242, %max3A_242 : vector<64x1024xf32>
    %reduce_sum3A_248 = arith.constant dense<0.000000e+00> : vector<64xf32>
    %reduce_sum3A_249 = vector.multi_reduction <add>, %mul3A_247, %reduce_sum3A_248 [1] : vector<64x1024xf32> to vector<64xf32>
    %broadcast_in_dim3A_250 = vector.shape_cast %reduce_sum3A_249 : vector<64xf32> to vector<64x1xf32>
    %add3A_251 = arith.addf %add3A_221, %broadcast_in_dim3A_250 : vector<64x1xf32>
    %max3A_252 = arith.maximumf %max3A_222, %max3A_242 : vector<64x1024xf32>
    %min3A_253 = arith.minimumf %min3A_223, %max3A_242 : vector<64x1024xf32>
    %get3A_254 = arith.constant 8 : index
    %get3A_255 = arith.constant 0 : index
    %get3A_256 = arith.constant 0 : index
    %get3A_257 = vector.load %arg1[%get3A_254, %get3A_255, %get3A_256] : memref<20x3x1024xf32, #tpu.memory_space<vmem>>, vector<1x3x1024xf32>
    %get3A_258 = vector.shape_cast %get3A_257 : vector<1x3x1024xf32> to vector<3x1024xf32>
    %dot_general3A_259 = arith.constant dense<0.000000e+00> : vector<64x1024xf32>
    %dot_general3A_260 = tpu.matmul %get3A_3, %get3A_258, %dot_general3A_259 {dimension_numbers = #tpu.dot_dimension_numbers<[1], [0], [0], [1], [0, 0, 1, 1], [], []>, transpose_lhs_hint = false} : vector<64x3xf32>, vector<3x1024xf32>, vector<64x1024xf32> -> vector<64x1024xf32>
    %add3A_261 = vector.broadcast %get3A_6 : vector<64x1xf32> to vector<64x1024xf32>
    %add3A_262 = arith.addf %dot_general3A_260, %add3A_261 : vector<64x1024xf32>
    %max3A_263 = arith.constant 0.000000e+00 : f32
    %max3A_264 = vector.broadcast %max3A_263 : f32 to vector<64x1024xf32>
    %max3A_265 = arith.maximumf %add3A_262, %max3A_264 : vector<64x1024xf32>
    %dot_general3A_266 = arith.constant dense<0.000000e+00> : vector<64x1024xf32>
    %dot_general3A_267 = tpu.matmul %get3A_9, %max3A_265, %dot_general3A_266 {dimension_numbers = #tpu.dot_dimension_numbers<[1], [0], [0], [1], [0, 0, 1, 1], [], []>, transpose_lhs_hint = false} : vector<64x64xf32>, vector<64x1024xf32>, vector<64x1024xf32> -> vector<64x1024xf32>
    %add3A_268 = vector.broadcast %get3A_12 : vector<64x1xf32> to vector<64x1024xf32>
    %add3A_269 = arith.addf %dot_general3A_267, %add3A_268 : vector<64x1024xf32>
    %max3A_270 = arith.constant 0.000000e+00 : f32
    %max3A_271 = vector.broadcast %max3A_270 : f32 to vector<64x1024xf32>
    %max3A_272 = arith.maximumf %add3A_269, %max3A_271 : vector<64x1024xf32>
    %reduce_sum3A_273 = arith.constant dense<0.000000e+00> : vector<64xf32>
    %reduce_sum3A_274 = vector.multi_reduction <add>, %max3A_272, %reduce_sum3A_273 [1] : vector<64x1024xf32> to vector<64xf32>
    %broadcast_in_dim3A_275 = vector.shape_cast %reduce_sum3A_274 : vector<64xf32> to vector<64x1xf32>
    %add3A_276 = arith.addf %add3A_246, %broadcast_in_dim3A_275 : vector<64x1xf32>
    %mul3A_277 = arith.mulf %max3A_272, %max3A_272 : vector<64x1024xf32>
    %reduce_sum3A_278 = arith.constant dense<0.000000e+00> : vector<64xf32>
    %reduce_sum3A_279 = vector.multi_reduction <add>, %mul3A_277, %reduce_sum3A_278 [1] : vector<64x1024xf32> to vector<64xf32>
    %broadcast_in_dim3A_280 = vector.shape_cast %reduce_sum3A_279 : vector<64xf32> to vector<64x1xf32>
    %add3A_281 = arith.addf %add3A_251, %broadcast_in_dim3A_280 : vector<64x1xf32>
    %max3A_282 = arith.maximumf %max3A_252, %max3A_272 : vector<64x1024xf32>
    %min3A_283 = arith.minimumf %min3A_253, %max3A_272 : vector<64x1024xf32>
    %get3A_284 = arith.constant 9 : index
    %get3A_285 = arith.constant 0 : index
    %get3A_286 = arith.constant 0 : index
    %get3A_287 = vector.load %arg1[%get3A_284, %get3A_285, %get3A_286] : memref<20x3x1024xf32, #tpu.memory_space<vmem>>, vector<1x3x1024xf32>
    %get3A_288 = vector.shape_cast %get3A_287 : vector<1x3x1024xf32> to vector<3x1024xf32>
    %dot_general3A_289 = arith.constant dense<0.000000e+00> : vector<64x1024xf32>
    %dot_general3A_290 = tpu.matmul %get3A_3, %get3A_288, %dot_general3A_289 {dimension_numbers = #tpu.dot_dimension_numbers<[1], [0], [0], [1], [0, 0, 1, 1], [], []>, transpose_lhs_hint = false} : vector<64x3xf32>, vector<3x1024xf32>, vector<64x1024xf32> -> vector<64x1024xf32>
    %add3A_291 = vector.broadcast %get3A_6 : vector<64x1xf32> to vector<64x1024xf32>
    %add3A_292 = arith.addf %dot_general3A_290, %add3A_291 : vector<64x1024xf32>
    %max3A_293 = arith.constant 0.000000e+00 : f32
    %max3A_294 = vector.broadcast %max3A_293 : f32 to vector<64x1024xf32>
    %max3A_295 = arith.maximumf %add3A_292, %max3A_294 : vector<64x1024xf32>
    %dot_general3A_296 = arith.constant dense<0.000000e+00> : vector<64x1024xf32>
    %dot_general3A_297 = tpu.matmul %get3A_9, %max3A_295, %dot_general3A_296 {dimension_numbers = #tpu.dot_dimension_numbers<[1], [0], [0], [1], [0, 0, 1, 1], [], []>, transpose_lhs_hint = false} : vector<64x64xf32>, vector<64x1024xf32>, vector<64x1024xf32> -> vector<64x1024xf32>
    %add3A_298 = vector.broadcast %get3A_12 : vector<64x1xf32> to vector<64x1024xf32>
    %add3A_299 = arith.addf %dot_general3A_297, %add3A_298 : vector<64x1024xf32>
    %max3A_300 = arith.constant 0.000000e+00 : f32
    %max3A_301 = vector.broadcast %max3A_300 : f32 to vector<64x1024xf32>
    %max3A_302 = arith.maximumf %add3A_299, %max3A_301 : vector<64x1024xf32>
    %reduce_sum3A_303 = arith.constant dense<0.000000e+00> : vector<64xf32>
    %reduce_sum3A_304 = vector.multi_reduction <add>, %max3A_302, %reduce_sum3A_303 [1] : vector<64x1024xf32> to vector<64xf32>
    %broadcast_in_dim3A_305 = vector.shape_cast %reduce_sum3A_304 : vector<64xf32> to vector<64x1xf32>
    %add3A_306 = arith.addf %add3A_276, %broadcast_in_dim3A_305 : vector<64x1xf32>
    %mul3A_307 = arith.mulf %max3A_302, %max3A_302 : vector<64x1024xf32>
    %reduce_sum3A_308 = arith.constant dense<0.000000e+00> : vector<64xf32>
    %reduce_sum3A_309 = vector.multi_reduction <add>, %mul3A_307, %reduce_sum3A_308 [1] : vector<64x1024xf32> to vector<64xf32>
    %broadcast_in_dim3A_310 = vector.shape_cast %reduce_sum3A_309 : vector<64xf32> to vector<64x1xf32>
    %add3A_311 = arith.addf %add3A_281, %broadcast_in_dim3A_310 : vector<64x1xf32>
    %max3A_312 = arith.maximumf %max3A_282, %max3A_302 : vector<64x1024xf32>
    %min3A_313 = arith.minimumf %min3A_283, %max3A_302 : vector<64x1024xf32>
    %get3A_314 = arith.constant 10 : index
    %get3A_315 = arith.constant 0 : index
    %get3A_316 = arith.constant 0 : index
    %get3A_317 = vector.load %arg1[%get3A_314, %get3A_315, %get3A_316] : memref<20x3x1024xf32, #tpu.memory_space<vmem>>, vector<1x3x1024xf32>
    %get3A_318 = vector.shape_cast %get3A_317 : vector<1x3x1024xf32> to vector<3x1024xf32>
    %dot_general3A_319 = arith.constant dense<0.000000e+00> : vector<64x1024xf32>
    %dot_general3A_320 = tpu.matmul %get3A_3, %get3A_318, %dot_general3A_319 {dimension_numbers = #tpu.dot_dimension_numbers<[1], [0], [0], [1], [0, 0, 1, 1], [], []>, transpose_lhs_hint = false} : vector<64x3xf32>, vector<3x1024xf32>, vector<64x1024xf32> -> vector<64x1024xf32>
    %add3A_321 = vector.broadcast %get3A_6 : vector<64x1xf32> to vector<64x1024xf32>
    %add3A_322 = arith.addf %dot_general3A_320, %add3A_321 : vector<64x1024xf32>
    %max3A_323 = arith.constant 0.000000e+00 : f32
    %max3A_324 = vector.broadcast %max3A_323 : f32 to vector<64x1024xf32>
    %max3A_325 = arith.maximumf %add3A_322, %max3A_324 : vector<64x1024xf32>
    %dot_general3A_326 = arith.constant dense<0.000000e+00> : vector<64x1024xf32>
    %dot_general3A_327 = tpu.matmul %get3A_9, %max3A_325, %dot_general3A_326 {dimension_numbers = #tpu.dot_dimension_numbers<[1], [0], [0], [1], [0, 0, 1, 1], [], []>, transpose_lhs_hint = false} : vector<64x64xf32>, vector<64x1024xf32>, vector<64x1024xf32> -> vector<64x1024xf32>
    %add3A_328 = vector.broadcast %get3A_12 : vector<64x1xf32> to vector<64x1024xf32>
    %add3A_329 = arith.addf %dot_general3A_327, %add3A_328 : vector<64x1024xf32>
    %max3A_330 = arith.constant 0.000000e+00 : f32
    %max3A_331 = vector.broadcast %max3A_330 : f32 to vector<64x1024xf32>
    %max3A_332 = arith.maximumf %add3A_329, %max3A_331 : vector<64x1024xf32>
    %reduce_sum3A_333 = arith.constant dense<0.000000e+00> : vector<64xf32>
    %reduce_sum3A_334 = vector.multi_reduction <add>, %max3A_332, %reduce_sum3A_333 [1] : vector<64x1024xf32> to vector<64xf32>
    %broadcast_in_dim3A_335 = vector.shape_cast %reduce_sum3A_334 : vector<64xf32> to vector<64x1xf32>
    %add3A_336 = arith.addf %add3A_306, %broadcast_in_dim3A_335 : vector<64x1xf32>
    %mul3A_337 = arith.mulf %max3A_332, %max3A_332 : vector<64x1024xf32>
    %reduce_sum3A_338 = arith.constant dense<0.000000e+00> : vector<64xf32>
    %reduce_sum3A_339 = vector.multi_reduction <add>, %mul3A_337, %reduce_sum3A_338 [1] : vector<64x1024xf32> to vector<64xf32>
    %broadcast_in_dim3A_340 = vector.shape_cast %reduce_sum3A_339 : vector<64xf32> to vector<64x1xf32>
    %add3A_341 = arith.addf %add3A_311, %broadcast_in_dim3A_340 : vector<64x1xf32>
    %max3A_342 = arith.maximumf %max3A_312, %max3A_332 : vector<64x1024xf32>
    %min3A_343 = arith.minimumf %min3A_313, %max3A_332 : vector<64x1024xf32>
    %get3A_344 = arith.constant 11 : index
    %get3A_345 = arith.constant 0 : index
    %get3A_346 = arith.constant 0 : index
    %get3A_347 = vector.load %arg1[%get3A_344, %get3A_345, %get3A_346] : memref<20x3x1024xf32, #tpu.memory_space<vmem>>, vector<1x3x1024xf32>
    %get3A_348 = vector.shape_cast %get3A_347 : vector<1x3x1024xf32> to vector<3x1024xf32>
    %dot_general3A_349 = arith.constant dense<0.000000e+00> : vector<64x1024xf32>
    %dot_general3A_350 = tpu.matmul %get3A_3, %get3A_348, %dot_general3A_349 {dimension_numbers = #tpu.dot_dimension_numbers<[1], [0], [0], [1], [0, 0, 1, 1], [], []>, transpose_lhs_hint = false} : vector<64x3xf32>, vector<3x1024xf32>, vector<64x1024xf32> -> vector<64x1024xf32>
    %add3A_351 = vector.broadcast %get3A_6 : vector<64x1xf32> to vector<64x1024xf32>
    %add3A_352 = arith.addf %dot_general3A_350, %add3A_351 : vector<64x1024xf32>
    %max3A_353 = arith.constant 0.000000e+00 : f32
    %max3A_354 = vector.broadcast %max3A_353 : f32 to vector<64x1024xf32>
    %max3A_355 = arith.maximumf %add3A_352, %max3A_354 : vector<64x1024xf32>
    %dot_general3A_356 = arith.constant dense<0.000000e+00> : vector<64x1024xf32>
    %dot_general3A_357 = tpu.matmul %get3A_9, %max3A_355, %dot_general3A_356 {dimension_numbers = #tpu.dot_dimension_numbers<[1], [0], [0], [1], [0, 0, 1, 1], [], []>, transpose_lhs_hint = false} : vector<64x64xf32>, vector<64x1024xf32>, vector<64x1024xf32> -> vector<64x1024xf32>
    %add3A_358 = vector.broadcast %get3A_12 : vector<64x1xf32> to vector<64x1024xf32>
    %add3A_359 = arith.addf %dot_general3A_357, %add3A_358 : vector<64x1024xf32>
    %max3A_360 = arith.constant 0.000000e+00 : f32
    %max3A_361 = vector.broadcast %max3A_360 : f32 to vector<64x1024xf32>
    %max3A_362 = arith.maximumf %add3A_359, %max3A_361 : vector<64x1024xf32>
    %reduce_sum3A_363 = arith.constant dense<0.000000e+00> : vector<64xf32>
    %reduce_sum3A_364 = vector.multi_reduction <add>, %max3A_362, %reduce_sum3A_363 [1] : vector<64x1024xf32> to vector<64xf32>
    %broadcast_in_dim3A_365 = vector.shape_cast %reduce_sum3A_364 : vector<64xf32> to vector<64x1xf32>
    %add3A_366 = arith.addf %add3A_336, %broadcast_in_dim3A_365 : vector<64x1xf32>
    %mul3A_367 = arith.mulf %max3A_362, %max3A_362 : vector<64x1024xf32>
    %reduce_sum3A_368 = arith.constant dense<0.000000e+00> : vector<64xf32>
    %reduce_sum3A_369 = vector.multi_reduction <add>, %mul3A_367, %reduce_sum3A_368 [1] : vector<64x1024xf32> to vector<64xf32>
    %broadcast_in_dim3A_370 = vector.shape_cast %reduce_sum3A_369 : vector<64xf32> to vector<64x1xf32>
    %add3A_371 = arith.addf %add3A_341, %broadcast_in_dim3A_370 : vector<64x1xf32>
    %max3A_372 = arith.maximumf %max3A_342, %max3A_362 : vector<64x1024xf32>
    %min3A_373 = arith.minimumf %min3A_343, %max3A_362 : vector<64x1024xf32>
    %get3A_374 = arith.constant 12 : index
    %get3A_375 = arith.constant 0 : index
    %get3A_376 = arith.constant 0 : index
    %get3A_377 = vector.load %arg1[%get3A_374, %get3A_375, %get3A_376] : memref<20x3x1024xf32, #tpu.memory_space<vmem>>, vector<1x3x1024xf32>
    %get3A_378 = vector.shape_cast %get3A_377 : vector<1x3x1024xf32> to vector<3x1024xf32>
    %dot_general3A_379 = arith.constant dense<0.000000e+00> : vector<64x1024xf32>
    %dot_general3A_380 = tpu.matmul %get3A_3, %get3A_378, %dot_general3A_379 {dimension_numbers = #tpu.dot_dimension_numbers<[1], [0], [0], [1], [0, 0, 1, 1], [], []>, transpose_lhs_hint = false} : vector<64x3xf32>, vector<3x1024xf32>, vector<64x1024xf32> -> vector<64x1024xf32>
    %add3A_381 = vector.broadcast %get3A_6 : vector<64x1xf32> to vector<64x1024xf32>
    %add3A_382 = arith.addf %dot_general3A_380, %add3A_381 : vector<64x1024xf32>
    %max3A_383 = arith.constant 0.000000e+00 : f32
    %max3A_384 = vector.broadcast %max3A_383 : f32 to vector<64x1024xf32>
    %max3A_385 = arith.maximumf %add3A_382, %max3A_384 : vector<64x1024xf32>
    %dot_general3A_386 = arith.constant dense<0.000000e+00> : vector<64x1024xf32>
    %dot_general3A_387 = tpu.matmul %get3A_9, %max3A_385, %dot_general3A_386 {dimension_numbers = #tpu.dot_dimension_numbers<[1], [0], [0], [1], [0, 0, 1, 1], [], []>, transpose_lhs_hint = false} : vector<64x64xf32>, vector<64x1024xf32>, vector<64x1024xf32> -> vector<64x1024xf32>
    %add3A_388 = vector.broadcast %get3A_12 : vector<64x1xf32> to vector<64x1024xf32>
    %add3A_389 = arith.addf %dot_general3A_387, %add3A_388 : vector<64x1024xf32>
    %max3A_390 = arith.constant 0.000000e+00 : f32
    %max3A_391 = vector.broadcast %max3A_390 : f32 to vector<64x1024xf32>
    %max3A_392 = arith.maximumf %add3A_389, %max3A_391 : vector<64x1024xf32>
    %reduce_sum3A_393 = arith.constant dense<0.000000e+00> : vector<64xf32>
    %reduce_sum3A_394 = vector.multi_reduction <add>, %max3A_392, %reduce_sum3A_393 [1] : vector<64x1024xf32> to vector<64xf32>
    %broadcast_in_dim3A_395 = vector.shape_cast %reduce_sum3A_394 : vector<64xf32> to vector<64x1xf32>
    %add3A_396 = arith.addf %add3A_366, %broadcast_in_dim3A_395 : vector<64x1xf32>
    %mul3A_397 = arith.mulf %max3A_392, %max3A_392 : vector<64x1024xf32>
    %reduce_sum3A_398 = arith.constant dense<0.000000e+00> : vector<64xf32>
    %reduce_sum3A_399 = vector.multi_reduction <add>, %mul3A_397, %reduce_sum3A_398 [1] : vector<64x1024xf32> to vector<64xf32>
    %broadcast_in_dim3A_400 = vector.shape_cast %reduce_sum3A_399 : vector<64xf32> to vector<64x1xf32>
    %add3A_401 = arith.addf %add3A_371, %broadcast_in_dim3A_400 : vector<64x1xf32>
    %max3A_402 = arith.maximumf %max3A_372, %max3A_392 : vector<64x1024xf32>
    %min3A_403 = arith.minimumf %min3A_373, %max3A_392 : vector<64x1024xf32>
    %get3A_404 = arith.constant 13 : index
    %get3A_405 = arith.constant 0 : index
    %get3A_406 = arith.constant 0 : index
    %get3A_407 = vector.load %arg1[%get3A_404, %get3A_405, %get3A_406] : memref<20x3x1024xf32, #tpu.memory_space<vmem>>, vector<1x3x1024xf32>
    %get3A_408 = vector.shape_cast %get3A_407 : vector<1x3x1024xf32> to vector<3x1024xf32>
    %dot_general3A_409 = arith.constant dense<0.000000e+00> : vector<64x1024xf32>
    %dot_general3A_410 = tpu.matmul %get3A_3, %get3A_408, %dot_general3A_409 {dimension_numbers = #tpu.dot_dimension_numbers<[1], [0], [0], [1], [0, 0, 1, 1], [], []>, transpose_lhs_hint = false} : vector<64x3xf32>, vector<3x1024xf32>, vector<64x1024xf32> -> vector<64x1024xf32>
    %add3A_411 = vector.broadcast %get3A_6 : vector<64x1xf32> to vector<64x1024xf32>
    %add3A_412 = arith.addf %dot_general3A_410, %add3A_411 : vector<64x1024xf32>
    %max3A_413 = arith.constant 0.000000e+00 : f32
    %max3A_414 = vector.broadcast %max3A_413 : f32 to vector<64x1024xf32>
    %max3A_415 = arith.maximumf %add3A_412, %max3A_414 : vector<64x1024xf32>
    %dot_general3A_416 = arith.constant dense<0.000000e+00> : vector<64x1024xf32>
    %dot_general3A_417 = tpu.matmul %get3A_9, %max3A_415, %dot_general3A_416 {dimension_numbers = #tpu.dot_dimension_numbers<[1], [0], [0], [1], [0, 0, 1, 1], [], []>, transpose_lhs_hint = false} : vector<64x64xf32>, vector<64x1024xf32>, vector<64x1024xf32> -> vector<64x1024xf32>
    %add3A_418 = vector.broadcast %get3A_12 : vector<64x1xf32> to vector<64x1024xf32>
    %add3A_419 = arith.addf %dot_general3A_417, %add3A_418 : vector<64x1024xf32>
    %max3A_420 = arith.constant 0.000000e+00 : f32
    %max3A_421 = vector.broadcast %max3A_420 : f32 to vector<64x1024xf32>
    %max3A_422 = arith.maximumf %add3A_419, %max3A_421 : vector<64x1024xf32>
    %reduce_sum3A_423 = arith.constant dense<0.000000e+00> : vector<64xf32>
    %reduce_sum3A_424 = vector.multi_reduction <add>, %max3A_422, %reduce_sum3A_423 [1] : vector<64x1024xf32> to vector<64xf32>
    %broadcast_in_dim3A_425 = vector.shape_cast %reduce_sum3A_424 : vector<64xf32> to vector<64x1xf32>
    %add3A_426 = arith.addf %add3A_396, %broadcast_in_dim3A_425 : vector<64x1xf32>
    %mul3A_427 = arith.mulf %max3A_422, %max3A_422 : vector<64x1024xf32>
    %reduce_sum3A_428 = arith.constant dense<0.000000e+00> : vector<64xf32>
    %reduce_sum3A_429 = vector.multi_reduction <add>, %mul3A_427, %reduce_sum3A_428 [1] : vector<64x1024xf32> to vector<64xf32>
    %broadcast_in_dim3A_430 = vector.shape_cast %reduce_sum3A_429 : vector<64xf32> to vector<64x1xf32>
    %add3A_431 = arith.addf %add3A_401, %broadcast_in_dim3A_430 : vector<64x1xf32>
    %max3A_432 = arith.maximumf %max3A_402, %max3A_422 : vector<64x1024xf32>
    %min3A_433 = arith.minimumf %min3A_403, %max3A_422 : vector<64x1024xf32>
    %get3A_434 = arith.constant 14 : index
    %get3A_435 = arith.constant 0 : index
    %get3A_436 = arith.constant 0 : index
    %get3A_437 = vector.load %arg1[%get3A_434, %get3A_435, %get3A_436] : memref<20x3x1024xf32, #tpu.memory_space<vmem>>, vector<1x3x1024xf32>
    %get3A_438 = vector.shape_cast %get3A_437 : vector<1x3x1024xf32> to vector<3x1024xf32>
    %dot_general3A_439 = arith.constant dense<0.000000e+00> : vector<64x1024xf32>
    %dot_general3A_440 = tpu.matmul %get3A_3, %get3A_438, %dot_general3A_439 {dimension_numbers = #tpu.dot_dimension_numbers<[1], [0], [0], [1], [0, 0, 1, 1], [], []>, transpose_lhs_hint = false} : vector<64x3xf32>, vector<3x1024xf32>, vector<64x1024xf32> -> vector<64x1024xf32>
    %add3A_441 = vector.broadcast %get3A_6 : vector<64x1xf32> to vector<64x1024xf32>
    %add3A_442 = arith.addf %dot_general3A_440, %add3A_441 : vector<64x1024xf32>
    %max3A_443 = arith.constant 0.000000e+00 : f32
    %max3A_444 = vector.broadcast %max3A_443 : f32 to vector<64x1024xf32>
    %max3A_445 = arith.maximumf %add3A_442, %max3A_444 : vector<64x1024xf32>
    %dot_general3A_446 = arith.constant dense<0.000000e+00> : vector<64x1024xf32>
    %dot_general3A_447 = tpu.matmul %get3A_9, %max3A_445, %dot_general3A_446 {dimension_numbers = #tpu.dot_dimension_numbers<[1], [0], [0], [1], [0, 0, 1, 1], [], []>, transpose_lhs_hint = false} : vector<64x64xf32>, vector<64x1024xf32>, vector<64x1024xf32> -> vector<64x1024xf32>
    %add3A_448 = vector.broadcast %get3A_12 : vector<64x1xf32> to vector<64x1024xf32>
    %add3A_449 = arith.addf %dot_general3A_447, %add3A_448 : vector<64x1024xf32>
    %max3A_450 = arith.constant 0.000000e+00 : f32
    %max3A_451 = vector.broadcast %max3A_450 : f32 to vector<64x1024xf32>
    %max3A_452 = arith.maximumf %add3A_449, %max3A_451 : vector<64x1024xf32>
    %reduce_sum3A_453 = arith.constant dense<0.000000e+00> : vector<64xf32>
    %reduce_sum3A_454 = vector.multi_reduction <add>, %max3A_452, %reduce_sum3A_453 [1] : vector<64x1024xf32> to vector<64xf32>
    %broadcast_in_dim3A_455 = vector.shape_cast %reduce_sum3A_454 : vector<64xf32> to vector<64x1xf32>
    %add3A_456 = arith.addf %add3A_426, %broadcast_in_dim3A_455 : vector<64x1xf32>
    %mul3A_457 = arith.mulf %max3A_452, %max3A_452 : vector<64x1024xf32>
    %reduce_sum3A_458 = arith.constant dense<0.000000e+00> : vector<64xf32>
    %reduce_sum3A_459 = vector.multi_reduction <add>, %mul3A_457, %reduce_sum3A_458 [1] : vector<64x1024xf32> to vector<64xf32>
    %broadcast_in_dim3A_460 = vector.shape_cast %reduce_sum3A_459 : vector<64xf32> to vector<64x1xf32>
    %add3A_461 = arith.addf %add3A_431, %broadcast_in_dim3A_460 : vector<64x1xf32>
    %max3A_462 = arith.maximumf %max3A_432, %max3A_452 : vector<64x1024xf32>
    %min3A_463 = arith.minimumf %min3A_433, %max3A_452 : vector<64x1024xf32>
    %get3A_464 = arith.constant 15 : index
    %get3A_465 = arith.constant 0 : index
    %get3A_466 = arith.constant 0 : index
    %get3A_467 = vector.load %arg1[%get3A_464, %get3A_465, %get3A_466] : memref<20x3x1024xf32, #tpu.memory_space<vmem>>, vector<1x3x1024xf32>
    %get3A_468 = vector.shape_cast %get3A_467 : vector<1x3x1024xf32> to vector<3x1024xf32>
    %dot_general3A_469 = arith.constant dense<0.000000e+00> : vector<64x1024xf32>
    %dot_general3A_470 = tpu.matmul %get3A_3, %get3A_468, %dot_general3A_469 {dimension_numbers = #tpu.dot_dimension_numbers<[1], [0], [0], [1], [0, 0, 1, 1], [], []>, transpose_lhs_hint = false} : vector<64x3xf32>, vector<3x1024xf32>, vector<64x1024xf32> -> vector<64x1024xf32>
    %add3A_471 = vector.broadcast %get3A_6 : vector<64x1xf32> to vector<64x1024xf32>
    %add3A_472 = arith.addf %dot_general3A_470, %add3A_471 : vector<64x1024xf32>
    %max3A_473 = arith.constant 0.000000e+00 : f32
    %max3A_474 = vector.broadcast %max3A_473 : f32 to vector<64x1024xf32>
    %max3A_475 = arith.maximumf %add3A_472, %max3A_474 : vector<64x1024xf32>
    %dot_general3A_476 = arith.constant dense<0.000000e+00> : vector<64x1024xf32>
    %dot_general3A_477 = tpu.matmul %get3A_9, %max3A_475, %dot_general3A_476 {dimension_numbers = #tpu.dot_dimension_numbers<[1], [0], [0], [1], [0, 0, 1, 1], [], []>, transpose_lhs_hint = false} : vector<64x64xf32>, vector<64x1024xf32>, vector<64x1024xf32> -> vector<64x1024xf32>
    %add3A_478 = vector.broadcast %get3A_12 : vector<64x1xf32> to vector<64x1024xf32>
    %add3A_479 = arith.addf %dot_general3A_477, %add3A_478 : vector<64x1024xf32>
    %max3A_480 = arith.constant 0.000000e+00 : f32
    %max3A_481 = vector.broadcast %max3A_480 : f32 to vector<64x1024xf32>
    %max3A_482 = arith.maximumf %add3A_479, %max3A_481 : vector<64x1024xf32>
    %reduce_sum3A_483 = arith.constant dense<0.000000e+00> : vector<64xf32>
    %reduce_sum3A_484 = vector.multi_reduction <add>, %max3A_482, %reduce_sum3A_483 [1] : vector<64x1024xf32> to vector<64xf32>
    %broadcast_in_dim3A_485 = vector.shape_cast %reduce_sum3A_484 : vector<64xf32> to vector<64x1xf32>
    %add3A_486 = arith.addf %add3A_456, %broadcast_in_dim3A_485 : vector<64x1xf32>
    %mul3A_487 = arith.mulf %max3A_482, %max3A_482 : vector<64x1024xf32>
    %reduce_sum3A_488 = arith.constant dense<0.000000e+00> : vector<64xf32>
    %reduce_sum3A_489 = vector.multi_reduction <add>, %mul3A_487, %reduce_sum3A_488 [1] : vector<64x1024xf32> to vector<64xf32>
    %broadcast_in_dim3A_490 = vector.shape_cast %reduce_sum3A_489 : vector<64xf32> to vector<64x1xf32>
    %add3A_491 = arith.addf %add3A_461, %broadcast_in_dim3A_490 : vector<64x1xf32>
    %max3A_492 = arith.maximumf %max3A_462, %max3A_482 : vector<64x1024xf32>
    %min3A_493 = arith.minimumf %min3A_463, %max3A_482 : vector<64x1024xf32>
    %get3A_494 = arith.constant 16 : index
    %get3A_495 = arith.constant 0 : index
    %get3A_496 = arith.constant 0 : index
    %get3A_497 = vector.load %arg1[%get3A_494, %get3A_495, %get3A_496] : memref<20x3x1024xf32, #tpu.memory_space<vmem>>, vector<1x3x1024xf32>
    %get3A_498 = vector.shape_cast %get3A_497 : vector<1x3x1024xf32> to vector<3x1024xf32>
    %dot_general3A_499 = arith.constant dense<0.000000e+00> : vector<64x1024xf32>
    %dot_general3A_500 = tpu.matmul %get3A_3, %get3A_498, %dot_general3A_499 {dimension_numbers = #tpu.dot_dimension_numbers<[1], [0], [0], [1], [0, 0, 1, 1], [], []>, transpose_lhs_hint = false} : vector<64x3xf32>, vector<3x1024xf32>, vector<64x1024xf32> -> vector<64x1024xf32>
    %add3A_501 = vector.broadcast %get3A_6 : vector<64x1xf32> to vector<64x1024xf32>
    %add3A_502 = arith.addf %dot_general3A_500, %add3A_501 : vector<64x1024xf32>
    %max3A_503 = arith.constant 0.000000e+00 : f32
    %max3A_504 = vector.broadcast %max3A_503 : f32 to vector<64x1024xf32>
    %max3A_505 = arith.maximumf %add3A_502, %max3A_504 : vector<64x1024xf32>
    %dot_general3A_506 = arith.constant dense<0.000000e+00> : vector<64x1024xf32>
    %dot_general3A_507 = tpu.matmul %get3A_9, %max3A_505, %dot_general3A_506 {dimension_numbers = #tpu.dot_dimension_numbers<[1], [0], [0], [1], [0, 0, 1, 1], [], []>, transpose_lhs_hint = false} : vector<64x64xf32>, vector<64x1024xf32>, vector<64x1024xf32> -> vector<64x1024xf32>
    %add3A_508 = vector.broadcast %get3A_12 : vector<64x1xf32> to vector<64x1024xf32>
    %add3A_509 = arith.addf %dot_general3A_507, %add3A_508 : vector<64x1024xf32>
    %max3A_510 = arith.constant 0.000000e+00 : f32
    %max3A_511 = vector.broadcast %max3A_510 : f32 to vector<64x1024xf32>
    %max3A_512 = arith.maximumf %add3A_509, %max3A_511 : vector<64x1024xf32>
    %reduce_sum3A_513 = arith.constant dense<0.000000e+00> : vector<64xf32>
    %reduce_sum3A_514 = vector.multi_reduction <add>, %max3A_512, %reduce_sum3A_513 [1] : vector<64x1024xf32> to vector<64xf32>
    %broadcast_in_dim3A_515 = vector.shape_cast %reduce_sum3A_514 : vector<64xf32> to vector<64x1xf32>
    %add3A_516 = arith.addf %add3A_486, %broadcast_in_dim3A_515 : vector<64x1xf32>
    %mul3A_517 = arith.mulf %max3A_512, %max3A_512 : vector<64x1024xf32>
    %reduce_sum3A_518 = arith.constant dense<0.000000e+00> : vector<64xf32>
    %reduce_sum3A_519 = vector.multi_reduction <add>, %mul3A_517, %reduce_sum3A_518 [1] : vector<64x1024xf32> to vector<64xf32>
    %broadcast_in_dim3A_520 = vector.shape_cast %reduce_sum3A_519 : vector<64xf32> to vector<64x1xf32>
    %add3A_521 = arith.addf %add3A_491, %broadcast_in_dim3A_520 : vector<64x1xf32>
    %max3A_522 = arith.maximumf %max3A_492, %max3A_512 : vector<64x1024xf32>
    %min3A_523 = arith.minimumf %min3A_493, %max3A_512 : vector<64x1024xf32>
    %get3A_524 = arith.constant 17 : index
    %get3A_525 = arith.constant 0 : index
    %get3A_526 = arith.constant 0 : index
    %get3A_527 = vector.load %arg1[%get3A_524, %get3A_525, %get3A_526] : memref<20x3x1024xf32, #tpu.memory_space<vmem>>, vector<1x3x1024xf32>
    %get3A_528 = vector.shape_cast %get3A_527 : vector<1x3x1024xf32> to vector<3x1024xf32>
    %dot_general3A_529 = arith.constant dense<0.000000e+00> : vector<64x1024xf32>
    %dot_general3A_530 = tpu.matmul %get3A_3, %get3A_528, %dot_general3A_529 {dimension_numbers = #tpu.dot_dimension_numbers<[1], [0], [0], [1], [0, 0, 1, 1], [], []>, transpose_lhs_hint = false} : vector<64x3xf32>, vector<3x1024xf32>, vector<64x1024xf32> -> vector<64x1024xf32>
    %add3A_531 = vector.broadcast %get3A_6 : vector<64x1xf32> to vector<64x1024xf32>
    %add3A_532 = arith.addf %dot_general3A_530, %add3A_531 : vector<64x1024xf32>
    %max3A_533 = arith.constant 0.000000e+00 : f32
    %max3A_534 = vector.broadcast %max3A_533 : f32 to vector<64x1024xf32>
    %max3A_535 = arith.maximumf %add3A_532, %max3A_534 : vector<64x1024xf32>
    %dot_general3A_536 = arith.constant dense<0.000000e+00> : vector<64x1024xf32>
    %dot_general3A_537 = tpu.matmul %get3A_9, %max3A_535, %dot_general3A_536 {dimension_numbers = #tpu.dot_dimension_numbers<[1], [0], [0], [1], [0, 0, 1, 1], [], []>, transpose_lhs_hint = false} : vector<64x64xf32>, vector<64x1024xf32>, vector<64x1024xf32> -> vector<64x1024xf32>
    %add3A_538 = vector.broadcast %get3A_12 : vector<64x1xf32> to vector<64x1024xf32>
    %add3A_539 = arith.addf %dot_general3A_537, %add3A_538 : vector<64x1024xf32>
    %max3A_540 = arith.constant 0.000000e+00 : f32
    %max3A_541 = vector.broadcast %max3A_540 : f32 to vector<64x1024xf32>
    %max3A_542 = arith.maximumf %add3A_539, %max3A_541 : vector<64x1024xf32>
    %reduce_sum3A_543 = arith.constant dense<0.000000e+00> : vector<64xf32>
    %reduce_sum3A_544 = vector.multi_reduction <add>, %max3A_542, %reduce_sum3A_543 [1] : vector<64x1024xf32> to vector<64xf32>
    %broadcast_in_dim3A_545 = vector.shape_cast %reduce_sum3A_544 : vector<64xf32> to vector<64x1xf32>
    %add3A_546 = arith.addf %add3A_516, %broadcast_in_dim3A_545 : vector<64x1xf32>
    %mul3A_547 = arith.mulf %max3A_542, %max3A_542 : vector<64x1024xf32>
    %reduce_sum3A_548 = arith.constant dense<0.000000e+00> : vector<64xf32>
    %reduce_sum3A_549 = vector.multi_reduction <add>, %mul3A_547, %reduce_sum3A_548 [1] : vector<64x1024xf32> to vector<64xf32>
    %broadcast_in_dim3A_550 = vector.shape_cast %reduce_sum3A_549 : vector<64xf32> to vector<64x1xf32>
    %add3A_551 = arith.addf %add3A_521, %broadcast_in_dim3A_550 : vector<64x1xf32>
    %max3A_552 = arith.maximumf %max3A_522, %max3A_542 : vector<64x1024xf32>
    %min3A_553 = arith.minimumf %min3A_523, %max3A_542 : vector<64x1024xf32>
    %get3A_554 = arith.constant 18 : index
    %get3A_555 = arith.constant 0 : index
    %get3A_556 = arith.constant 0 : index
    %get3A_557 = vector.load %arg1[%get3A_554, %get3A_555, %get3A_556] : memref<20x3x1024xf32, #tpu.memory_space<vmem>>, vector<1x3x1024xf32>
    %get3A_558 = vector.shape_cast %get3A_557 : vector<1x3x1024xf32> to vector<3x1024xf32>
    %dot_general3A_559 = arith.constant dense<0.000000e+00> : vector<64x1024xf32>
    %dot_general3A_560 = tpu.matmul %get3A_3, %get3A_558, %dot_general3A_559 {dimension_numbers = #tpu.dot_dimension_numbers<[1], [0], [0], [1], [0, 0, 1, 1], [], []>, transpose_lhs_hint = false} : vector<64x3xf32>, vector<3x1024xf32>, vector<64x1024xf32> -> vector<64x1024xf32>
    %add3A_561 = vector.broadcast %get3A_6 : vector<64x1xf32> to vector<64x1024xf32>
    %add3A_562 = arith.addf %dot_general3A_560, %add3A_561 : vector<64x1024xf32>
    %max3A_563 = arith.constant 0.000000e+00 : f32
    %max3A_564 = vector.broadcast %max3A_563 : f32 to vector<64x1024xf32>
    %max3A_565 = arith.maximumf %add3A_562, %max3A_564 : vector<64x1024xf32>
    %dot_general3A_566 = arith.constant dense<0.000000e+00> : vector<64x1024xf32>
    %dot_general3A_567 = tpu.matmul %get3A_9, %max3A_565, %dot_general3A_566 {dimension_numbers = #tpu.dot_dimension_numbers<[1], [0], [0], [1], [0, 0, 1, 1], [], []>, transpose_lhs_hint = false} : vector<64x64xf32>, vector<64x1024xf32>, vector<64x1024xf32> -> vector<64x1024xf32>
    %add3A_568 = vector.broadcast %get3A_12 : vector<64x1xf32> to vector<64x1024xf32>
    %add3A_569 = arith.addf %dot_general3A_567, %add3A_568 : vector<64x1024xf32>
    %max3A_570 = arith.constant 0.000000e+00 : f32
    %max3A_571 = vector.broadcast %max3A_570 : f32 to vector<64x1024xf32>
    %max3A_572 = arith.maximumf %add3A_569, %max3A_571 : vector<64x1024xf32>
    %reduce_sum3A_573 = arith.constant dense<0.000000e+00> : vector<64xf32>
    %reduce_sum3A_574 = vector.multi_reduction <add>, %max3A_572, %reduce_sum3A_573 [1] : vector<64x1024xf32> to vector<64xf32>
    %broadcast_in_dim3A_575 = vector.shape_cast %reduce_sum3A_574 : vector<64xf32> to vector<64x1xf32>
    %add3A_576 = arith.addf %add3A_546, %broadcast_in_dim3A_575 : vector<64x1xf32>
    %mul3A_577 = arith.mulf %max3A_572, %max3A_572 : vector<64x1024xf32>
    %reduce_sum3A_578 = arith.constant dense<0.000000e+00> : vector<64xf32>
    %reduce_sum3A_579 = vector.multi_reduction <add>, %mul3A_577, %reduce_sum3A_578 [1] : vector<64x1024xf32> to vector<64xf32>
    %broadcast_in_dim3A_580 = vector.shape_cast %reduce_sum3A_579 : vector<64xf32> to vector<64x1xf32>
    %add3A_581 = arith.addf %add3A_551, %broadcast_in_dim3A_580 : vector<64x1xf32>
    %max3A_582 = arith.maximumf %max3A_552, %max3A_572 : vector<64x1024xf32>
    %min3A_583 = arith.minimumf %min3A_553, %max3A_572 : vector<64x1024xf32>
    %get3A_584 = arith.constant 19 : index
    %get3A_585 = arith.constant 0 : index
    %get3A_586 = arith.constant 0 : index
    %get3A_587 = vector.load %arg1[%get3A_584, %get3A_585, %get3A_586] : memref<20x3x1024xf32, #tpu.memory_space<vmem>>, vector<1x3x1024xf32>
    %get3A_588 = vector.shape_cast %get3A_587 : vector<1x3x1024xf32> to vector<3x1024xf32>
    %dot_general3A_589 = arith.constant dense<0.000000e+00> : vector<64x1024xf32>
    %dot_general3A_590 = tpu.matmul %get3A_3, %get3A_588, %dot_general3A_589 {dimension_numbers = #tpu.dot_dimension_numbers<[1], [0], [0], [1], [0, 0, 1, 1], [], []>, transpose_lhs_hint = false} : vector<64x3xf32>, vector<3x1024xf32>, vector<64x1024xf32> -> vector<64x1024xf32>
    %add3A_591 = vector.broadcast %get3A_6 : vector<64x1xf32> to vector<64x1024xf32>
    %add3A_592 = arith.addf %dot_general3A_590, %add3A_591 : vector<64x1024xf32>
    %max3A_593 = arith.constant 0.000000e+00 : f32
    %max3A_594 = vector.broadcast %max3A_593 : f32 to vector<64x1024xf32>
    %max3A_595 = arith.maximumf %add3A_592, %max3A_594 : vector<64x1024xf32>
    %dot_general3A_596 = arith.constant dense<0.000000e+00> : vector<64x1024xf32>
    %dot_general3A_597 = tpu.matmul %get3A_9, %max3A_595, %dot_general3A_596 {dimension_numbers = #tpu.dot_dimension_numbers<[1], [0], [0], [1], [0, 0, 1, 1], [], []>, transpose_lhs_hint = false} : vector<64x64xf32>, vector<64x1024xf32>, vector<64x1024xf32> -> vector<64x1024xf32>
    %add3A_598 = vector.broadcast %get3A_12 : vector<64x1xf32> to vector<64x1024xf32>
    %add3A_599 = arith.addf %dot_general3A_597, %add3A_598 : vector<64x1024xf32>
    %max3A_600 = arith.constant 0.000000e+00 : f32
    %max3A_601 = vector.broadcast %max3A_600 : f32 to vector<64x1024xf32>
    %max3A_602 = arith.maximumf %add3A_599, %max3A_601 : vector<64x1024xf32>
    %reduce_sum3A_603 = arith.constant dense<0.000000e+00> : vector<64xf32>
    %reduce_sum3A_604 = vector.multi_reduction <add>, %max3A_602, %reduce_sum3A_603 [1] : vector<64x1024xf32> to vector<64xf32>
    %broadcast_in_dim3A_605 = vector.shape_cast %reduce_sum3A_604 : vector<64xf32> to vector<64x1xf32>
    %add3A_606 = arith.addf %add3A_576, %broadcast_in_dim3A_605 : vector<64x1xf32>
    %mul3A_607 = arith.mulf %max3A_602, %max3A_602 : vector<64x1024xf32>
    %reduce_sum3A_608 = arith.constant dense<0.000000e+00> : vector<64xf32>
    %reduce_sum3A_609 = vector.multi_reduction <add>, %mul3A_607, %reduce_sum3A_608 [1] : vector<64x1024xf32> to vector<64xf32>
    %broadcast_in_dim3A_610 = vector.shape_cast %reduce_sum3A_609 : vector<64xf32> to vector<64x1xf32>
    %add3A_611 = arith.addf %add3A_581, %broadcast_in_dim3A_610 : vector<64x1xf32>
    %max3A_612 = arith.maximumf %max3A_582, %max3A_602 : vector<64x1024xf32>
    %min3A_613 = arith.minimumf %min3A_583, %max3A_602 : vector<64x1024xf32>
    %swap3A = arith.constant 0 : index
    %swap3A_614 = arith.constant 0 : index
    %swap3A_615 = arith.constant 0 : index
    %swap3A_616 = vector.load %arg6[%swap3A, %swap3A_614, %swap3A_615] : memref<1x64x1024xf32, #tpu.memory_space<vmem>>, vector<1x64x1024xf32>
    %swap3A_617 = vector.shape_cast %swap3A_616 : vector<1x64x1024xf32> to vector<64x1024xf32>
    %swap3A_618 = vector.shape_cast %max3A_612 : vector<64x1024xf32> to vector<1x64x1024xf32>
    tpu.vector_store %arg6[%swap3A, %swap3A_614, %swap3A_615], %swap3A_618 {strides = array<i32>} : memref<1x64x1024xf32, #tpu.memory_space<vmem>>, vector<1x64x1024xf32>,
    %swap3A_619 = arith.constant 0 : index
    %swap3A_620 = arith.constant 0 : index
    %swap3A_621 = arith.constant 0 : index
    %swap3A_622 = vector.load %arg7[%swap3A_619, %swap3A_620, %swap3A_621] : memref<1x64x1024xf32, #tpu.memory_space<vmem>>, vector<1x64x1024xf32>
    %swap3A_623 = vector.shape_cast %swap3A_622 : vector<1x64x1024xf32> to vector<64x1024xf32>
    %swap3A_624 = vector.shape_cast %min3A_613 : vector<64x1024xf32> to vector<1x64x1024xf32>
    tpu.vector_store %arg7[%swap3A_619, %swap3A_620, %swap3A_621], %swap3A_624 {strides = array<i32>} : memref<1x64x1024xf32, #tpu.memory_space<vmem>>, vector<1x64x1024xf32>,
    %get3A_625 = arith.constant 0 : index
    %get3A_626 = arith.constant 0 : index
    %get3A_627 = vector.load %arg8[%get3A_625, %get3A_626] : memref<64x1xf32, #tpu.memory_space<vmem>>, vector<64x1xf32>
    %add3A_628 = arith.addf %get3A_627, %add3A_606 : vector<64x1xf32>
    %swap3A_629 = arith.constant 0 : index
    %swap3A_630 = arith.constant 0 : index
    %swap3A_631 = vector.load %arg8[%swap3A_629, %swap3A_630] : memref<64x1xf32, #tpu.memory_space<vmem>>, vector<64x1xf32>
    tpu.vector_store %arg8[%swap3A_629, %swap3A_630], %add3A_628 {strides = array<i32>} : memref<64x1xf32, #tpu.memory_space<vmem>>, vector<64x1xf32>,
    %get3A_632 = arith.constant 0 : index
    %get3A_633 = arith.constant 0 : index
    %get3A_634 = vector.load %arg9[%get3A_632, %get3A_633] : memref<64x1xf32, #tpu.memory_space<vmem>>, vector<64x1xf32>
    %add3A_635 = arith.addf %get3A_634, %add3A_611 : vector<64x1xf32>
    %swap3A_636 = arith.constant 0 : index
    %swap3A_637 = arith.constant 0 : index
    %swap3A_638 = vector.load %arg9[%swap3A_636, %swap3A_637] : memref<64x1xf32, #tpu.memory_space<vmem>>, vector<64x1xf32>
    tpu.vector_store %arg9[%swap3A_636, %swap3A_637], %add3A_635 {strides = array<i32>} : memref<64x1xf32, #tpu.memory_space<vmem>>, vector<64x1xf32>,
    return
  }
  func.func @transform_0(%arg0: i32) -> (i32, i32, i32) {
    %c0_i32 = arith.constant 0 : i32
    %c0_i32_0 = arith.constant 0 : i32
    %c0_i32_1 = arith.constant 0 : i32
    return %arg0, %c0_i32, %c0_i32_0 : i32, i32, i32
  }
  func.func @transform_1(%arg0: i32) -> (i32, i32) {
    %c0_i32 = arith.constant 0 : i32
    %c0_i32_0 = arith.constant 0 : i32
    %c0_i32_1 = arith.constant 0 : i32
    return %c0_i32, %c0_i32_0 : i32, i32
  }
  func.func @transform_2(%arg0: i32) -> (i32, i32) {
    %c0_i32 = arith.constant 0 : i32
    %c0_i32_0 = arith.constant 0 : i32
    %c0_i32_1 = arith.constant 0 : i32
    return %c0_i32, %c0_i32_0 : i32, i32
  }
  func.func @transform_3(%arg0: i32) -> (i32, i32) {
    %c0_i32 = arith.constant 0 : i32
    %c0_i32_0 = arith.constant 0 : i32
    %c0_i32_1 = arith.constant 0 : i32
    return %c0_i32, %c0_i32_0 : i32, i32
  }
  func.func @transform_4(%arg0: i32) -> (i32, i32) {
    %c0_i32 = arith.constant 0 : i32
    %c0_i32_0 = arith.constant 0 : i32
    %c0_i32_1 = arith.constant 0 : i32
    return %c0_i32, %c0_i32_0 : i32, i32
  }
  func.func @transform_5(%arg0: i32) -> (i32, i32, i32) {
    %c0_i32 = arith.constant 0 : i32
    %c0_i32_0 = arith.constant 0 : i32
    %c0_i32_1 = arith.constant 0 : i32
    return %arg0, %c0_i32, %c0_i32_0 : i32, i32, i32
  }
  func.func @transform_6(%arg0: i32) -> (i32, i32, i32) {
    %c0_i32 = arith.constant 0 : i32
    %c0_i32_0 = arith.constant 0 : i32
    %c0_i32_1 = arith.constant 0 : i32
    return %arg0, %c0_i32, %c0_i32_0 : i32, i32, i32
  }
  func.func @transform_7(%arg0: i32) -> (i32, i32) {
    %c0_i32 = arith.constant 0 : i32
    %c0_i32_0 = arith.constant 0 : i32
    %c0_i32_1 = arith.constant 0 : i32
    return %c0_i32, %c0_i32_0 : i32, i32
  }
  func.func @transform_8(%arg0: i32) -> (i32, i32) {
    %c0_i32 = arith.constant 0 : i32
    %c0_i32_0 = arith.constant 0 : i32
    %c0_i32_1 = arith.constant 0 : i32
    return %c0_i32, %c0_i32_0 : i32, i32
  }
}

module attributes {stable_mosaic.version = 14 : i64} {
  func.func @_head_body(%arg0: i32, %arg1: memref<1x64x1024xf32, #tpu.memory_space<vmem>>, %arg2: memref<1x64x1024xf32, #tpu.memory_space<vmem>>, %arg3: memref<1x1x256xi32, #tpu.memory_space<vmem>>, %arg4: memref<64x1xf32, #tpu.memory_space<vmem>>, %arg5: memref<64x1xf32, #tpu.memory_space<vmem>>, %arg6: memref<64x512xf32, #tpu.memory_space<vmem>>, %arg7: memref<1x512xf32, #tpu.memory_space<vmem>>, %arg8: memref<1x1x512xf32, #tpu.memory_space<vmem>>) attributes {dimension_semantics = [#tpu.dimension_semantics<arbitrary>], iteration_bounds = array<i64: 32>, scalar_prefetch = 0 : i64, scratch_operands = 0 : i64, tpu.core_type = #tpu.core_type<tc>, window_params = [{transform_indices = @transform_0, window_bounds = array<i64: 1, 64, 1024>}, {transform_indices = @transform_1, window_bounds = array<i64: 1, 64, 1024>}, {transform_indices = @transform_2, window_bounds = array<i64: 1, 1, 256>}, {pipeline_mode = #tpu.pipeline_mode<synchronous>, transform_indices = @transform_3, window_bounds = array<i64: 64, 1>}, {pipeline_mode = #tpu.pipeline_mode<synchronous>, transform_indices = @transform_4, window_bounds = array<i64: 64, 1>}, {pipeline_mode = #tpu.pipeline_mode<synchronous>, transform_indices = @transform_5, window_bounds = array<i64: 64, 512>}, {pipeline_mode = #tpu.pipeline_mode<synchronous>, transform_indices = @transform_6, window_bounds = array<i64: 1, 512>}, {transform_indices = @transform_7, window_bounds = array<i64: 1, 1, 512>}]} {
    %get3A = arith.constant 0 : index
    %get3A_0 = arith.constant 0 : index
    %get3A_1 = vector.load %arg4[%get3A, %get3A_0] : memref<64x1xf32, #tpu.memory_space<vmem>>, vector<64x1xf32>
    %get3A_2 = arith.constant 0 : index
    %get3A_3 = arith.constant 0 : index
    %get3A_4 = vector.load %arg5[%get3A_2, %get3A_3] : memref<64x1xf32, #tpu.memory_space<vmem>>, vector<64x1xf32>
    %ge3A = arith.constant 0.000000e+00 : f32
    %ge3A_5 = vector.broadcast %ge3A : f32 to vector<64x1xf32>
    %ge3A_6 = arith.cmpf oge, %get3A_1, %ge3A_5 : vector<64x1xf32>
    %get3A_7 = arith.constant 0 : index
    %get3A_8 = arith.constant 0 : index
    %get3A_9 = arith.constant 0 : index
    %get3A_10 = vector.load %arg1[%get3A_7, %get3A_8, %get3A_9] : memref<1x64x1024xf32, #tpu.memory_space<vmem>>, vector<1x64x1024xf32>
    %get3A_11 = vector.shape_cast %get3A_10 : vector<1x64x1024xf32> to vector<64x1024xf32>
    %get3A_12 = arith.constant 0 : index
    %get3A_13 = arith.constant 0 : index
    %get3A_14 = arith.constant 0 : index
    %get3A_15 = vector.load %arg2[%get3A_12, %get3A_13, %get3A_14] : memref<1x64x1024xf32, #tpu.memory_space<vmem>>, vector<1x64x1024xf32>
    %get3A_16 = vector.shape_cast %get3A_15 : vector<1x64x1024xf32> to vector<64x1024xf32>
    %broadcast_in_dim3A = vector.shape_cast %ge3A_6 : vector<64x1xi1> to vector<64x1xi1>
    %broadcast_in_dim3A_17 = vector.broadcast %broadcast_in_dim3A : vector<64x1xi1> to vector<64x1024xi1>
    %select_n3A = arith.select %broadcast_in_dim3A_17, %get3A_11, %get3A_16 : vector<64x1024xi1>, vector<64x1024xf32>
    %mul3A = vector.broadcast %get3A_1 : vector<64x1xf32> to vector<64x1024xf32>
    %mul3A_18 = arith.mulf %select_n3A, %mul3A : vector<64x1024xf32>
    %add3A = vector.broadcast %get3A_4 : vector<64x1xf32> to vector<64x1024xf32>
    %add3A_19 = arith.addf %mul3A_18, %add3A : vector<64x1024xf32>
    %get3A_20 = arith.constant 0 : index
    %get3A_21 = arith.constant 0 : index
    %get3A_22 = arith.constant 0 : index
    %get3A_23 = vector.load %arg3[%get3A_20, %get3A_21, %get3A_22] : memref<1x1x256xi32, #tpu.memory_space<vmem>>, vector<1x1x256xi32>
    %get3A_24 = vector.shape_cast %get3A_23 : vector<1x1x256xi32> to vector<256xi32>
    %iota3A = tpu.iota {dimensions = array<i32: 0>} : vector<1024x256xi32>
    %broadcast_in_dim3A_25 = vector.shape_cast %get3A_24 : vector<256xi32> to vector<1x256xi32>
    %eq3A = vector.broadcast %broadcast_in_dim3A_25 : vector<1x256xi32> to vector<1024x256xi32>
    %eq3A_26 = arith.cmpi eq, %iota3A, %eq3A : vector<1024x256xi32>
    %convert_element_type3A = arith.extui %eq3A_26 : vector<1024x256xi1> to vector<1024x256xi32>
    %convert_element_type3A_27 = arith.sitofp %convert_element_type3A : vector<1024x256xi32> to vector<1024x256xf32>
    %dot_general3A = arith.constant dense<0.000000e+00> : vector<64x256xf32>
    %dot_general3A_28 = tpu.matmul %add3A_19, %convert_element_type3A_27, %dot_general3A {dimension_numbers = #tpu.dot_dimension_numbers<[1], [0], [0], [1], [0, 0, 1, 1], [], []>, transpose_lhs_hint = false} : vector<64x1024xf32>, vector<1024x256xf32>, vector<64x256xf32> -> vector<64x256xf32>
    %get3A_29 = arith.constant 0 : index
    %get3A_30 = arith.constant 0 : index
    %get3A_31 = vector.load %arg6[%get3A_29, %get3A_30] : memref<64x512xf32, #tpu.memory_space<vmem>>, vector<64x512xf32>
    %dot_general3A_32 = arith.constant dense<0.000000e+00> : vector<256x512xf32>
    %dot_general3A_33 = tpu.matmul %dot_general3A_28, %get3A_31, %dot_general3A_32 {dimension_numbers = #tpu.dot_dimension_numbers<[0], [0], [1], [1], [0, 1, 1, 1], [], []>, transpose_lhs_hint = false} : vector<64x256xf32>, vector<64x512xf32>, vector<256x512xf32> -> vector<256x512xf32>
    %get3A_34 = arith.constant 0 : index
    %get3A_35 = arith.constant 0 : index
    %get3A_36 = vector.load %arg7[%get3A_34, %get3A_35] : memref<1x512xf32, #tpu.memory_space<vmem>>, vector<1x512xf32>
    %add3A_37 = vector.broadcast %get3A_36 : vector<1x512xf32> to vector<256x512xf32>
    %add3A_38 = arith.addf %dot_general3A_33, %add3A_37 : vector<256x512xf32>
    %reduce_max3A = arith.constant dense<0xFF800000> : vector<512xf32>
    %reduce_max3A_39 = vector.multi_reduction <maximumf>, %add3A_38, %reduce_max3A [0] : vector<256x512xf32> to vector<512xf32>
    %broadcast_in_dim3A_40 = vector.shape_cast %reduce_max3A_39 : vector<512xf32> to vector<1x512xf32>
    %max3A = arith.constant 0.000000e+00 : f32
    %max3A_41 = vector.broadcast %max3A : f32 to vector<1x512xf32>
    %max3A_42 = arith.maximumf %broadcast_in_dim3A_40, %max3A_41 : vector<1x512xf32>
    %swap3A = arith.constant 0 : index
    %swap3A_43 = arith.constant 0 : index
    %swap3A_44 = arith.constant 0 : index
    %swap3A_45 = vector.load %arg8[%swap3A, %swap3A_43, %swap3A_44] : memref<1x1x512xf32, #tpu.memory_space<vmem>>, vector<1x1x512xf32>
    %swap3A_46 = vector.shape_cast %swap3A_45 : vector<1x1x512xf32> to vector<1x512xf32>
    %swap3A_47 = vector.shape_cast %max3A_42 : vector<1x512xf32> to vector<1x1x512xf32>
    tpu.vector_store %arg8[%swap3A, %swap3A_43, %swap3A_44], %swap3A_47 {strides = array<i32>} : memref<1x1x512xf32, #tpu.memory_space<vmem>>, vector<1x1x512xf32>,
    return
  }
  func.func @transform_0(%arg0: i32) -> (i32, i32, i32) {
    %c0_i32 = arith.constant 0 : i32
    %c0_i32_0 = arith.constant 0 : i32
    %c0_i32_1 = arith.constant 0 : i32
    return %arg0, %c0_i32, %c0_i32_0 : i32, i32, i32
  }
  func.func @transform_1(%arg0: i32) -> (i32, i32, i32) {
    %c0_i32 = arith.constant 0 : i32
    %c0_i32_0 = arith.constant 0 : i32
    %c0_i32_1 = arith.constant 0 : i32
    return %arg0, %c0_i32, %c0_i32_0 : i32, i32, i32
  }
  func.func @transform_2(%arg0: i32) -> (i32, i32, i32) {
    %c0_i32 = arith.constant 0 : i32
    %c0_i32_0 = arith.constant 0 : i32
    %c0_i32_1 = arith.constant 0 : i32
    return %arg0, %c0_i32, %c0_i32_0 : i32, i32, i32
  }
  func.func @transform_3(%arg0: i32) -> (i32, i32) {
    %c0_i32 = arith.constant 0 : i32
    %c0_i32_0 = arith.constant 0 : i32
    %c0_i32_1 = arith.constant 0 : i32
    return %c0_i32, %c0_i32_0 : i32, i32
  }
  func.func @transform_4(%arg0: i32) -> (i32, i32) {
    %c0_i32 = arith.constant 0 : i32
    %c0_i32_0 = arith.constant 0 : i32
    %c0_i32_1 = arith.constant 0 : i32
    return %c0_i32, %c0_i32_0 : i32, i32
  }
  func.func @transform_5(%arg0: i32) -> (i32, i32) {
    %c0_i32 = arith.constant 0 : i32
    %c0_i32_0 = arith.constant 0 : i32
    %c0_i32_1 = arith.constant 0 : i32
    return %c0_i32, %c0_i32_0 : i32, i32
  }
  func.func @transform_6(%arg0: i32) -> (i32, i32) {
    %c0_i32 = arith.constant 0 : i32
    %c0_i32_0 = arith.constant 0 : i32
    %c0_i32_1 = arith.constant 0 : i32
    return %c0_i32, %c0_i32_0 : i32, i32
  }
  func.func @transform_7(%arg0: i32) -> (i32, i32, i32) {
    %c0_i32 = arith.constant 0 : i32
    %c0_i32_0 = arith.constant 0 : i32
    %c0_i32_1 = arith.constant 0 : i32
    return %arg0, %c0_i32, %c0_i32_0 : i32, i32, i32
  }
}

module attributes {stable_mosaic.version = 14 : i64} {
  func.func @_final_body(%arg0: memref<32x512xf32, #tpu.memory_space<vmem>>, %arg1: memref<1x512xf32, #tpu.memory_space<vmem>>, %arg2: memref<1x512xf32, #tpu.memory_space<vmem>>, %arg3: memref<512x40xf32, #tpu.memory_space<vmem>>, %arg4: memref<1x40xf32, #tpu.memory_space<vmem>>, %arg5: memref<32x40xf32, #tpu.memory_space<vmem>>) attributes {dimension_semantics = [], scalar_prefetch = 0 : i64, scratch_operands = 0 : i64, tpu.core_type = #tpu.core_type<tc>} {
    %get3A = arith.constant 0 : index
    %get3A_0 = arith.constant 0 : index
    %get3A_1 = vector.load %arg0[%get3A, %get3A_0] : memref<32x512xf32, #tpu.memory_space<vmem>>, vector<32x512xf32>
    %reduce_sum3A = arith.constant dense<0.000000e+00> : vector<512xf32>
    %reduce_sum3A_2 = vector.multi_reduction <add>, %get3A_1, %reduce_sum3A [0] : vector<32x512xf32> to vector<512xf32>
    %broadcast_in_dim3A = vector.shape_cast %reduce_sum3A_2 : vector<512xf32> to vector<1x512xf32>
    %div3A = arith.constant 3.200000e+01 : f32
    %div3A_3 = vector.broadcast %div3A : f32 to vector<1x512xf32>
    %div3A_4 = arith.divf %broadcast_in_dim3A, %div3A_3 : vector<1x512xf32>
    %sub3A = vector.broadcast %div3A_4 : vector<1x512xf32> to vector<32x512xf32>
    %sub3A_5 = arith.subf %get3A_1, %sub3A : vector<32x512xf32>
    %sub3A_6 = vector.broadcast %div3A_4 : vector<1x512xf32> to vector<32x512xf32>
    %sub3A_7 = arith.subf %get3A_1, %sub3A_6 : vector<32x512xf32>
    %mul3A = arith.mulf %sub3A_5, %sub3A_7 : vector<32x512xf32>
    %reduce_sum3A_8 = arith.constant dense<0.000000e+00> : vector<512xf32>
    %reduce_sum3A_9 = vector.multi_reduction <add>, %mul3A, %reduce_sum3A_8 [0] : vector<32x512xf32> to vector<512xf32>
    %broadcast_in_dim3A_10 = vector.shape_cast %reduce_sum3A_9 : vector<512xf32> to vector<1x512xf32>
    %div3A_11 = arith.constant 3.200000e+01 : f32
    %div3A_12 = vector.broadcast %div3A_11 : f32 to vector<1x512xf32>
    %div3A_13 = arith.divf %broadcast_in_dim3A_10, %div3A_12 : vector<1x512xf32>
    %sub3A_14 = vector.broadcast %div3A_4 : vector<1x512xf32> to vector<32x512xf32>
    %sub3A_15 = arith.subf %get3A_1, %sub3A_14 : vector<32x512xf32>
    %add3A = arith.constant 9.99999974E-6 : f32
    %add3A_16 = vector.broadcast %add3A : f32 to vector<1x512xf32>
    %add3A_17 = arith.addf %div3A_13, %add3A_16 : vector<1x512xf32>
    %sqrt3A = math.sqrt %add3A_17 : vector<1x512xf32>
    %div3A_18 = vector.broadcast %sqrt3A : vector<1x512xf32> to vector<32x512xf32>
    %div3A_19 = arith.divf %sub3A_15, %div3A_18 : vector<32x512xf32>
    %get3A_20 = arith.constant 0 : index
    %get3A_21 = arith.constant 0 : index
    %get3A_22 = vector.load %arg1[%get3A_20, %get3A_21] : memref<1x512xf32, #tpu.memory_space<vmem>>, vector<1x512xf32>
    %mul3A_23 = vector.broadcast %get3A_22 : vector<1x512xf32> to vector<32x512xf32>
    %mul3A_24 = arith.mulf %div3A_19, %mul3A_23 : vector<32x512xf32>
    %get3A_25 = arith.constant 0 : index
    %get3A_26 = arith.constant 0 : index
    %get3A_27 = vector.load %arg2[%get3A_25, %get3A_26] : memref<1x512xf32, #tpu.memory_space<vmem>>, vector<1x512xf32>
    %add3A_28 = vector.broadcast %get3A_27 : vector<1x512xf32> to vector<32x512xf32>
    %add3A_29 = arith.addf %mul3A_24, %add3A_28 : vector<32x512xf32>
    %get3A_30 = arith.constant 0 : index
    %get3A_31 = arith.constant 0 : index
    %get3A_32 = vector.load %arg3[%get3A_30, %get3A_31] : memref<512x40xf32, #tpu.memory_space<vmem>>, vector<512x40xf32>
    %dot_general3A = arith.constant dense<0.000000e+00> : vector<32x40xf32>
    %dot_general3A_33 = tpu.matmul %add3A_29, %get3A_32, %dot_general3A {dimension_numbers = #tpu.dot_dimension_numbers<[1], [0], [0], [1], [0, 0, 1, 1], [], []>, transpose_lhs_hint = false} : vector<32x512xf32>, vector<512x40xf32>, vector<32x40xf32> -> vector<32x40xf32>
    %get3A_34 = arith.constant 0 : index
    %get3A_35 = arith.constant 0 : index
    %get3A_36 = vector.load %arg4[%get3A_34, %get3A_35] : memref<1x40xf32, #tpu.memory_space<vmem>>, vector<1x40xf32>
    %add3A_37 = vector.broadcast %get3A_36 : vector<1x40xf32> to vector<32x40xf32>
    %add3A_38 = arith.addf %dot_general3A_33, %add3A_37 : vector<32x40xf32>
    %reduce_max3A = arith.constant dense<0xFF800000> : vector<32xf32>
    %reduce_max3A_39 = vector.multi_reduction <maximumf>, %add3A_38, %reduce_max3A [1] : vector<32x40xf32> to vector<32xf32>
    %broadcast_in_dim3A_40 = vector.shape_cast %reduce_max3A_39 : vector<32xf32> to vector<32x1xf32>
    %sub3A_41 = vector.broadcast %broadcast_in_dim3A_40 : vector<32x1xf32> to vector<32x40xf32>
    %sub3A_42 = arith.subf %add3A_38, %sub3A_41 : vector<32x40xf32>
    %exp3A = math.exp %sub3A_42 : vector<32x40xf32>
    %reduce_sum3A_43 = arith.constant dense<0.000000e+00> : vector<32xf32>
    %reduce_sum3A_44 = vector.multi_reduction <add>, %exp3A, %reduce_sum3A_43 [1] : vector<32x40xf32> to vector<32xf32>
    %broadcast_in_dim3A_45 = vector.shape_cast %reduce_sum3A_44 : vector<32xf32> to vector<32x1xf32>
    %log3A = math.log %broadcast_in_dim3A_45 : vector<32x1xf32>
    %sub3A_46 = vector.broadcast %log3A : vector<32x1xf32> to vector<32x40xf32>
    %sub3A_47 = arith.subf %sub3A_42, %sub3A_46 : vector<32x40xf32>
    %swap3A = arith.constant 0 : index
    %swap3A_48 = arith.constant 0 : index
    %swap3A_49 = vector.load %arg5[%swap3A, %swap3A_48] : memref<32x40xf32, #tpu.memory_space<vmem>>, vector<32x40xf32>
    tpu.vector_store %arg5[%swap3A, %swap3A_48], %sub3A_47 {strides = array<i32>} : memref<32x40xf32, #tpu.memory_space<vmem>>, vector<32x40xf32>,
    return
  }
}

</mosaic_0001>

<sc_bundles>
// kernel: kernel.12.cloned.1.call-start
scs
__scs_entry_jumppad:
0x0: {  	(pc) =	sbr.rel $0x88, $3  }
0x1: {  	(tag) =	ssettag $0x0;
	lr =	simm.s32 $0x1  }
0x2: {  	[smem:$0x3F92] =	sst lr;
	_ =	strace $0xD0000000  }
0x3: {  	_ = 	snop  }
0x4: {  	_ = 	snop  }
0x5: {  	_ = 	snop  }
0x6: {  	_ = 	snop  }
0x7: {  	_ = 	snop  }
__scs_overlays_trampoline_lowered:
0x8: {  	[smem:$0x3FA1] =	sst s0  }
0x9: {  	[smem:$0x3FA2] =	sst s1  }
0xa: {  	[smem:$0x3FA3] =	sst s2  }
0xb: {  	[smem:$0x3FA4] =	sst s3  }
0xc: {  	[smem:$0x3FA5] =	sst s4  }
0xd: {  	[smem:$0x3FA6] =	sst s5  }
0xe: {  	[smem:$0x3FA7] =	sst s6  }
0xf: {  	[smem:$0x3FA8] =	sst s7  }
0x10: {  	[smem:$0x3FA9] =	sst s8  }
0x11: {  	[smem:$0x3FAA] =	sst s9;
	s0 =	simm.s32 @!p0 $0x0  }
0x12: {  	s1 =	sld [smem:$0x3F90];
	s0 =	simm.s32 @p0 $0x1  }
0x13: {  	[smem:$0x3FAB] =	sst s0;
	s0 =	simm.s32 @!p1 $0x0  }
0x14: {  	s2 =	sld [smem:$0x3F8F];
	s0 =	simm.s32 @p1 $0x1  }
0x15: {  	[smem:$0x3FAC] =	sst s0;
	s0 =	simm.s32 @!p2 $0x0  }
0x16: {  	s3 =	sld [smem:$0x3FDB];
	s0 =	simm.s32 @p2 $0x1  }
0x17: {  	s4 =	simm.s32 $0x1BF5;
	[smem:$0x3FAE] =	sst s0  }
0x18: {  	s0 =	sld [smem:$0x3F91];
	_ =	swait.ge [sflag:s4], $0x0  }
0x19: {  	s7 =	sld [smem:$0x3F92]  }
0x1a: {  	s8 =	sadd.s32 $0xFFFFE003, lr  }
0x1b: {  	s9 =	sadd.s32 $0xFFFFFEF7, lr;
	s5 =	simm.s32 $0xFFFFFFFF;
	p2 =	slt.u32 s8, $0xFFFFF086  }
0x1c: {  	p1 =	slt.u32 s9, $0xF7A;
	s5 =	simm.s32 @!p2 $0x0  }
0x1d: {  	s5 =	simm.s32 @p1 $0x1;
	p0 =	seq.s32 s7, s2  }
0x1e: {  	s7 =	smul.u32 @!p0 $0xF7A, s2;
	p2 =	seq.s32 @!p0 s5, $0x0  }
0x1f: {  	s9 =	smul.u32 $0xF7A, s1;
	s8 =	simm.s32 @!p0 $0x1BF5;
	p2 =	por !p2, p0  }
0x20: {  	[sflag:s8] =	ssyncset.s32 @!p0 $0xFFFFF086;
	s6 =	sadd.s32 @!p0 s3, s7;
	s7 =	simm.s32 @!p0 $0x108  }
0x21: {  	s3 =	sadd.s32 s3, s9;
	s6 =	sadd.s32 @!p0 $0x88, s6;
	s7 =	simm.s32 @p2 $0x1082  }
0x22: {  	[simem:s7], [sflag:s8] =	dma.local @!p0 [hbm:s6], $0xF7A  }
0x23: {  	s9 =	sor.u32 $0xD0000000, s2;
	s6 =	simm.s32 $0x108;
	_ =	swait.ge @!p0 [sflag:s8], $0x0  }
0x24: {  	s3 =	sadd.s32 $0x88, s3;
	s6 =	simm.s32 @!p1 $0x1082;
	[sflag:s4] =	ssyncset.s32 $0xFFFFF086  }
0x25: {  	[simem:s6], [sflag:s4] =	dma.local [hbm:s3], $0xF7A  }
0x26: {  	[smem:$0x3F92] =	sst s1;
	(tag) =	ssettag s2;
	_ =	strace s9  }
0x27: {  	s1 =	sld [smem:$0x3FA2]  }
0x28: {  	s2 =	sld [smem:$0x3FA3]  }
0x29: {  	s4 =	sld [smem:$0x3FA5]  }
0x2a: {  	p0 =	seq.s32 s5, $0x0;
	s5 =	sld [smem:$0x3FA6]  }
0x2b: {  	s6 =	sld [smem:$0x3FA7]  }
0x2c: {  	s7 =	sld [smem:$0x3FA8]  }
0x2d: {  	s3 =	simm.s32 $0x108;
	s8 =	sld [smem:$0x3FA9]  }
0x2e: {  	s3 =	simm.s32 @!p0 $0x1082;
	s9 =	sld [smem:$0x3FAA]  }
0x2f: {  	lr =	sadd.s32 s0, s3;
	s0 =	sld [smem:$0x3FA1]  }
0x30: {  	s3 =	sld [smem:$0x3FA4]  }
0x31: {  	[smem:$0x3FAD] =	sst s10  }
0x32: {  	s10 =	sld [smem:$0x3FAB];
	_ =	sdelay $0x3  }
0x33: {  	p0 =	seq.s32 s10, $0x1;
	s10 =	sld [smem:$0x3FAD];
	_ =	sdelay $0x3  }
0x34: {  	[smem:$0x3FAD] =	sst s10  }
0x35: {  	s10 =	sld [smem:$0x3FAC];
	_ =	sdelay $0x3  }
0x36: {  	p1 =	seq.s32 s10, $0x1;
	s10 =	sld [smem:$0x3FAD];
	_ =	sdelay $0x3  }
0x37: {  	[smem:$0x3FAD] =	sst s10  }
0x38: {  	s10 =	sld [smem:$0x3FAE]  }
0x39: {  	_ = 	snop;
	(pc) =	sbr.ind lr, $3  }
0x3a: {  	_ = 	snop  }
0x3b: {  	_ = 	snop  }
0x3c: {  	p2 =	seq.s32 s10, $0x1;
	s10 =	sld [smem:$0x3FAD]  }
0x3d: {  	_ =	shalt  }
0x3e: {  	_ =	shalt  }
0x3f: {  	_ =	shalt  }
0x40: {  	_ =	shalt  }
0x41: {  	_ =	shalt  }
0x42: {  	_ =	shalt  }
0x43: {  	_ =	shalt  }
0x44: {  	_ =	shalt  }
0x45: {  	_ =	shalt  }
0x46: {  	_ =	shalt  }
0x47: {  	_ =	shalt  }
0x48: {  	_ =	shalt  }
0x49: {  	_ =	shalt  }
0x4a: {  	_ =	shalt  }
0x4b: {  	_ =	shalt  }
0x4c: {  	_ =	shalt  }
0x4d: {  	_ =	shalt  }
0x4e: {  	_ =	shalt  }
0x4f: {  	_ =	shalt  }
0x50: {  	_ =	shalt  }
0x51: {  	_ =	shalt  }
0x52: {  	_ =	shalt  }
0x53: {  	_ =	shalt  }
0x54: {  	_ =	shalt  }
0x55: {  	_ =	shalt  }
0x56: {  	_ =	shalt  }
0x57: {  	_ =	shalt  }
0x58: {  	_ =	shalt  }
0x59: {  	_ =	shalt  }
0x5a: {  	_ =	shalt  }
0x5b: {  	_ =	shalt  }
0x5c: {  	_ =	shalt  }
0x5d: {  	_ =	shalt  }
0x5e: {  	_ =	shalt  }
0x5f: {  	_ =	shalt  }
0x60: {  	_ =	shalt  }
0x61: {  	_ =	shalt  }
0x62: {  	_ =	shalt  }
0x63: {  	_ =	shalt  }
0x64: {  	_ =	shalt  }
0x65: {  	_ =	shalt  }
0x66: {  	_ =	shalt  }
0x67: {  	_ =	shalt  }
0x68: {  	_ =	shalt  }
0x69: {  	_ =	shalt  }
0x6a: {  	_ =	shalt  }
0x6b: {  	_ =	shalt  }
0x6c: {  	_ =	shalt  }
0x6d: {  	_ =	shalt  }
0x6e: {  	_ =	shalt  }
0x6f: {  	_ =	shalt  }
0x70: {  	_ =	shalt  }
0x71: {  	_ =	shalt  }
0x72: {  	_ =	shalt  }
0x73: {  	_ =	shalt  }
0x74: {  	_ =	shalt  }
0x75: {  	_ =	shalt  }
0x76: {  	_ =	shalt  }
0x77: {  	_ =	shalt  }
0x78: {  	_ =	shalt  }
0x79: {  	_ =	shalt  }
0x7a: {  	_ =	shalt  }
0x7b: {  	_ =	shalt  }
0x7c: {  	_ =	shalt  }
0x7d: {  	_ =	shalt  }
0x7e: {  	_ =	shalt  }
0x7f: {  	_ =	shalt  }
0x80: {  	_ =	shalt  }
0x81: {  	_ =	shalt  }
0x82: {  	_ =	shalt  }
0x83: {  	_ =	shalt  }
0x84: {  	_ =	shalt  }
0x85: {  	_ =	shalt  }
0x86: {  	_ =	shalt  }
0x87: {  	_ =	shalt  }
.Lfunc_end0:
.L_simem_size_0:
called_computation.1_lowered:
.L_overlay_start_0:
0x88: {  	s2 =	sld [smem:$0x3FD9]  }
0x89: {  	s3 =	sld [smem:$0x3FFE];
	_ =	sdelay $0x1  }
0x8a: {  	s1 =	srdreg.scid  }
0x8b: {  	s0 =	sand.u32 $0x1, s1  }
0x8c: {  	s17 =	sshll.u32 s0, $0xA;
	s2 =	sadd.s32 s3, s2  }
0x8d: {  	s2 =	sadd.s32 s2, s17  }
0x8e: {  	[smem:$0x3FB9] =	sst s2  }
0x8f: {  	_ = 	snop  }
0x90: {  	(tm) =	ssettm $0x1  }
0x91: {  	s18 =	sld [smem:$0x3FFB];
	_ =	sdelay $0x3  }
0x92: {  	_ =	strace s18  }
0x93: {  	s2 =	sld [smem:$0x3FFC];
	_ =	sdelay $0x3  }
0x94: {  	_ =	strace s2  }
0x95: {  	s2 =	sld [smem:$0x3FFD];
	_ =	sdelay $0x3  }
0x96: {  	_ =	strace s2  }
0x97: {  	_ =	strace $0x8FFFFFFF  }
0x98: {  	s19 =	sld [smem:$0x3FDB];
	_ =	sdelay $0x1  }
0x99: {  	s20 =	simm.s32 $_scs_section_size  }
0x9a: {  	s4 =	simm.s32 $_size__tile_overlayer_lowered;
	s5 =	simm.s32 $_tile_overlayer_lowered  }
0x9b: {  	s6 =	simm.s32 $0x1BFF;
	s21 =	sshll.u32 s5, $0x1;
	s3 =	sadd.s32 s20, s19  }
0x9c: {  	s22 =	simm.s32 $0x0;
	s4 =	sshll.u32 s4, $0x1;
	s5 =	sadd.s32 s21, s3  }
0x9d: {  	[timem:s22], [sflag:s6] =	dma.local [hbm:s5], s4  }
0x9e: {  	_ =	swait.ge [sflag:s6], s4  }
0x9f: {  	s4 =	ssub.s32 $0x0, s4;
	[sflag:s6] =	ssyncset.done $0x0  }
0xa0: {  	[sflag:s6] =	ssyncadd.s32 s4;
	_ =	sdelay $0x1  }
0xa1: {  	s23 =	simm.s32 $0x1B8B  }
0xa2: {  	_ =	swait.ge [sflag:s23], $0x1  }
0xa3: {  	[sflag:s23] =	ssyncset.done $0x0  }
0xa4: {  	[sflag:s23] =	ssyncadd.s32 $0xFFFFFFFF  }
0xa5: {  	s4 =	sld [smem:$0x0]  }
0xa6: {  	s5 =	sand.u32 $0xFFFFFFFE, s1  }
0xa7: {  	p0 =	sne.s32 s1, s5  }
0xa8: {  	s5 =	sshll.u32 @p0 s5, $0xE  }
0xa9: {  	s5 =	sadd.s32 @p0 $0x11B8D, s5;
	s6 =	sshll.u32 @p0 s4, $0x11  }
0xaa: {  	s5 =	sor.u32 @p0 s6, s5  }
0xab: {  	[sflag:s5] =	ssyncadd.remote.s32 @p0 $0x1;
	_ =	sdelay $0x1  }
0xac: {  	s5 =	simm.s32 @p0 $0x1B8D  }
0xad: {  	_ =	swait.eq @p0 [sflag:s5], $0x1  }
0xae: {  	[sflag:s5] =	ssyncadd.s32 @p0 $0xFFFFFFFF  }
0xaf: {  	s6 =	sshll.u32 @!p0 s1, $0xE  }
0xb0: {  	s6 =	sor.u32 @!p0 $0x4000, s6;
	s5 =	simm.s32 @!p0 $0x1B8D  }
0xb1: {  	s4 =	sshll.u32 @!p0 s4, $0x11;
	s6 =	sadd.s32 @!p0 $0x11B8D, s6;
	_ =	swait.eq @!p0 [sflag:s5], $0x1  }
0xb2: {  	s4 =	sor.u32 @!p0 s4, s6;
	[sflag:s5] =	ssyncadd.s32 @!p0 $0xFFFFFFFF  }
0xb3: {  	s25 =	simm.s32 $0x1B8E;
	s24 =	sld [smem:$0x3FFE];
	[sflag:s4] =	ssyncadd.remote.s32 @!p0 $0x1  }
0xb4: {  	s26 =	simm.s32 $execute0_lowered;
	[smem:$0x3FD2] =	sst s25  }
0xb5: {  	s5 =	sshll.u32 s26, $0x1;
	_ =	strace $0x80000049;
	[dreg:$0x1] =	wrdreg $0xFFFFFFFF  }
0xb6: {  	s28 =	simm.s32 $_size_execute0_lowered;
	s3 =	sadd.s32 s3, s5;
	[dreg:$0x0] =	wrdreg $0x0  }
0xb7: {  	s5 =	sshll.u32 s28, $0x1;
	[dreg:$0x2] =	wrdreg s3  }
0xb8: {  	[dreg:$0x3] =	wrdreg s5  }
0xb9: {  	[dreg:$0x4] =	wrdreg $0xC0  }
0xba: {  	_ =	task [dreg:s22], $0x5FFFF  }
0xbb: {  	[dreg:$0x1] =	wrdreg $0xFFFFFFFF  }
0xbc: {  	[dreg:$0x0] =	wrdreg $0x60  }
0xbd: {  	[dreg:$0x2] =	wrdreg s24  }
0xbe: {  	[dreg:$0x3] =	wrdreg $0xA  }
0xbf: {  	_ =	task.clear_ibuf [dreg:s22], $0x4FFFF;
	_ =	strace $0x90000049  }
0xc0: {  	s29 =	simm.s32 $0xA;
	_ =	strace $0x8000004B  }
0xc1: {  	_ =	swait.ge [sflag:s29], $0x1  }
0xc2: {  	[sflag:s29] =	ssyncadd.s32 $0xFFFFFFFF  }
0xc3: {  	_ =	strace $0x9000004B  }
0xc4: {  	_ =	sfence  }
0xc5: {  	s30 =	sld [smem:$0x0];
	_ =	sdelay $0x2  }
0xc6: {  	s31 =	sshll.u32 s1, $0xD;
	s1 =	sshrl.u32 s1, $0x2  }
0xc7: {  	s4 =	sand.u32 $0x4000, s31;
	s1 =	sadd.s32 s1, s30  }
0xc8: {  	s0 =	sor.u32 s4, s0;
	s1 =	sshll.u32 s1, $0x11  }
0xc9: {  	s0 =	sor.u32 s1, s0  }
0xca: {  	s0 =	sadd.s32 $0x8F2B, s0  }
0xcb: {  	[sflag:s0] =	ssyncadd.remote.s32 $0x1  }
0xcc: {  	_ =	sfence.sel $0xFFFF  }
0xcd: {  	[dreg:$0x0] =	wrdreg $0xFFFFFFFF;
	(pc) =	sbr.abs _section_cstart, $3  }
0xce: {  	[dreg:$0x1] =	wrdreg $0xFFFFFFFF  }
0xcf: {  	_ =	task.clear_ibuf [dreg:s22], $0x2FFFF;
	_ =	strace $0x9FFFFFFF  }
0xd0: {  	(tm) =	ssettm $0x7FFFFFFF  }
0xd1: {  	_ =	shalt  }
tec
execute0_lowered:
.L_overlay_start_1:
0x0: {  	(tag) =	ssettag $0x1  }
0x1: {  	s3 =	rddreg [dreg:$0x0]  }
0x2: {  	s0 =	rddreg [dreg:$0x1];
	s2 =	simm.s32 $0x0;
	s4 =	srdreg.scid  }
0x3: {  	s1 =	stileid.u32;
	s9 =	simm.s32 $0x800;
	s10 =	simm.s32 $0x1000  }
0x4: {  	s11 =	simm.s32 $0xC00;
	s12 =	simm.s32 $0x1;
	s13 =	simm.s32 $0x0  }
0x5: {  	[smem:$0x7FF] =	sst s2;
	s4 =	sand.u32 $0x1, s4;
	s5 =	sshll.u32 s1, $0x1  }
0x6: {  	_ =	strace $0x8000004A;
	s5 =	sor.u32 s4, s5;
	s4 =	ssub.s32 $0x2, s4  }
0x7: {  	s6 =	sshll.u32 s5, $0x7;
	s5 =	sshll.u32 s5, $0x5;
	s31 =	sshrl.u32 s4, $0x1  }
0x8: {  	s6 =	sadd.s32 s6, s3;
	s7 =	sadd.s32 s5, s3;
	s8 =	ssub.s32 s4, s31  }
0x9: {  	v0 =	vimm.f32 $1.000000000e+10;
	v1 =	vlaneseq.u32;
	s3 =	sadd.s32 $0x83000, s6;
	s4 =	sadd.s32 $0x84000, s6;
	s5 =	sadd.s32 $0x85000, s6  }
0xa: {  	v2 =	vimm.s32 $0x0;
	v3 =	vor.u32 $0x400, v1;
	v4 =	vor.u32 $0x800, v1;
	s6 =	sadd.s32 $0x53000, s7;
	s7 =	smax.u32 s8, $0x1;
	s8 =	simm.s32 $0x400  }
.LBB2_1:
0xb: {  	[tilespmem:s2], [sflag:$0x1] =	stream.linear.gather [hbm4b:s3+s2], $0x400, $0x38;
	[tilespmem:$0x1100] =	vst v63  }
0xc: {  	_ =	swait.ge [sflag:s12], $0x400  }
0xd: {  	[sflag:s12] =	ssyncset.done $0x0  }
0xe: {  	[sflag:s12] =	ssyncadd.s32 $0xFFFFFC00  }
0xf: {  	[tilespmem:s8], [sflag:$0x1] =	stream.linear.gather [hbm4b:s4+s2], $0x400, $0x38;
	[tilespmem:$0x1100] =	vst v63  }
0x10: {  	_ =	swait.ge [sflag:s12], $0x400  }
0x11: {  	[sflag:s12] =	ssyncset.done $0x0  }
0x12: {  	[sflag:s12] =	ssyncadd.s32 $0xFFFFFC00  }
0x13: {  	[tilespmem:s9], [sflag:$0x1] =	stream.linear.gather [hbm4b:s5+s2], $0x400, $0x38;
	[tilespmem:$0x1100] =	vst v63  }
0x14: {  	_ =	swait.ge [sflag:s12], $0x400  }
0x15: {  	[sflag:s12] =	ssyncset.done $0x0  }
0x16: {  	[sflag:s12] =	ssyncadd.s32 $0xFFFFFC00  }
0x17: {  	[tilespmem:$0xC00] =	vst v0  }
0x18: {  	[tilespmem:$0xC10] =	vst v0  }
0x19: {  	[tilespmem:$0xC20] =	vst v0  }
0x1a: {  	[tilespmem:$0xC30] =	vst v0  }
0x1b: {  	[tilespmem:$0xC40] =	vst v0  }
0x1c: {  	[tilespmem:$0xC50] =	vst v0  }
0x1d: {  	[tilespmem:$0xC60] =	vst v0  }
0x1e: {  	[tilespmem:$0xC70] =	vst v0  }
0x1f: {  	[tilespmem:$0xC80] =	vst v0  }
0x20: {  	[tilespmem:$0xC90] =	vst v0  }
0x21: {  	[tilespmem:$0xCA0] =	vst v0  }
0x22: {  	[tilespmem:$0xCB0] =	vst v0  }
0x23: {  	[tilespmem:$0xCC0] =	vst v0  }
0x24: {  	[tilespmem:$0xCD0] =	vst v0  }
0x25: {  	[tilespmem:$0xCE0] =	vst v0  }
0x26: {  	[tilespmem:$0xCF0] =	vst v0  }
0x27: {  	[tilespmem:$0xD00] =	vst v0  }
0x28: {  	[tilespmem:$0xD10] =	vst v0  }
0x29: {  	[tilespmem:$0xD20] =	vst v0  }
0x2a: {  	[tilespmem:$0xD30] =	vst v0  }
0x2b: {  	[tilespmem:$0xD40] =	vst v0  }
0x2c: {  	[tilespmem:$0xD50] =	vst v0  }
0x2d: {  	[tilespmem:$0xD60] =	vst v0  }
0x2e: {  	[tilespmem:$0xD70] =	vst v0  }
0x2f: {  	[tilespmem:$0xD80] =	vst v0  }
0x30: {  	[tilespmem:$0xD90] =	vst v0  }
0x31: {  	[tilespmem:$0xDA0] =	vst v0  }
0x32: {  	[tilespmem:$0xDB0] =	vst v0  }
0x33: {  	[tilespmem:$0xDC0] =	vst v0  }
0x34: {  	[tilespmem:$0xDD0] =	vst v0  }
0x35: {  	[tilespmem:$0xDE0] =	vst v0  }
0x36: {  	[tilespmem:$0xDF0] =	vst v0  }
0x37: {  	[tilespmem:$0xE00] =	vst v0  }
0x38: {  	[tilespmem:$0xE10] =	vst v0  }
0x39: {  	[tilespmem:$0xE20] =	vst v0  }
0x3a: {  	[tilespmem:$0xE30] =	vst v0  }
0x3b: {  	[tilespmem:$0xE40] =	vst v0  }
0x3c: {  	[tilespmem:$0xE50] =	vst v0  }
0x3d: {  	[tilespmem:$0xE60] =	vst v0  }
0x3e: {  	[tilespmem:$0xE70] =	vst v0  }
0x3f: {  	[tilespmem:$0xE80] =	vst v0  }
0x40: {  	[tilespmem:$0xE90] =	vst v0  }
0x41: {  	[tilespmem:$0xEA0] =	vst v0  }
0x42: {  	[tilespmem:$0xEB0] =	vst v0  }
0x43: {  	[tilespmem:$0xEC0] =	vst v0  }
0x44: {  	[tilespmem:$0xED0] =	vst v0  }
0x45: {  	[tilespmem:$0xEE0] =	vst v0  }
0x46: {  	[tilespmem:$0xEF0] =	vst v0  }
0x47: {  	[tilespmem:$0xF00] =	vst v0  }
0x48: {  	[tilespmem:$0xF10] =	vst v0  }
0x49: {  	[tilespmem:$0xF20] =	vst v0  }
0x4a: {  	[tilespmem:$0xF30] =	vst v0  }
0x4b: {  	[tilespmem:$0xF40] =	vst v0  }
0x4c: {  	[tilespmem:$0xF50] =	vst v0  }
0x4d: {  	[tilespmem:$0xF60] =	vst v0  }
0x4e: {  	[tilespmem:$0xF70] =	vst v0  }
0x4f: {  	[tilespmem:$0xF80] =	vst v0  }
0x50: {  	[tilespmem:$0xF90] =	vst v0  }
0x51: {  	[tilespmem:$0xFA0] =	vst v0  }
0x52: {  	[tilespmem:$0xFB0] =	vst v0  }
0x53: {  	[tilespmem:$0xFC0] =	vst v0  }
0x54: {  	[tilespmem:$0xFD0] =	vst v0  }
0x55: {  	[tilespmem:$0xFE0] =	vst v0  }
0x56: {  	[tilespmem:$0xFF0] =	vst v0  }
0x57: {  	s15 =	simm.s32 $0x0;
	s14 =	simm.s32 $0x1;
	[tilespmem:v2+s10+$0x0] =	vst.idx.msk $0x1, v2  }
.LBB2_2:
0x58: {  	v6 =	vmov s15  }
0x59: {  	s31 =	simm.s32 $0x0;
	v8 =	vadd.s32 $0x400, v6  }
0x5a: {  	v5 =	vor.u32 s31, v1  }
0x5b: {  	v9 =	vor.u32 s31, v3  }
0x5c: {  	v10 =	vadd.s32 $0x800, v6  }
0x5d: {  	v7 =	vld.idx.msk [tilespmem:v6+s31+$0x0], $0xffff;
	v6 =	vor.u32 s31, v4  }
0x5e: {  	v8 =	vld.idx.msk [tilespmem:v8+s31+$0x0], $0xffff  }
0x5f: {  	v11 =	vld.idx.msk [tilespmem:v5+s2+$0x0], $0xffff  }
0x60: {  	v9 =	vld.idx.msk [tilespmem:v9+s2+$0x0], $0xffff  }
0x61: {  	v10 =	vld.idx.msk [tilespmem:v10+s31+$0x0], $0xffff  }
0x62: {  	v6 =	vld.idx.msk [tilespmem:v6+s2+$0x0], $0xffff;
	_ =	sdelay $0x2  }
0x63: {  	v11 =	vsub.f32 v11, v7;
	v9 =	vsub.f32 v9, v8;
	_ =	sdelay $0x1  }
0x64: {  	v11 =	vmul.f32 v11, v11;
	v13 =	vmul.f32 v9, v9;
	v14 =	vsub.f32 v6, v10  }
0x65: {  	v12 =	vld.idx.msk [tilespmem:v5+s11+$0x0], $0xffff  }
0x66: {  	s15 =	simm.s32 $0x10;
	v13 =	vadd.f32 v13, v11;
	v14 =	vmul.f32 v14, v14  }
0x67: {  	s16 =	simm.s32 $0x20;
	v9 =	vimm.f32 $-3.000000010e+38;
	v6 =	vimm.s32 $0x0;
	v11 =	vor.u32 s15, v1  }
.LBB2_3:
0x68: {  	p0 =	sne.s32 s16, $0x3F0;
	v15 =	vor.u32 s15, v3;
	v13 =	vadd.f32 v14, v13;
	_ =	sdelay $0x1  }
0x69: {  	v14 =	vor.u32 s15, v4;
	s15 =	smov.u32 s16;
	v12 =	vmin.f32 v12, v13  }
0x6a: {  	[tilespmem:v5+s11+$0x0] =	vst.idx.msk $0xffff, v12;
	vm0 =	vgt.f32 v12, v9  }
0x6b: {  	v13 =	vld.idx.msk [tilespmem:v11+s2+$0x0], $0xffff;
	v9 =	vsel vm0, v12, v9;
	v6 =	vsel vm0, v5, v6;
	v5 =	vmov v11  }
0x6c: {  	v11 =	vld.idx.msk [tilespmem:v15+s2+$0x0], $0xffff;
	_ =	sdelay $0x1  }
0x6d: {  	v12 =	vld.idx.msk [tilespmem:v14+s2+$0x0], $0xffff;
	_ =	sdelay $0x3  }
0x6e: {  	v13 =	vsub.f32 v13, v7;
	v11 =	vsub.f32 v11, v8  }
.Ltmp0:
0x6f: {  	(pc) =	sbr.rel @p0 .LBB2_3-.Ltmp0, $3  }
0x70: {  	v13 =	vmul.f32 v13, v13;
	v14 =	vsub.f32 v12, v10;
	v11 =	vmul.f32 v11, v11;
	v12 =	vld.idx.msk [tilespmem:v5+s11+$0x0], $0xffff;
	_ =	sdelay $0x1  }
0x71: {  	v13 =	vadd.f32 v11, v13;
	v14 =	vmul.f32 v14, v14  }
0x72: {  	s16 =	sadd.s32 $0x10, s16;
	v11 =	vor.u32 s15, v1  }
0x73: {  	_ = 	snop  }
0x74: {  	v15 =	vor.u32 s15, v3;
	v13 =	vadd.f32 v14, v13;
	_ =	sdelay $0x1  }
0x75: {  	v58 =	vor.u32 s15, v4;
	v12 =	vmin.f32 v12, v13  }
0x76: {  	[tilespmem:v5+s11+$0x0] =	vst.idx.msk $0xffff, v12  }
0x77: {  	v59 =	vld.idx.msk [tilespmem:v11+s2+$0x0], $0xffff  }
0x78: {  	v15 =	vld.idx.msk [tilespmem:v15+s2+$0x0], $0xffff;
	_ =	sdelay $0x1  }
0x79: {  	v14 =	vld.idx.msk [tilespmem:v58+s2+$0x0], $0xffff;
	_ =	sdelay $0x2  }
0x7a: {  	v7 =	vsub.f32 v59, v7;
	v8 =	vsub.f32 v15, v8;
	_ =	sdelay $0x1  }
0x7b: {  	v10 =	vsub.f32 v14, v10;
	v7 =	vmul.f32 v7, v7;
	v8 =	vmul.f32 v8, v8  }
0x7c: {  	v60 =	vld.idx.msk [tilespmem:v11+s11+$0x0], $0xffff  }
0x7d: {  	v61 =	vmul.f32 v10, v10;
	v7 =	vadd.f32 v8, v7;
	_ =	sdelay $0x1  }
0x7e: {  	v7 =	vadd.f32 v61, v7  }
0x7f: {  	vm0 =	vgt.f32 v12, v9  }
0x80: {  	v62 =	vsel vm0, v12, v9;
	v7 =	vmin.f32 v60, v7  }
0x81: {  	vm1 =	vgt.f32 v7, v62  }
0x82: {  	v8 =	vsel vm1, v7, v62  }
0x83: {  	(xrf0) =	vmax.scan.msk.f32 $0xffff, v8;
	_ =	sdelay $0x5  }
0x84: {  	v63, _, _ =	vpop (xrf0)  }
0x85: {  	v5 =	vsel vm0, v5, v6;
	v6 =	vbroadcast v63, $0xF  }
0x86: {  	v5 =	vsel vm1, v11, v5  }
0x87: {  	v5 =	vxor.u32 $0x80000000, v5;
	vm15 =	veq.f32 v8, v6  }
0x88: {  	v5 =	vnsel vm15, $0xC0000000, v5  }
0x89: {  	(xrf0) =	vmin.scan.msk.u32 $0xffff, v5;
	_ =	sdelay $0x5  }
0x8a: {  	v5, _, _ =	vpop (xrf0)  }
0x8b: {  	(v2sf) =	vpush v5, $0xF;
	_ =	sdelay $0xb  }
0x8c: {  	v5 =	vmov s14;
	s14 =	sadd.s32 $0x1, s14  }
0x8d: {  	p0 =	sne.s32 s14, $0x100  }
.Ltmp1:
0x8e: {  	_ = 	snop;
	(pc) =	sbr.rel @p0 .LBB2_2-.Ltmp1, $4  }
0x8f: {  	s31 =	spop (v2sf)  }
0x90: {  	s15 =	sxor.u32 $0x80000000, s31  }
0x91: {  	[tilespmem:v11+s11+$0x0] =	vst.idx.msk $0xffff, v7;
	v6 =	vmov s15  }
0x92: {  	[tilespmem:v5+s10+$0x0] =	vst.idx.msk $0x1, v6  }
0x93: {  	s13 =	sadd.s32 $0x1, s13  }
0x94: {  	p0 =	sne.s32 s13, s7  }
.Ltmp2:
0x95: {  	_ = 	snop;
	(pc) =	sbr.rel @p0 .LBB2_1-.Ltmp2, $4  }
0x96: {  	[hbm4b:s6+s2] =	stream.linear.scatter [tilespmem:s10], [sflag:$0x1], $0x100, $0x38;
	[tilespmem:$0x1100] =	vst v63  }
0x97: {  	_ =	swait.ge [sflag:s12], $0x100  }
0x98: {  	[sflag:s12] =	ssyncset.done $0x0  }
0x99: {  	[sflag:s12] =	ssyncadd.s32 $0xFFFFFF00  }
0x9a: {  	_ =	sfence.sel $0x180000  }
0x9b: {  	[bflag:$0x0] =	sbarrier.arrive $0xFFFF  }
0x9c: {  	p0 =	sne.s32 s1, $0x0;
	_ =	strace $0x9000004A  }
0x9d: {  	s0 =	sadd.s32 @!p0 $0x100000, s0;
	[bflag:$0x2] =	sbarrier.arrive $0xFFFF  }
0x9e: {  	[sflag:s0] =	ssyncadd.tile.s32 @!p0 $0x1;
	_ =	shalt  }
.Lfunc_end2:
_tile_overlayer_lowered:
.L_overlay_start_2:
0x9f: {  	(tag) =	ssettag $0x2  }
0xa0: {  	s0 =	rddreg [dreg:$0x0];
	s2 =	stileid.u32  }
0xa1: {  	s1 =	rddreg [dreg:$0x1];
	p0 =	sne.s32 s2, $0x0  }
0xa2: {  	s3 =	rddreg [dreg:$0x2];
	[bflag:$0x3] =	sbarrier.arrive $0xFFFF;
	s2 =	simm.s32 @!p0 $0x1C01  }
0xa3: {  	[timem:s3], [sflag:s2] =	dma.local @!p0 [hbm:s0], s1  }
0xa4: {  	s0 =	simm.s32 @!p0 $0x1  }
0xa5: {  	_ =	swait.ge @!p0 [sflag:s0], s1  }
0xa6: {  	s1 =	ssub.s32 @!p0 $0x0, s1;
	[sflag:s0] =	ssyncset.done @!p0 $0x0  }
0xa7: {  	[sflag:s0] =	ssyncadd.s32 @!p0 s1  }
0xa8: {  	[bflag:$0x3] =	sbarrier.arrive $0xFFFF  }
0xa9: {  	_ =	shalt  }

// kernel: kernel.9.cloned.1.call-start
scs
__scs_entry_jumppad:
0x0: {  	(pc) =	sbr.rel $0x88, $3  }
0x1: {  	(tag) =	ssettag $0x0;
	lr =	simm.s32 $0x1  }
0x2: {  	[smem:$0x3F92] =	sst lr;
	_ =	strace $0xD0000000  }
0x3: {  	_ = 	snop  }
0x4: {  	_ = 	snop  }
0x5: {  	_ = 	snop  }
0x6: {  	_ = 	snop  }
0x7: {  	_ = 	snop  }
__scs_overlays_trampoline_lowered:
0x8: {  	[smem:$0x3FA1] =	sst s0  }
0x9: {  	[smem:$0x3FA2] =	sst s1  }
0xa: {  	[smem:$0x3FA3] =	sst s2  }
0xb: {  	[smem:$0x3FA4] =	sst s3  }
0xc: {  	[smem:$0x3FA5] =	sst s4  }
0xd: {  	[smem:$0x3FA6] =	sst s5  }
0xe: {  	[smem:$0x3FA7] =	sst s6  }
0xf: {  	[smem:$0x3FA8] =	sst s7  }
0x10: {  	[smem:$0x3FA9] =	sst s8  }
0x11: {  	[smem:$0x3FAA] =	sst s9;
	s0 =	simm.s32 @!p0 $0x0  }
0x12: {  	s1 =	sld [smem:$0x3F90];
	s0 =	simm.s32 @p0 $0x1  }
0x13: {  	[smem:$0x3FAB] =	sst s0;
	s0 =	simm.s32 @!p1 $0x0  }
0x14: {  	s2 =	sld [smem:$0x3F8F];
	s0 =	simm.s32 @p1 $0x1  }
0x15: {  	[smem:$0x3FAC] =	sst s0;
	s0 =	simm.s32 @!p2 $0x0  }
0x16: {  	s3 =	sld [smem:$0x3FDB];
	s0 =	simm.s32 @p2 $0x1  }
0x17: {  	s4 =	simm.s32 $0x1BF5;
	[smem:$0x3FAE] =	sst s0  }
0x18: {  	s0 =	sld [smem:$0x3F91];
	_ =	swait.ge [sflag:s4], $0x0  }
0x19: {  	s7 =	sld [smem:$0x3F92]  }
0x1a: {  	s8 =	sadd.s32 $0xFFFFE003, lr  }
0x1b: {  	s9 =	sadd.s32 $0xFFFFFEF7, lr;
	s5 =	simm.s32 $0xFFFFFFFF;
	p2 =	slt.u32 s8, $0xFFFFF086  }
0x1c: {  	p1 =	slt.u32 s9, $0xF7A;
	s5 =	simm.s32 @!p2 $0x0  }
0x1d: {  	s5 =	simm.s32 @p1 $0x1;
	p0 =	seq.s32 s7, s2  }
0x1e: {  	s7 =	smul.u32 @!p0 $0xF7A, s2;
	p2 =	seq.s32 @!p0 s5, $0x0  }
0x1f: {  	s9 =	smul.u32 $0xF7A, s1;
	s8 =	simm.s32 @!p0 $0x1BF5;
	p2 =	por !p2, p0  }
0x20: {  	[sflag:s8] =	ssyncset.s32 @!p0 $0xFFFFF086;
	s6 =	sadd.s32 @!p0 s3, s7;
	s7 =	simm.s32 @!p0 $0x108  }
0x21: {  	s3 =	sadd.s32 s3, s9;
	s6 =	sadd.s32 @!p0 $0x88, s6;
	s7 =	simm.s32 @p2 $0x1082  }
0x22: {  	[simem:s7], [sflag:s8] =	dma.local @!p0 [hbm:s6], $0xF7A  }
0x23: {  	s9 =	sor.u32 $0xD0000000, s2;
	s6 =	simm.s32 $0x108;
	_ =	swait.ge @!p0 [sflag:s8], $0x0  }
0x24: {  	s3 =	sadd.s32 $0x88, s3;
	s6 =	simm.s32 @!p1 $0x1082;
	[sflag:s4] =	ssyncset.s32 $0xFFFFF086  }
0x25: {  	[simem:s6], [sflag:s4] =	dma.local [hbm:s3], $0xF7A  }
0x26: {  	[smem:$0x3F92] =	sst s1;
	(tag) =	ssettag s2;
	_ =	strace s9  }
0x27: {  	s1 =	sld [smem:$0x3FA2]  }
0x28: {  	s2 =	sld [smem:$0x3FA3]  }
0x29: {  	s4 =	sld [smem:$0x3FA5]  }
0x2a: {  	p0 =	seq.s32 s5, $0x0;
	s5 =	sld [smem:$0x3FA6]  }
0x2b: {  	s6 =	sld [smem:$0x3FA7]  }
0x2c: {  	s7 =	sld [smem:$0x3FA8]  }
0x2d: {  	s3 =	simm.s32 $0x108;
	s8 =	sld [smem:$0x3FA9]  }
0x2e: {  	s3 =	simm.s32 @!p0 $0x1082;
	s9 =	sld [smem:$0x3FAA]  }
0x2f: {  	lr =	sadd.s32 s0, s3;
	s0 =	sld [smem:$0x3FA1]  }
0x30: {  	s3 =	sld [smem:$0x3FA4]  }
0x31: {  	[smem:$0x3FAD] =	sst s10  }
0x32: {  	s10 =	sld [smem:$0x3FAB];
	_ =	sdelay $0x3  }
0x33: {  	p0 =	seq.s32 s10, $0x1;
	s10 =	sld [smem:$0x3FAD];
	_ =	sdelay $0x3  }
0x34: {  	[smem:$0x3FAD] =	sst s10  }
0x35: {  	s10 =	sld [smem:$0x3FAC];
	_ =	sdelay $0x3  }
0x36: {  	p1 =	seq.s32 s10, $0x1;
	s10 =	sld [smem:$0x3FAD];
	_ =	sdelay $0x3  }
0x37: {  	[smem:$0x3FAD] =	sst s10  }
0x38: {  	s10 =	sld [smem:$0x3FAE]  }
0x39: {  	_ = 	snop;
	(pc) =	sbr.ind lr, $3  }
0x3a: {  	_ = 	snop  }
0x3b: {  	_ = 	snop  }
0x3c: {  	p2 =	seq.s32 s10, $0x1;
	s10 =	sld [smem:$0x3FAD]  }
0x3d: {  	_ =	shalt  }
0x3e: {  	_ =	shalt  }
0x3f: {  	_ =	shalt  }
0x40: {  	_ =	shalt  }
0x41: {  	_ =	shalt  }
0x42: {  	_ =	shalt  }
0x43: {  	_ =	shalt  }
0x44: {  	_ =	shalt  }
0x45: {  	_ =	shalt  }
0x46: {  	_ =	shalt  }
0x47: {  	_ =	shalt  }
0x48: {  	_ =	shalt  }
0x49: {  	_ =	shalt  }
0x4a: {  	_ =	shalt  }
0x4b: {  	_ =	shalt  }
0x4c: {  	_ =	shalt  }
0x4d: {  	_ =	shalt  }
0x4e: {  	_ =	shalt  }
0x4f: {  	_ =	shalt  }
0x50: {  	_ =	shalt  }
0x51: {  	_ =	shalt  }
0x52: {  	_ =	shalt  }
0x53: {  	_ =	shalt  }
0x54: {  	_ =	shalt  }
0x55: {  	_ =	shalt  }
0x56: {  	_ =	shalt  }
0x57: {  	_ =	shalt  }
0x58: {  	_ =	shalt  }
0x59: {  	_ =	shalt  }
0x5a: {  	_ =	shalt  }
0x5b: {  	_ =	shalt  }
0x5c: {  	_ =	shalt  }
0x5d: {  	_ =	shalt  }
0x5e: {  	_ =	shalt  }
0x5f: {  	_ =	shalt  }
0x60: {  	_ =	shalt  }
0x61: {  	_ =	shalt  }
0x62: {  	_ =	shalt  }
0x63: {  	_ =	shalt  }
0x64: {  	_ =	shalt  }
0x65: {  	_ =	shalt  }
0x66: {  	_ =	shalt  }
0x67: {  	_ =	shalt  }
0x68: {  	_ =	shalt  }
0x69: {  	_ =	shalt  }
0x6a: {  	_ =	shalt  }
0x6b: {  	_ =	shalt  }
0x6c: {  	_ =	shalt  }
0x6d: {  	_ =	shalt  }
0x6e: {  	_ =	shalt  }
0x6f: {  	_ =	shalt  }
0x70: {  	_ =	shalt  }
0x71: {  	_ =	shalt  }
0x72: {  	_ =	shalt  }
0x73: {  	_ =	shalt  }
0x74: {  	_ =	shalt  }
0x75: {  	_ =	shalt  }
0x76: {  	_ =	shalt  }
0x77: {  	_ =	shalt  }
0x78: {  	_ =	shalt  }
0x79: {  	_ =	shalt  }
0x7a: {  	_ =	shalt  }
0x7b: {  	_ =	shalt  }
0x7c: {  	_ =	shalt  }
0x7d: {  	_ =	shalt  }
0x7e: {  	_ =	shalt  }
0x7f: {  	_ =	shalt  }
0x80: {  	_ =	shalt  }
0x81: {  	_ =	shalt  }
0x82: {  	_ =	shalt  }
0x83: {  	_ =	shalt  }
0x84: {  	_ =	shalt  }
0x85: {  	_ =	shalt  }
0x86: {  	_ =	shalt  }
0x87: {  	_ =	shalt  }
.Lfunc_end0:
.L_simem_size_0:
called_computation_lowered:
.L_overlay_start_0:
0x88: {  	s2 =	sld [smem:$0x3FD9]  }
0x89: {  	s3 =	sld [smem:$0x3FFE];
	_ =	sdelay $0x1  }
0x8a: {  	s1 =	srdreg.scid  }
0x8b: {  	s0 =	sand.u32 $0x1, s1  }
0x8c: {  	s16 =	sshll.u32 s0, $0xA;
	s2 =	sadd.s32 s3, s2  }
0x8d: {  	s2 =	sadd.s32 s2, s16  }
0x8e: {  	[smem:$0x3FB9] =	sst s2  }
0x8f: {  	_ = 	snop  }
0x90: {  	(tm) =	ssettm $0x1  }
0x91: {  	s17 =	sld [smem:$0x3FFB];
	_ =	sdelay $0x3  }
0x92: {  	_ =	strace s17  }
0x93: {  	s2 =	sld [smem:$0x3FFC];
	_ =	sdelay $0x3  }
0x94: {  	_ =	strace s2  }
0x95: {  	s2 =	sld [smem:$0x3FFD];
	_ =	sdelay $0x3  }
0x96: {  	_ =	strace s2  }
0x97: {  	_ =	strace $0x8FFFFFFF  }
0x98: {  	s18 =	sld [smem:$0x3FDB];
	_ =	sdelay $0x1  }
0x99: {  	s19 =	simm.s32 $_scs_section_size  }
0x9a: {  	s4 =	simm.s32 $_size__tile_overlayer_lowered;
	s5 =	simm.s32 $_tile_overlayer_lowered  }
0x9b: {  	s22 =	simm.s32 $0x1BFF;
	s21 =	sshll.u32 s5, $0x1;
	s2 =	sadd.s32 s19, s18  }
0x9c: {  	s6 =	simm.s32 $0x0;
	s20 =	sshll.u32 s4, $0x1;
	s4 =	sadd.s32 s21, s2  }
0x9d: {  	[timem:s6], [sflag:s22] =	dma.local [hbm:s4], s20  }
0x9e: {  	_ =	swait.ge [sflag:s22], s20  }
0x9f: {  	s3 =	ssub.s32 $0x0, s20;
	[sflag:s22] =	ssyncset.done $0x0  }
0xa0: {  	[sflag:s22] =	ssyncadd.s32 s3;
	_ =	sdelay $0x1  }
0xa1: {  	s23 =	simm.s32 $0x1B8B  }
0xa2: {  	_ =	swait.ge [sflag:s23], $0x1  }
0xa3: {  	[sflag:s23] =	ssyncset.done $0x0  }
0xa4: {  	s25 =	simm.s32 $0x1B8E;
	s24 =	sld [smem:$0x3FFE];
	[sflag:s23] =	ssyncadd.s32 $0xFFFFFFFF  }
0xa5: {  	s26 =	simm.s32 $execute0_lowered;
	[smem:$0x3FD2] =	sst s25  }
0xa6: {  	s4 =	sshll.u32 s26, $0x1;
	_ =	strace $0x80000046;
	[dreg:$0x1] =	wrdreg $0xFFFFFFFF  }
0xa7: {  	s28 =	simm.s32 $_size_execute0_lowered;
	s2 =	sadd.s32 s2, s4;
	[dreg:$0x0] =	wrdreg $0x0  }
0xa8: {  	s4 =	sshll.u32 s28, $0x1;
	[dreg:$0x2] =	wrdreg s2  }
0xa9: {  	[dreg:$0x3] =	wrdreg s4  }
0xaa: {  	[dreg:$0x4] =	wrdreg $0xC0  }
0xab: {  	_ =	task [dreg:s6], $0x5FFFF  }
0xac: {  	[dreg:$0x1] =	wrdreg $0xFFFFFFFF  }
0xad: {  	[dreg:$0x0] =	wrdreg $0x60  }
0xae: {  	[dreg:$0x2] =	wrdreg s24  }
0xaf: {  	[dreg:$0x3] =	wrdreg $0x9  }
0xb0: {  	_ =	task.clear_ibuf [dreg:s6], $0x4FFFF;
	_ =	strace $0x90000046  }
0xb1: {  	s29 =	simm.s32 $0x9;
	_ =	strace $0x80000048  }
0xb2: {  	_ =	swait.ge [sflag:s29], $0x1  }
0xb3: {  	[sflag:s29] =	ssyncadd.s32 $0xFFFFFFFF  }
0xb4: {  	_ =	strace $0x90000048  }
0xb5: {  	_ =	sfence  }
0xb6: {  	s30 =	sld [smem:$0x0];
	_ =	sdelay $0x2  }
0xb7: {  	s31 =	sshll.u32 s1, $0xD;
	s1 =	sshrl.u32 s1, $0x2  }
0xb8: {  	s3 =	sand.u32 $0x4000, s31;
	s1 =	sadd.s32 s1, s30  }
0xb9: {  	s0 =	sor.u32 s3, s0;
	s1 =	sshll.u32 s1, $0x11  }
0xba: {  	s0 =	sor.u32 s1, s0  }
0xbb: {  	s0 =	sadd.s32 $0x8F2B, s0  }
0xbc: {  	[sflag:s0] =	ssyncadd.remote.s32 $0x1  }
0xbd: {  	_ =	sfence.sel $0xFFFF  }
0xbe: {  	[dreg:$0x0] =	wrdreg $0xFFFFFFFF;
	(pc) =	sbr.abs _section_cstart, $3  }
0xbf: {  	[dreg:$0x1] =	wrdreg $0xFFFFFFFF  }
0xc0: {  	_ =	task.clear_ibuf [dreg:s6], $0x2FFFF;
	_ =	strace $0x9FFFFFFF  }
0xc1: {  	(tm) =	ssettm $0x7FFFFFFF  }
tec
execute0_lowered:
.L_overlay_start_1:
0x0: {  	(tag) =	ssettag $0x1  }
0x1: {  	v0 =	vlaneseq.u32  }
0x2: {  	v1 =	vmul.u32 $0x14, v0;
	v2 =	vor.u32 $0x1000, v0  }
0x3: {  	[tilespmem:$0x1FC60] =	vst v2;
	v2 =	vor.u32 $0x1400, v0  }
0x4: {  	[tilespmem:$0x1FC70] =	vst v2;
	v2 =	vor.u32 $0x2, v1  }
0x5: {  	[tilespmem:$0x1FC80] =	vst v2;
	v2 =	vor.u32 $0x1800, v0  }
0x6: {  	[tilespmem:$0x1FC90] =	vst v2;
	v2 =	vor.u32 $0x1C00, v0  }
0x7: {  	[tilespmem:$0x1FCA0] =	vst v2;
	v2 =	vor.u32 $0x2000, v0  }
0x8: {  	[tilespmem:$0x1FCB0] =	vst v2;
	v2 =	vor.u32 $0x3, v1  }
0x9: {  	[tilespmem:$0x1FCC0] =	vst v2;
	v2 =	vor.u32 $0x2400, v0  }
0xa: {  	[tilespmem:$0x1FCD0] =	vst v2;
	v2 =	vor.u32 $0x2800, v0  }
0xb: {  	[tilespmem:$0x1FCE0] =	vst v2;
	v2 =	vor.u32 $0x2C00, v0  }
0xc: {  	[tilespmem:$0x1FCF0] =	vst v2;
	v2 =	vadd.s32 $0x4, v1  }
0xd: {  	[tilespmem:$0x1FD00] =	vst v2;
	v2 =	vor.u32 $0x3000, v0  }
0xe: {  	[tilespmem:$0x1FD10] =	vst v2;
	v2 =	vor.u32 $0x3400, v0  }
0xf: {  	[tilespmem:$0x1FD20] =	vst v2;
	v2 =	vor.u32 $0x3800, v0  }
0x10: {  	[tilespmem:$0x1FD30] =	vst v2;
	v2 =	vadd.s32 $0x5, v1  }
0x11: {  	[tilespmem:$0x1FD40] =	vst v2;
	v2 =	vor.u32 $0x3C00, v0  }
0x12: {  	[tilespmem:$0x1FD50] =	vst v2;
	v2 =	vor.u32 $0x4000, v0  }
0x13: {  	[tilespmem:$0x1FD60] =	vst v2;
	v2 =	vor.u32 $0x4400, v0  }
0x14: {  	[tilespmem:$0x1FD70] =	vst v2;
	v2 =	vadd.s32 $0x6, v1  }
0x15: {  	[tilespmem:$0x1FD80] =	vst v2;
	v2 =	vor.u32 $0x4800, v0  }
0x16: {  	[tilespmem:$0x1FD90] =	vst v2;
	v2 =	vor.u32 $0x4C00, v0  }
0x17: {  	[tilespmem:$0x1FDA0] =	vst v2;
	v2 =	vor.u32 $0x5000, v0  }
0x18: {  	[tilespmem:$0x1FDB0] =	vst v2;
	v2 =	vadd.s32 $0x7, v1  }
0x19: {  	[tilespmem:$0x1FDC0] =	vst v2;
	v2 =	vor.u32 $0x5400, v0  }
0x1a: {  	[tilespmem:$0x1FDD0] =	vst v2;
	v2 =	vor.u32 $0x5800, v0  }
0x1b: {  	[tilespmem:$0x1FDE0] =	vst v2;
	v2 =	vor.u32 $0x5C00, v0  }
0x1c: {  	[tilespmem:$0x1FDF0] =	vst v2;
	v2 =	vadd.s32 $0x8, v1  }
0x1d: {  	[tilespmem:$0x1FE00] =	vst v2;
	v2 =	vor.u32 $0x6000, v0  }
0x1e: {  	[tilespmem:$0x1FE10] =	vst v2;
	v2 =	vor.u32 $0x6400, v0  }
0x1f: {  	[tilespmem:$0x1FE20] =	vst v2;
	v2 =	vor.u32 $0x6800, v0  }
0x20: {  	[tilespmem:$0x1FE30] =	vst v2;
	v2 =	vadd.s32 $0x9, v1  }
0x21: {  	[tilespmem:$0x1FE40] =	vst v2;
	v2 =	vor.u32 $0x6C00, v0  }
0x22: {  	[tilespmem:$0x1FE50] =	vst v2;
	v2 =	vor.u32 $0x7000, v0  }
0x23: {  	[tilespmem:$0x1FE60] =	vst v2;
	v2 =	vor.u32 $0x7400, v0  }
0x24: {  	[tilespmem:$0x1FE70] =	vst v2;
	v2 =	vadd.s32 $0xA, v1  }
0x25: {  	[tilespmem:$0x1FE80] =	vst v2;
	v2 =	vor.u32 $0x7800, v0  }
0x26: {  	[tilespmem:$0x1FE90] =	vst v2;
	v2 =	vor.u32 $0x7C00, v0  }
0x27: {  	[tilespmem:$0x1FEA0] =	vst v2;
	v2 =	vor.u32 $0x8000, v0  }
0x28: {  	[tilespmem:$0x1FEB0] =	vst v2;
	v2 =	vadd.s32 $0xB, v1  }
0x29: {  	s3 =	rddreg [dreg:$0x0];
	s2 =	simm.s32 $0x0;
	[tilespmem:$0x1FEC0] =	vst v2;
	v2 =	vor.u32 $0x8400, v0  }
0x2a: {  	s1 =	srdreg.scid;
	[smem:$0x7FF] =	sst s2;
	[tilespmem:$0x1FED0] =	vst v2;
	v2 =	vor.u32 $0x8800, v0  }
0x2b: {  	s4 =	sand.u32 $0x1, s1;
	s1 =	rddreg [dreg:$0x1];
	_ =	strace $0x80000047;
	[tilespmem:$0x1FEE0] =	vst v2;
	v2 =	vor.u32 $0x8C00, v0  }
0x2c: {  	[tilespmem:$0x1FEF0] =	vst v2;
	v2 =	vadd.s32 $0xC, v1  }
0x2d: {  	[tilespmem:$0x1FF00] =	vst v2;
	v2 =	vor.u32 $0x9000, v0  }
0x2e: {  	[tilespmem:$0x1FF10] =	vst v2;
	v2 =	vor.u32 $0x9400, v0  }
0x2f: {  	[tilespmem:$0x1FF20] =	vst v2;
	v2 =	vor.u32 $0x9800, v0  }
0x30: {  	[tilespmem:$0x1FF30] =	vst v2;
	v2 =	vadd.s32 $0xD, v1  }
0x31: {  	[tilespmem:$0x1FF40] =	vst v2;
	v2 =	vor.u32 $0x9C00, v0  }
0x32: {  	[tilespmem:$0x1FF50] =	vst v2;
	v2 =	vor.u32 $0xA000, v0  }
0x33: {  	[tilespmem:$0x1FF60] =	vst v2;
	v2 =	vor.u32 $0xA400, v0  }
0x34: {  	s0 =	stileid.u32;
	[tilespmem:$0x1FF70] =	vst v2;
	v2 =	vadd.s32 $0xE, v1  }
0x35: {  	s10 =	simm.s32 $0x400;
	s5 =	sshll.u32 s0, $0x1;
	[tilespmem:$0x1FF80] =	vst v2;
	v2 =	vor.u32 $0xA800, v0  }
0x36: {  	s11 =	simm.s32 $0x800;
	s12 =	simm.s32 $0xC00;
	s5 =	sor.u32 s4, s5;
	[tilespmem:$0x1FF90] =	vst v2;
	v2 =	vor.u32 $0xAC00, v0  }
0x37: {  	s13 =	simm.s32 $0x5C00;
	s4 =	ssub.s32 $0x2, s4;
	s6 =	smul.u32 $0xA00, s5;
	[tilespmem:$0x1FFA0] =	vst v2;
	v2 =	vor.u32 $0xB000, v0  }
0x38: {  	s7 =	sshll.u32 s5, $0x7;
	s5 =	smul.u32 $0x1E00, s5;
	s8 =	sshrl.u32 s4, $0x1;
	[tilespmem:$0x1FFB0] =	vst v2;
	v2 =	vadd.s32 $0xF, v1  }
0x39: {  	s14 =	simm.s32 $0x0;
	s7 =	sadd.s32 s7, s3;
	s8 =	ssub.s32 s4, s8;
	[tilespmem:$0x1FFC0] =	vst v2;
	v2 =	vor.u32 $0xB400, v0  }
0x3a: {  	s6 =	sadd.s32 s6, s3;
	s9 =	sadd.s32 s5, s3;
	s3 =	sadd.s32 $0x83000, s7;
	[tilespmem:$0x1FFD0] =	vst v2;
	v2 =	vor.u32 $0xB800, v0  }
0x3b: {  	v11 =	vor.u32 $0x400, v0;
	s4 =	sadd.s32 $0x84000, s7;
	s5 =	sadd.s32 $0x85000, s7;
	s8 =	smax.u32 s8, $0x1;
	[tilespmem:$0x1FFE0] =	vst v2;
	v2 =	vor.u32 $0xBC00, v0  }
0x3c: {  	v12 =	vor.u32 $0x800, v0;
	v14 =	vor.u32 $0xC00, v0;
	v13 =	vor.u32 $0x1, v1;
	s6 =	sadd.s32 $0x3000, s6;
	s7 =	sadd.s32 $0x17000, s9;
	s9 =	simm.s32 $0x1;
	[tilespmem:$0x1FFF0] =	vst v2  }
.LBB2_1:
0x3d: {  	[tilespmem:s2], [sflag:$0x1] =	stream.linear.gather [hbm4b:s3+s2], $0x400, $0x38;
	[tilespmem:$0x14C00] =	vst v63  }
0x3e: {  	_ =	swait.ge [sflag:s9], $0x400  }
0x3f: {  	[sflag:s9] =	ssyncset.done $0x0  }
0x40: {  	[sflag:s9] =	ssyncadd.s32 $0xFFFFFC00  }
0x41: {  	[tilespmem:s10], [sflag:$0x1] =	stream.linear.gather [hbm4b:s4+s2], $0x400, $0x38;
	[tilespmem:$0x14C00] =	vst v63  }
0x42: {  	_ =	swait.ge [sflag:s9], $0x400  }
0x43: {  	[sflag:s9] =	ssyncset.done $0x0  }
0x44: {  	[sflag:s9] =	ssyncadd.s32 $0xFFFFFC00  }
0x45: {  	[tilespmem:s11], [sflag:$0x1] =	stream.linear.gather [hbm4b:s5+s2], $0x400, $0x38;
	[tilespmem:$0x14C00] =	vst v63  }
0x46: {  	_ =	swait.ge [sflag:s9], $0x400  }
0x47: {  	[sflag:s9] =	ssyncset.done $0x0  }
0x48: {  	[sflag:s9] =	ssyncadd.s32 $0xFFFFFC00  }
0x49: {  	[tilespmem:s12], [sflag:$0x1] =	stream.linear.gather [hbm4b:s6+s2], $0x5000, $0x38;
	[tilespmem:$0x14C00] =	vst v63  }
0x4a: {  	_ =	swait.ge [sflag:s9], $0x5000  }
0x4b: {  	v24 =	vld [tilespmem:$0x1FCF0]  }
0x4c: {  	v25 =	vld [tilespmem:$0x1FD00]  }
0x4d: {  	v26 =	vld [tilespmem:$0x1FD10]  }
0x4e: {  	v27 =	vld [tilespmem:$0x1FD20]  }
0x4f: {  	v28 =	vld [tilespmem:$0x1FD30]  }
0x50: {  	v29 =	vld [tilespmem:$0x1FD40]  }
0x51: {  	v30 =	vld [tilespmem:$0x1FD50]  }
0x52: {  	v31 =	vld [tilespmem:$0x1FD60]  }
0x53: {  	v32 =	vld [tilespmem:$0x1FD70]  }
0x54: {  	v33 =	vld [tilespmem:$0x1FD80]  }
0x55: {  	v34 =	vld [tilespmem:$0x1FD90]  }
0x56: {  	v35 =	vld [tilespmem:$0x1FDA0]  }
0x57: {  	v36 =	vld [tilespmem:$0x1FDB0]  }
0x58: {  	v37 =	vld [tilespmem:$0x1FDC0]  }
0x59: {  	v38 =	vld [tilespmem:$0x1FDD0]  }
0x5a: {  	v39 =	vld [tilespmem:$0x1FDE0]  }
0x5b: {  	v40 =	vld [tilespmem:$0x1FDF0]  }
0x5c: {  	v41 =	vld [tilespmem:$0x1FE00]  }
0x5d: {  	v42 =	vld [tilespmem:$0x1FE10]  }
0x5e: {  	v43 =	vld [tilespmem:$0x1FE20]  }
0x5f: {  	v44 =	vld [tilespmem:$0x1FE30]  }
0x60: {  	v45 =	vld [tilespmem:$0x1FE40]  }
0x61: {  	v46 =	vld [tilespmem:$0x1FE50]  }
0x62: {  	v47 =	vld [tilespmem:$0x1FE60]  }
0x63: {  	v48 =	vld [tilespmem:$0x1FE70]  }
0x64: {  	v49 =	vld [tilespmem:$0x1FE80]  }
0x65: {  	v50 =	vld [tilespmem:$0x1FE90]  }
0x66: {  	v51 =	vld [tilespmem:$0x1FEA0]  }
0x67: {  	v52 =	vld [tilespmem:$0x1FEB0]  }
0x68: {  	v53 =	vld [tilespmem:$0x1FEC0]  }
0x69: {  	v54 =	vld [tilespmem:$0x1FED0]  }
0x6a: {  	v55 =	vld [tilespmem:$0x1FEE0]  }
0x6b: {  	v56 =	vld [tilespmem:$0x1FEF0]  }
0x6c: {  	v57 =	vld [tilespmem:$0x1FF00]  }
0x6d: {  	v58 =	vld [tilespmem:$0x1FF10]  }
0x6e: {  	v59 =	vld [tilespmem:$0x1FF20]  }
0x6f: {  	v60 =	vld [tilespmem:$0x1FF30]  }
0x70: {  	v61 =	vld [tilespmem:$0x1FF40]  }
0x71: {  	v62 =	vld [tilespmem:$0x1FF50]  }
0x72: {  	v63 =	vld [tilespmem:$0x1FF60]  }
0x73: {  	v15 =	vld [tilespmem:$0x1FF70]  }
0x74: {  	v16 =	vld [tilespmem:$0x1FF80]  }
0x75: {  	v17 =	vld [tilespmem:$0x1FF90]  }
0x76: {  	v18 =	vld [tilespmem:$0x1FFA0]  }
0x77: {  	v19 =	vld [tilespmem:$0x1FFB0]  }
0x78: {  	v20 =	vld [tilespmem:$0x1FFC0]  }
0x79: {  	v21 =	vld [tilespmem:$0x1FFD0]  }
0x7a: {  	[sflag:s9] =	ssyncset.done $0x0;
	v22 =	vld [tilespmem:$0x1FFE0]  }
0x7b: {  	s15 =	simm.s32 $0x0;
	v23 =	vld [tilespmem:$0x1FFF0];
	[sflag:s9] =	ssyncadd.s32 $0xFFFFB000  }
.LBB2_2:
0x7c: {  	v2 =	vmov s15  }
0x7d: {  	v5 =	vmul.u32 $0x14, v2;
	_ =	sdelay $0x1  }
0x7e: {  	v2 =	vadd.s32 v1, v5;
	_ =	sdelay $0x4  }
0x7f: {  	v2 =	vld.idx.msk [tilespmem:v2+s12+$0x0], $0xffff;
	_ =	sdelay $0x1  }
0x80: {  	v4 =	vor.u32 s15, v0;
	_ =	sdelay $0x4  }
0x81: {  	v7 =	vld.idx.msk [tilespmem:v4+s2+$0x0], $0xffff  }
0x82: {  	v6 =	vld.idx.msk [tilespmem:v2+s2+$0x0], $0xffff;
	_ =	sdelay $0x2  }
0x83: {  	v8 =	vadd.s32 $0x400, v2  }
0x84: {  	v3 =	vor.u32 s15, v11  }
0x85: {  	v6 =	vsub.f32 v6, v7;
	_ =	sdelay $0x1  }
0x86: {  	[tilespmem:v4+s13+$0x0] =	vst.idx.msk $0xffff, v6  }
0x87: {  	v6 =	vld.idx.msk [tilespmem:v8+s2+$0x0], $0xffff  }
0x88: {  	v7 =	vld.idx.msk [tilespmem:v3+s2+$0x0], $0xffff;
	_ =	sdelay $0x2  }
0x89: {  	v8 =	vadd.s32 $0x800, v2  }
0x8a: {  	v2 =	vor.u32 s15, v12  }
0x8b: {  	v6 =	vsub.f32 v6, v7;
	_ =	sdelay $0x1  }
0x8c: {  	[tilespmem:v3+s13+$0x0] =	vst.idx.msk $0xffff, v6  }
0x8d: {  	v6 =	vld.idx.msk [tilespmem:v8+s2+$0x0], $0xffff  }
0x8e: {  	v7 =	vld.idx.msk [tilespmem:v2+s2+$0x0], $0xffff;
	_ =	sdelay $0x2  }
0x8f: {  	v8 =	vadd.s32 v13, v5;
	_ =	sdelay $0x1  }
0x90: {  	v6 =	vsub.f32 v6, v7;
	_ =	sdelay $0x1  }
0x91: {  	[tilespmem:v2+s13+$0x0] =	vst.idx.msk $0xffff, v6  }
0x92: {  	v6 =	vld.idx.msk [tilespmem:v8+s12+$0x0], $0xffff;
	_ =	sdelay $0x6  }
0x93: {  	v8 =	vld.idx.msk [tilespmem:v4+s2+$0x0], $0xffff  }
0x94: {  	v7 =	vld.idx.msk [tilespmem:v6+s2+$0x0], $0xffff;
	_ =	sdelay $0x1  }
0x95: {  	v9 =	vor.u32 s15, v14;
	_ =	sdelay $0x1  }
0x96: {  	v10 =	vadd.s32 $0x400, v6  }
0x97: {  	v7 =	vsub.f32 v7, v8;
	_ =	sdelay $0x1  }
0x98: {  	[tilespmem:v9+s13+$0x0] =	vst.idx.msk $0xffff, v7;
	v9 =	vld [tilespmem:$0x1FC60];
	_ =	sdelay $0x1  }
0x99: {  	v7 =	vld.idx.msk [tilespmem:v10+s2+$0x0], $0xffff  }
0x9a: {  	v8 =	vld.idx.msk [tilespmem:v3+s2+$0x0], $0xffff;
	_ =	sdelay $0x1  }
0x9b: {  	v9 =	vor.u32 s15, v9  }
0x9c: {  	v6 =	vadd.s32 $0x800, v6;
	_ =	sdelay $0x1  }
0x9d: {  	v7 =	vsub.f32 v7, v8  }
0x9e: {  	v8 =	vld [tilespmem:$0x1FC70]  }
0x9f: {  	[tilespmem:v9+s13+$0x0] =	vst.idx.msk $0xffff, v7;
	v9 =	vld [tilespmem:$0x1FC80]  }
0xa0: {  	v6 =	vld.idx.msk [tilespmem:v6+s2+$0x0], $0xffff  }
0xa1: {  	v7 =	vld.idx.msk [tilespmem:v2+s2+$0x0], $0xffff;
	_ =	sdelay $0x1  }
0xa2: {  	v8 =	vor.u32 s15, v8  }
0xa3: {  	v9 =	vadd.s32 v9, v5;
	_ =	sdelay $0x1  }
0xa4: {  	v6 =	vsub.f32 v6, v7;
	_ =	sdelay $0x1  }
0xa5: {  	[tilespmem:v8+s13+$0x0] =	vst.idx.msk $0xffff, v6  }
0xa6: {  	v6 =	vld.idx.msk [tilespmem:v9+s12+$0x0], $0xffff;
	_ =	sdelay $0x4  }
0xa7: {  	v9 =	vld [tilespmem:$0x1FC90];
	_ =	sdelay $0x1  }
0xa8: {  	v8 =	vld.idx.msk [tilespmem:v4+s2+$0x0], $0xffff  }
0xa9: {  	v7 =	vld.idx.msk [tilespmem:v6+s2+$0x0], $0xffff;
	_ =	sdelay $0x1  }
0xaa: {  	v9 =	vor.u32 s15, v9;
	_ =	sdelay $0x1  }
0xab: {  	v10 =	vadd.s32 $0x400, v6  }
0xac: {  	v7 =	vsub.f32 v7, v8;
	_ =	sdelay $0x1  }
0xad: {  	[tilespmem:v9+s13+$0x0] =	vst.idx.msk $0xffff, v7;
	v9 =	vld [tilespmem:$0x1FCA0];
	_ =	sdelay $0x1  }
0xae: {  	v7 =	vld.idx.msk [tilespmem:v10+s2+$0x0], $0xffff  }
0xaf: {  	v8 =	vld.idx.msk [tilespmem:v3+s2+$0x0], $0xffff;
	_ =	sdelay $0x1  }
0xb0: {  	v9 =	vor.u32 s15, v9  }
0xb1: {  	v6 =	vadd.s32 $0x800, v6;
	_ =	sdelay $0x1  }
0xb2: {  	v7 =	vsub.f32 v7, v8  }
0xb3: {  	v8 =	vld [tilespmem:$0x1FCB0]  }
0xb4: {  	[tilespmem:v9+s13+$0x0] =	vst.idx.msk $0xffff, v7;
	v9 =	vld [tilespmem:$0x1FCC0]  }
0xb5: {  	v6 =	vld.idx.msk [tilespmem:v6+s2+$0x0], $0xffff  }
0xb6: {  	v7 =	vld.idx.msk [tilespmem:v2+s2+$0x0], $0xffff;
	_ =	sdelay $0x1  }
0xb7: {  	v8 =	vor.u32 s15, v8  }
0xb8: {  	v9 =	vadd.s32 v9, v5;
	_ =	sdelay $0x1  }
0xb9: {  	v6 =	vsub.f32 v6, v7;
	_ =	sdelay $0x1  }
0xba: {  	[tilespmem:v8+s13+$0x0] =	vst.idx.msk $0xffff, v6  }
0xbb: {  	v6 =	vld.idx.msk [tilespmem:v9+s12+$0x0], $0xffff;
	_ =	sdelay $0x4  }
0xbc: {  	v9 =	vld [tilespmem:$0x1FCD0];
	_ =	sdelay $0x1  }
0xbd: {  	v8 =	vld.idx.msk [tilespmem:v4+s2+$0x0], $0xffff  }
0xbe: {  	v7 =	vld.idx.msk [tilespmem:v6+s2+$0x0], $0xffff;
	_ =	sdelay $0x1  }
0xbf: {  	v9 =	vor.u32 s15, v9;
	_ =	sdelay $0x1  }
0xc0: {  	v10 =	vadd.s32 $0x400, v6  }
0xc1: {  	v7 =	vsub.f32 v7, v8;
	_ =	sdelay $0x1  }
0xc2: {  	[tilespmem:v9+s13+$0x0] =	vst.idx.msk $0xffff, v7;
	v9 =	vld [tilespmem:$0x1FCE0];
	_ =	sdelay $0x1  }
0xc3: {  	v7 =	vld.idx.msk [tilespmem:v10+s2+$0x0], $0xffff  }
0xc4: {  	v8 =	vld.idx.msk [tilespmem:v3+s2+$0x0], $0xffff;
	_ =	sdelay $0x1  }
0xc5: {  	v9 =	vor.u32 s15, v9  }
0xc6: {  	v6 =	vadd.s32 $0x800, v6;
	_ =	sdelay $0x1  }
0xc7: {  	v7 =	vsub.f32 v7, v8;
	_ =	sdelay $0x1  }
0xc8: {  	[tilespmem:v9+s13+$0x0] =	vst.idx.msk $0xffff, v7  }
0xc9: {  	v6 =	vld.idx.msk [tilespmem:v6+s2+$0x0], $0xffff  }
0xca: {  	v7 =	vld.idx.msk [tilespmem:v2+s2+$0x0], $0xffff;
	_ =	sdelay $0x1  }
0xcb: {  	v8 =	vor.u32 s15, v24  }
0xcc: {  	v9 =	vadd.s32 v25, v5;
	_ =	sdelay $0x1  }
0xcd: {  	v6 =	vsub.f32 v6, v7;
	_ =	sdelay $0x1  }
0xce: {  	[tilespmem:v8+s13+$0x0] =	vst.idx.msk $0xffff, v6  }
0xcf: {  	v6 =	vld.idx.msk [tilespmem:v9+s12+$0x0], $0xffff;
	_ =	sdelay $0x6  }
0xd0: {  	v8 =	vld.idx.msk [tilespmem:v4+s2+$0x0], $0xffff  }
0xd1: {  	v7 =	vld.idx.msk [tilespmem:v6+s2+$0x0], $0xffff;
	_ =	sdelay $0x1  }
0xd2: {  	v9 =	vor.u32 s15, v26  }
0xd3: {  	v10 =	vadd.s32 $0x400, v6;
	_ =	sdelay $0x1  }
0xd4: {  	v7 =	vsub.f32 v7, v8;
	_ =	sdelay $0x1  }
0xd5: {  	[tilespmem:v9+s13+$0x0] =	vst.idx.msk $0xffff, v7  }
0xd6: {  	v7 =	vld.idx.msk [tilespmem:v10+s2+$0x0], $0xffff  }
0xd7: {  	v8 =	vld.idx.msk [tilespmem:v3+s2+$0x0], $0xffff;
	_ =	sdelay $0x1  }
0xd8: {  	v9 =	vor.u32 s15, v27  }
0xd9: {  	v6 =	vadd.s32 $0x800, v6;
	_ =	sdelay $0x1  }
0xda: {  	v7 =	vsub.f32 v7, v8;
	_ =	sdelay $0x1  }
0xdb: {  	[tilespmem:v9+s13+$0x0] =	vst.idx.msk $0xffff, v7  }
0xdc: {  	v6 =	vld.idx.msk [tilespmem:v6+s2+$0x0], $0xffff  }
0xdd: {  	v7 =	vld.idx.msk [tilespmem:v2+s2+$0x0], $0xffff;
	_ =	sdelay $0x1  }
0xde: {  	v8 =	vor.u32 s15, v28  }
0xdf: {  	v9 =	vadd.s32 v29, v5;
	_ =	sdelay $0x1  }
0xe0: {  	v6 =	vsub.f32 v6, v7;
	_ =	sdelay $0x1  }
0xe1: {  	[tilespmem:v8+s13+$0x0] =	vst.idx.msk $0xffff, v6  }
0xe2: {  	v6 =	vld.idx.msk [tilespmem:v9+s12+$0x0], $0xffff;
	_ =	sdelay $0x6  }
0xe3: {  	v8 =	vld.idx.msk [tilespmem:v4+s2+$0x0], $0xffff  }
0xe4: {  	v7 =	vld.idx.msk [tilespmem:v6+s2+$0x0], $0xffff;
	_ =	sdelay $0x1  }
0xe5: {  	v9 =	vor.u32 s15, v30  }
0xe6: {  	v10 =	vadd.s32 $0x400, v6;
	_ =	sdelay $0x1  }
0xe7: {  	v7 =	vsub.f32 v7, v8;
	_ =	sdelay $0x1  }
0xe8: {  	[tilespmem:v9+s13+$0x0] =	vst.idx.msk $0xffff, v7  }
0xe9: {  	v7 =	vld.idx.msk [tilespmem:v10+s2+$0x0], $0xffff  }
0xea: {  	v8 =	vld.idx.msk [tilespmem:v3+s2+$0x0], $0xffff;
	_ =	sdelay $0x1  }
0xeb: {  	v9 =	vor.u32 s15, v31  }
0xec: {  	v6 =	vadd.s32 $0x800, v6;
	_ =	sdelay $0x1  }
0xed: {  	v7 =	vsub.f32 v7, v8;
	_ =	sdelay $0x1  }
0xee: {  	[tilespmem:v9+s13+$0x0] =	vst.idx.msk $0xffff, v7  }
0xef: {  	v6 =	vld.idx.msk [tilespmem:v6+s2+$0x0], $0xffff  }
0xf0: {  	v7 =	vld.idx.msk [tilespmem:v2+s2+$0x0], $0xffff;
	_ =	sdelay $0x1  }
0xf1: {  	v8 =	vor.u32 s15, v32  }
0xf2: {  	v9 =	vadd.s32 v33, v5;
	_ =	sdelay $0x1  }
0xf3: {  	v6 =	vsub.f32 v6, v7;
	_ =	sdelay $0x1  }
0xf4: {  	[tilespmem:v8+s13+$0x0] =	vst.idx.msk $0xffff, v6  }
0xf5: {  	v6 =	vld.idx.msk [tilespmem:v9+s12+$0x0], $0xffff;
	_ =	sdelay $0x6  }
0xf6: {  	v8 =	vld.idx.msk [tilespmem:v4+s2+$0x0], $0xffff  }
0xf7: {  	v7 =	vld.idx.msk [tilespmem:v6+s2+$0x0], $0xffff;
	_ =	sdelay $0x1  }
0xf8: {  	v9 =	vor.u32 s15, v34  }
0xf9: {  	v10 =	vadd.s32 $0x400, v6;
	_ =	sdelay $0x1  }
0xfa: {  	v7 =	vsub.f32 v7, v8;
	_ =	sdelay $0x1  }
0xfb: {  	[tilespmem:v9+s13+$0x0] =	vst.idx.msk $0xffff, v7  }
0xfc: {  	v7 =	vld.idx.msk [tilespmem:v10+s2+$0x0], $0xffff  }
0xfd: {  	v8 =	vld.idx.msk [tilespmem:v3+s2+$0x0], $0xffff;
	_ =	sdelay $0x1  }
0xfe: {  	v9 =	vor.u32 s15, v35  }
0xff: {  	v6 =	vadd.s32 $0x800, v6;
	_ =	sdelay $0x1  }
0x100: {  	v7 =	vsub.f32 v7, v8;
	_ =	sdelay $0x1  }
0x101: {  	[tilespmem:v9+s13+$0x0] =	vst.idx.msk $0xffff, v7  }
0x102: {  	v6 =	vld.idx.msk [tilespmem:v6+s2+$0x0], $0xffff  }
0x103: {  	v7 =	vld.idx.msk [tilespmem:v2+s2+$0x0], $0xffff;
	_ =	sdelay $0x1  }
0x104: {  	v8 =	vor.u32 s15, v36  }
0x105: {  	v9 =	vadd.s32 v37, v5;
	_ =	sdelay $0x1  }
0x106: {  	v6 =	vsub.f32 v6, v7;
	_ =	sdelay $0x1  }
0x107: {  	[tilespmem:v8+s13+$0x0] =	vst.idx.msk $0xffff, v6  }
0x108: {  	v6 =	vld.idx.msk [tilespmem:v9+s12+$0x0], $0xffff;
	_ =	sdelay $0x6  }
0x109: {  	v8 =	vld.idx.msk [tilespmem:v4+s2+$0x0], $0xffff  }
0x10a: {  	v7 =	vld.idx.msk [tilespmem:v6+s2+$0x0], $0xffff;
	_ =	sdelay $0x1  }
0x10b: {  	v9 =	vor.u32 s15, v38  }
0x10c: {  	v10 =	vadd.s32 $0x400, v6;
	_ =	sdelay $0x1  }
0x10d: {  	v7 =	vsub.f32 v7, v8;
	_ =	sdelay $0x1  }
0x10e: {  	[tilespmem:v9+s13+$0x0] =	vst.idx.msk $0xffff, v7  }
0x10f: {  	v7 =	vld.idx.msk [tilespmem:v10+s2+$0x0], $0xffff  }
0x110: {  	v8 =	vld.idx.msk [tilespmem:v3+s2+$0x0], $0xffff;
	_ =	sdelay $0x1  }
0x111: {  	v9 =	vor.u32 s15, v39  }
0x112: {  	v6 =	vadd.s32 $0x800, v6;
	_ =	sdelay $0x1  }
0x113: {  	v7 =	vsub.f32 v7, v8;
	_ =	sdelay $0x1  }
0x114: {  	[tilespmem:v9+s13+$0x0] =	vst.idx.msk $0xffff, v7  }
0x115: {  	v6 =	vld.idx.msk [tilespmem:v6+s2+$0x0], $0xffff  }
0x116: {  	v7 =	vld.idx.msk [tilespmem:v2+s2+$0x0], $0xffff;
	_ =	sdelay $0x1  }
0x117: {  	v8 =	vor.u32 s15, v40  }
0x118: {  	v9 =	vadd.s32 v41, v5;
	_ =	sdelay $0x1  }
0x119: {  	v6 =	vsub.f32 v6, v7;
	_ =	sdelay $0x1  }
0x11a: {  	[tilespmem:v8+s13+$0x0] =	vst.idx.msk $0xffff, v6  }
0x11b: {  	v6 =	vld.idx.msk [tilespmem:v9+s12+$0x0], $0xffff;
	_ =	sdelay $0x6  }
0x11c: {  	v8 =	vld.idx.msk [tilespmem:v4+s2+$0x0], $0xffff  }
0x11d: {  	v7 =	vld.idx.msk [tilespmem:v6+s2+$0x0], $0xffff;
	_ =	sdelay $0x1  }
0x11e: {  	v9 =	vor.u32 s15, v42  }
0x11f: {  	v10 =	vadd.s32 $0x400, v6;
	_ =	sdelay $0x1  }
0x120: {  	v7 =	vsub.f32 v7, v8;
	_ =	sdelay $0x1  }
0x121: {  	[tilespmem:v9+s13+$0x0] =	vst.idx.msk $0xffff, v7  }
0x122: {  	v7 =	vld.idx.msk [tilespmem:v10+s2+$0x0], $0xffff  }
0x123: {  	v8 =	vld.idx.msk [tilespmem:v3+s2+$0x0], $0xffff;
	_ =	sdelay $0x1  }
0x124: {  	v9 =	vor.u32 s15, v43  }
0x125: {  	v6 =	vadd.s32 $0x800, v6;
	_ =	sdelay $0x1  }
0x126: {  	v7 =	vsub.f32 v7, v8;
	_ =	sdelay $0x1  }
0x127: {  	[tilespmem:v9+s13+$0x0] =	vst.idx.msk $0xffff, v7  }
0x128: {  	v6 =	vld.idx.msk [tilespmem:v6+s2+$0x0], $0xffff  }
0x129: {  	v7 =	vld.idx.msk [tilespmem:v2+s2+$0x0], $0xffff;
	_ =	sdelay $0x1  }
0x12a: {  	v8 =	vor.u32 s15, v44  }
0x12b: {  	v9 =	vadd.s32 v45, v5;
	_ =	sdelay $0x1  }
0x12c: {  	v6 =	vsub.f32 v6, v7;
	_ =	sdelay $0x1  }
0x12d: {  	[tilespmem:v8+s13+$0x0] =	vst.idx.msk $0xffff, v6  }
0x12e: {  	v6 =	vld.idx.msk [tilespmem:v9+s12+$0x0], $0xffff;
	_ =	sdelay $0x6  }
0x12f: {  	v8 =	vld.idx.msk [tilespmem:v4+s2+$0x0], $0xffff  }
0x130: {  	v7 =	vld.idx.msk [tilespmem:v6+s2+$0x0], $0xffff;
	_ =	sdelay $0x1  }
0x131: {  	v9 =	vor.u32 s15, v46  }
0x132: {  	v10 =	vadd.s32 $0x400, v6;
	_ =	sdelay $0x1  }
0x133: {  	v7 =	vsub.f32 v7, v8;
	_ =	sdelay $0x1  }
0x134: {  	[tilespmem:v9+s13+$0x0] =	vst.idx.msk $0xffff, v7  }
0x135: {  	v7 =	vld.idx.msk [tilespmem:v10+s2+$0x0], $0xffff  }
0x136: {  	v8 =	vld.idx.msk [tilespmem:v3+s2+$0x0], $0xffff;
	_ =	sdelay $0x1  }
0x137: {  	v9 =	vor.u32 s15, v47  }
0x138: {  	v6 =	vadd.s32 $0x800, v6;
	_ =	sdelay $0x1  }
0x139: {  	v7 =	vsub.f32 v7, v8;
	_ =	sdelay $0x1  }
0x13a: {  	[tilespmem:v9+s13+$0x0] =	vst.idx.msk $0xffff, v7  }
0x13b: {  	v6 =	vld.idx.msk [tilespmem:v6+s2+$0x0], $0xffff  }
0x13c: {  	v7 =	vld.idx.msk [tilespmem:v2+s2+$0x0], $0xffff;
	_ =	sdelay $0x1  }
0x13d: {  	v8 =	vor.u32 s15, v48  }
0x13e: {  	v9 =	vadd.s32 v49, v5;
	_ =	sdelay $0x1  }
0x13f: {  	v6 =	vsub.f32 v6, v7;
	_ =	sdelay $0x1  }
0x140: {  	[tilespmem:v8+s13+$0x0] =	vst.idx.msk $0xffff, v6  }
0x141: {  	v6 =	vld.idx.msk [tilespmem:v9+s12+$0x0], $0xffff;
	_ =	sdelay $0x6  }
0x142: {  	v8 =	vld.idx.msk [tilespmem:v4+s2+$0x0], $0xffff  }
0x143: {  	v7 =	vld.idx.msk [tilespmem:v6+s2+$0x0], $0xffff;
	_ =	sdelay $0x1  }
0x144: {  	v9 =	vor.u32 s15, v50  }
0x145: {  	v10 =	vadd.s32 $0x400, v6;
	_ =	sdelay $0x1  }
0x146: {  	v7 =	vsub.f32 v7, v8;
	_ =	sdelay $0x1  }
0x147: {  	[tilespmem:v9+s13+$0x0] =	vst.idx.msk $0xffff, v7  }
0x148: {  	v7 =	vld.idx.msk [tilespmem:v10+s2+$0x0], $0xffff  }
0x149: {  	v8 =	vld.idx.msk [tilespmem:v3+s2+$0x0], $0xffff;
	_ =	sdelay $0x1  }
0x14a: {  	v9 =	vor.u32 s15, v51  }
0x14b: {  	v6 =	vadd.s32 $0x800, v6;
	_ =	sdelay $0x1  }
0x14c: {  	v7 =	vsub.f32 v7, v8;
	_ =	sdelay $0x1  }
0x14d: {  	[tilespmem:v9+s13+$0x0] =	vst.idx.msk $0xffff, v7  }
0x14e: {  	v6 =	vld.idx.msk [tilespmem:v6+s2+$0x0], $0xffff  }
0x14f: {  	v7 =	vld.idx.msk [tilespmem:v2+s2+$0x0], $0xffff;
	_ =	sdelay $0x1  }
0x150: {  	v8 =	vor.u32 s15, v52  }
0x151: {  	v9 =	vadd.s32 v53, v5;
	_ =	sdelay $0x1  }
0x152: {  	v6 =	vsub.f32 v6, v7;
	_ =	sdelay $0x1  }
0x153: {  	[tilespmem:v8+s13+$0x0] =	vst.idx.msk $0xffff, v6  }
0x154: {  	v6 =	vld.idx.msk [tilespmem:v9+s12+$0x0], $0xffff;
	_ =	sdelay $0x6  }
0x155: {  	v8 =	vld.idx.msk [tilespmem:v4+s2+$0x0], $0xffff  }
0x156: {  	v7 =	vld.idx.msk [tilespmem:v6+s2+$0x0], $0xffff;
	_ =	sdelay $0x1  }
0x157: {  	v9 =	vor.u32 s15, v54  }
0x158: {  	v10 =	vadd.s32 $0x400, v6;
	_ =	sdelay $0x1  }
0x159: {  	v7 =	vsub.f32 v7, v8;
	_ =	sdelay $0x1  }
0x15a: {  	[tilespmem:v9+s13+$0x0] =	vst.idx.msk $0xffff, v7  }
0x15b: {  	v7 =	vld.idx.msk [tilespmem:v10+s2+$0x0], $0xffff  }
0x15c: {  	v8 =	vld.idx.msk [tilespmem:v3+s2+$0x0], $0xffff;
	_ =	sdelay $0x1  }
0x15d: {  	v9 =	vor.u32 s15, v55  }
0x15e: {  	v6 =	vadd.s32 $0x800, v6;
	_ =	sdelay $0x1  }
0x15f: {  	v7 =	vsub.f32 v7, v8;
	_ =	sdelay $0x1  }
0x160: {  	[tilespmem:v9+s13+$0x0] =	vst.idx.msk $0xffff, v7  }
0x161: {  	v6 =	vld.idx.msk [tilespmem:v6+s2+$0x0], $0xffff  }
0x162: {  	v7 =	vld.idx.msk [tilespmem:v2+s2+$0x0], $0xffff;
	_ =	sdelay $0x1  }
0x163: {  	v8 =	vor.u32 s15, v56  }
0x164: {  	v9 =	vadd.s32 v57, v5;
	_ =	sdelay $0x1  }
0x165: {  	v6 =	vsub.f32 v6, v7;
	_ =	sdelay $0x1  }
0x166: {  	[tilespmem:v8+s13+$0x0] =	vst.idx.msk $0xffff, v6  }
0x167: {  	v6 =	vld.idx.msk [tilespmem:v9+s12+$0x0], $0xffff;
	_ =	sdelay $0x6  }
0x168: {  	v8 =	vld.idx.msk [tilespmem:v4+s2+$0x0], $0xffff  }
0x169: {  	v7 =	vld.idx.msk [tilespmem:v6+s2+$0x0], $0xffff;
	_ =	sdelay $0x1  }
0x16a: {  	v9 =	vor.u32 s15, v58  }
0x16b: {  	v10 =	vadd.s32 $0x400, v6;
	_ =	sdelay $0x1  }
0x16c: {  	v7 =	vsub.f32 v7, v8;
	_ =	sdelay $0x1  }
0x16d: {  	[tilespmem:v9+s13+$0x0] =	vst.idx.msk $0xffff, v7  }
0x16e: {  	v7 =	vld.idx.msk [tilespmem:v10+s2+$0x0], $0xffff  }
0x16f: {  	v8 =	vld.idx.msk [tilespmem:v3+s2+$0x0], $0xffff;
	_ =	sdelay $0x1  }
0x170: {  	v9 =	vor.u32 s15, v59  }
0x171: {  	v6 =	vadd.s32 $0x800, v6;
	_ =	sdelay $0x1  }
0x172: {  	v7 =	vsub.f32 v7, v8;
	_ =	sdelay $0x1  }
0x173: {  	[tilespmem:v9+s13+$0x0] =	vst.idx.msk $0xffff, v7  }
0x174: {  	v6 =	vld.idx.msk [tilespmem:v6+s2+$0x0], $0xffff  }
0x175: {  	v7 =	vld.idx.msk [tilespmem:v2+s2+$0x0], $0xffff;
	_ =	sdelay $0x1  }
0x176: {  	v8 =	vor.u32 s15, v60  }
0x177: {  	v9 =	vadd.s32 v61, v5;
	_ =	sdelay $0x1  }
0x178: {  	v6 =	vsub.f32 v6, v7;
	_ =	sdelay $0x1  }
0x179: {  	[tilespmem:v8+s13+$0x0] =	vst.idx.msk $0xffff, v6  }
0x17a: {  	v6 =	vld.idx.msk [tilespmem:v9+s12+$0x0], $0xffff;
	_ =	sdelay $0x6  }
0x17b: {  	v8 =	vld.idx.msk [tilespmem:v4+s2+$0x0], $0xffff  }
0x17c: {  	v7 =	vld.idx.msk [tilespmem:v6+s2+$0x0], $0xffff;
	_ =	sdelay $0x1  }
0x17d: {  	v9 =	vor.u32 s15, v62  }
0x17e: {  	v10 =	vadd.s32 $0x400, v6;
	_ =	sdelay $0x1  }
0x17f: {  	v7 =	vsub.f32 v7, v8;
	_ =	sdelay $0x1  }
0x180: {  	[tilespmem:v9+s13+$0x0] =	vst.idx.msk $0xffff, v7  }
0x181: {  	v7 =	vld.idx.msk [tilespmem:v10+s2+$0x0], $0xffff  }
0x182: {  	v8 =	vld.idx.msk [tilespmem:v3+s2+$0x0], $0xffff;
	_ =	sdelay $0x1  }
0x183: {  	v9 =	vor.u32 s15, v63  }
0x184: {  	v6 =	vadd.s32 $0x800, v6;
	_ =	sdelay $0x1  }
0x185: {  	v7 =	vsub.f32 v7, v8;
	_ =	sdelay $0x1  }
0x186: {  	[tilespmem:v9+s13+$0x0] =	vst.idx.msk $0xffff, v7  }
0x187: {  	v6 =	vld.idx.msk [tilespmem:v6+s2+$0x0], $0xffff  }
0x188: {  	v7 =	vld.idx.msk [tilespmem:v2+s2+$0x0], $0xffff;
	_ =	sdelay $0x1  }
0x189: {  	v8 =	vor.u32 s15, v15  }
0x18a: {  	v9 =	vadd.s32 v16, v5;
	_ =	sdelay $0x1  }
0x18b: {  	v6 =	vsub.f32 v6, v7;
	_ =	sdelay $0x1  }
0x18c: {  	[tilespmem:v8+s13+$0x0] =	vst.idx.msk $0xffff, v6  }
0x18d: {  	v6 =	vld.idx.msk [tilespmem:v9+s12+$0x0], $0xffff;
	_ =	sdelay $0x6  }
0x18e: {  	v8 =	vld.idx.msk [tilespmem:v4+s2+$0x0], $0xffff  }
0x18f: {  	v7 =	vld.idx.msk [tilespmem:v6+s2+$0x0], $0xffff;
	_ =	sdelay $0x1  }
0x190: {  	v9 =	vor.u32 s15, v17  }
0x191: {  	v10 =	vadd.s32 $0x400, v6;
	_ =	sdelay $0x1  }
0x192: {  	v7 =	vsub.f32 v7, v8;
	_ =	sdelay $0x1  }
0x193: {  	[tilespmem:v9+s13+$0x0] =	vst.idx.msk $0xffff, v7  }
0x194: {  	v7 =	vld.idx.msk [tilespmem:v10+s2+$0x0], $0xffff  }
0x195: {  	v8 =	vld.idx.msk [tilespmem:v3+s2+$0x0], $0xffff;
	_ =	sdelay $0x1  }
0x196: {  	v9 =	vor.u32 s15, v18  }
0x197: {  	v6 =	vadd.s32 $0x800, v6;
	_ =	sdelay $0x1  }
0x198: {  	v7 =	vsub.f32 v7, v8;
	_ =	sdelay $0x1  }
0x199: {  	[tilespmem:v9+s13+$0x0] =	vst.idx.msk $0xffff, v7  }
0x19a: {  	v6 =	vld.idx.msk [tilespmem:v6+s2+$0x0], $0xffff  }
0x19b: {  	v7 =	vld.idx.msk [tilespmem:v2+s2+$0x0], $0xffff;
	_ =	sdelay $0x1  }
0x19c: {  	v8 =	vor.u32 s15, v19  }
0x19d: {  	v9 =	vadd.s32 v20, v5;
	_ =	sdelay $0x1  }
0x19e: {  	v6 =	vsub.f32 v6, v7;
	_ =	sdelay $0x1  }
0x19f: {  	[tilespmem:v8+s13+$0x0] =	vst.idx.msk $0xffff, v6  }
0x1a0: {  	v6 =	vld.idx.msk [tilespmem:v9+s12+$0x0], $0xffff;
	_ =	sdelay $0x6  }
0x1a1: {  	v8 =	vld.idx.msk [tilespmem:v4+s2+$0x0], $0xffff  }
0x1a2: {  	v7 =	vld.idx.msk [tilespmem:v6+s2+$0x0], $0xffff;
	_ =	sdelay $0x1  }
0x1a3: {  	v9 =	vor.u32 s15, v21  }
0x1a4: {  	v10 =	vadd.s32 $0x400, v6;
	_ =	sdelay $0x1  }
0x1a5: {  	v7 =	vsub.f32 v7, v8;
	_ =	sdelay $0x1  }
0x1a6: {  	[tilespmem:v9+s13+$0x0] =	vst.idx.msk $0xffff, v7  }
0x1a7: {  	v7 =	vld.idx.msk [tilespmem:v10+s2+$0x0], $0xffff  }
0x1a8: {  	v8 =	vld.idx.msk [tilespmem:v3+s2+$0x0], $0xffff;
	_ =	sdelay $0x1  }
0x1a9: {  	v9 =	vor.u32 s15, v22  }
0x1aa: {  	v6 =	vadd.s32 $0x800, v6;
	_ =	sdelay $0x1  }
0x1ab: {  	v7 =	vsub.f32 v7, v8;
	_ =	sdelay $0x1  }
0x1ac: {  	[tilespmem:v9+s13+$0x0] =	vst.idx.msk $0xffff, v7  }
0x1ad: {  	v6 =	vld.idx.msk [tilespmem:v6+s2+$0x0], $0xffff  }
0x1ae: {  	v7 =	vld.idx.msk [tilespmem:v2+s2+$0x0], $0xffff;
	_ =	sdelay $0x1  }
0x1af: {  	v8 =	vor.u32 s15, v23;
	v9 =	vadd.s32 $0x10, v1  }
0x1b0: {  	v9 =	vadd.s32 v9, v5;
	_ =	sdelay $0x1  }
0x1b1: {  	v6 =	vsub.f32 v6, v7;
	_ =	sdelay $0x1  }
0x1b2: {  	[tilespmem:v8+s13+$0x0] =	vst.idx.msk $0xffff, v6  }
0x1b3: {  	v6 =	vld.idx.msk [tilespmem:v9+s12+$0x0], $0xffff;
	_ =	sdelay $0x6  }
0x1b4: {  	v8 =	vld.idx.msk [tilespmem:v4+s2+$0x0], $0xffff  }
0x1b5: {  	v7 =	vld.idx.msk [tilespmem:v6+s2+$0x0], $0xffff  }
0x1b6: {  	v9 =	vor.u32 $0xC000, v0  }
0x1b7: {  	v9 =	vor.u32 s15, v9  }
0x1b8: {  	v10 =	vadd.s32 $0x400, v6;
	_ =	sdelay $0x1  }
0x1b9: {  	v7 =	vsub.f32 v7, v8;
	_ =	sdelay $0x1  }
0x1ba: {  	[tilespmem:v9+s13+$0x0] =	vst.idx.msk $0xffff, v7  }
0x1bb: {  	v7 =	vld.idx.msk [tilespmem:v10+s2+$0x0], $0xffff  }
0x1bc: {  	v8 =	vld.idx.msk [tilespmem:v3+s2+$0x0], $0xffff  }
0x1bd: {  	v9 =	vor.u32 $0xC400, v0  }
0x1be: {  	v9 =	vor.u32 s15, v9  }
0x1bf: {  	v6 =	vadd.s32 $0x800, v6;
	_ =	sdelay $0x1  }
0x1c0: {  	v7 =	vsub.f32 v7, v8;
	_ =	sdelay $0x1  }
0x1c1: {  	[tilespmem:v9+s13+$0x0] =	vst.idx.msk $0xffff, v7  }
0x1c2: {  	v6 =	vld.idx.msk [tilespmem:v6+s2+$0x0], $0xffff  }
0x1c3: {  	v7 =	vld.idx.msk [tilespmem:v2+s2+$0x0], $0xffff  }
0x1c4: {  	v8 =	vor.u32 $0xC800, v0  }
0x1c5: {  	v8 =	vor.u32 s15, v8;
	v9 =	vadd.s32 $0x11, v1  }
0x1c6: {  	v9 =	vadd.s32 v9, v5;
	_ =	sdelay $0x1  }
0x1c7: {  	v6 =	vsub.f32 v6, v7;
	_ =	sdelay $0x1  }
0x1c8: {  	[tilespmem:v8+s13+$0x0] =	vst.idx.msk $0xffff, v6  }
0x1c9: {  	v6 =	vld.idx.msk [tilespmem:v9+s12+$0x0], $0xffff;
	_ =	sdelay $0x6  }
0x1ca: {  	v8 =	vld.idx.msk [tilespmem:v4+s2+$0x0], $0xffff  }
0x1cb: {  	v7 =	vld.idx.msk [tilespmem:v6+s2+$0x0], $0xffff  }
0x1cc: {  	v9 =	vor.u32 $0xCC00, v0  }
0x1cd: {  	v9 =	vor.u32 s15, v9  }
0x1ce: {  	v10 =	vadd.s32 $0x400, v6;
	_ =	sdelay $0x1  }
0x1cf: {  	v7 =	vsub.f32 v7, v8;
	_ =	sdelay $0x1  }
0x1d0: {  	[tilespmem:v9+s13+$0x0] =	vst.idx.msk $0xffff, v7  }
0x1d1: {  	v7 =	vld.idx.msk [tilespmem:v10+s2+$0x0], $0xffff  }
0x1d2: {  	v8 =	vld.idx.msk [tilespmem:v3+s2+$0x0], $0xffff  }
0x1d3: {  	v9 =	vor.u32 $0xD000, v0  }
0x1d4: {  	v9 =	vor.u32 s15, v9  }
0x1d5: {  	v6 =	vadd.s32 $0x800, v6;
	_ =	sdelay $0x1  }
0x1d6: {  	v7 =	vsub.f32 v7, v8;
	_ =	sdelay $0x1  }
0x1d7: {  	[tilespmem:v9+s13+$0x0] =	vst.idx.msk $0xffff, v7  }
0x1d8: {  	v6 =	vld.idx.msk [tilespmem:v6+s2+$0x0], $0xffff  }
0x1d9: {  	v7 =	vld.idx.msk [tilespmem:v2+s2+$0x0], $0xffff  }
0x1da: {  	v8 =	vor.u32 $0xD400, v0  }
0x1db: {  	v8 =	vor.u32 s15, v8;
	v9 =	vadd.s32 $0x12, v1  }
0x1dc: {  	v9 =	vadd.s32 v9, v5;
	_ =	sdelay $0x1  }
0x1dd: {  	v6 =	vsub.f32 v6, v7;
	_ =	sdelay $0x1  }
0x1de: {  	[tilespmem:v8+s13+$0x0] =	vst.idx.msk $0xffff, v6  }
0x1df: {  	v6 =	vld.idx.msk [tilespmem:v9+s12+$0x0], $0xffff;
	_ =	sdelay $0x6  }
0x1e0: {  	v8 =	vld.idx.msk [tilespmem:v4+s2+$0x0], $0xffff  }
0x1e1: {  	v7 =	vld.idx.msk [tilespmem:v6+s2+$0x0], $0xffff  }
0x1e2: {  	v9 =	vor.u32 $0xD800, v0  }
0x1e3: {  	v9 =	vor.u32 s15, v9  }
0x1e4: {  	v10 =	vadd.s32 $0x400, v6;
	_ =	sdelay $0x1  }
0x1e5: {  	v7 =	vsub.f32 v7, v8;
	_ =	sdelay $0x1  }
0x1e6: {  	[tilespmem:v9+s13+$0x0] =	vst.idx.msk $0xffff, v7  }
0x1e7: {  	v7 =	vld.idx.msk [tilespmem:v10+s2+$0x0], $0xffff  }
0x1e8: {  	v8 =	vld.idx.msk [tilespmem:v3+s2+$0x0], $0xffff  }
0x1e9: {  	v9 =	vor.u32 $0xDC00, v0  }
0x1ea: {  	v9 =	vor.u32 s15, v9  }
0x1eb: {  	v6 =	vadd.s32 $0x800, v6;
	_ =	sdelay $0x1  }
0x1ec: {  	v7 =	vsub.f32 v7, v8;
	_ =	sdelay $0x1  }
0x1ed: {  	[tilespmem:v9+s13+$0x0] =	vst.idx.msk $0xffff, v7  }
0x1ee: {  	v6 =	vld.idx.msk [tilespmem:v6+s2+$0x0], $0xffff  }
0x1ef: {  	v7 =	vld.idx.msk [tilespmem:v2+s2+$0x0], $0xffff  }
0x1f0: {  	v8 =	vor.u32 $0xE000, v0  }
0x1f1: {  	v8 =	vor.u32 s15, v8;
	v9 =	vadd.s32 $0x13, v1  }
0x1f2: {  	v5 =	vadd.s32 v9, v5;
	_ =	sdelay $0x1  }
0x1f3: {  	v6 =	vsub.f32 v6, v7;
	_ =	sdelay $0x1  }
0x1f4: {  	[tilespmem:v8+s13+$0x0] =	vst.idx.msk $0xffff, v6  }
0x1f5: {  	v5 =	vld.idx.msk [tilespmem:v5+s12+$0x0], $0xffff;
	_ =	sdelay $0x6  }
0x1f6: {  	v4 =	vld.idx.msk [tilespmem:v4+s2+$0x0], $0xffff  }
0x1f7: {  	v6 =	vld.idx.msk [tilespmem:v5+s2+$0x0], $0xffff  }
0x1f8: {  	v7 =	vor.u32 $0xE400, v0  }
0x1f9: {  	v7 =	vor.u32 s15, v7  }
0x1fa: {  	v8 =	vadd.s32 $0x400, v5;
	_ =	sdelay $0x1  }
0x1fb: {  	v4 =	vsub.f32 v6, v4;
	_ =	sdelay $0x1  }
0x1fc: {  	[tilespmem:v7+s13+$0x0] =	vst.idx.msk $0xffff, v4  }
0x1fd: {  	v4 =	vld.idx.msk [tilespmem:v8+s2+$0x0], $0xffff  }
0x1fe: {  	v3 =	vld.idx.msk [tilespmem:v3+s2+$0x0], $0xffff  }
0x1ff: {  	v6 =	vor.u32 $0xE800, v0  }
0x200: {  	v6 =	vor.u32 s15, v6  }
0x201: {  	v5 =	vadd.s32 $0x800, v5;
	_ =	sdelay $0x1  }
0x202: {  	v3 =	vsub.f32 v4, v3;
	_ =	sdelay $0x1  }
0x203: {  	[tilespmem:v6+s13+$0x0] =	vst.idx.msk $0xffff, v3  }
0x204: {  	v3 =	vld.idx.msk [tilespmem:v5+s2+$0x0], $0xffff  }
0x205: {  	v2 =	vld.idx.msk [tilespmem:v2+s2+$0x0], $0xffff  }
0x206: {  	v4 =	vor.u32 $0xEC00, v0  }
0x207: {  	p0 =	sne.s32 s15, $0x3F0;
	v4 =	vor.u32 s15, v4  }
.Ltmp0:
0x208: {  	_ = 	snop;
	(pc) =	sbr.rel @p0 .LBB2_2-.Ltmp0, $3  }
0x209: {  	_ = 	snop  }
0x20a: {  	v2 =	vsub.f32 v3, v2;
	_ =	sdelay $0x1  }
0x20b: {  	s15 =	sadd.s32 $0x10, s15;
	[tilespmem:v4+s13+$0x0] =	vst.idx.msk $0xffff, v2  }
0x20c: {  	s14 =	sadd.s32 $0x1, s14  }
0x20d: {  	p0 =	sne.s32 s14, s8  }
.Ltmp1:
0x20e: {  	_ = 	snop;
	(pc) =	sbr.rel @p0 .LBB2_1-.Ltmp1, $4  }
0x20f: {  	[hbm4b:s7+s2] =	stream.linear.scatter [tilespmem:s13], [sflag:$0x1], $0xF000, $0x38;
	[tilespmem:$0x14C00] =	vst v63  }
0x210: {  	_ =	swait.ge [sflag:s9], $0xF000  }
0x211: {  	[sflag:s9] =	ssyncset.done $0x0  }
0x212: {  	[sflag:s9] =	ssyncadd.s32 $0xFFFF1000  }
0x213: {  	_ =	sfence.sel $0x180000  }
0x214: {  	[bflag:$0x0] =	sbarrier.arrive $0xFFFF  }
0x215: {  	p0 =	sne.s32 s0, $0x0;
	_ =	strace $0x90000047  }
0x216: {  	s0 =	sadd.s32 @!p0 $0x100000, s1;
	[bflag:$0x2] =	sbarrier.arrive $0xFFFF  }
0x217: {  	[sflag:s0] =	ssyncadd.tile.s32 @!p0 $0x1;
	_ =	shalt  }
.Lfunc_end2:
_tile_overlayer_lowered:
.L_overlay_start_2:
0x218: {  	(tag) =	ssettag $0x2  }
0x219: {  	s0 =	rddreg [dreg:$0x0];
	s2 =	stileid.u32  }
0x21a: {  	s1 =	rddreg [dreg:$0x1];
	p0 =	sne.s32 s2, $0x0  }
0x21b: {  	s3 =	rddreg [dreg:$0x2];
	[bflag:$0x3] =	sbarrier.arrive $0xFFFF;
	s2 =	simm.s32 @!p0 $0x1C01  }
0x21c: {  	[timem:s3], [sflag:s2] =	dma.local @!p0 [hbm:s0], s1  }
0x21d: {  	s0 =	simm.s32 @!p0 $0x1  }
0x21e: {  	_ =	swait.ge @!p0 [sflag:s0], s1  }
0x21f: {  	s1 =	ssub.s32 @!p0 $0x0, s1;
	[sflag:s0] =	ssyncset.done @!p0 $0x0  }
0x220: {  	[sflag:s0] =	ssyncadd.s32 @!p0 s1  }
0x221: {  	[bflag:$0x3] =	sbarrier.arrive $0xFFFF  }
0x222: {  	_ =	shalt  }

</sc_bundles>
